<compile_context>
chip_gen: v7x
topology: tpu7x:2x2x1
jax: 0.10.2.dev20260603
libtpu: 0.0.44.dev20260713+nightly
codegen_flags: <defaults>
</compile_context>

<pallas_src>
import functools

import jax
import jax.numpy as jnp
from jax import lax
from jax.experimental import pallas as pl
from jax.experimental.pallas import tpu as pltpu
from jax.experimental.pallas import tpu_sc as plsc

N = 10000
E = 160000
D = 128
DE = 16
MSG = 128
L = 4

_f32 = jnp.float32
_PREC = jax.lax.Precision.HIGHEST
_PREC_X = jax.lax.Precision.HIGHEST
_i32 = jnp.int32

_NC = 2
_NS = 16
_NW = _NC * _NS
_ECH = 128
_NCHK = E // _ECH
_CBASE = _NCHK // _NW
_CREM = _NCHK % _NW
_GRP = _ECH // 16

_NACC = 10240
_DENR = _NACC // 8

_TE = 1280
_TN = 2048



@functools.cache
def _gather_fn():
    mesh = plsc.VectorSubcoreMesh(core_axis_name="c", subcore_axis_name="s")

    @functools.partial(
        pl.kernel,
        mesh=mesh,
        out_type=(jax.ShapeDtypeStruct((E, D), _f32),
                  jax.ShapeDtypeStruct((E, D), _f32)),
        scratch_types=[
            pltpu.VMEM((_ECH,), _i32),
            pltpu.VMEM((_ECH,), _i32),
            pltpu.VMEM((_ECH, D), _f32),
            pltpu.VMEM((_ECH, D), _f32),
            pltpu.SemaphoreType.DMA,
            pltpu.SemaphoreType.DMA,
        ],
    )
    def gather_k(x_hbm, s_hbm, r_hbm, xs_hbm, xr_hbm,
                 idx_s, idx_r, buf_s, buf_r, sem_s, sem_r):
        wid = lax.axis_index("s") * _NC + lax.axis_index("c")
        nck = jnp.where(wid < _CREM, _CBASE + 1, _CBASE)

        def body(ci, carry):
            off = (wid + _NW * ci) * _ECH
            pltpu.sync_copy(s_hbm.at[pl.ds(off, _ECH)], idx_s)
            pltpu.sync_copy(r_hbm.at[pl.ds(off, _ECH)], idx_r)
            cs = pltpu.async_copy(x_hbm.at[idx_s], buf_s, sem_s)
            cr = pltpu.async_copy(x_hbm.at[idx_r], buf_r, sem_r)
            cs.wait()
            cr.wait()
            pltpu.sync_copy(buf_s, xs_hbm.at[pl.ds(off, _ECH)])
            pltpu.sync_copy(buf_r, xr_hbm.at[pl.ds(off, _ECH)])
            return carry

        lax.fori_loop(0, nck, body, 0)

    return gather_k


@functools.cache
def _scatter_fn():
    mesh = plsc.VectorSubcoreMesh(core_axis_name="c", subcore_axis_name="s")
    rows_n = _NACC // _NS
    rows_d = _DENR // _NS

    @functools.partial(
        pl.kernel,
        mesh=mesh,
        out_type=(jax.ShapeDtypeStruct((_NC, _NACC, MSG), _f32),
                  jax.ShapeDtypeStruct((_NC, _DENR, MSG), _f32)),
        scratch_types=[
            pltpu.VMEM((_ECH,), _i32),
            pltpu.VMEM((_ECH,), _i32),
            pltpu.VMEM((_ECH, MSG), _f32),
            pltpu.VMEM((_ECH, MSG), _f32),
            pltpu.VMEM_SHARED((_NACC, MSG), _f32),
            pltpu.VMEM_SHARED((_DENR, MSG), _f32),
        ],
    )
    def scatter_k(pe_hbm, eb_hbm, r_hbm, z_hbm, num_hbm, den_hbm,
                  idx_r, idx_d, buf, bufd, accn, accd):
        cid = lax.axis_index("c")
        sid = lax.axis_index("s")
        wid = sid * _NC + cid
        pltpu.sync_copy(z_hbm, accn.at[pl.ds(sid * rows_n, rows_n)])
        pltpu.sync_copy(z_hbm.at[pl.ds(0, rows_d)],
                        accd.at[pl.ds(sid * rows_d, rows_d)])
        plsc.subcore_barrier()
        nck = jnp.where(wid < _CREM, _CBASE + 1, _CBASE)

        def body(ci, carry):
            off = (wid + _NW * ci) * _ECH
            pltpu.sync_copy(r_hbm.at[pl.ds(off, _ECH)], idx_r)
            pltpu.sync_copy(pe_hbm.at[pl.ds(off, _ECH)], buf)
            pltpu.sync_copy(eb_hbm.at[pl.ds(off, _ECH)], bufd)
            for g in range(_GRP):
                rv = idx_r[pl.ds(g * 16, 16)]
                idx_d[pl.ds(g * 16, 16)] = lax.shift_right_logical(rv, 3)
            pltpu.sync_copy(buf, accn.at[idx_r], add=True)
            pltpu.sync_copy(bufd, accd.at[idx_d], add=True)
            return carry

        lax.fori_loop(0, nck, body, 0)
        plsc.subcore_barrier()
        pltpu.sync_copy(accn.at[pl.ds(sid * rows_n, rows_n)],
                        num_hbm.at[cid, pl.ds(sid * rows_n, rows_n)])
        pltpu.sync_copy(accd.at[pl.ds(sid * rows_d, rows_d)],
                        den_hbm.at[cid, pl.ds(sid * rows_d, rows_d)])

    return scatter_k



def _swish(x):
    return x * jax.nn.sigmoid(x)


_bf16 = jnp.bfloat16


def _split(w):
    hi = w.astype(_bf16)
    return hi, (w - hi.astype(_f32)).astype(_bf16)


def _dot3(a, w_hi, w_lo):
    a_hi = a.astype(_bf16)
    a_lo = (a - a_hi.astype(_f32)).astype(_bf16)
    out = jnp.dot(a_hi, w_lo[...], preferred_element_type=_f32)
    out = out + jnp.dot(a_lo, w_hi[...], preferred_element_type=_f32)
    return out + jnp.dot(a_hi, w_hi[...], preferred_element_type=_f32)


def _edge_body(ed_ref, xs_ref, xr_ref, rcv_ref, w1h, w1l, b1, w2h, w2l, b2,
               w3h, w3l, b3, wg1h, wg1l, bg1, wg2h, wg2l, bg2, wah, wal,
               pe_ref, eb_ref):
    feats = jnp.concatenate([ed_ref[...], xs_ref[...], xr_ref[...]], axis=1)
    h = _swish(_dot3(feats, w1h, w1l) + b1[...])
    h = _swish(_dot3(h, w2h, w2l) + b2[...])
    msgs = _dot3(h, w3h, w3l) + b3[...]
    g = _swish(_dot3(msgs, wg1h, wg1l) + bg1[...])
    g = _dot3(g, wg2h, wg2l) + bg2[...]
    s = _dot3(g, wah, wal)
    e = jnp.exp(s)
    pe_ref[...] = e * msgs
    te = pe_ref.shape[0]
    r = rcv_ref[...]
    j16 = lax.broadcasted_iota(_i32, (te, 1), 0) & 15
    lane = ((r & 7) << 4) + j16
    l1 = lax.broadcasted_iota(_i32, (te, MSG), 1)
    eb_ref[...] = e * (l1 == lane).astype(_f32)


def _full(shape):
    return pl.BlockSpec(shape, lambda *_: tuple(0 for _ in shape))


def _edge_call(ed, xs, xr, rcv3, p):
    w1h, w1l = _split(p["m1"][0])
    w2h, w2l = _split(p["m2"][0])
    w3h, w3l = _split(p["m3"][0])
    wg1h, wg1l = _split(p["g1"][0])
    wg2h, wg2l = _split(p["g2"][0])
    wah, wal = _split(p["att"][0])
    ne = xs.shape[0]
    grid = (ne // _TE,)
    ws = [w1h, w1l, p["m1"][1], w2h, w2l, p["m2"][1], w3h, w3l, p["m3"][1],
          wg1h, wg1l, p["g1"][1], wg2h, wg2l, p["g2"][1], wah, wal]
    return pl.pallas_call(
        _edge_body,
        grid=grid,
        in_specs=[
            pl.BlockSpec((_TE, DE), lambda i: (i, 0)),
            pl.BlockSpec((_TE, D), lambda i: (i, 0)),
            pl.BlockSpec((_TE, D), lambda i: (i, 0)),
            pl.BlockSpec((_TE, 1), lambda i: (i, 0)),
        ] + [_full(w.shape) for w in ws],
        out_specs=(pl.BlockSpec((_TE, MSG), lambda i: (i, 0)),
                   pl.BlockSpec((_TE, MSG), lambda i: (i, 0))),
        out_shape=(jax.ShapeDtypeStruct((ne, MSG), _f32),
                   jax.ShapeDtypeStruct((ne, MSG), _f32)),
        compiler_params=pltpu.CompilerParams(
            dimension_semantics=("arbitrary",)),
    )(ed, xs, xr, rcv3, *ws)


def _node_body(x_ref, pn0_ref, pn1_ref, pd0_ref, pd1_ref,
               w1h, w1l, b1, w2h, w2l, b2, w3h, w3l, b3, out_ref):
    num = pn0_ref[0] + pn1_ref[0]
    d3 = pd0_ref[0] + pd1_ref[0]
    i0 = lax.broadcasted_iota(_i32, (_TN, _TN // 8), 0)
    s0 = lax.broadcasted_iota(_i32, (_TN, _TN // 8), 1)
    rsel = (lax.shift_right_logical(i0, 3) == s0).astype(_bf16)
    d3h = d3.astype(_bf16)
    d3l = (d3 - d3h.astype(_f32)).astype(_bf16)
    t = (jnp.dot(rsel, d3l, preferred_element_type=_f32)
         + jnp.dot(rsel, d3h, preferred_element_type=_f32))
    i1 = lax.broadcasted_iota(_i32, (_TN, MSG), 0)
    l1 = lax.broadcasted_iota(_i32, (_TN, MSG), 1)
    msk = ((i1 & 7) == lax.shift_right_logical(l1, 4)).astype(_f32)
    den = jnp.sum(t * msk, axis=1, keepdims=True)
    aggr = jnp.where(den > 0.0, num / den, 0.0)
    x = x_ref[...]
    u = jnp.concatenate([x, aggr], axis=1)
    u = _swish(_dot3(u, w1h, w1l) + b1[...])
    u = _swish(_dot3(u, w2h, w2l) + b2[...])
    upd = _dot3(u, w3h, w3l) + b3[...]
    out_ref[...] = upd + 0.5 * x


def _node_call(x, pnum, pden, p):
    w1h, w1l = _split(p["u1"][0])
    w2h, w2l = _split(p["u2"][0])
    w3h, w3l = _split(p["u3"][0])
    ws = [w1h, w1l, p["u1"][1], w2h, w2l, p["u2"][1], w3h, w3l, p["u3"][1]]
    grid = (pl.cdiv(N, _TN),)
    return pl.pallas_call(
        _node_body,
        grid=grid,
        in_specs=[
            pl.BlockSpec((_TN, D), lambda i: (i, 0)),
            pl.BlockSpec((1, _TN, MSG), lambda i: (0, i, 0)),
            pl.BlockSpec((1, _TN, MSG), lambda i: (1, i, 0)),
            pl.BlockSpec((1, _TN // 8, MSG), lambda i: (0, i, 0)),
            pl.BlockSpec((1, _TN // 8, MSG), lambda i: (1, i, 0)),
        ] + [_full(w.shape) for w in ws],
        out_specs=pl.BlockSpec((_TN, D), lambda i: (i, 0)),
        out_shape=jax.ShapeDtypeStruct((N, D), _f32),
        compiler_params=pltpu.CompilerParams(
            dimension_semantics=("arbitrary",)),
    )(x, pnum, pnum, pden, pden, *ws)


def _head_body(x_ref, w1, b1, w2, b2, w3, b3, wo, bo, out_ref):
    h = _swish(jnp.dot(x_ref[...], w1[...], preferred_element_type=_f32, precision=_PREC)
               + b1[...])
    h = _swish(jnp.dot(h, w2[...], preferred_element_type=_f32, precision=_PREC) + b2[...])
    h = _swish(jnp.dot(h, w3[...], preferred_element_type=_f32, precision=_PREC) + b3[...])
    s = jnp.dot(h, wo[...], preferred_element_type=_f32, precision=_PREC) + bo[0]
    out_ref[...] = jnp.tanh(s)


def _head_call(x8, params):
    wo = params["hout"][0]
    return pl.pallas_call(
        _head_body,
        in_specs=[
            pl.BlockSpec(x8.shape, lambda: (0, 0)),
            _full(params["h1"][0].shape), _full(params["h1"][1].shape),
            _full(params["h2"][0].shape), _full(params["h2"][1].shape),
            _full(params["h3"][0].shape), _full(params["h3"][1].shape),
            _full(wo.shape),
            pl.BlockSpec(memory_space=pltpu.SMEM),
        ],
        out_specs=pl.BlockSpec((8, 1), lambda: (0, 0)),
        out_shape=jax.ShapeDtypeStruct((8, 1), _f32),
    )(x8, params["h1"][0], params["h1"][1], params["h2"][0], params["h2"][1],
      params["h3"][0], params["h3"][1], wo, params["hout"][1])



def kernel(nodes, edges, senders, receivers, node_types, params):
    del node_types
    gather = _gather_fn()
    scatter = _scatter_fn()
    zrows = jnp.zeros((_NACC // _NS, MSG), _f32)
    rcv2 = receivers.reshape(E, 1)
    x = nodes
    for p in params["layers"]:
        xs, xr = gather(x, senders, receivers)
        pe, eb = _edge_call(edges, xs, xr, rcv2, p)
        pnum, pden = scatter(pe, eb, receivers, zrows)
        x = _node_call(x, pnum, pden, p)
    cbf = _head_call(x[0:8], params)
    return cbf[0, 0]

# --- scband reference (transcript-rebuilt; emitter-appended) ---
"""Pipeline reference for scband-advanced-cbfnet-8452495639041 (READ-ONLY COPY).

The authoritative reference and input builder live on the scoring server;
editing this copy changes nothing except your own understanding.
"""

import jax, jax.numpy as jnp
import numpy as np

N = 10000
E = 160000
D = 128
DE = 16
MSG = 128
OUT = 128
L = 4

def _mk(key, i, o):
    return (jax.random.normal(key, (i, o), jnp.float32) / np.sqrt(i),
            jnp.zeros((o,), jnp.float32))

def _make_params(key):
    params = {"layers": []}
    for l in range(L):
        ks = jax.random.split(jax.random.fold_in(key, l), 9)
        p = {
            "m1": _mk(ks[0], DE + 2 * D, 512),
            "m2": _mk(ks[1], 512, 256),
            "m3": _mk(ks[2], 256, MSG),
            "g1": _mk(ks[3], MSG, 256),
            "g2": _mk(ks[4], 256, 128),
            "att": _mk(ks[5], 128, 1),
            "u1": _mk(ks[6], D + MSG, 512),
            "u2": _mk(ks[7], 512, 256),
            "u3": _mk(ks[8], 256, OUT),
        }
        params["layers"].append(p)
    kh = jax.random.split(jax.random.fold_in(key, 100), 4)
    params["h1"] = _mk(kh[0], 128, 512)
    params["h2"] = _mk(kh[1], 512, 256)
    params["h3"] = _mk(kh[2], 256, 128)
    params["hout"] = _mk(kh[3], 128, 1)
    return params

def setup_inputs(seed: int = 0):
    key = jax.random.key(seed)
    k1, k2, k3, k4, k5 = jax.random.split(key, 5)
    nodes = jax.random.normal(k1, (N, D), jnp.float32)
    edges = jax.random.normal(k2, (E, DE), jnp.float32)
    senders = jax.random.randint(k3, (E,), 0, N, dtype=jnp.int32)
    receivers = jax.random.randint(k4, (E,), 0, N, dtype=jnp.int32)
    node_types = jax.random.randint(k5, (N,), 0, 4, dtype=jnp.int32)
    params = _make_params(jax.random.fold_in(key, 7))
    return {"nodes": nodes, "edges": edges, "senders": senders,
            "receivers": receivers, "node_types": node_types, "params": params}

def _dense(x, wb):
    return x @ wb[0] + wb[1]

def _segment_softmax(scores, seg, num_segments):
    m = jax.ops.segment_max(scores, seg, num_segments)
    m = jnp.where(jnp.isfinite(m), m, 0.0)
    e = jnp.exp(scores - m[seg])
    denom = jax.ops.segment_sum(e, seg, num_segments)
    return e / (denom[seg] + 1e-9)

def _forward(nodes, edges, senders, receivers, params):
    x = nodes
    for p in params["layers"]:
        # enhanced_message_fn: MLP on [edge_feats, sender_feats, receiver_feats]
        feats = jnp.concatenate([edges, x[senders], x[receivers]], axis=-1)
        h = jax.nn.swish(_dense(feats, p["m1"]))
        h = jax.nn.swish(_dense(h, p["m2"]))
        msgs = _dense(h, p["m3"])
        # enhanced_aggregate_fn: learned attention + segment softmax + segment sum
        g = jax.nn.swish(_dense(msgs, p["g1"]))
        g = _dense(g, p["g2"])  # MLP final layer, no activation (act_final=False)
        scores = _dense(g, p["att"])[:, 0]
        w = _segment_softmax(scores, receivers, N)
        aggr = jax.ops.segment_sum(w[:, None] * msgs, receivers, N)
        # enhanced_update_fn
        u = jnp.concatenate([x, aggr], axis=-1)
        u = jax.nn.swish(_dense(u, p["u1"]))
        u = jax.nn.swish(_dense(u, p["u2"]))
        upd = _dense(u, p["u3"])
        # residual (dims always match: 128 == 128)
        x = upd + x * 0.5
    # CBF head on ego node embedding
    ego = x[0:1, :]
    h = jax.nn.swish(_dense(ego, params["h1"]))   # 128->512, no residual (dim mismatch)
    h = jax.nn.swish(_dense(h, params["h2"]))    # 512->256, no residual
    h = jax.nn.swish(_dense(h, params["h3"]))    # 256->128, no residual
    cbf = jnp.tanh(_dense(h, params["hout"]))
    return cbf.squeeze()

def reference(nodes, edges, senders, receivers, node_types, params):
    # node_types is accepted but unused, matching the original forward
    return _forward(nodes, edges, senders, receivers, params)

if __name__ == "__main__":
    import jax
    _d = setup_inputs()
    print(jax.jit(kernel)(*tuple(_d.values())))

</pallas_src>

<mosaic_0001>
#map = affine_map<(d0, d1) -> (0, 0)>
#map1 = affine_map<(d0, d1) -> (0)>
module attributes {stable_mosaic.version = 14 : i64} {
  func.func @gather_k(%arg0: i32, %arg1: i32, %arg2: memref<10000x128xf32, #tpu.memory_space<hbm>>, %arg3: memref<160000xi32, #tpu.memory_space<hbm>>, %arg4: memref<160000xi32, #tpu.memory_space<hbm>>, %arg5: memref<160000x128xf32, #tpu.memory_space<hbm>>, %arg6: memref<160000x128xf32, #tpu.memory_space<hbm>>, %arg7: memref<128xi32, #tpu.memory_space<vmem>>, %arg8: memref<128xi32, #tpu.memory_space<vmem>>, %arg9: memref<128x128xf32, #tpu.memory_space<vmem>>, %arg10: memref<128x128xf32, #tpu.memory_space<vmem>>, %arg11: memref<!tpu.dma_semaphore, #tpu.memory_space<semaphore_mem>>, %arg12: memref<!tpu.dma_semaphore, #tpu.memory_space<semaphore_mem>>) attributes {dimension_semantics = [#tpu.dimension_semantics<core_parallel>, #tpu.dimension_semantics<subcore_parallel>], iteration_bounds = array<i64: 2, 16>, scalar_prefetch = 0 : i64, scratch_operands = 6 : i64, tpu.core_type = #tpu.core_type<sc_vector_subcore>, window_params = [{transform_indices = #map}, {transform_indices = #map1}, {transform_indices = #map1}, {transform_indices = #map}, {transform_indices = #map}]} {
    %mul3A = arith.constant 2 : i32
    %mul3A_0 = arith.muli %arg1, %mul3A : i32
    %add3A = arith.addi %mul3A_0, %arg0 : i32
    %lt3A = arith.constant 2 : i32
    %lt3A_1 = arith.cmpi slt, %add3A, %lt3A : i32
    %jit3A = arith.constant 40 : i32
    %jit3A_2 = arith.constant 39 : i32
    %select_n3A = arith.select %lt3A_1, %jit3A, %jit3A_2 : i32
    %while3A = arith.constant 0 : i32
    %while3A_3 = arith.constant 0 : i32
    %while3A_4 = arith.subi %select_n3A, %while3A_3 : i32
    %while3A_5 = arith.addi %while3A_3, %while3A_4 : i32
    %while3A_6 = arith.constant 1 : i32
    %while3A_7 = arith.divsi %while3A_4, %while3A_6 : i32
    %while3A_8 = arith.muli %while3A_7, %while3A_6 : i32
    %while3A_9 = arith.addi %while3A_3, %while3A_8 : i32
    %while3A_10 = arith.constant 1 : i32
    scf.for %while3A_12 = %while3A_3 to %while3A_9 step %while3A_10  : i32 {
      %mul3A_13 = arith.constant 32 : i32
      %mul3A_14 = arith.muli %mul3A_13, %while3A_12 : i32
      %add3A_15 = arith.addi %add3A, %mul3A_14 : i32
      %mul3A_16 = arith.constant 128 : i32
      %mul3A_17 = arith.muli %add3A_15, %mul3A_16 : i32
      "tpu.region"() ({
        %run_scoped3A = tpu.sem_alloc : memref<!tpu.dma_semaphore, #tpu.memory_space<semaphore_mem>>
        %dma_start3A_28 = tpu.memref_slice %arg3[%mul3A_17] : memref<160000xi32, #tpu.memory_space<hbm>> -> memref<128xi32, #tpu.memory_space<hbm>>
        %dma_start3A_29 = tpu.memref_slice %arg3[%mul3A_17] : memref<160000xi32, #tpu.memory_space<hbm>> -> memref<128xi32, #tpu.memory_space<hbm>>
        tpu.enqueue_dma source(%dma_start3A_29 : memref<128xi32, #tpu.memory_space<hbm>>) target(%arg7 : memref<128xi32, #tpu.memory_space<vmem>>) target_semaphore(%run_scoped3A : memref<!tpu.dma_semaphore, #tpu.memory_space<semaphore_mem>>)
        %dma_wait3A_30 = tpu.memref_slice %arg3[%mul3A_17] : memref<160000xi32, #tpu.memory_space<hbm>> -> memref<128xi32, #tpu.memory_space<hbm>>
        %dma_wait3A_31 = tpu.memref_slice %arg3[%mul3A_17] : memref<160000xi32, #tpu.memory_space<hbm>> -> memref<128xi32, #tpu.memory_space<hbm>>
        tpu.wait_dma2 semaphore(%run_scoped3A : memref<!tpu.dma_semaphore, #tpu.memory_space<semaphore_mem>>) src(%dma_wait3A_31 : memref<128xi32, #tpu.memory_space<hbm>>) dst(%arg7 : memref<128xi32, #tpu.memory_space<vmem>>)
        tpu.yield
      }) : () -> ()
      "tpu.region"() ({
        %run_scoped3A = tpu.sem_alloc : memref<!tpu.dma_semaphore, #tpu.memory_space<semaphore_mem>>
        %dma_start3A_28 = tpu.memref_slice %arg4[%mul3A_17] : memref<160000xi32, #tpu.memory_space<hbm>> -> memref<128xi32, #tpu.memory_space<hbm>>
        %dma_start3A_29 = tpu.memref_slice %arg4[%mul3A_17] : memref<160000xi32, #tpu.memory_space<hbm>> -> memref<128xi32, #tpu.memory_space<hbm>>
        tpu.enqueue_dma source(%dma_start3A_29 : memref<128xi32, #tpu.memory_space<hbm>>) target(%arg8 : memref<128xi32, #tpu.memory_space<vmem>>) target_semaphore(%run_scoped3A : memref<!tpu.dma_semaphore, #tpu.memory_space<semaphore_mem>>)
        %dma_wait3A_30 = tpu.memref_slice %arg4[%mul3A_17] : memref<160000xi32, #tpu.memory_space<hbm>> -> memref<128xi32, #tpu.memory_space<hbm>>
        %dma_wait3A_31 = tpu.memref_slice %arg4[%mul3A_17] : memref<160000xi32, #tpu.memory_space<hbm>> -> memref<128xi32, #tpu.memory_space<hbm>>
        tpu.wait_dma2 semaphore(%run_scoped3A : memref<!tpu.dma_semaphore, #tpu.memory_space<semaphore_mem>>) src(%dma_wait3A_31 : memref<128xi32, #tpu.memory_space<hbm>>) dst(%arg8 : memref<128xi32, #tpu.memory_space<vmem>>)
        tpu.yield
      }) : () -> ()
      %dma_start3A = arith.constant 0 : i32
      %dma_start3A_18 = arith.constant 0 : i32
      %dma_start3A_19 = tpu.memref_slice %arg2[%dma_start3A, %dma_start3A_18] : memref<10000x128xf32, #tpu.memory_space<hbm>> -> memref<10000x128xf32, #tpu.memory_space<hbm>>
      tpu.enqueue_indirect_dma source(%dma_start3A_19 : memref<10000x128xf32, #tpu.memory_space<hbm>>) target(%arg9 : memref<128x128xf32, #tpu.memory_space<vmem>>) offsets(%arg7 : memref<128xi32, #tpu.memory_space<vmem>>) semaphore(%arg11 : memref<!tpu.dma_semaphore, #tpu.memory_space<semaphore_mem>>)
      %dma_start3A_20 = arith.constant 0 : i32
      %dma_start3A_21 = arith.constant 0 : i32
      %dma_start3A_22 = tpu.memref_slice %arg2[%dma_start3A_20, %dma_start3A_21] : memref<10000x128xf32, #tpu.memory_space<hbm>> -> memref<10000x128xf32, #tpu.memory_space<hbm>>
      tpu.enqueue_indirect_dma source(%dma_start3A_22 : memref<10000x128xf32, #tpu.memory_space<hbm>>) target(%arg10 : memref<128x128xf32, #tpu.memory_space<vmem>>) offsets(%arg8 : memref<128xi32, #tpu.memory_space<vmem>>) semaphore(%arg12 : memref<!tpu.dma_semaphore, #tpu.memory_space<semaphore_mem>>)
      %dma_wait3A = arith.constant 0 : i32
      %dma_wait3A_23 = arith.constant 0 : i32
      %dma_wait3A_24 = tpu.memref_slice %arg2[%dma_wait3A, %dma_wait3A_23] : memref<10000x128xf32, #tpu.memory_space<hbm>> -> memref<10000x128xf32, #tpu.memory_space<hbm>>
      tpu.wait_indirect_dma semaphore(%arg11 : memref<!tpu.dma_semaphore, #tpu.memory_space<semaphore_mem>>) src(%dma_wait3A_24 : memref<10000x128xf32, #tpu.memory_space<hbm>>) dst(%arg9 : memref<128x128xf32, #tpu.memory_space<vmem>>)
      %dma_wait3A_25 = arith.constant 0 : i32
      %dma_wait3A_26 = arith.constant 0 : i32
      %dma_wait3A_27 = tpu.memref_slice %arg2[%dma_wait3A_25, %dma_wait3A_26] : memref<10000x128xf32, #tpu.memory_space<hbm>> -> memref<10000x128xf32, #tpu.memory_space<hbm>>
      tpu.wait_indirect_dma semaphore(%arg12 : memref<!tpu.dma_semaphore, #tpu.memory_space<semaphore_mem>>) src(%dma_wait3A_27 : memref<10000x128xf32, #tpu.memory_space<hbm>>) dst(%arg10 : memref<128x128xf32, #tpu.memory_space<vmem>>)
      "tpu.region"() ({
        %run_scoped3A = tpu.sem_alloc : memref<!tpu.dma_semaphore, #tpu.memory_space<semaphore_mem>>
        %dma_start3A_28 = arith.constant 0 : i32
        %dma_start3A_29 = tpu.memref_slice %arg5[%mul3A_17, %dma_start3A_28] : memref<160000x128xf32, #tpu.memory_space<hbm>> -> memref<128x128xf32, #tpu.memory_space<hbm>>
        %dma_start3A_30 = arith.constant 0 : i32
        %dma_start3A_31 = tpu.memref_slice %arg5[%mul3A_17, %dma_start3A_30] : memref<160000x128xf32, #tpu.memory_space<hbm>> -> memref<128x128xf32, #tpu.memory_space<hbm>>
        tpu.enqueue_dma source(%arg9 : memref<128x128xf32, #tpu.memory_space<vmem>>) target(%dma_start3A_31 : memref<128x128xf32, #tpu.memory_space<hbm>>) target_semaphore(%run_scoped3A : memref<!tpu.dma_semaphore, #tpu.memory_space<semaphore_mem>>)
        %dma_wait3A_32 = arith.constant 0 : i32
        %dma_wait3A_33 = tpu.memref_slice %arg5[%mul3A_17, %dma_wait3A_32] : memref<160000x128xf32, #tpu.memory_space<hbm>> -> memref<128x128xf32, #tpu.memory_space<hbm>>
        %dma_wait3A_34 = arith.constant 0 : i32
        %dma_wait3A_35 = tpu.memref_slice %arg5[%mul3A_17, %dma_wait3A_34] : memref<160000x128xf32, #tpu.memory_space<hbm>> -> memref<128x128xf32, #tpu.memory_space<hbm>>
        tpu.wait_dma2 semaphore(%run_scoped3A : memref<!tpu.dma_semaphore, #tpu.memory_space<semaphore_mem>>) src(%arg9 : memref<128x128xf32, #tpu.memory_space<vmem>>) dst(%dma_wait3A_35 : memref<128x128xf32, #tpu.memory_space<hbm>>)
        tpu.yield
      }) : () -> ()
      "tpu.region"() ({
        %run_scoped3A = tpu.sem_alloc : memref<!tpu.dma_semaphore, #tpu.memory_space<semaphore_mem>>
        %dma_start3A_28 = arith.constant 0 : i32
        %dma_start3A_29 = tpu.memref_slice %arg6[%mul3A_17, %dma_start3A_28] : memref<160000x128xf32, #tpu.memory_space<hbm>> -> memref<128x128xf32, #tpu.memory_space<hbm>>
        %dma_start3A_30 = arith.constant 0 : i32
        %dma_start3A_31 = tpu.memref_slice %arg6[%mul3A_17, %dma_start3A_30] : memref<160000x128xf32, #tpu.memory_space<hbm>> -> memref<128x128xf32, #tpu.memory_space<hbm>>
        tpu.enqueue_dma source(%arg10 : memref<128x128xf32, #tpu.memory_space<vmem>>) target(%dma_start3A_31 : memref<128x128xf32, #tpu.memory_space<hbm>>) target_semaphore(%run_scoped3A : memref<!tpu.dma_semaphore, #tpu.memory_space<semaphore_mem>>)
        %dma_wait3A_32 = arith.constant 0 : i32
        %dma_wait3A_33 = tpu.memref_slice %arg6[%mul3A_17, %dma_wait3A_32] : memref<160000x128xf32, #tpu.memory_space<hbm>> -> memref<128x128xf32, #tpu.memory_space<hbm>>
        %dma_wait3A_34 = arith.constant 0 : i32
        %dma_wait3A_35 = tpu.memref_slice %arg6[%mul3A_17, %dma_wait3A_34] : memref<160000x128xf32, #tpu.memory_space<hbm>> -> memref<128x128xf32, #tpu.memory_space<hbm>>
        tpu.wait_dma2 semaphore(%run_scoped3A : memref<!tpu.dma_semaphore, #tpu.memory_space<semaphore_mem>>) src(%arg10 : memref<128x128xf32, #tpu.memory_space<vmem>>) dst(%dma_wait3A_35 : memref<128x128xf32, #tpu.memory_space<hbm>>)
        tpu.yield
      }) : () -> ()
    }
    %while3A_11 = arith.constant 1 : i32
    scf.for %while3A_12 = %while3A_9 to %while3A_5 step %while3A_11  : i32 {
      %mul3A_13 = arith.constant 32 : i32
      %mul3A_14 = arith.muli %mul3A_13, %while3A_12 : i32
      %add3A_15 = arith.addi %add3A, %mul3A_14 : i32
      %mul3A_16 = arith.constant 128 : i32
      %mul3A_17 = arith.muli %add3A_15, %mul3A_16 : i32
      "tpu.region"() ({
        %run_scoped3A = tpu.sem_alloc : memref<!tpu.dma_semaphore, #tpu.memory_space<semaphore_mem>>
        %dma_start3A_28 = tpu.memref_slice %arg3[%mul3A_17] : memref<160000xi32, #tpu.memory_space<hbm>> -> memref<128xi32, #tpu.memory_space<hbm>>
        %dma_start3A_29 = tpu.memref_slice %arg3[%mul3A_17] : memref<160000xi32, #tpu.memory_space<hbm>> -> memref<128xi32, #tpu.memory_space<hbm>>
        tpu.enqueue_dma source(%dma_start3A_29 : memref<128xi32, #tpu.memory_space<hbm>>) target(%arg7 : memref<128xi32, #tpu.memory_space<vmem>>) target_semaphore(%run_scoped3A : memref<!tpu.dma_semaphore, #tpu.memory_space<semaphore_mem>>)
        %dma_wait3A_30 = tpu.memref_slice %arg3[%mul3A_17] : memref<160000xi32, #tpu.memory_space<hbm>> -> memref<128xi32, #tpu.memory_space<hbm>>
        %dma_wait3A_31 = tpu.memref_slice %arg3[%mul3A_17] : memref<160000xi32, #tpu.memory_space<hbm>> -> memref<128xi32, #tpu.memory_space<hbm>>
        tpu.wait_dma2 semaphore(%run_scoped3A : memref<!tpu.dma_semaphore, #tpu.memory_space<semaphore_mem>>) src(%dma_wait3A_31 : memref<128xi32, #tpu.memory_space<hbm>>) dst(%arg7 : memref<128xi32, #tpu.memory_space<vmem>>)
        tpu.yield
      }) : () -> ()
      "tpu.region"() ({
        %run_scoped3A = tpu.sem_alloc : memref<!tpu.dma_semaphore, #tpu.memory_space<semaphore_mem>>
        %dma_start3A_28 = tpu.memref_slice %arg4[%mul3A_17] : memref<160000xi32, #tpu.memory_space<hbm>> -> memref<128xi32, #tpu.memory_space<hbm>>
        %dma_start3A_29 = tpu.memref_slice %arg4[%mul3A_17] : memref<160000xi32, #tpu.memory_space<hbm>> -> memref<128xi32, #tpu.memory_space<hbm>>
        tpu.enqueue_dma source(%dma_start3A_29 : memref<128xi32, #tpu.memory_space<hbm>>) target(%arg8 : memref<128xi32, #tpu.memory_space<vmem>>) target_semaphore(%run_scoped3A : memref<!tpu.dma_semaphore, #tpu.memory_space<semaphore_mem>>)
        %dma_wait3A_30 = tpu.memref_slice %arg4[%mul3A_17] : memref<160000xi32, #tpu.memory_space<hbm>> -> memref<128xi32, #tpu.memory_space<hbm>>
        %dma_wait3A_31 = tpu.memref_slice %arg4[%mul3A_17] : memref<160000xi32, #tpu.memory_space<hbm>> -> memref<128xi32, #tpu.memory_space<hbm>>
        tpu.wait_dma2 semaphore(%run_scoped3A : memref<!tpu.dma_semaphore, #tpu.memory_space<semaphore_mem>>) src(%dma_wait3A_31 : memref<128xi32, #tpu.memory_space<hbm>>) dst(%arg8 : memref<128xi32, #tpu.memory_space<vmem>>)
        tpu.yield
      }) : () -> ()
      %dma_start3A = arith.constant 0 : i32
      %dma_start3A_18 = arith.constant 0 : i32
      %dma_start3A_19 = tpu.memref_slice %arg2[%dma_start3A, %dma_start3A_18] : memref<10000x128xf32, #tpu.memory_space<hbm>> -> memref<10000x128xf32, #tpu.memory_space<hbm>>
      tpu.enqueue_indirect_dma source(%dma_start3A_19 : memref<10000x128xf32, #tpu.memory_space<hbm>>) target(%arg9 : memref<128x128xf32, #tpu.memory_space<vmem>>) offsets(%arg7 : memref<128xi32, #tpu.memory_space<vmem>>) semaphore(%arg11 : memref<!tpu.dma_semaphore, #tpu.memory_space<semaphore_mem>>)
      %dma_start3A_20 = arith.constant 0 : i32
      %dma_start3A_21 = arith.constant 0 : i32
      %dma_start3A_22 = tpu.memref_slice %arg2[%dma_start3A_20, %dma_start3A_21] : memref<10000x128xf32, #tpu.memory_space<hbm>> -> memref<10000x128xf32, #tpu.memory_space<hbm>>
      tpu.enqueue_indirect_dma source(%dma_start3A_22 : memref<10000x128xf32, #tpu.memory_space<hbm>>) target(%arg10 : memref<128x128xf32, #tpu.memory_space<vmem>>) offsets(%arg8 : memref<128xi32, #tpu.memory_space<vmem>>) semaphore(%arg12 : memref<!tpu.dma_semaphore, #tpu.memory_space<semaphore_mem>>)
      %dma_wait3A = arith.constant 0 : i32
      %dma_wait3A_23 = arith.constant 0 : i32
      %dma_wait3A_24 = tpu.memref_slice %arg2[%dma_wait3A, %dma_wait3A_23] : memref<10000x128xf32, #tpu.memory_space<hbm>> -> memref<10000x128xf32, #tpu.memory_space<hbm>>
      tpu.wait_indirect_dma semaphore(%arg11 : memref<!tpu.dma_semaphore, #tpu.memory_space<semaphore_mem>>) src(%dma_wait3A_24 : memref<10000x128xf32, #tpu.memory_space<hbm>>) dst(%arg9 : memref<128x128xf32, #tpu.memory_space<vmem>>)
      %dma_wait3A_25 = arith.constant 0 : i32
      %dma_wait3A_26 = arith.constant 0 : i32
      %dma_wait3A_27 = tpu.memref_slice %arg2[%dma_wait3A_25, %dma_wait3A_26] : memref<10000x128xf32, #tpu.memory_space<hbm>> -> memref<10000x128xf32, #tpu.memory_space<hbm>>
      tpu.wait_indirect_dma semaphore(%arg12 : memref<!tpu.dma_semaphore, #tpu.memory_space<semaphore_mem>>) src(%dma_wait3A_27 : memref<10000x128xf32, #tpu.memory_space<hbm>>) dst(%arg10 : memref<128x128xf32, #tpu.memory_space<vmem>>)
      "tpu.region"() ({
        %run_scoped3A = tpu.sem_alloc : memref<!tpu.dma_semaphore, #tpu.memory_space<semaphore_mem>>
        %dma_start3A_28 = arith.constant 0 : i32
        %dma_start3A_29 = tpu.memref_slice %arg5[%mul3A_17, %dma_start3A_28] : memref<160000x128xf32, #tpu.memory_space<hbm>> -> memref<128x128xf32, #tpu.memory_space<hbm>>
        %dma_start3A_30 = arith.constant 0 : i32
        %dma_start3A_31 = tpu.memref_slice %arg5[%mul3A_17, %dma_start3A_30] : memref<160000x128xf32, #tpu.memory_space<hbm>> -> memref<128x128xf32, #tpu.memory_space<hbm>>
        tpu.enqueue_dma source(%arg9 : memref<128x128xf32, #tpu.memory_space<vmem>>) target(%dma_start3A_31 : memref<128x128xf32, #tpu.memory_space<hbm>>) target_semaphore(%run_scoped3A : memref<!tpu.dma_semaphore, #tpu.memory_space<semaphore_mem>>)
        %dma_wait3A_32 = arith.constant 0 : i32
        %dma_wait3A_33 = tpu.memref_slice %arg5[%mul3A_17, %dma_wait3A_32] : memref<160000x128xf32, #tpu.memory_space<hbm>> -> memref<128x128xf32, #tpu.memory_space<hbm>>
        %dma_wait3A_34 = arith.constant 0 : i32
        %dma_wait3A_35 = tpu.memref_slice %arg5[%mul3A_17, %dma_wait3A_34] : memref<160000x128xf32, #tpu.memory_space<hbm>> -> memref<128x128xf32, #tpu.memory_space<hbm>>
        tpu.wait_dma2 semaphore(%run_scoped3A : memref<!tpu.dma_semaphore, #tpu.memory_space<semaphore_mem>>) src(%arg9 : memref<128x128xf32, #tpu.memory_space<vmem>>) dst(%dma_wait3A_35 : memref<128x128xf32, #tpu.memory_space<hbm>>)
        tpu.yield
      }) : () -> ()
      "tpu.region"() ({
        %run_scoped3A = tpu.sem_alloc : memref<!tpu.dma_semaphore, #tpu.memory_space<semaphore_mem>>
        %dma_start3A_28 = arith.constant 0 : i32
        %dma_start3A_29 = tpu.memref_slice %arg6[%mul3A_17, %dma_start3A_28] : memref<160000x128xf32, #tpu.memory_space<hbm>> -> memref<128x128xf32, #tpu.memory_space<hbm>>
        %dma_start3A_30 = arith.constant 0 : i32
        %dma_start3A_31 = tpu.memref_slice %arg6[%mul3A_17, %dma_start3A_30] : memref<160000x128xf32, #tpu.memory_space<hbm>> -> memref<128x128xf32, #tpu.memory_space<hbm>>
        tpu.enqueue_dma source(%arg10 : memref<128x128xf32, #tpu.memory_space<vmem>>) target(%dma_start3A_31 : memref<128x128xf32, #tpu.memory_space<hbm>>) target_semaphore(%run_scoped3A : memref<!tpu.dma_semaphore, #tpu.memory_space<semaphore_mem>>)
        %dma_wait3A_32 = arith.constant 0 : i32
        %dma_wait3A_33 = tpu.memref_slice %arg6[%mul3A_17, %dma_wait3A_32] : memref<160000x128xf32, #tpu.memory_space<hbm>> -> memref<128x128xf32, #tpu.memory_space<hbm>>
        %dma_wait3A_34 = arith.constant 0 : i32
        %dma_wait3A_35 = tpu.memref_slice %arg6[%mul3A_17, %dma_wait3A_34] : memref<160000x128xf32, #tpu.memory_space<hbm>> -> memref<128x128xf32, #tpu.memory_space<hbm>>
        tpu.wait_dma2 semaphore(%run_scoped3A : memref<!tpu.dma_semaphore, #tpu.memory_space<semaphore_mem>>) src(%arg10 : memref<128x128xf32, #tpu.memory_space<vmem>>) dst(%dma_wait3A_35 : memref<128x128xf32, #tpu.memory_space<hbm>>)
        tpu.yield
      }) : () -> ()
    }
    return
  }
}

#map = affine_map<(d0, d1) -> (0, 0)>
#map1 = affine_map<(d0, d1) -> (0)>
module attributes {stable_mosaic.version = 14 : i64} {
  func.func @gather_k(%arg0: i32, %arg1: i32, %arg2: memref<10000x128xf32, #tpu.memory_space<hbm>>, %arg3: memref<160000xi32, #tpu.memory_space<hbm>>, %arg4: memref<160000xi32, #tpu.memory_space<hbm>>, %arg5: memref<160000x128xf32, #tpu.memory_space<hbm>>, %arg6: memref<160000x128xf32, #tpu.memory_space<hbm>>, %arg7: memref<128xi32, #tpu.memory_space<vmem>>, %arg8: memref<128xi32, #tpu.memory_space<vmem>>, %arg9: memref<128x128xf32, #tpu.memory_space<vmem>>, %arg10: memref<128x128xf32, #tpu.memory_space<vmem>>, %arg11: memref<!tpu.dma_semaphore, #tpu.memory_space<semaphore_mem>>, %arg12: memref<!tpu.dma_semaphore, #tpu.memory_space<semaphore_mem>>) attributes {dimension_semantics = [#tpu.dimension_semantics<core_parallel>, #tpu.dimension_semantics<subcore_parallel>], iteration_bounds = array<i64: 2, 16>, scalar_prefetch = 0 : i64, scratch_operands = 6 : i64, tpu.core_type = #tpu.core_type<sc_vector_subcore>, window_params = [{transform_indices = #map}, {transform_indices = #map1}, {transform_indices = #map1}, {transform_indices = #map}, {transform_indices = #map}]} {
    %mul3A = arith.constant 2 : i32
    %mul3A_0 = arith.muli %arg1, %mul3A : i32
    %add3A = arith.addi %mul3A_0, %arg0 : i32
    %lt3A = arith.constant 2 : i32
    %lt3A_1 = arith.cmpi slt, %add3A, %lt3A : i32
    %jit3A = arith.constant 40 : i32
    %jit3A_2 = arith.constant 39 : i32
    %select_n3A = arith.select %lt3A_1, %jit3A, %jit3A_2 : i32
    %while3A = arith.constant 0 : i32
    %while3A_3 = arith.constant 0 : i32
    %while3A_4 = arith.subi %select_n3A, %while3A_3 : i32
    %while3A_5 = arith.addi %while3A_3, %while3A_4 : i32
    %while3A_6 = arith.constant 1 : i32
    %while3A_7 = arith.divsi %while3A_4, %while3A_6 : i32
    %while3A_8 = arith.muli %while3A_7, %while3A_6 : i32
    %while3A_9 = arith.addi %while3A_3, %while3A_8 : i32
    %while3A_10 = arith.constant 1 : i32
    scf.for %while3A_12 = %while3A_3 to %while3A_9 step %while3A_10  : i32 {
      %mul3A_13 = arith.constant 32 : i32
      %mul3A_14 = arith.muli %mul3A_13, %while3A_12 : i32
      %add3A_15 = arith.addi %add3A, %mul3A_14 : i32
      %mul3A_16 = arith.constant 128 : i32
      %mul3A_17 = arith.muli %add3A_15, %mul3A_16 : i32
      "tpu.region"() ({
        %run_scoped3A = tpu.sem_alloc : memref<!tpu.dma_semaphore, #tpu.memory_space<semaphore_mem>>
        %dma_start3A_28 = tpu.memref_slice %arg3[%mul3A_17] : memref<160000xi32, #tpu.memory_space<hbm>> -> memref<128xi32, #tpu.memory_space<hbm>>
        %dma_start3A_29 = tpu.memref_slice %arg3[%mul3A_17] : memref<160000xi32, #tpu.memory_space<hbm>> -> memref<128xi32, #tpu.memory_space<hbm>>
        tpu.enqueue_dma source(%dma_start3A_29 : memref<128xi32, #tpu.memory_space<hbm>>) target(%arg7 : memref<128xi32, #tpu.memory_space<vmem>>) target_semaphore(%run_scoped3A : memref<!tpu.dma_semaphore, #tpu.memory_space<semaphore_mem>>)
        %dma_wait3A_30 = tpu.memref_slice %arg3[%mul3A_17] : memref<160000xi32, #tpu.memory_space<hbm>> -> memref<128xi32, #tpu.memory_space<hbm>>
        %dma_wait3A_31 = tpu.memref_slice %arg3[%mul3A_17] : memref<160000xi32, #tpu.memory_space<hbm>> -> memref<128xi32, #tpu.memory_space<hbm>>
        tpu.wait_dma2 semaphore(%run_scoped3A : memref<!tpu.dma_semaphore, #tpu.memory_space<semaphore_mem>>) src(%dma_wait3A_31 : memref<128xi32, #tpu.memory_space<hbm>>) dst(%arg7 : memref<128xi32, #tpu.memory_space<vmem>>)
        tpu.yield
      }) : () -> ()
      "tpu.region"() ({
        %run_scoped3A = tpu.sem_alloc : memref<!tpu.dma_semaphore, #tpu.memory_space<semaphore_mem>>
        %dma_start3A_28 = tpu.memref_slice %arg4[%mul3A_17] : memref<160000xi32, #tpu.memory_space<hbm>> -> memref<128xi32, #tpu.memory_space<hbm>>
        %dma_start3A_29 = tpu.memref_slice %arg4[%mul3A_17] : memref<160000xi32, #tpu.memory_space<hbm>> -> memref<128xi32, #tpu.memory_space<hbm>>
        tpu.enqueue_dma source(%dma_start3A_29 : memref<128xi32, #tpu.memory_space<hbm>>) target(%arg8 : memref<128xi32, #tpu.memory_space<vmem>>) target_semaphore(%run_scoped3A : memref<!tpu.dma_semaphore, #tpu.memory_space<semaphore_mem>>)
        %dma_wait3A_30 = tpu.memref_slice %arg4[%mul3A_17] : memref<160000xi32, #tpu.memory_space<hbm>> -> memref<128xi32, #tpu.memory_space<hbm>>
        %dma_wait3A_31 = tpu.memref_slice %arg4[%mul3A_17] : memref<160000xi32, #tpu.memory_space<hbm>> -> memref<128xi32, #tpu.memory_space<hbm>>
        tpu.wait_dma2 semaphore(%run_scoped3A : memref<!tpu.dma_semaphore, #tpu.memory_space<semaphore_mem>>) src(%dma_wait3A_31 : memref<128xi32, #tpu.memory_space<hbm>>) dst(%arg8 : memref<128xi32, #tpu.memory_space<vmem>>)
        tpu.yield
      }) : () -> ()
      %dma_start3A = arith.constant 0 : i32
      %dma_start3A_18 = arith.constant 0 : i32
      %dma_start3A_19 = tpu.memref_slice %arg2[%dma_start3A, %dma_start3A_18] : memref<10000x128xf32, #tpu.memory_space<hbm>> -> memref<10000x128xf32, #tpu.memory_space<hbm>>
      tpu.enqueue_indirect_dma source(%dma_start3A_19 : memref<10000x128xf32, #tpu.memory_space<hbm>>) target(%arg9 : memref<128x128xf32, #tpu.memory_space<vmem>>) offsets(%arg7 : memref<128xi32, #tpu.memory_space<vmem>>) semaphore(%arg11 : memref<!tpu.dma_semaphore, #tpu.memory_space<semaphore_mem>>)
      %dma_start3A_20 = arith.constant 0 : i32
      %dma_start3A_21 = arith.constant 0 : i32
      %dma_start3A_22 = tpu.memref_slice %arg2[%dma_start3A_20, %dma_start3A_21] : memref<10000x128xf32, #tpu.memory_space<hbm>> -> memref<10000x128xf32, #tpu.memory_space<hbm>>
      tpu.enqueue_indirect_dma source(%dma_start3A_22 : memref<10000x128xf32, #tpu.memory_space<hbm>>) target(%arg10 : memref<128x128xf32, #tpu.memory_space<vmem>>) offsets(%arg8 : memref<128xi32, #tpu.memory_space<vmem>>) semaphore(%arg12 : memref<!tpu.dma_semaphore, #tpu.memory_space<semaphore_mem>>)
      %dma_wait3A = arith.constant 0 : i32
      %dma_wait3A_23 = arith.constant 0 : i32
      %dma_wait3A_24 = tpu.memref_slice %arg2[%dma_wait3A, %dma_wait3A_23] : memref<10000x128xf32, #tpu.memory_space<hbm>> -> memref<10000x128xf32, #tpu.memory_space<hbm>>
      tpu.wait_indirect_dma semaphore(%arg11 : memref<!tpu.dma_semaphore, #tpu.memory_space<semaphore_mem>>) src(%dma_wait3A_24 : memref<10000x128xf32, #tpu.memory_space<hbm>>) dst(%arg9 : memref<128x128xf32, #tpu.memory_space<vmem>>)
      %dma_wait3A_25 = arith.constant 0 : i32
      %dma_wait3A_26 = arith.constant 0 : i32
      %dma_wait3A_27 = tpu.memref_slice %arg2[%dma_wait3A_25, %dma_wait3A_26] : memref<10000x128xf32, #tpu.memory_space<hbm>> -> memref<10000x128xf32, #tpu.memory_space<hbm>>
      tpu.wait_indirect_dma semaphore(%arg12 : memref<!tpu.dma_semaphore, #tpu.memory_space<semaphore_mem>>) src(%dma_wait3A_27 : memref<10000x128xf32, #tpu.memory_space<hbm>>) dst(%arg10 : memref<128x128xf32, #tpu.memory_space<vmem>>)
      "tpu.region"() ({
        %run_scoped3A = tpu.sem_alloc : memref<!tpu.dma_semaphore, #tpu.memory_space<semaphore_mem>>
        %dma_start3A_28 = arith.constant 0 : i32
        %dma_start3A_29 = tpu.memref_slice %arg5[%mul3A_17, %dma_start3A_28] : memref<160000x128xf32, #tpu.memory_space<hbm>> -> memref<128x128xf32, #tpu.memory_space<hbm>>
        %dma_start3A_30 = arith.constant 0 : i32
        %dma_start3A_31 = tpu.memref_slice %arg5[%mul3A_17, %dma_start3A_30] : memref<160000x128xf32, #tpu.memory_space<hbm>> -> memref<128x128xf32, #tpu.memory_space<hbm>>
        tpu.enqueue_dma source(%arg9 : memref<128x128xf32, #tpu.memory_space<vmem>>) target(%dma_start3A_31 : memref<128x128xf32, #tpu.memory_space<hbm>>) target_semaphore(%run_scoped3A : memref<!tpu.dma_semaphore, #tpu.memory_space<semaphore_mem>>)
        %dma_wait3A_32 = arith.constant 0 : i32
        %dma_wait3A_33 = tpu.memref_slice %arg5[%mul3A_17, %dma_wait3A_32] : memref<160000x128xf32, #tpu.memory_space<hbm>> -> memref<128x128xf32, #tpu.memory_space<hbm>>
        %dma_wait3A_34 = arith.constant 0 : i32
        %dma_wait3A_35 = tpu.memref_slice %arg5[%mul3A_17, %dma_wait3A_34] : memref<160000x128xf32, #tpu.memory_space<hbm>> -> memref<128x128xf32, #tpu.memory_space<hbm>>
        tpu.wait_dma2 semaphore(%run_scoped3A : memref<!tpu.dma_semaphore, #tpu.memory_space<semaphore_mem>>) src(%arg9 : memref<128x128xf32, #tpu.memory_space<vmem>>) dst(%dma_wait3A_35 : memref<128x128xf32, #tpu.memory_space<hbm>>)
        tpu.yield
      }) : () -> ()
      "tpu.region"() ({
        %run_scoped3A = tpu.sem_alloc : memref<!tpu.dma_semaphore, #tpu.memory_space<semaphore_mem>>
        %dma_start3A_28 = arith.constant 0 : i32
        %dma_start3A_29 = tpu.memref_slice %arg6[%mul3A_17, %dma_start3A_28] : memref<160000x128xf32, #tpu.memory_space<hbm>> -> memref<128x128xf32, #tpu.memory_space<hbm>>
        %dma_start3A_30 = arith.constant 0 : i32
        %dma_start3A_31 = tpu.memref_slice %arg6[%mul3A_17, %dma_start3A_30] : memref<160000x128xf32, #tpu.memory_space<hbm>> -> memref<128x128xf32, #tpu.memory_space<hbm>>
        tpu.enqueue_dma source(%arg10 : memref<128x128xf32, #tpu.memory_space<vmem>>) target(%dma_start3A_31 : memref<128x128xf32, #tpu.memory_space<hbm>>) target_semaphore(%run_scoped3A : memref<!tpu.dma_semaphore, #tpu.memory_space<semaphore_mem>>)
        %dma_wait3A_32 = arith.constant 0 : i32
        %dma_wait3A_33 = tpu.memref_slice %arg6[%mul3A_17, %dma_wait3A_32] : memref<160000x128xf32, #tpu.memory_space<hbm>> -> memref<128x128xf32, #tpu.memory_space<hbm>>
        %dma_wait3A_34 = arith.constant 0 : i32
        %dma_wait3A_35 = tpu.memref_slice %arg6[%mul3A_17, %dma_wait3A_34] : memref<160000x128xf32, #tpu.memory_space<hbm>> -> memref<128x128xf32, #tpu.memory_space<hbm>>
        tpu.wait_dma2 semaphore(%run_scoped3A : memref<!tpu.dma_semaphore, #tpu.memory_space<semaphore_mem>>) src(%arg10 : memref<128x128xf32, #tpu.memory_space<vmem>>) dst(%dma_wait3A_35 : memref<128x128xf32, #tpu.memory_space<hbm>>)
        tpu.yield
      }) : () -> ()
    }
    %while3A_11 = arith.constant 1 : i32
    scf.for %while3A_12 = %while3A_9 to %while3A_5 step %while3A_11  : i32 {
      %mul3A_13 = arith.constant 32 : i32
      %mul3A_14 = arith.muli %mul3A_13, %while3A_12 : i32
      %add3A_15 = arith.addi %add3A, %mul3A_14 : i32
      %mul3A_16 = arith.constant 128 : i32
      %mul3A_17 = arith.muli %add3A_15, %mul3A_16 : i32
      "tpu.region"() ({
        %run_scoped3A = tpu.sem_alloc : memref<!tpu.dma_semaphore, #tpu.memory_space<semaphore_mem>>
        %dma_start3A_28 = tpu.memref_slice %arg3[%mul3A_17] : memref<160000xi32, #tpu.memory_space<hbm>> -> memref<128xi32, #tpu.memory_space<hbm>>
        %dma_start3A_29 = tpu.memref_slice %arg3[%mul3A_17] : memref<160000xi32, #tpu.memory_space<hbm>> -> memref<128xi32, #tpu.memory_space<hbm>>
        tpu.enqueue_dma source(%dma_start3A_29 : memref<128xi32, #tpu.memory_space<hbm>>) target(%arg7 : memref<128xi32, #tpu.memory_space<vmem>>) target_semaphore(%run_scoped3A : memref<!tpu.dma_semaphore, #tpu.memory_space<semaphore_mem>>)
        %dma_wait3A_30 = tpu.memref_slice %arg3[%mul3A_17] : memref<160000xi32, #tpu.memory_space<hbm>> -> memref<128xi32, #tpu.memory_space<hbm>>
        %dma_wait3A_31 = tpu.memref_slice %arg3[%mul3A_17] : memref<160000xi32, #tpu.memory_space<hbm>> -> memref<128xi32, #tpu.memory_space<hbm>>
        tpu.wait_dma2 semaphore(%run_scoped3A : memref<!tpu.dma_semaphore, #tpu.memory_space<semaphore_mem>>) src(%dma_wait3A_31 : memref<128xi32, #tpu.memory_space<hbm>>) dst(%arg7 : memref<128xi32, #tpu.memory_space<vmem>>)
        tpu.yield
      }) : () -> ()
      "tpu.region"() ({
        %run_scoped3A = tpu.sem_alloc : memref<!tpu.dma_semaphore, #tpu.memory_space<semaphore_mem>>
        %dma_start3A_28 = tpu.memref_slice %arg4[%mul3A_17] : memref<160000xi32, #tpu.memory_space<hbm>> -> memref<128xi32, #tpu.memory_space<hbm>>
        %dma_start3A_29 = tpu.memref_slice %arg4[%mul3A_17] : memref<160000xi32, #tpu.memory_space<hbm>> -> memref<128xi32, #tpu.memory_space<hbm>>
        tpu.enqueue_dma source(%dma_start3A_29 : memref<128xi32, #tpu.memory_space<hbm>>) target(%arg8 : memref<128xi32, #tpu.memory_space<vmem>>) target_semaphore(%run_scoped3A : memref<!tpu.dma_semaphore, #tpu.memory_space<semaphore_mem>>)
        %dma_wait3A_30 = tpu.memref_slice %arg4[%mul3A_17] : memref<160000xi32, #tpu.memory_space<hbm>> -> memref<128xi32, #tpu.memory_space<hbm>>
        %dma_wait3A_31 = tpu.memref_slice %arg4[%mul3A_17] : memref<160000xi32, #tpu.memory_space<hbm>> -> memref<128xi32, #tpu.memory_space<hbm>>
        tpu.wait_dma2 semaphore(%run_scoped3A : memref<!tpu.dma_semaphore, #tpu.memory_space<semaphore_mem>>) src(%dma_wait3A_31 : memref<128xi32, #tpu.memory_space<hbm>>) dst(%arg8 : memref<128xi32, #tpu.memory_space<vmem>>)
        tpu.yield
      }) : () -> ()
      %dma_start3A = arith.constant 0 : i32
      %dma_start3A_18 = arith.constant 0 : i32
      %dma_start3A_19 = tpu.memref_slice %arg2[%dma_start3A, %dma_start3A_18] : memref<10000x128xf32, #tpu.memory_space<hbm>> -> memref<10000x128xf32, #tpu.memory_space<hbm>>
      tpu.enqueue_indirect_dma source(%dma_start3A_19 : memref<10000x128xf32, #tpu.memory_space<hbm>>) target(%arg9 : memref<128x128xf32, #tpu.memory_space<vmem>>) offsets(%arg7 : memref<128xi32, #tpu.memory_space<vmem>>) semaphore(%arg11 : memref<!tpu.dma_semaphore, #tpu.memory_space<semaphore_mem>>)
      %dma_start3A_20 = arith.constant 0 : i32
      %dma_start3A_21 = arith.constant 0 : i32
      %dma_start3A_22 = tpu.memref_slice %arg2[%dma_start3A_20, %dma_start3A_21] : memref<10000x128xf32, #tpu.memory_space<hbm>> -> memref<10000x128xf32, #tpu.memory_space<hbm>>
      tpu.enqueue_indirect_dma source(%dma_start3A_22 : memref<10000x128xf32, #tpu.memory_space<hbm>>) target(%arg10 : memref<128x128xf32, #tpu.memory_space<vmem>>) offsets(%arg8 : memref<128xi32, #tpu.memory_space<vmem>>) semaphore(%arg12 : memref<!tpu.dma_semaphore, #tpu.memory_space<semaphore_mem>>)
      %dma_wait3A = arith.constant 0 : i32
      %dma_wait3A_23 = arith.constant 0 : i32
      %dma_wait3A_24 = tpu.memref_slice %arg2[%dma_wait3A, %dma_wait3A_23] : memref<10000x128xf32, #tpu.memory_space<hbm>> -> memref<10000x128xf32, #tpu.memory_space<hbm>>
      tpu.wait_indirect_dma semaphore(%arg11 : memref<!tpu.dma_semaphore, #tpu.memory_space<semaphore_mem>>) src(%dma_wait3A_24 : memref<10000x128xf32, #tpu.memory_space<hbm>>) dst(%arg9 : memref<128x128xf32, #tpu.memory_space<vmem>>)
      %dma_wait3A_25 = arith.constant 0 : i32
      %dma_wait3A_26 = arith.constant 0 : i32
      %dma_wait3A_27 = tpu.memref_slice %arg2[%dma_wait3A_25, %dma_wait3A_26] : memref<10000x128xf32, #tpu.memory_space<hbm>> -> memref<10000x128xf32, #tpu.memory_space<hbm>>
      tpu.wait_indirect_dma semaphore(%arg12 : memref<!tpu.dma_semaphore, #tpu.memory_space<semaphore_mem>>) src(%dma_wait3A_27 : memref<10000x128xf32, #tpu.memory_space<hbm>>) dst(%arg10 : memref<128x128xf32, #tpu.memory_space<vmem>>)
      "tpu.region"() ({
        %run_scoped3A = tpu.sem_alloc : memref<!tpu.dma_semaphore, #tpu.memory_space<semaphore_mem>>
        %dma_start3A_28 = arith.constant 0 : i32
        %dma_start3A_29 = tpu.memref_slice %arg5[%mul3A_17, %dma_start3A_28] : memref<160000x128xf32, #tpu.memory_space<hbm>> -> memref<128x128xf32, #tpu.memory_space<hbm>>
        %dma_start3A_30 = arith.constant 0 : i32
        %dma_start3A_31 = tpu.memref_slice %arg5[%mul3A_17, %dma_start3A_30] : memref<160000x128xf32, #tpu.memory_space<hbm>> -> memref<128x128xf32, #tpu.memory_space<hbm>>
        tpu.enqueue_dma source(%arg9 : memref<128x128xf32, #tpu.memory_space<vmem>>) target(%dma_start3A_31 : memref<128x128xf32, #tpu.memory_space<hbm>>) target_semaphore(%run_scoped3A : memref<!tpu.dma_semaphore, #tpu.memory_space<semaphore_mem>>)
        %dma_wait3A_32 = arith.constant 0 : i32
        %dma_wait3A_33 = tpu.memref_slice %arg5[%mul3A_17, %dma_wait3A_32] : memref<160000x128xf32, #tpu.memory_space<hbm>> -> memref<128x128xf32, #tpu.memory_space<hbm>>
        %dma_wait3A_34 = arith.constant 0 : i32
        %dma_wait3A_35 = tpu.memref_slice %arg5[%mul3A_17, %dma_wait3A_34] : memref<160000x128xf32, #tpu.memory_space<hbm>> -> memref<128x128xf32, #tpu.memory_space<hbm>>
        tpu.wait_dma2 semaphore(%run_scoped3A : memref<!tpu.dma_semaphore, #tpu.memory_space<semaphore_mem>>) src(%arg9 : memref<128x128xf32, #tpu.memory_space<vmem>>) dst(%dma_wait3A_35 : memref<128x128xf32, #tpu.memory_space<hbm>>)
        tpu.yield
      }) : () -> ()
      "tpu.region"() ({
        %run_scoped3A = tpu.sem_alloc : memref<!tpu.dma_semaphore, #tpu.memory_space<semaphore_mem>>
        %dma_start3A_28 = arith.constant 0 : i32
        %dma_start3A_29 = tpu.memref_slice %arg6[%mul3A_17, %dma_start3A_28] : memref<160000x128xf32, #tpu.memory_space<hbm>> -> memref<128x128xf32, #tpu.memory_space<hbm>>
        %dma_start3A_30 = arith.constant 0 : i32
        %dma_start3A_31 = tpu.memref_slice %arg6[%mul3A_17, %dma_start3A_30] : memref<160000x128xf32, #tpu.memory_space<hbm>> -> memref<128x128xf32, #tpu.memory_space<hbm>>
        tpu.enqueue_dma source(%arg10 : memref<128x128xf32, #tpu.memory_space<vmem>>) target(%dma_start3A_31 : memref<128x128xf32, #tpu.memory_space<hbm>>) target_semaphore(%run_scoped3A : memref<!tpu.dma_semaphore, #tpu.memory_space<semaphore_mem>>)
        %dma_wait3A_32 = arith.constant 0 : i32
        %dma_wait3A_33 = tpu.memref_slice %arg6[%mul3A_17, %dma_wait3A_32] : memref<160000x128xf32, #tpu.memory_space<hbm>> -> memref<128x128xf32, #tpu.memory_space<hbm>>
        %dma_wait3A_34 = arith.constant 0 : i32
        %dma_wait3A_35 = tpu.memref_slice %arg6[%mul3A_17, %dma_wait3A_34] : memref<160000x128xf32, #tpu.memory_space<hbm>> -> memref<128x128xf32, #tpu.memory_space<hbm>>
        tpu.wait_dma2 semaphore(%run_scoped3A : memref<!tpu.dma_semaphore, #tpu.memory_space<semaphore_mem>>) src(%arg10 : memref<128x128xf32, #tpu.memory_space<vmem>>) dst(%dma_wait3A_35 : memref<128x128xf32, #tpu.memory_space<hbm>>)
        tpu.yield
      }) : () -> ()
    }
    return
  }
}

#map = affine_map<(d0, d1) -> (0, 0)>
#map1 = affine_map<(d0, d1) -> (0)>
#map2 = affine_map<(d0, d1) -> (0, 0, 0)>
module attributes {stable_mosaic.version = 14 : i64} {
  func.func @scatter_k(%arg0: i32, %arg1: i32, %arg2: memref<160000x128xf32, #tpu.memory_space<hbm>>, %arg3: memref<160000x128xf32, #tpu.memory_space<hbm>>, %arg4: memref<160000xi32, #tpu.memory_space<hbm>>, %arg5: memref<640x128xf32, #tpu.memory_space<hbm>>, %arg6: memref<2x10240x128xf32, #tpu.memory_space<hbm>>, %arg7: memref<2x1280x128xf32, #tpu.memory_space<hbm>>, %arg8: memref<128xi32, #tpu.memory_space<vmem>>, %arg9: memref<128xi32, #tpu.memory_space<vmem>>, %arg10: memref<128x128xf32, #tpu.memory_space<vmem>>, %arg11: memref<128x128xf32, #tpu.memory_space<vmem>>, %arg12: memref<10240x128xf32, #tpu.memory_space<vmem_shared>>, %arg13: memref<1280x128xf32, #tpu.memory_space<vmem_shared>>) attributes {dimension_semantics = [#tpu.dimension_semantics<core_parallel>, #tpu.dimension_semantics<subcore_parallel>], iteration_bounds = array<i64: 2, 16>, scalar_prefetch = 0 : i64, scratch_operands = 6 : i64, tpu.core_type = #tpu.core_type<sc_vector_subcore>, window_params = [{transform_indices = #map}, {transform_indices = #map}, {transform_indices = #map1}, {transform_indices = #map}, {transform_indices = #map2}, {transform_indices = #map2}]} {
    %mul3A = arith.constant 2 : i32
    %mul3A_0 = arith.muli %arg1, %mul3A : i32
    %add3A = arith.addi %mul3A_0, %arg0 : i32
    %mul3A_1 = arith.constant 640 : i32
    %mul3A_2 = arith.muli %arg1, %mul3A_1 : i32
    "tpu.region"() ({
      %run_scoped3A = tpu.sem_alloc : memref<!tpu.dma_semaphore, #tpu.memory_space<semaphore_mem>>
      %dma_start3A = arith.constant 0 : i32
      %dma_start3A_25 = tpu.memref_slice %arg12[%mul3A_2, %dma_start3A] : memref<10240x128xf32, #tpu.memory_space<vmem_shared>> -> memref<640x128xf32, #tpu.memory_space<vmem_shared>>
      tpu.enqueue_dma source(%arg5 : memref<640x128xf32, #tpu.memory_space<hbm>>) target(%dma_start3A_25 : memref<640x128xf32, #tpu.memory_space<vmem_shared>>) target_semaphore(%run_scoped3A : memref<!tpu.dma_semaphore, #tpu.memory_space<semaphore_mem>>)
      %dma_wait3A = arith.constant 0 : i32
      %dma_wait3A_26 = tpu.memref_slice %arg12[%mul3A_2, %dma_wait3A] : memref<10240x128xf32, #tpu.memory_space<vmem_shared>> -> memref<640x128xf32, #tpu.memory_space<vmem_shared>>
      tpu.wait_dma2 semaphore(%run_scoped3A : memref<!tpu.dma_semaphore, #tpu.memory_space<semaphore_mem>>) src(%arg5 : memref<640x128xf32, #tpu.memory_space<hbm>>) dst(%dma_wait3A_26 : memref<640x128xf32, #tpu.memory_space<vmem_shared>>)
      tpu.yield
    }) : () -> ()
    %mul3A_3 = arith.constant 80 : i32
    %mul3A_4 = arith.muli %arg1, %mul3A_3 : i32
    "tpu.region"() ({
      %run_scoped3A = tpu.sem_alloc : memref<!tpu.dma_semaphore, #tpu.memory_space<semaphore_mem>>
      %dma_start3A = arith.constant 0 : i32
      %dma_start3A_25 = tpu.memref_slice %arg13[%mul3A_4, %dma_start3A] : memref<1280x128xf32, #tpu.memory_space<vmem_shared>> -> memref<80x128xf32, #tpu.memory_space<vmem_shared>>
      %dma_start3A_26 = arith.constant 0 : i32
      %dma_start3A_27 = arith.constant 0 : i32
      %dma_start3A_28 = tpu.memref_slice %arg5[%dma_start3A_26, %dma_start3A_27] : memref<640x128xf32, #tpu.memory_space<hbm>> -> memref<80x128xf32, #tpu.memory_space<hbm>>
      tpu.enqueue_dma source(%dma_start3A_28 : memref<80x128xf32, #tpu.memory_space<hbm>>) target(%dma_start3A_25 : memref<80x128xf32, #tpu.memory_space<vmem_shared>>) target_semaphore(%run_scoped3A : memref<!tpu.dma_semaphore, #tpu.memory_space<semaphore_mem>>)
      %dma_wait3A = arith.constant 0 : i32
      %dma_wait3A_29 = tpu.memref_slice %arg13[%mul3A_4, %dma_wait3A] : memref<1280x128xf32, #tpu.memory_space<vmem_shared>> -> memref<80x128xf32, #tpu.memory_space<vmem_shared>>
      %dma_wait3A_30 = arith.constant 0 : i32
      %dma_wait3A_31 = arith.constant 0 : i32
      %dma_wait3A_32 = tpu.memref_slice %arg5[%dma_wait3A_30, %dma_wait3A_31] : memref<640x128xf32, #tpu.memory_space<hbm>> -> memref<80x128xf32, #tpu.memory_space<hbm>>
      tpu.wait_dma2 semaphore(%run_scoped3A : memref<!tpu.dma_semaphore, #tpu.memory_space<semaphore_mem>>) src(%dma_wait3A_32 : memref<80x128xf32, #tpu.memory_space<hbm>>) dst(%dma_wait3A_29 : memref<80x128xf32, #tpu.memory_space<vmem_shared>>)
      tpu.yield
    }) : () -> ()
    %barrier3A = arith.constant 0 : index
    tpu.barrier barrier_id(%barrier3A)
    %lt3A = arith.constant 2 : i32
    %lt3A_5 = arith.cmpi slt, %add3A, %lt3A : i32
    %jit3A = arith.constant 40 : i32
    %jit3A_6 = arith.constant 39 : i32
    %select_n3A = arith.select %lt3A_5, %jit3A, %jit3A_6 : i32
    %while3A = arith.constant 0 : i32
    %while3A_7 = arith.constant 0 : i32
    %while3A_8 = arith.subi %select_n3A, %while3A_7 : i32
    %while3A_9 = arith.addi %while3A_7, %while3A_8 : i32
    %while3A_10 = arith.constant 1 : i32
    %while3A_11 = arith.divsi %while3A_8, %while3A_10 : i32
    %while3A_12 = arith.muli %while3A_11, %while3A_10 : i32
    %while3A_13 = arith.addi %while3A_7, %while3A_12 : i32
    %while3A_14 = arith.constant 1 : i32
    scf.for %while3A_25 = %while3A_7 to %while3A_13 step %while3A_14  : i32 {
      %mul3A_26 = arith.constant 32 : i32
      %mul3A_27 = arith.muli %mul3A_26, %while3A_25 : i32
      %add3A_28 = arith.addi %add3A, %mul3A_27 : i32
      %mul3A_29 = arith.constant 128 : i32
      %mul3A_30 = arith.muli %add3A_28, %mul3A_29 : i32
      "tpu.region"() ({
        %run_scoped3A = tpu.sem_alloc : memref<!tpu.dma_semaphore, #tpu.memory_space<semaphore_mem>>
        %dma_start3A = tpu.memref_slice %arg4[%mul3A_30] : memref<160000xi32, #tpu.memory_space<hbm>> -> memref<128xi32, #tpu.memory_space<hbm>>
        %dma_start3A_108 = tpu.memref_slice %arg4[%mul3A_30] : memref<160000xi32, #tpu.memory_space<hbm>> -> memref<128xi32, #tpu.memory_space<hbm>>
        tpu.enqueue_dma source(%dma_start3A_108 : memref<128xi32, #tpu.memory_space<hbm>>) target(%arg8 : memref<128xi32, #tpu.memory_space<vmem>>) target_semaphore(%run_scoped3A : memref<!tpu.dma_semaphore, #tpu.memory_space<semaphore_mem>>)
        %dma_wait3A = tpu.memref_slice %arg4[%mul3A_30] : memref<160000xi32, #tpu.memory_space<hbm>> -> memref<128xi32, #tpu.memory_space<hbm>>
        %dma_wait3A_109 = tpu.memref_slice %arg4[%mul3A_30] : memref<160000xi32, #tpu.memory_space<hbm>> -> memref<128xi32, #tpu.memory_space<hbm>>
        tpu.wait_dma2 semaphore(%run_scoped3A : memref<!tpu.dma_semaphore, #tpu.memory_space<semaphore_mem>>) src(%dma_wait3A_109 : memref<128xi32, #tpu.memory_space<hbm>>) dst(%arg8 : memref<128xi32, #tpu.memory_space<vmem>>)
        tpu.yield
      }) : () -> ()
      "tpu.region"() ({
        %run_scoped3A = tpu.sem_alloc : memref<!tpu.dma_semaphore, #tpu.memory_space<semaphore_mem>>
        %dma_start3A = arith.constant 0 : i32
        %dma_start3A_108 = tpu.memref_slice %arg2[%mul3A_30, %dma_start3A] : memref<160000x128xf32, #tpu.memory_space<hbm>> -> memref<128x128xf32, #tpu.memory_space<hbm>>
        %dma_start3A_109 = arith.constant 0 : i32
        %dma_start3A_110 = tpu.memref_slice %arg2[%mul3A_30, %dma_start3A_109] : memref<160000x128xf32, #tpu.memory_space<hbm>> -> memref<128x128xf32, #tpu.memory_space<hbm>>
        tpu.enqueue_dma source(%dma_start3A_110 : memref<128x128xf32, #tpu.memory_space<hbm>>) target(%arg10 : memref<128x128xf32, #tpu.memory_space<vmem>>) target_semaphore(%run_scoped3A : memref<!tpu.dma_semaphore, #tpu.memory_space<semaphore_mem>>)
        %dma_wait3A = arith.constant 0 : i32
        %dma_wait3A_111 = tpu.memref_slice %arg2[%mul3A_30, %dma_wait3A] : memref<160000x128xf32, #tpu.memory_space<hbm>> -> memref<128x128xf32, #tpu.memory_space<hbm>>
        %dma_wait3A_112 = arith.constant 0 : i32
        %dma_wait3A_113 = tpu.memref_slice %arg2[%mul3A_30, %dma_wait3A_112] : memref<160000x128xf32, #tpu.memory_space<hbm>> -> memref<128x128xf32, #tpu.memory_space<hbm>>
        tpu.wait_dma2 semaphore(%run_scoped3A : memref<!tpu.dma_semaphore, #tpu.memory_space<semaphore_mem>>) src(%dma_wait3A_113 : memref<128x128xf32, #tpu.memory_space<hbm>>) dst(%arg10 : memref<128x128xf32, #tpu.memory_space<vmem>>)
        tpu.yield
      }) : () -> ()
      "tpu.region"() ({
        %run_scoped3A = tpu.sem_alloc : memref<!tpu.dma_semaphore, #tpu.memory_space<semaphore_mem>>
        %dma_start3A = arith.constant 0 : i32
        %dma_start3A_108 = tpu.memref_slice %arg3[%mul3A_30, %dma_start3A] : memref<160000x128xf32, #tpu.memory_space<hbm>> -> memref<128x128xf32, #tpu.memory_space<hbm>>
        %dma_start3A_109 = arith.constant 0 : i32
        %dma_start3A_110 = tpu.memref_slice %arg3[%mul3A_30, %dma_start3A_109] : memref<160000x128xf32, #tpu.memory_space<hbm>> -> memref<128x128xf32, #tpu.memory_space<hbm>>
        tpu.enqueue_dma source(%dma_start3A_110 : memref<128x128xf32, #tpu.memory_space<hbm>>) target(%arg11 : memref<128x128xf32, #tpu.memory_space<vmem>>) target_semaphore(%run_scoped3A : memref<!tpu.dma_semaphore, #tpu.memory_space<semaphore_mem>>)
        %dma_wait3A = arith.constant 0 : i32
        %dma_wait3A_111 = tpu.memref_slice %arg3[%mul3A_30, %dma_wait3A] : memref<160000x128xf32, #tpu.memory_space<hbm>> -> memref<128x128xf32, #tpu.memory_space<hbm>>
        %dma_wait3A_112 = arith.constant 0 : i32
        %dma_wait3A_113 = tpu.memref_slice %arg3[%mul3A_30, %dma_wait3A_112] : memref<160000x128xf32, #tpu.memory_space<hbm>> -> memref<128x128xf32, #tpu.memory_space<hbm>>
        tpu.wait_dma2 semaphore(%run_scoped3A : memref<!tpu.dma_semaphore, #tpu.memory_space<semaphore_mem>>) src(%dma_wait3A_113 : memref<128x128xf32, #tpu.memory_space<hbm>>) dst(%arg11 : memref<128x128xf32, #tpu.memory_space<vmem>>)
        tpu.yield
      }) : () -> ()
      %get3A = arith.constant 0 : index
      %get3A_31 = tpu.vector_load %arg8[%get3A] {strides = array<i32>} : memref<128xi32, #tpu.memory_space<vmem>>, vector<16xi32>,
      %get3A_32 = vector.shape_cast %get3A_31 : vector<16xi32> to vector<16xi32>
      %shift_right_logical3A = arith.constant 3 : i32
      %shift_right_logical3A_33 = vector.broadcast %shift_right_logical3A : i32 to vector<16xi32>
      %shift_right_logical3A_34 = arith.shrui %get3A_32, %shift_right_logical3A_33 : vector<16xi32>
      %swap3A = arith.constant 0 : index
      %swap3A_35 = tpu.vector_load %arg9[%swap3A] {strides = array<i32>} : memref<128xi32, #tpu.memory_space<vmem>>, vector<16xi32>,
      %swap3A_36 = vector.shape_cast %swap3A_35 : vector<16xi32> to vector<16xi32>
      %swap3A_37 = vector.shape_cast %shift_right_logical3A_34 : vector<16xi32> to vector<16xi32>
      tpu.vector_store %arg9[%swap3A], %swap3A_37 {strides = array<i32>} : memref<128xi32, #tpu.memory_space<vmem>>, vector<16xi32>,
      %get3A_38 = arith.constant 16 : index
      %get3A_39 = tpu.vector_load %arg8[%get3A_38] {strides = array<i32>} : memref<128xi32, #tpu.memory_space<vmem>>, vector<16xi32>,
      %get3A_40 = vector.shape_cast %get3A_39 : vector<16xi32> to vector<16xi32>
      %shift_right_logical3A_41 = arith.constant 3 : i32
      %shift_right_logical3A_42 = vector.broadcast %shift_right_logical3A_41 : i32 to vector<16xi32>
      %shift_right_logical3A_43 = arith.shrui %get3A_40, %shift_right_logical3A_42 : vector<16xi32>
      %swap3A_44 = arith.constant 16 : index
      %swap3A_45 = tpu.vector_load %arg9[%swap3A_44] {strides = array<i32>} : memref<128xi32, #tpu.memory_space<vmem>>, vector<16xi32>,
      %swap3A_46 = vector.shape_cast %swap3A_45 : vector<16xi32> to vector<16xi32>
      %swap3A_47 = vector.shape_cast %shift_right_logical3A_43 : vector<16xi32> to vector<16xi32>
      tpu.vector_store %arg9[%swap3A_44], %swap3A_47 {strides = array<i32>} : memref<128xi32, #tpu.memory_space<vmem>>, vector<16xi32>,
      %get3A_48 = arith.constant 32 : index
      %get3A_49 = tpu.vector_load %arg8[%get3A_48] {strides = array<i32>} : memref<128xi32, #tpu.memory_space<vmem>>, vector<16xi32>,
      %get3A_50 = vector.shape_cast %get3A_49 : vector<16xi32> to vector<16xi32>
      %shift_right_logical3A_51 = arith.constant 3 : i32
      %shift_right_logical3A_52 = vector.broadcast %shift_right_logical3A_51 : i32 to vector<16xi32>
      %shift_right_logical3A_53 = arith.shrui %get3A_50, %shift_right_logical3A_52 : vector<16xi32>
      %swap3A_54 = arith.constant 32 : index
      %swap3A_55 = tpu.vector_load %arg9[%swap3A_54] {strides = array<i32>} : memref<128xi32, #tpu.memory_space<vmem>>, vector<16xi32>,
      %swap3A_56 = vector.shape_cast %swap3A_55 : vector<16xi32> to vector<16xi32>
      %swap3A_57 = vector.shape_cast %shift_right_logical3A_53 : vector<16xi32> to vector<16xi32>
      tpu.vector_store %arg9[%swap3A_54], %swap3A_57 {strides = array<i32>} : memref<128xi32, #tpu.memory_space<vmem>>, vector<16xi32>,
      %get3A_58 = arith.constant 48 : index
      %get3A_59 = tpu.vector_load %arg8[%get3A_58] {strides = array<i32>} : memref<128xi32, #tpu.memory_space<vmem>>, vector<16xi32>,
      %get3A_60 = vector.shape_cast %get3A_59 : vector<16xi32> to vector<16xi32>
      %shift_right_logical3A_61 = arith.constant 3 : i32
      %shift_right_logical3A_62 = vector.broadcast %shift_right_logical3A_61 : i32 to vector<16xi32>
      %shift_right_logical3A_63 = arith.shrui %get3A_60, %shift_right_logical3A_62 : vector<16xi32>
      %swap3A_64 = arith.constant 48 : index
      %swap3A_65 = tpu.vector_load %arg9[%swap3A_64] {strides = array<i32>} : memref<128xi32, #tpu.memory_space<vmem>>, vector<16xi32>,
      %swap3A_66 = vector.shape_cast %swap3A_65 : vector<16xi32> to vector<16xi32>
      %swap3A_67 = vector.shape_cast %shift_right_logical3A_63 : vector<16xi32> to vector<16xi32>
      tpu.vector_store %arg9[%swap3A_64], %swap3A_67 {strides = array<i32>} : memref<128xi32, #tpu.memory_space<vmem>>, vector<16xi32>,
      %get3A_68 = arith.constant 64 : index
      %get3A_69 = tpu.vector_load %arg8[%get3A_68] {strides = array<i32>} : memref<128xi32, #tpu.memory_space<vmem>>, vector<16xi32>,
      %get3A_70 = vector.shape_cast %get3A_69 : vector<16xi32> to vector<16xi32>
      %shift_right_logical3A_71 = arith.constant 3 : i32
      %shift_right_logical3A_72 = vector.broadcast %shift_right_logical3A_71 : i32 to vector<16xi32>
      %shift_right_logical3A_73 = arith.shrui %get3A_70, %shift_right_logical3A_72 : vector<16xi32>
      %swap3A_74 = arith.constant 64 : index
      %swap3A_75 = tpu.vector_load %arg9[%swap3A_74] {strides = array<i32>} : memref<128xi32, #tpu.memory_space<vmem>>, vector<16xi32>,
      %swap3A_76 = vector.shape_cast %swap3A_75 : vector<16xi32> to vector<16xi32>
      %swap3A_77 = vector.shape_cast %shift_right_logical3A_73 : vector<16xi32> to vector<16xi32>
      tpu.vector_store %arg9[%swap3A_74], %swap3A_77 {strides = array<i32>} : memref<128xi32, #tpu.memory_space<vmem>>, vector<16xi32>,
      %get3A_78 = arith.constant 80 : index
      %get3A_79 = tpu.vector_load %arg8[%get3A_78] {strides = array<i32>} : memref<128xi32, #tpu.memory_space<vmem>>, vector<16xi32>,
      %get3A_80 = vector.shape_cast %get3A_79 : vector<16xi32> to vector<16xi32>
      %shift_right_logical3A_81 = arith.constant 3 : i32
      %shift_right_logical3A_82 = vector.broadcast %shift_right_logical3A_81 : i32 to vector<16xi32>
      %shift_right_logical3A_83 = arith.shrui %get3A_80, %shift_right_logical3A_82 : vector<16xi32>
      %swap3A_84 = arith.constant 80 : index
      %swap3A_85 = tpu.vector_load %arg9[%swap3A_84] {strides = array<i32>} : memref<128xi32, #tpu.memory_space<vmem>>, vector<16xi32>,
      %swap3A_86 = vector.shape_cast %swap3A_85 : vector<16xi32> to vector<16xi32>
      %swap3A_87 = vector.shape_cast %shift_right_logical3A_83 : vector<16xi32> to vector<16xi32>
      tpu.vector_store %arg9[%swap3A_84], %swap3A_87 {strides = array<i32>} : memref<128xi32, #tpu.memory_space<vmem>>, vector<16xi32>,
      %get3A_88 = arith.constant 96 : index
      %get3A_89 = tpu.vector_load %arg8[%get3A_88] {strides = array<i32>} : memref<128xi32, #tpu.memory_space<vmem>>, vector<16xi32>,
      %get3A_90 = vector.shape_cast %get3A_89 : vector<16xi32> to vector<16xi32>
      %shift_right_logical3A_91 = arith.constant 3 : i32
      %shift_right_logical3A_92 = vector.broadcast %shift_right_logical3A_91 : i32 to vector<16xi32>
      %shift_right_logical3A_93 = arith.shrui %get3A_90, %shift_right_logical3A_92 : vector<16xi32>
      %swap3A_94 = arith.constant 96 : index
      %swap3A_95 = tpu.vector_load %arg9[%swap3A_94] {strides = array<i32>} : memref<128xi32, #tpu.memory_space<vmem>>, vector<16xi32>,
      %swap3A_96 = vector.shape_cast %swap3A_95 : vector<16xi32> to vector<16xi32>
      %swap3A_97 = vector.shape_cast %shift_right_logical3A_93 : vector<16xi32> to vector<16xi32>
      tpu.vector_store %arg9[%swap3A_94], %swap3A_97 {strides = array<i32>} : memref<128xi32, #tpu.memory_space<vmem>>, vector<16xi32>,
      %get3A_98 = arith.constant 112 : index
      %get3A_99 = tpu.vector_load %arg8[%get3A_98] {strides = array<i32>} : memref<128xi32, #tpu.memory_space<vmem>>, vector<16xi32>,
      %get3A_100 = vector.shape_cast %get3A_99 : vector<16xi32> to vector<16xi32>
      %shift_right_logical3A_101 = arith.constant 3 : i32
      %shift_right_logical3A_102 = vector.broadcast %shift_right_logical3A_101 : i32 to vector<16xi32>
      %shift_right_logical3A_103 = arith.shrui %get3A_100, %shift_right_logical3A_102 : vector<16xi32>
      %swap3A_104 = arith.constant 112 : index
      %swap3A_105 = tpu.vector_load %arg9[%swap3A_104] {strides = array<i32>} : memref<128xi32, #tpu.memory_space<vmem>>, vector<16xi32>,
      %swap3A_106 = vector.shape_cast %swap3A_105 : vector<16xi32> to vector<16xi32>
      %swap3A_107 = vector.shape_cast %shift_right_logical3A_103 : vector<16xi32> to vector<16xi32>
      tpu.vector_store %arg9[%swap3A_104], %swap3A_107 {strides = array<i32>} : memref<128xi32, #tpu.memory_space<vmem>>, vector<16xi32>,
      "tpu.region"() ({
        %run_scoped3A = tpu.sem_alloc : memref<!tpu.dma_semaphore, #tpu.memory_space<semaphore_mem>>
        %dma_start3A = arith.constant 0 : i32
        %dma_start3A_108 = arith.constant 0 : i32
        %dma_start3A_109 = tpu.memref_slice %arg12[%dma_start3A, %dma_start3A_108] : memref<10240x128xf32, #tpu.memory_space<vmem_shared>> -> memref<10240x128xf32, #tpu.memory_space<vmem_shared>>
        tpu.enqueue_indirect_dma source(%arg10 : memref<128x128xf32, #tpu.memory_space<vmem>>) target(%dma_start3A_109 : memref<10240x128xf32, #tpu.memory_space<vmem_shared>>) offsets(%arg8 : memref<128xi32, #tpu.memory_space<vmem>>) semaphore(%run_scoped3A : memref<!tpu.dma_semaphore, #tpu.memory_space<semaphore_mem>>) {add = true}
        %dma_wait3A = arith.constant 0 : i32
        %dma_wait3A_110 = arith.constant 0 : i32
        %dma_wait3A_111 = tpu.memref_slice %arg12[%dma_wait3A, %dma_wait3A_110] : memref<10240x128xf32, #tpu.memory_space<vmem_shared>> -> memref<10240x128xf32, #tpu.memory_space<vmem_shared>>
        tpu.wait_indirect_dma semaphore(%run_scoped3A : memref<!tpu.dma_semaphore, #tpu.memory_space<semaphore_mem>>) src(%arg10 : memref<128x128xf32, #tpu.memory_space<vmem>>) dst(%dma_wait3A_111 : memref<10240x128xf32, #tpu.memory_space<vmem_shared>>)
        tpu.yield
      }) : () -> ()
      "tpu.region"() ({
        %run_scoped3A = tpu.sem_alloc : memref<!tpu.dma_semaphore, #tpu.memory_space<semaphore_mem>>
        %dma_start3A = arith.constant 0 : i32
        %dma_start3A_108 = arith.constant 0 : i32
        %dma_start3A_109 = tpu.memref_slice %arg13[%dma_start3A, %dma_start3A_108] : memref<1280x128xf32, #tpu.memory_space<vmem_shared>> -> memref<1280x128xf32, #tpu.memory_space<vmem_shared>>
        tpu.enqueue_indirect_dma source(%arg11 : memref<128x128xf32, #tpu.memory_space<vmem>>) target(%dma_start3A_109 : memref<1280x128xf32, #tpu.memory_space<vmem_shared>>) offsets(%arg9 : memref<128xi32, #tpu.memory_space<vmem>>) semaphore(%run_scoped3A : memref<!tpu.dma_semaphore, #tpu.memory_space<semaphore_mem>>) {add = true}
        %dma_wait3A = arith.constant 0 : i32
        %dma_wait3A_110 = arith.constant 0 : i32
        %dma_wait3A_111 = tpu.memref_slice %arg13[%dma_wait3A, %dma_wait3A_110] : memref<1280x128xf32, #tpu.memory_space<vmem_shared>> -> memref<1280x128xf32, #tpu.memory_space<vmem_shared>>
        tpu.wait_indirect_dma semaphore(%run_scoped3A : memref<!tpu.dma_semaphore, #tpu.memory_space<semaphore_mem>>) src(%arg11 : memref<128x128xf32, #tpu.memory_space<vmem>>) dst(%dma_wait3A_111 : memref<1280x128xf32, #tpu.memory_space<vmem_shared>>)
        tpu.yield
      }) : () -> ()
    }
    %while3A_15 = arith.constant 1 : i32
    scf.for %while3A_25 = %while3A_13 to %while3A_9 step %while3A_15  : i32 {
      %mul3A_26 = arith.constant 32 : i32
      %mul3A_27 = arith.muli %mul3A_26, %while3A_25 : i32
      %add3A_28 = arith.addi %add3A, %mul3A_27 : i32
      %mul3A_29 = arith.constant 128 : i32
      %mul3A_30 = arith.muli %add3A_28, %mul3A_29 : i32
      "tpu.region"() ({
        %run_scoped3A = tpu.sem_alloc : memref<!tpu.dma_semaphore, #tpu.memory_space<semaphore_mem>>
        %dma_start3A = tpu.memref_slice %arg4[%mul3A_30] : memref<160000xi32, #tpu.memory_space<hbm>> -> memref<128xi32, #tpu.memory_space<hbm>>
        %dma_start3A_108 = tpu.memref_slice %arg4[%mul3A_30] : memref<160000xi32, #tpu.memory_space<hbm>> -> memref<128xi32, #tpu.memory_space<hbm>>
        tpu.enqueue_dma source(%dma_start3A_108 : memref<128xi32, #tpu.memory_space<hbm>>) target(%arg8 : memref<128xi32, #tpu.memory_space<vmem>>) target_semaphore(%run_scoped3A : memref<!tpu.dma_semaphore, #tpu.memory_space<semaphore_mem>>)
        %dma_wait3A = tpu.memref_slice %arg4[%mul3A_30] : memref<160000xi32, #tpu.memory_space<hbm>> -> memref<128xi32, #tpu.memory_space<hbm>>
        %dma_wait3A_109 = tpu.memref_slice %arg4[%mul3A_30] : memref<160000xi32, #tpu.memory_space<hbm>> -> memref<128xi32, #tpu.memory_space<hbm>>
        tpu.wait_dma2 semaphore(%run_scoped3A : memref<!tpu.dma_semaphore, #tpu.memory_space<semaphore_mem>>) src(%dma_wait3A_109 : memref<128xi32, #tpu.memory_space<hbm>>) dst(%arg8 : memref<128xi32, #tpu.memory_space<vmem>>)
        tpu.yield
      }) : () -> ()
      "tpu.region"() ({
        %run_scoped3A = tpu.sem_alloc : memref<!tpu.dma_semaphore, #tpu.memory_space<semaphore_mem>>
        %dma_start3A = arith.constant 0 : i32
        %dma_start3A_108 = tpu.memref_slice %arg2[%mul3A_30, %dma_start3A] : memref<160000x128xf32, #tpu.memory_space<hbm>> -> memref<128x128xf32, #tpu.memory_space<hbm>>
        %dma_start3A_109 = arith.constant 0 : i32
        %dma_start3A_110 = tpu.memref_slice %arg2[%mul3A_30, %dma_start3A_109] : memref<160000x128xf32, #tpu.memory_space<hbm>> -> memref<128x128xf32, #tpu.memory_space<hbm>>
        tpu.enqueue_dma source(%dma_start3A_110 : memref<128x128xf32, #tpu.memory_space<hbm>>) target(%arg10 : memref<128x128xf32, #tpu.memory_space<vmem>>) target_semaphore(%run_scoped3A : memref<!tpu.dma_semaphore, #tpu.memory_space<semaphore_mem>>)
        %dma_wait3A = arith.constant 0 : i32
        %dma_wait3A_111 = tpu.memref_slice %arg2[%mul3A_30, %dma_wait3A] : memref<160000x128xf32, #tpu.memory_space<hbm>> -> memref<128x128xf32, #tpu.memory_space<hbm>>
        %dma_wait3A_112 = arith.constant 0 : i32
        %dma_wait3A_113 = tpu.memref_slice %arg2[%mul3A_30, %dma_wait3A_112] : memref<160000x128xf32, #tpu.memory_space<hbm>> -> memref<128x128xf32, #tpu.memory_space<hbm>>
        tpu.wait_dma2 semaphore(%run_scoped3A : memref<!tpu.dma_semaphore, #tpu.memory_space<semaphore_mem>>) src(%dma_wait3A_113 : memref<128x128xf32, #tpu.memory_space<hbm>>) dst(%arg10 : memref<128x128xf32, #tpu.memory_space<vmem>>)
        tpu.yield
      }) : () -> ()
      "tpu.region"() ({
        %run_scoped3A = tpu.sem_alloc : memref<!tpu.dma_semaphore, #tpu.memory_space<semaphore_mem>>
        %dma_start3A = arith.constant 0 : i32
        %dma_start3A_108 = tpu.memref_slice %arg3[%mul3A_30, %dma_start3A] : memref<160000x128xf32, #tpu.memory_space<hbm>> -> memref<128x128xf32, #tpu.memory_space<hbm>>
        %dma_start3A_109 = arith.constant 0 : i32
        %dma_start3A_110 = tpu.memref_slice %arg3[%mul3A_30, %dma_start3A_109] : memref<160000x128xf32, #tpu.memory_space<hbm>> -> memref<128x128xf32, #tpu.memory_space<hbm>>
        tpu.enqueue_dma source(%dma_start3A_110 : memref<128x128xf32, #tpu.memory_space<hbm>>) target(%arg11 : memref<128x128xf32, #tpu.memory_space<vmem>>) target_semaphore(%run_scoped3A : memref<!tpu.dma_semaphore, #tpu.memory_space<semaphore_mem>>)
        %dma_wait3A = arith.constant 0 : i32
        %dma_wait3A_111 = tpu.memref_slice %arg3[%mul3A_30, %dma_wait3A] : memref<160000x128xf32, #tpu.memory_space<hbm>> -> memref<128x128xf32, #tpu.memory_space<hbm>>
        %dma_wait3A_112 = arith.constant 0 : i32
        %dma_wait3A_113 = tpu.memref_slice %arg3[%mul3A_30, %dma_wait3A_112] : memref<160000x128xf32, #tpu.memory_space<hbm>> -> memref<128x128xf32, #tpu.memory_space<hbm>>
        tpu.wait_dma2 semaphore(%run_scoped3A : memref<!tpu.dma_semaphore, #tpu.memory_space<semaphore_mem>>) src(%dma_wait3A_113 : memref<128x128xf32, #tpu.memory_space<hbm>>) dst(%arg11 : memref<128x128xf32, #tpu.memory_space<vmem>>)
        tpu.yield
      }) : () -> ()
      %get3A = arith.constant 0 : index
      %get3A_31 = tpu.vector_load %arg8[%get3A] {strides = array<i32>} : memref<128xi32, #tpu.memory_space<vmem>>, vector<16xi32>,
      %get3A_32 = vector.shape_cast %get3A_31 : vector<16xi32> to vector<16xi32>
      %shift_right_logical3A = arith.constant 3 : i32
      %shift_right_logical3A_33 = vector.broadcast %shift_right_logical3A : i32 to vector<16xi32>
      %shift_right_logical3A_34 = arith.shrui %get3A_32, %shift_right_logical3A_33 : vector<16xi32>
      %swap3A = arith.constant 0 : index
      %swap3A_35 = tpu.vector_load %arg9[%swap3A] {strides = array<i32>} : memref<128xi32, #tpu.memory_space<vmem>>, vector<16xi32>,
      %swap3A_36 = vector.shape_cast %swap3A_35 : vector<16xi32> to vector<16xi32>
      %swap3A_37 = vector.shape_cast %shift_right_logical3A_34 : vector<16xi32> to vector<16xi32>
      tpu.vector_store %arg9[%swap3A], %swap3A_37 {strides = array<i32>} : memref<128xi32, #tpu.memory_space<vmem>>, vector<16xi32>,
      %get3A_38 = arith.constant 16 : index
      %get3A_39 = tpu.vector_load %arg8[%get3A_38] {strides = array<i32>} : memref<128xi32, #tpu.memory_space<vmem>>, vector<16xi32>,
      %get3A_40 = vector.shape_cast %get3A_39 : vector<16xi32> to vector<16xi32>
      %shift_right_logical3A_41 = arith.constant 3 : i32
      %shift_right_logical3A_42 = vector.broadcast %shift_right_logical3A_41 : i32 to vector<16xi32>
      %shift_right_logical3A_43 = arith.shrui %get3A_40, %shift_right_logical3A_42 : vector<16xi32>
      %swap3A_44 = arith.constant 16 : index
      %swap3A_45 = tpu.vector_load %arg9[%swap3A_44] {strides = array<i32>} : memref<128xi32, #tpu.memory_space<vmem>>, vector<16xi32>,
      %swap3A_46 = vector.shape_cast %swap3A_45 : vector<16xi32> to vector<16xi32>
      %swap3A_47 = vector.shape_cast %shift_right_logical3A_43 : vector<16xi32> to vector<16xi32>
      tpu.vector_store %arg9[%swap3A_44], %swap3A_47 {strides = array<i32>} : memref<128xi32, #tpu.memory_space<vmem>>, vector<16xi32>,
      %get3A_48 = arith.constant 32 : index
      %get3A_49 = tpu.vector_load %arg8[%get3A_48] {strides = array<i32>} : memref<128xi32, #tpu.memory_space<vmem>>, vector<16xi32>,
      %get3A_50 = vector.shape_cast %get3A_49 : vector<16xi32> to vector<16xi32>
      %shift_right_logical3A_51 = arith.constant 3 : i32
      %shift_right_logical3A_52 = vector.broadcast %shift_right_logical3A_51 : i32 to vector<16xi32>
      %shift_right_logical3A_53 = arith.shrui %get3A_50, %shift_right_logical3A_52 : vector<16xi32>
      %swap3A_54 = arith.constant 32 : index
      %swap3A_55 = tpu.vector_load %arg9[%swap3A_54] {strides = array<i32>} : memref<128xi32, #tpu.memory_space<vmem>>, vector<16xi32>,
      %swap3A_56 = vector.shape_cast %swap3A_55 : vector<16xi32> to vector<16xi32>
      %swap3A_57 = vector.shape_cast %shift_right_logical3A_53 : vector<16xi32> to vector<16xi32>
      tpu.vector_store %arg9[%swap3A_54], %swap3A_57 {strides = array<i32>} : memref<128xi32, #tpu.memory_space<vmem>>, vector<16xi32>,
      %get3A_58 = arith.constant 48 : index
      %get3A_59 = tpu.vector_load %arg8[%get3A_58] {strides = array<i32>} : memref<128xi32, #tpu.memory_space<vmem>>, vector<16xi32>,
      %get3A_60 = vector.shape_cast %get3A_59 : vector<16xi32> to vector<16xi32>
      %shift_right_logical3A_61 = arith.constant 3 : i32
      %shift_right_logical3A_62 = vector.broadcast %shift_right_logical3A_61 : i32 to vector<16xi32>
      %shift_right_logical3A_63 = arith.shrui %get3A_60, %shift_right_logical3A_62 : vector<16xi32>
      %swap3A_64 = arith.constant 48 : index
      %swap3A_65 = tpu.vector_load %arg9[%swap3A_64] {strides = array<i32>} : memref<128xi32, #tpu.memory_space<vmem>>, vector<16xi32>,
      %swap3A_66 = vector.shape_cast %swap3A_65 : vector<16xi32> to vector<16xi32>
      %swap3A_67 = vector.shape_cast %shift_right_logical3A_63 : vector<16xi32> to vector<16xi32>
      tpu.vector_store %arg9[%swap3A_64], %swap3A_67 {strides = array<i32>} : memref<128xi32, #tpu.memory_space<vmem>>, vector<16xi32>,
      %get3A_68 = arith.constant 64 : index
      %get3A_69 = tpu.vector_load %arg8[%get3A_68] {strides = array<i32>} : memref<128xi32, #tpu.memory_space<vmem>>, vector<16xi32>,
      %get3A_70 = vector.shape_cast %get3A_69 : vector<16xi32> to vector<16xi32>
      %shift_right_logical3A_71 = arith.constant 3 : i32
      %shift_right_logical3A_72 = vector.broadcast %shift_right_logical3A_71 : i32 to vector<16xi32>
      %shift_right_logical3A_73 = arith.shrui %get3A_70, %shift_right_logical3A_72 : vector<16xi32>
      %swap3A_74 = arith.constant 64 : index
      %swap3A_75 = tpu.vector_load %arg9[%swap3A_74] {strides = array<i32>} : memref<128xi32, #tpu.memory_space<vmem>>, vector<16xi32>,
      %swap3A_76 = vector.shape_cast %swap3A_75 : vector<16xi32> to vector<16xi32>
      %swap3A_77 = vector.shape_cast %shift_right_logical3A_73 : vector<16xi32> to vector<16xi32>
      tpu.vector_store %arg9[%swap3A_74], %swap3A_77 {strides = array<i32>} : memref<128xi32, #tpu.memory_space<vmem>>, vector<16xi32>,
      %get3A_78 = arith.constant 80 : index
      %get3A_79 = tpu.vector_load %arg8[%get3A_78] {strides = array<i32>} : memref<128xi32, #tpu.memory_space<vmem>>, vector<16xi32>,
      %get3A_80 = vector.shape_cast %get3A_79 : vector<16xi32> to vector<16xi32>
      %shift_right_logical3A_81 = arith.constant 3 : i32
      %shift_right_logical3A_82 = vector.broadcast %shift_right_logical3A_81 : i32 to vector<16xi32>
      %shift_right_logical3A_83 = arith.shrui %get3A_80, %shift_right_logical3A_82 : vector<16xi32>
      %swap3A_84 = arith.constant 80 : index
      %swap3A_85 = tpu.vector_load %arg9[%swap3A_84] {strides = array<i32>} : memref<128xi32, #tpu.memory_space<vmem>>, vector<16xi32>,
      %swap3A_86 = vector.shape_cast %swap3A_85 : vector<16xi32> to vector<16xi32>
      %swap3A_87 = vector.shape_cast %shift_right_logical3A_83 : vector<16xi32> to vector<16xi32>
      tpu.vector_store %arg9[%swap3A_84], %swap3A_87 {strides = array<i32>} : memref<128xi32, #tpu.memory_space<vmem>>, vector<16xi32>,
      %get3A_88 = arith.constant 96 : index
      %get3A_89 = tpu.vector_load %arg8[%get3A_88] {strides = array<i32>} : memref<128xi32, #tpu.memory_space<vmem>>, vector<16xi32>,
      %get3A_90 = vector.shape_cast %get3A_89 : vector<16xi32> to vector<16xi32>
      %shift_right_logical3A_91 = arith.constant 3 : i32
      %shift_right_logical3A_92 = vector.broadcast %shift_right_logical3A_91 : i32 to vector<16xi32>
      %shift_right_logical3A_93 = arith.shrui %get3A_90, %shift_right_logical3A_92 : vector<16xi32>
      %swap3A_94 = arith.constant 96 : index
      %swap3A_95 = tpu.vector_load %arg9[%swap3A_94] {strides = array<i32>} : memref<128xi32, #tpu.memory_space<vmem>>, vector<16xi32>,
      %swap3A_96 = vector.shape_cast %swap3A_95 : vector<16xi32> to vector<16xi32>
      %swap3A_97 = vector.shape_cast %shift_right_logical3A_93 : vector<16xi32> to vector<16xi32>
      tpu.vector_store %arg9[%swap3A_94], %swap3A_97 {strides = array<i32>} : memref<128xi32, #tpu.memory_space<vmem>>, vector<16xi32>,
      %get3A_98 = arith.constant 112 : index
      %get3A_99 = tpu.vector_load %arg8[%get3A_98] {strides = array<i32>} : memref<128xi32, #tpu.memory_space<vmem>>, vector<16xi32>,
      %get3A_100 = vector.shape_cast %get3A_99 : vector<16xi32> to vector<16xi32>
      %shift_right_logical3A_101 = arith.constant 3 : i32
      %shift_right_logical3A_102 = vector.broadcast %shift_right_logical3A_101 : i32 to vector<16xi32>
      %shift_right_logical3A_103 = arith.shrui %get3A_100, %shift_right_logical3A_102 : vector<16xi32>
      %swap3A_104 = arith.constant 112 : index
      %swap3A_105 = tpu.vector_load %arg9[%swap3A_104] {strides = array<i32>} : memref<128xi32, #tpu.memory_space<vmem>>, vector<16xi32>,
      %swap3A_106 = vector.shape_cast %swap3A_105 : vector<16xi32> to vector<16xi32>
      %swap3A_107 = vector.shape_cast %shift_right_logical3A_103 : vector<16xi32> to vector<16xi32>
      tpu.vector_store %arg9[%swap3A_104], %swap3A_107 {strides = array<i32>} : memref<128xi32, #tpu.memory_space<vmem>>, vector<16xi32>,
      "tpu.region"() ({
        %run_scoped3A = tpu.sem_alloc : memref<!tpu.dma_semaphore, #tpu.memory_space<semaphore_mem>>
        %dma_start3A = arith.constant 0 : i32
        %dma_start3A_108 = arith.constant 0 : i32
        %dma_start3A_109 = tpu.memref_slice %arg12[%dma_start3A, %dma_start3A_108] : memref<10240x128xf32, #tpu.memory_space<vmem_shared>> -> memref<10240x128xf32, #tpu.memory_space<vmem_shared>>
        tpu.enqueue_indirect_dma source(%arg10 : memref<128x128xf32, #tpu.memory_space<vmem>>) target(%dma_start3A_109 : memref<10240x128xf32, #tpu.memory_space<vmem_shared>>) offsets(%arg8 : memref<128xi32, #tpu.memory_space<vmem>>) semaphore(%run_scoped3A : memref<!tpu.dma_semaphore, #tpu.memory_space<semaphore_mem>>) {add = true}
        %dma_wait3A = arith.constant 0 : i32
        %dma_wait3A_110 = arith.constant 0 : i32
        %dma_wait3A_111 = tpu.memref_slice %arg12[%dma_wait3A, %dma_wait3A_110] : memref<10240x128xf32, #tpu.memory_space<vmem_shared>> -> memref<10240x128xf32, #tpu.memory_space<vmem_shared>>
        tpu.wait_indirect_dma semaphore(%run_scoped3A : memref<!tpu.dma_semaphore, #tpu.memory_space<semaphore_mem>>) src(%arg10 : memref<128x128xf32, #tpu.memory_space<vmem>>) dst(%dma_wait3A_111 : memref<10240x128xf32, #tpu.memory_space<vmem_shared>>)
        tpu.yield
      }) : () -> ()
      "tpu.region"() ({
        %run_scoped3A = tpu.sem_alloc : memref<!tpu.dma_semaphore, #tpu.memory_space<semaphore_mem>>
        %dma_start3A = arith.constant 0 : i32
        %dma_start3A_108 = arith.constant 0 : i32
        %dma_start3A_109 = tpu.memref_slice %arg13[%dma_start3A, %dma_start3A_108] : memref<1280x128xf32, #tpu.memory_space<vmem_shared>> -> memref<1280x128xf32, #tpu.memory_space<vmem_shared>>
        tpu.enqueue_indirect_dma source(%arg11 : memref<128x128xf32, #tpu.memory_space<vmem>>) target(%dma_start3A_109 : memref<1280x128xf32, #tpu.memory_space<vmem_shared>>) offsets(%arg9 : memref<128xi32, #tpu.memory_space<vmem>>) semaphore(%run_scoped3A : memref<!tpu.dma_semaphore, #tpu.memory_space<semaphore_mem>>) {add = true}
        %dma_wait3A = arith.constant 0 : i32
        %dma_wait3A_110 = arith.constant 0 : i32
        %dma_wait3A_111 = tpu.memref_slice %arg13[%dma_wait3A, %dma_wait3A_110] : memref<1280x128xf32, #tpu.memory_space<vmem_shared>> -> memref<1280x128xf32, #tpu.memory_space<vmem_shared>>
        tpu.wait_indirect_dma semaphore(%run_scoped3A : memref<!tpu.dma_semaphore, #tpu.memory_space<semaphore_mem>>) src(%arg11 : memref<128x128xf32, #tpu.memory_space<vmem>>) dst(%dma_wait3A_111 : memref<1280x128xf32, #tpu.memory_space<vmem_shared>>)
        tpu.yield
      }) : () -> ()
    }
    %barrier3A_16 = arith.constant 0 : index
    tpu.barrier barrier_id(%barrier3A_16)
    %mul3A_17 = arith.constant 640 : i32
    %mul3A_18 = arith.muli %arg1, %mul3A_17 : i32
    %mul3A_19 = arith.constant 640 : i32
    %mul3A_20 = arith.muli %arg1, %mul3A_19 : i32
    "tpu.region"() ({
      %run_scoped3A = tpu.sem_alloc : memref<!tpu.dma_semaphore, #tpu.memory_space<semaphore_mem>>
      %dma_start3A = arith.constant 0 : i32
      %dma_start3A_25 = tpu.memref_slice %arg6[%arg0, %mul3A_20, %dma_start3A] : memref<2x10240x128xf32, #tpu.memory_space<hbm>> -> memref<1x640x128xf32, #tpu.memory_space<hbm>>
      %dma_start3A_26 = tpu.memref_squeeze %dma_start3A_25 : memref<1x640x128xf32, #tpu.memory_space<hbm>> -> memref<640x128xf32, #tpu.memory_space<hbm>>
      %dma_start3A_27 = arith.constant 0 : i32
      %dma_start3A_28 = tpu.memref_slice %arg12[%mul3A_18, %dma_start3A_27] : memref<10240x128xf32, #tpu.memory_space<vmem_shared>> -> memref<640x128xf32, #tpu.memory_space<vmem_shared>>
      tpu.enqueue_dma source(%dma_start3A_28 : memref<640x128xf32, #tpu.memory_space<vmem_shared>>) target(%dma_start3A_26 : memref<640x128xf32, #tpu.memory_space<hbm>>) target_semaphore(%run_scoped3A : memref<!tpu.dma_semaphore, #tpu.memory_space<semaphore_mem>>)
      %dma_wait3A = arith.constant 0 : i32
      %dma_wait3A_29 = tpu.memref_slice %arg6[%arg0, %mul3A_20, %dma_wait3A] : memref<2x10240x128xf32, #tpu.memory_space<hbm>> -> memref<1x640x128xf32, #tpu.memory_space<hbm>>
      %dma_wait3A_30 = tpu.memref_squeeze %dma_wait3A_29 : memref<1x640x128xf32, #tpu.memory_space<hbm>> -> memref<640x128xf32, #tpu.memory_space<hbm>>
      %dma_wait3A_31 = arith.constant 0 : i32
      %dma_wait3A_32 = tpu.memref_slice %arg12[%mul3A_18, %dma_wait3A_31] : memref<10240x128xf32, #tpu.memory_space<vmem_shared>> -> memref<640x128xf32, #tpu.memory_space<vmem_shared>>
      tpu.wait_dma2 semaphore(%run_scoped3A : memref<!tpu.dma_semaphore, #tpu.memory_space<semaphore_mem>>) src(%dma_wait3A_32 : memref<640x128xf32, #tpu.memory_space<vmem_shared>>) dst(%dma_wait3A_30 : memref<640x128xf32, #tpu.memory_space<hbm>>)
      tpu.yield
    }) : () -> ()
    %mul3A_21 = arith.constant 80 : i32
    %mul3A_22 = arith.muli %arg1, %mul3A_21 : i32
    %mul3A_23 = arith.constant 80 : i32
    %mul3A_24 = arith.muli %arg1, %mul3A_23 : i32
    "tpu.region"() ({
      %run_scoped3A = tpu.sem_alloc : memref<!tpu.dma_semaphore, #tpu.memory_space<semaphore_mem>>
      %dma_start3A = arith.constant 0 : i32
      %dma_start3A_25 = tpu.memref_slice %arg7[%arg0, %mul3A_24, %dma_start3A] : memref<2x1280x128xf32, #tpu.memory_space<hbm>> -> memref<1x80x128xf32, #tpu.memory_space<hbm>>
      %dma_start3A_26 = tpu.memref_squeeze %dma_start3A_25 : memref<1x80x128xf32, #tpu.memory_space<hbm>> -> memref<80x128xf32, #tpu.memory_space<hbm>>
      %dma_start3A_27 = arith.constant 0 : i32
      %dma_start3A_28 = tpu.memref_slice %arg13[%mul3A_22, %dma_start3A_27] : memref<1280x128xf32, #tpu.memory_space<vmem_shared>> -> memref<80x128xf32, #tpu.memory_space<vmem_shared>>
      tpu.enqueue_dma source(%dma_start3A_28 : memref<80x128xf32, #tpu.memory_space<vmem_shared>>) target(%dma_start3A_26 : memref<80x128xf32, #tpu.memory_space<hbm>>) target_semaphore(%run_scoped3A : memref<!tpu.dma_semaphore, #tpu.memory_space<semaphore_mem>>)
      %dma_wait3A = arith.constant 0 : i32
      %dma_wait3A_29 = tpu.memref_slice %arg7[%arg0, %mul3A_24, %dma_wait3A] : memref<2x1280x128xf32, #tpu.memory_space<hbm>> -> memref<1x80x128xf32, #tpu.memory_space<hbm>>
      %dma_wait3A_30 = tpu.memref_squeeze %dma_wait3A_29 : memref<1x80x128xf32, #tpu.memory_space<hbm>> -> memref<80x128xf32, #tpu.memory_space<hbm>>
      %dma_wait3A_31 = arith.constant 0 : i32
      %dma_wait3A_32 = tpu.memref_slice %arg13[%mul3A_22, %dma_wait3A_31] : memref<1280x128xf32, #tpu.memory_space<vmem_shared>> -> memref<80x128xf32, #tpu.memory_space<vmem_shared>>
      tpu.wait_dma2 semaphore(%run_scoped3A : memref<!tpu.dma_semaphore, #tpu.memory_space<semaphore_mem>>) src(%dma_wait3A_32 : memref<80x128xf32, #tpu.memory_space<vmem_shared>>) dst(%dma_wait3A_30 : memref<80x128xf32, #tpu.memory_space<hbm>>)
      tpu.yield
    }) : () -> ()
    return
  }
}

#map = affine_map<(d0, d1) -> (0, 0)>
#map1 = affine_map<(d0, d1) -> (0)>
#map2 = affine_map<(d0, d1) -> (0, 0, 0)>
module attributes {stable_mosaic.version = 14 : i64} {
  func.func @scatter_k(%arg0: i32, %arg1: i32, %arg2: memref<160000x128xf32, #tpu.memory_space<hbm>>, %arg3: memref<160000x128xf32, #tpu.memory_space<hbm>>, %arg4: memref<160000xi32, #tpu.memory_space<hbm>>, %arg5: memref<640x128xf32, #tpu.memory_space<hbm>>, %arg6: memref<2x10240x128xf32, #tpu.memory_space<hbm>>, %arg7: memref<2x1280x128xf32, #tpu.memory_space<hbm>>, %arg8: memref<128xi32, #tpu.memory_space<vmem>>, %arg9: memref<128xi32, #tpu.memory_space<vmem>>, %arg10: memref<128x128xf32, #tpu.memory_space<vmem>>, %arg11: memref<128x128xf32, #tpu.memory_space<vmem>>, %arg12: memref<10240x128xf32, #tpu.memory_space<vmem_shared>>, %arg13: memref<1280x128xf32, #tpu.memory_space<vmem_shared>>) attributes {dimension_semantics = [#tpu.dimension_semantics<core_parallel>, #tpu.dimension_semantics<subcore_parallel>], iteration_bounds = array<i64: 2, 16>, scalar_prefetch = 0 : i64, scratch_operands = 6 : i64, tpu.core_type = #tpu.core_type<sc_vector_subcore>, window_params = [{transform_indices = #map}, {transform_indices = #map}, {transform_indices = #map1}, {transform_indices = #map}, {transform_indices = #map2}, {transform_indices = #map2}]} {
    %mul3A = arith.constant 2 : i32
    %mul3A_0 = arith.muli %arg1, %mul3A : i32
    %add3A = arith.addi %mul3A_0, %arg0 : i32
    %mul3A_1 = arith.constant 640 : i32
    %mul3A_2 = arith.muli %arg1, %mul3A_1 : i32
    "tpu.region"() ({
      %run_scoped3A = tpu.sem_alloc : memref<!tpu.dma_semaphore, #tpu.memory_space<semaphore_mem>>
      %dma_start3A = arith.constant 0 : i32
      %dma_start3A_25 = tpu.memref_slice %arg12[%mul3A_2, %dma_start3A] : memref<10240x128xf32, #tpu.memory_space<vmem_shared>> -> memref<640x128xf32, #tpu.memory_space<vmem_shared>>
      tpu.enqueue_dma source(%arg5 : memref<640x128xf32, #tpu.memory_space<hbm>>) target(%dma_start3A_25 : memref<640x128xf32, #tpu.memory_space<vmem_shared>>) target_semaphore(%run_scoped3A : memref<!tpu.dma_semaphore, #tpu.memory_space<semaphore_mem>>)
      %dma_wait3A = arith.constant 0 : i32
      %dma_wait3A_26 = tpu.memref_slice %arg12[%mul3A_2, %dma_wait3A] : memref<10240x128xf32, #tpu.memory_space<vmem_shared>> -> memref<640x128xf32, #tpu.memory_space<vmem_shared>>
      tpu.wait_dma2 semaphore(%run_scoped3A : memref<!tpu.dma_semaphore, #tpu.memory_space<semaphore_mem>>) src(%arg5 : memref<640x128xf32, #tpu.memory_space<hbm>>) dst(%dma_wait3A_26 : memref<640x128xf32, #tpu.memory_space<vmem_shared>>)
      tpu.yield
    }) : () -> ()
    %mul3A_3 = arith.constant 80 : i32
    %mul3A_4 = arith.muli %arg1, %mul3A_3 : i32
    "tpu.region"() ({
      %run_scoped3A = tpu.sem_alloc : memref<!tpu.dma_semaphore, #tpu.memory_space<semaphore_mem>>
      %dma_start3A = arith.constant 0 : i32
      %dma_start3A_25 = tpu.memref_slice %arg13[%mul3A_4, %dma_start3A] : memref<1280x128xf32, #tpu.memory_space<vmem_shared>> -> memref<80x128xf32, #tpu.memory_space<vmem_shared>>
      %dma_start3A_26 = arith.constant 0 : i32
      %dma_start3A_27 = arith.constant 0 : i32
      %dma_start3A_28 = tpu.memref_slice %arg5[%dma_start3A_26, %dma_start3A_27] : memref<640x128xf32, #tpu.memory_space<hbm>> -> memref<80x128xf32, #tpu.memory_space<hbm>>
      tpu.enqueue_dma source(%dma_start3A_28 : memref<80x128xf32, #tpu.memory_space<hbm>>) target(%dma_start3A_25 : memref<80x128xf32, #tpu.memory_space<vmem_shared>>) target_semaphore(%run_scoped3A : memref<!tpu.dma_semaphore, #tpu.memory_space<semaphore_mem>>)
      %dma_wait3A = arith.constant 0 : i32
      %dma_wait3A_29 = tpu.memref_slice %arg13[%mul3A_4, %dma_wait3A] : memref<1280x128xf32, #tpu.memory_space<vmem_shared>> -> memref<80x128xf32, #tpu.memory_space<vmem_shared>>
      %dma_wait3A_30 = arith.constant 0 : i32
      %dma_wait3A_31 = arith.constant 0 : i32
      %dma_wait3A_32 = tpu.memref_slice %arg5[%dma_wait3A_30, %dma_wait3A_31] : memref<640x128xf32, #tpu.memory_space<hbm>> -> memref<80x128xf32, #tpu.memory_space<hbm>>
      tpu.wait_dma2 semaphore(%run_scoped3A : memref<!tpu.dma_semaphore, #tpu.memory_space<semaphore_mem>>) src(%dma_wait3A_32 : memref<80x128xf32, #tpu.memory_space<hbm>>) dst(%dma_wait3A_29 : memref<80x128xf32, #tpu.memory_space<vmem_shared>>)
      tpu.yield
    }) : () -> ()
    %barrier3A = arith.constant 0 : index
    tpu.barrier barrier_id(%barrier3A)
    %lt3A = arith.constant 2 : i32
    %lt3A_5 = arith.cmpi slt, %add3A, %lt3A : i32
    %jit3A = arith.constant 40 : i32
    %jit3A_6 = arith.constant 39 : i32
    %select_n3A = arith.select %lt3A_5, %jit3A, %jit3A_6 : i32
    %while3A = arith.constant 0 : i32
    %while3A_7 = arith.constant 0 : i32
    %while3A_8 = arith.subi %select_n3A, %while3A_7 : i32
    %while3A_9 = arith.addi %while3A_7, %while3A_8 : i32
    %while3A_10 = arith.constant 1 : i32
    %while3A_11 = arith.divsi %while3A_8, %while3A_10 : i32
    %while3A_12 = arith.muli %while3A_11, %while3A_10 : i32
    %while3A_13 = arith.addi %while3A_7, %while3A_12 : i32
    %while3A_14 = arith.constant 1 : i32
    scf.for %while3A_25 = %while3A_7 to %while3A_13 step %while3A_14  : i32 {
      %mul3A_26 = arith.constant 32 : i32
      %mul3A_27 = arith.muli %mul3A_26, %while3A_25 : i32
      %add3A_28 = arith.addi %add3A, %mul3A_27 : i32
      %mul3A_29 = arith.constant 128 : i32
      %mul3A_30 = arith.muli %add3A_28, %mul3A_29 : i32
      "tpu.region"() ({
        %run_scoped3A = tpu.sem_alloc : memref<!tpu.dma_semaphore, #tpu.memory_space<semaphore_mem>>
        %dma_start3A = tpu.memref_slice %arg4[%mul3A_30] : memref<160000xi32, #tpu.memory_space<hbm>> -> memref<128xi32, #tpu.memory_space<hbm>>
        %dma_start3A_108 = tpu.memref_slice %arg4[%mul3A_30] : memref<160000xi32, #tpu.memory_space<hbm>> -> memref<128xi32, #tpu.memory_space<hbm>>
        tpu.enqueue_dma source(%dma_start3A_108 : memref<128xi32, #tpu.memory_space<hbm>>) target(%arg8 : memref<128xi32, #tpu.memory_space<vmem>>) target_semaphore(%run_scoped3A : memref<!tpu.dma_semaphore, #tpu.memory_space<semaphore_mem>>)
        %dma_wait3A = tpu.memref_slice %arg4[%mul3A_30] : memref<160000xi32, #tpu.memory_space<hbm>> -> memref<128xi32, #tpu.memory_space<hbm>>
        %dma_wait3A_109 = tpu.memref_slice %arg4[%mul3A_30] : memref<160000xi32, #tpu.memory_space<hbm>> -> memref<128xi32, #tpu.memory_space<hbm>>
        tpu.wait_dma2 semaphore(%run_scoped3A : memref<!tpu.dma_semaphore, #tpu.memory_space<semaphore_mem>>) src(%dma_wait3A_109 : memref<128xi32, #tpu.memory_space<hbm>>) dst(%arg8 : memref<128xi32, #tpu.memory_space<vmem>>)
        tpu.yield
      }) : () -> ()
      "tpu.region"() ({
        %run_scoped3A = tpu.sem_alloc : memref<!tpu.dma_semaphore, #tpu.memory_space<semaphore_mem>>
        %dma_start3A = arith.constant 0 : i32
        %dma_start3A_108 = tpu.memref_slice %arg2[%mul3A_30, %dma_start3A] : memref<160000x128xf32, #tpu.memory_space<hbm>> -> memref<128x128xf32, #tpu.memory_space<hbm>>
        %dma_start3A_109 = arith.constant 0 : i32
        %dma_start3A_110 = tpu.memref_slice %arg2[%mul3A_30, %dma_start3A_109] : memref<160000x128xf32, #tpu.memory_space<hbm>> -> memref<128x128xf32, #tpu.memory_space<hbm>>
        tpu.enqueue_dma source(%dma_start3A_110 : memref<128x128xf32, #tpu.memory_space<hbm>>) target(%arg10 : memref<128x128xf32, #tpu.memory_space<vmem>>) target_semaphore(%run_scoped3A : memref<!tpu.dma_semaphore, #tpu.memory_space<semaphore_mem>>)
        %dma_wait3A = arith.constant 0 : i32
        %dma_wait3A_111 = tpu.memref_slice %arg2[%mul3A_30, %dma_wait3A] : memref<160000x128xf32, #tpu.memory_space<hbm>> -> memref<128x128xf32, #tpu.memory_space<hbm>>
        %dma_wait3A_112 = arith.constant 0 : i32
        %dma_wait3A_113 = tpu.memref_slice %arg2[%mul3A_30, %dma_wait3A_112] : memref<160000x128xf32, #tpu.memory_space<hbm>> -> memref<128x128xf32, #tpu.memory_space<hbm>>
        tpu.wait_dma2 semaphore(%run_scoped3A : memref<!tpu.dma_semaphore, #tpu.memory_space<semaphore_mem>>) src(%dma_wait3A_113 : memref<128x128xf32, #tpu.memory_space<hbm>>) dst(%arg10 : memref<128x128xf32, #tpu.memory_space<vmem>>)
        tpu.yield
      }) : () -> ()
      "tpu.region"() ({
        %run_scoped3A = tpu.sem_alloc : memref<!tpu.dma_semaphore, #tpu.memory_space<semaphore_mem>>
        %dma_start3A = arith.constant 0 : i32
        %dma_start3A_108 = tpu.memref_slice %arg3[%mul3A_30, %dma_start3A] : memref<160000x128xf32, #tpu.memory_space<hbm>> -> memref<128x128xf32, #tpu.memory_space<hbm>>
        %dma_start3A_109 = arith.constant 0 : i32
        %dma_start3A_110 = tpu.memref_slice %arg3[%mul3A_30, %dma_start3A_109] : memref<160000x128xf32, #tpu.memory_space<hbm>> -> memref<128x128xf32, #tpu.memory_space<hbm>>
        tpu.enqueue_dma source(%dma_start3A_110 : memref<128x128xf32, #tpu.memory_space<hbm>>) target(%arg11 : memref<128x128xf32, #tpu.memory_space<vmem>>) target_semaphore(%run_scoped3A : memref<!tpu.dma_semaphore, #tpu.memory_space<semaphore_mem>>)
        %dma_wait3A = arith.constant 0 : i32
        %dma_wait3A_111 = tpu.memref_slice %arg3[%mul3A_30, %dma_wait3A] : memref<160000x128xf32, #tpu.memory_space<hbm>> -> memref<128x128xf32, #tpu.memory_space<hbm>>
        %dma_wait3A_112 = arith.constant 0 : i32
        %dma_wait3A_113 = tpu.memref_slice %arg3[%mul3A_30, %dma_wait3A_112] : memref<160000x128xf32, #tpu.memory_space<hbm>> -> memref<128x128xf32, #tpu.memory_space<hbm>>
        tpu.wait_dma2 semaphore(%run_scoped3A : memref<!tpu.dma_semaphore, #tpu.memory_space<semaphore_mem>>) src(%dma_wait3A_113 : memref<128x128xf32, #tpu.memory_space<hbm>>) dst(%arg11 : memref<128x128xf32, #tpu.memory_space<vmem>>)
        tpu.yield
      }) : () -> ()
      %get3A = arith.constant 0 : index
      %get3A_31 = tpu.vector_load %arg8[%get3A] {strides = array<i32>} : memref<128xi32, #tpu.memory_space<vmem>>, vector<16xi32>,
      %get3A_32 = vector.shape_cast %get3A_31 : vector<16xi32> to vector<16xi32>
      %shift_right_logical3A = arith.constant 3 : i32
      %shift_right_logical3A_33 = vector.broadcast %shift_right_logical3A : i32 to vector<16xi32>
      %shift_right_logical3A_34 = arith.shrui %get3A_32, %shift_right_logical3A_33 : vector<16xi32>
      %swap3A = arith.constant 0 : index
      %swap3A_35 = tpu.vector_load %arg9[%swap3A] {strides = array<i32>} : memref<128xi32, #tpu.memory_space<vmem>>, vector<16xi32>,
      %swap3A_36 = vector.shape_cast %swap3A_35 : vector<16xi32> to vector<16xi32>
      %swap3A_37 = vector.shape_cast %shift_right_logical3A_34 : vector<16xi32> to vector<16xi32>
      tpu.vector_store %arg9[%swap3A], %swap3A_37 {strides = array<i32>} : memref<128xi32, #tpu.memory_space<vmem>>, vector<16xi32>,
      %get3A_38 = arith.constant 16 : index
      %get3A_39 = tpu.vector_load %arg8[%get3A_38] {strides = array<i32>} : memref<128xi32, #tpu.memory_space<vmem>>, vector<16xi32>,
      %get3A_40 = vector.shape_cast %get3A_39 : vector<16xi32> to vector<16xi32>
      %shift_right_logical3A_41 = arith.constant 3 : i32
      %shift_right_logical3A_42 = vector.broadcast %shift_right_logical3A_41 : i32 to vector<16xi32>
      %shift_right_logical3A_43 = arith.shrui %get3A_40, %shift_right_logical3A_42 : vector<16xi32>
      %swap3A_44 = arith.constant 16 : index
      %swap3A_45 = tpu.vector_load %arg9[%swap3A_44] {strides = array<i32>} : memref<128xi32, #tpu.memory_space<vmem>>, vector<16xi32>,
      %swap3A_46 = vector.shape_cast %swap3A_45 : vector<16xi32> to vector<16xi32>
      %swap3A_47 = vector.shape_cast %shift_right_logical3A_43 : vector<16xi32> to vector<16xi32>
      tpu.vector_store %arg9[%swap3A_44], %swap3A_47 {strides = array<i32>} : memref<128xi32, #tpu.memory_space<vmem>>, vector<16xi32>,
      %get3A_48 = arith.constant 32 : index
      %get3A_49 = tpu.vector_load %arg8[%get3A_48] {strides = array<i32>} : memref<128xi32, #tpu.memory_space<vmem>>, vector<16xi32>,
      %get3A_50 = vector.shape_cast %get3A_49 : vector<16xi32> to vector<16xi32>
      %shift_right_logical3A_51 = arith.constant 3 : i32
      %shift_right_logical3A_52 = vector.broadcast %shift_right_logical3A_51 : i32 to vector<16xi32>
      %shift_right_logical3A_53 = arith.shrui %get3A_50, %shift_right_logical3A_52 : vector<16xi32>
      %swap3A_54 = arith.constant 32 : index
      %swap3A_55 = tpu.vector_load %arg9[%swap3A_54] {strides = array<i32>} : memref<128xi32, #tpu.memory_space<vmem>>, vector<16xi32>,
      %swap3A_56 = vector.shape_cast %swap3A_55 : vector<16xi32> to vector<16xi32>
      %swap3A_57 = vector.shape_cast %shift_right_logical3A_53 : vector<16xi32> to vector<16xi32>
      tpu.vector_store %arg9[%swap3A_54], %swap3A_57 {strides = array<i32>} : memref<128xi32, #tpu.memory_space<vmem>>, vector<16xi32>,
      %get3A_58 = arith.constant 48 : index
      %get3A_59 = tpu.vector_load %arg8[%get3A_58] {strides = array<i32>} : memref<128xi32, #tpu.memory_space<vmem>>, vector<16xi32>,
      %get3A_60 = vector.shape_cast %get3A_59 : vector<16xi32> to vector<16xi32>
      %shift_right_logical3A_61 = arith.constant 3 : i32
      %shift_right_logical3A_62 = vector.broadcast %shift_right_logical3A_61 : i32 to vector<16xi32>
      %shift_right_logical3A_63 = arith.shrui %get3A_60, %shift_right_logical3A_62 : vector<16xi32>
      %swap3A_64 = arith.constant 48 : index
      %swap3A_65 = tpu.vector_load %arg9[%swap3A_64] {strides = array<i32>} : memref<128xi32, #tpu.memory_space<vmem>>, vector<16xi32>,
      %swap3A_66 = vector.shape_cast %swap3A_65 : vector<16xi32> to vector<16xi32>
      %swap3A_67 = vector.shape_cast %shift_right_logical3A_63 : vector<16xi32> to vector<16xi32>
      tpu.vector_store %arg9[%swap3A_64], %swap3A_67 {strides = array<i32>} : memref<128xi32, #tpu.memory_space<vmem>>, vector<16xi32>,
      %get3A_68 = arith.constant 64 : index
      %get3A_69 = tpu.vector_load %arg8[%get3A_68] {strides = array<i32>} : memref<128xi32, #tpu.memory_space<vmem>>, vector<16xi32>,
      %get3A_70 = vector.shape_cast %get3A_69 : vector<16xi32> to vector<16xi32>
      %shift_right_logical3A_71 = arith.constant 3 : i32
      %shift_right_logical3A_72 = vector.broadcast %shift_right_logical3A_71 : i32 to vector<16xi32>
      %shift_right_logical3A_73 = arith.shrui %get3A_70, %shift_right_logical3A_72 : vector<16xi32>
      %swap3A_74 = arith.constant 64 : index
      %swap3A_75 = tpu.vector_load %arg9[%swap3A_74] {strides = array<i32>} : memref<128xi32, #tpu.memory_space<vmem>>, vector<16xi32>,
      %swap3A_76 = vector.shape_cast %swap3A_75 : vector<16xi32> to vector<16xi32>
      %swap3A_77 = vector.shape_cast %shift_right_logical3A_73 : vector<16xi32> to vector<16xi32>
      tpu.vector_store %arg9[%swap3A_74], %swap3A_77 {strides = array<i32>} : memref<128xi32, #tpu.memory_space<vmem>>, vector<16xi32>,
      %get3A_78 = arith.constant 80 : index
      %get3A_79 = tpu.vector_load %arg8[%get3A_78] {strides = array<i32>} : memref<128xi32, #tpu.memory_space<vmem>>, vector<16xi32>,
      %get3A_80 = vector.shape_cast %get3A_79 : vector<16xi32> to vector<16xi32>
      %shift_right_logical3A_81 = arith.constant 3 : i32
      %shift_right_logical3A_82 = vector.broadcast %shift_right_logical3A_81 : i32 to vector<16xi32>
      %shift_right_logical3A_83 = arith.shrui %get3A_80, %shift_right_logical3A_82 : vector<16xi32>
      %swap3A_84 = arith.constant 80 : index
      %swap3A_85 = tpu.vector_load %arg9[%swap3A_84] {strides = array<i32>} : memref<128xi32, #tpu.memory_space<vmem>>, vector<16xi32>,
      %swap3A_86 = vector.shape_cast %swap3A_85 : vector<16xi32> to vector<16xi32>
      %swap3A_87 = vector.shape_cast %shift_right_logical3A_83 : vector<16xi32> to vector<16xi32>
      tpu.vector_store %arg9[%swap3A_84], %swap3A_87 {strides = array<i32>} : memref<128xi32, #tpu.memory_space<vmem>>, vector<16xi32>,
      %get3A_88 = arith.constant 96 : index
      %get3A_89 = tpu.vector_load %arg8[%get3A_88] {strides = array<i32>} : memref<128xi32, #tpu.memory_space<vmem>>, vector<16xi32>,
      %get3A_90 = vector.shape_cast %get3A_89 : vector<16xi32> to vector<16xi32>
      %shift_right_logical3A_91 = arith.constant 3 : i32
      %shift_right_logical3A_92 = vector.broadcast %shift_right_logical3A_91 : i32 to vector<16xi32>
      %shift_right_logical3A_93 = arith.shrui %get3A_90, %shift_right_logical3A_92 : vector<16xi32>
      %swap3A_94 = arith.constant 96 : index
      %swap3A_95 = tpu.vector_load %arg9[%swap3A_94] {strides = array<i32>} : memref<128xi32, #tpu.memory_space<vmem>>, vector<16xi32>,
      %swap3A_96 = vector.shape_cast %swap3A_95 : vector<16xi32> to vector<16xi32>
      %swap3A_97 = vector.shape_cast %shift_right_logical3A_93 : vector<16xi32> to vector<16xi32>
      tpu.vector_store %arg9[%swap3A_94], %swap3A_97 {strides = array<i32>} : memref<128xi32, #tpu.memory_space<vmem>>, vector<16xi32>,
      %get3A_98 = arith.constant 112 : index
      %get3A_99 = tpu.vector_load %arg8[%get3A_98] {strides = array<i32>} : memref<128xi32, #tpu.memory_space<vmem>>, vector<16xi32>,
      %get3A_100 = vector.shape_cast %get3A_99 : vector<16xi32> to vector<16xi32>
      %shift_right_logical3A_101 = arith.constant 3 : i32
      %shift_right_logical3A_102 = vector.broadcast %shift_right_logical3A_101 : i32 to vector<16xi32>
      %shift_right_logical3A_103 = arith.shrui %get3A_100, %shift_right_logical3A_102 : vector<16xi32>
      %swap3A_104 = arith.constant 112 : index
      %swap3A_105 = tpu.vector_load %arg9[%swap3A_104] {strides = array<i32>} : memref<128xi32, #tpu.memory_space<vmem>>, vector<16xi32>,
      %swap3A_106 = vector.shape_cast %swap3A_105 : vector<16xi32> to vector<16xi32>
      %swap3A_107 = vector.shape_cast %shift_right_logical3A_103 : vector<16xi32> to vector<16xi32>
      tpu.vector_store %arg9[%swap3A_104], %swap3A_107 {strides = array<i32>} : memref<128xi32, #tpu.memory_space<vmem>>, vector<16xi32>,
      "tpu.region"() ({
        %run_scoped3A = tpu.sem_alloc : memref<!tpu.dma_semaphore, #tpu.memory_space<semaphore_mem>>
        %dma_start3A = arith.constant 0 : i32
        %dma_start3A_108 = arith.constant 0 : i32
        %dma_start3A_109 = tpu.memref_slice %arg12[%dma_start3A, %dma_start3A_108] : memref<10240x128xf32, #tpu.memory_space<vmem_shared>> -> memref<10240x128xf32, #tpu.memory_space<vmem_shared>>
        tpu.enqueue_indirect_dma source(%arg10 : memref<128x128xf32, #tpu.memory_space<vmem>>) target(%dma_start3A_109 : memref<10240x128xf32, #tpu.memory_space<vmem_shared>>) offsets(%arg8 : memref<128xi32, #tpu.memory_space<vmem>>) semaphore(%run_scoped3A : memref<!tpu.dma_semaphore, #tpu.memory_space<semaphore_mem>>) {add = true}
        %dma_wait3A = arith.constant 0 : i32
        %dma_wait3A_110 = arith.constant 0 : i32
        %dma_wait3A_111 = tpu.memref_slice %arg12[%dma_wait3A, %dma_wait3A_110] : memref<10240x128xf32, #tpu.memory_space<vmem_shared>> -> memref<10240x128xf32, #tpu.memory_space<vmem_shared>>
        tpu.wait_indirect_dma semaphore(%run_scoped3A : memref<!tpu.dma_semaphore, #tpu.memory_space<semaphore_mem>>) src(%arg10 : memref<128x128xf32, #tpu.memory_space<vmem>>) dst(%dma_wait3A_111 : memref<10240x128xf32, #tpu.memory_space<vmem_shared>>)
        tpu.yield
      }) : () -> ()
      "tpu.region"() ({
        %run_scoped3A = tpu.sem_alloc : memref<!tpu.dma_semaphore, #tpu.memory_space<semaphore_mem>>
        %dma_start3A = arith.constant 0 : i32
        %dma_start3A_108 = arith.constant 0 : i32
        %dma_start3A_109 = tpu.memref_slice %arg13[%dma_start3A, %dma_start3A_108] : memref<1280x128xf32, #tpu.memory_space<vmem_shared>> -> memref<1280x128xf32, #tpu.memory_space<vmem_shared>>
        tpu.enqueue_indirect_dma source(%arg11 : memref<128x128xf32, #tpu.memory_space<vmem>>) target(%dma_start3A_109 : memref<1280x128xf32, #tpu.memory_space<vmem_shared>>) offsets(%arg9 : memref<128xi32, #tpu.memory_space<vmem>>) semaphore(%run_scoped3A : memref<!tpu.dma_semaphore, #tpu.memory_space<semaphore_mem>>) {add = true}
        %dma_wait3A = arith.constant 0 : i32
        %dma_wait3A_110 = arith.constant 0 : i32
        %dma_wait3A_111 = tpu.memref_slice %arg13[%dma_wait3A, %dma_wait3A_110] : memref<1280x128xf32, #tpu.memory_space<vmem_shared>> -> memref<1280x128xf32, #tpu.memory_space<vmem_shared>>
        tpu.wait_indirect_dma semaphore(%run_scoped3A : memref<!tpu.dma_semaphore, #tpu.memory_space<semaphore_mem>>) src(%arg11 : memref<128x128xf32, #tpu.memory_space<vmem>>) dst(%dma_wait3A_111 : memref<1280x128xf32, #tpu.memory_space<vmem_shared>>)
        tpu.yield
      }) : () -> ()
    }
    %while3A_15 = arith.constant 1 : i32
    scf.for %while3A_25 = %while3A_13 to %while3A_9 step %while3A_15  : i32 {
      %mul3A_26 = arith.constant 32 : i32
      %mul3A_27 = arith.muli %mul3A_26, %while3A_25 : i32
      %add3A_28 = arith.addi %add3A, %mul3A_27 : i32
      %mul3A_29 = arith.constant 128 : i32
      %mul3A_30 = arith.muli %add3A_28, %mul3A_29 : i32
      "tpu.region"() ({
        %run_scoped3A = tpu.sem_alloc : memref<!tpu.dma_semaphore, #tpu.memory_space<semaphore_mem>>
        %dma_start3A = tpu.memref_slice %arg4[%mul3A_30] : memref<160000xi32, #tpu.memory_space<hbm>> -> memref<128xi32, #tpu.memory_space<hbm>>
        %dma_start3A_108 = tpu.memref_slice %arg4[%mul3A_30] : memref<160000xi32, #tpu.memory_space<hbm>> -> memref<128xi32, #tpu.memory_space<hbm>>
        tpu.enqueue_dma source(%dma_start3A_108 : memref<128xi32, #tpu.memory_space<hbm>>) target(%arg8 : memref<128xi32, #tpu.memory_space<vmem>>) target_semaphore(%run_scoped3A : memref<!tpu.dma_semaphore, #tpu.memory_space<semaphore_mem>>)
        %dma_wait3A = tpu.memref_slice %arg4[%mul3A_30] : memref<160000xi32, #tpu.memory_space<hbm>> -> memref<128xi32, #tpu.memory_space<hbm>>
        %dma_wait3A_109 = tpu.memref_slice %arg4[%mul3A_30] : memref<160000xi32, #tpu.memory_space<hbm>> -> memref<128xi32, #tpu.memory_space<hbm>>
        tpu.wait_dma2 semaphore(%run_scoped3A : memref<!tpu.dma_semaphore, #tpu.memory_space<semaphore_mem>>) src(%dma_wait3A_109 : memref<128xi32, #tpu.memory_space<hbm>>) dst(%arg8 : memref<128xi32, #tpu.memory_space<vmem>>)
        tpu.yield
      }) : () -> ()
      "tpu.region"() ({
        %run_scoped3A = tpu.sem_alloc : memref<!tpu.dma_semaphore, #tpu.memory_space<semaphore_mem>>
        %dma_start3A = arith.constant 0 : i32
        %dma_start3A_108 = tpu.memref_slice %arg2[%mul3A_30, %dma_start3A] : memref<160000x128xf32, #tpu.memory_space<hbm>> -> memref<128x128xf32, #tpu.memory_space<hbm>>
        %dma_start3A_109 = arith.constant 0 : i32
        %dma_start3A_110 = tpu.memref_slice %arg2[%mul3A_30, %dma_start3A_109] : memref<160000x128xf32, #tpu.memory_space<hbm>> -> memref<128x128xf32, #tpu.memory_space<hbm>>
        tpu.enqueue_dma source(%dma_start3A_110 : memref<128x128xf32, #tpu.memory_space<hbm>>) target(%arg10 : memref<128x128xf32, #tpu.memory_space<vmem>>) target_semaphore(%run_scoped3A : memref<!tpu.dma_semaphore, #tpu.memory_space<semaphore_mem>>)
        %dma_wait3A = arith.constant 0 : i32
        %dma_wait3A_111 = tpu.memref_slice %arg2[%mul3A_30, %dma_wait3A] : memref<160000x128xf32, #tpu.memory_space<hbm>> -> memref<128x128xf32, #tpu.memory_space<hbm>>
        %dma_wait3A_112 = arith.constant 0 : i32
        %dma_wait3A_113 = tpu.memref_slice %arg2[%mul3A_30, %dma_wait3A_112] : memref<160000x128xf32, #tpu.memory_space<hbm>> -> memref<128x128xf32, #tpu.memory_space<hbm>>
        tpu.wait_dma2 semaphore(%run_scoped3A : memref<!tpu.dma_semaphore, #tpu.memory_space<semaphore_mem>>) src(%dma_wait3A_113 : memref<128x128xf32, #tpu.memory_space<hbm>>) dst(%arg10 : memref<128x128xf32, #tpu.memory_space<vmem>>)
        tpu.yield
      }) : () -> ()
      "tpu.region"() ({
        %run_scoped3A = tpu.sem_alloc : memref<!tpu.dma_semaphore, #tpu.memory_space<semaphore_mem>>
        %dma_start3A = arith.constant 0 : i32
        %dma_start3A_108 = tpu.memref_slice %arg3[%mul3A_30, %dma_start3A] : memref<160000x128xf32, #tpu.memory_space<hbm>> -> memref<128x128xf32, #tpu.memory_space<hbm>>
        %dma_start3A_109 = arith.constant 0 : i32
        %dma_start3A_110 = tpu.memref_slice %arg3[%mul3A_30, %dma_start3A_109] : memref<160000x128xf32, #tpu.memory_space<hbm>> -> memref<128x128xf32, #tpu.memory_space<hbm>>
        tpu.enqueue_dma source(%dma_start3A_110 : memref<128x128xf32, #tpu.memory_space<hbm>>) target(%arg11 : memref<128x128xf32, #tpu.memory_space<vmem>>) target_semaphore(%run_scoped3A : memref<!tpu.dma_semaphore, #tpu.memory_space<semaphore_mem>>)
        %dma_wait3A = arith.constant 0 : i32
        %dma_wait3A_111 = tpu.memref_slice %arg3[%mul3A_30, %dma_wait3A] : memref<160000x128xf32, #tpu.memory_space<hbm>> -> memref<128x128xf32, #tpu.memory_space<hbm>>
        %dma_wait3A_112 = arith.constant 0 : i32
        %dma_wait3A_113 = tpu.memref_slice %arg3[%mul3A_30, %dma_wait3A_112] : memref<160000x128xf32, #tpu.memory_space<hbm>> -> memref<128x128xf32, #tpu.memory_space<hbm>>
        tpu.wait_dma2 semaphore(%run_scoped3A : memref<!tpu.dma_semaphore, #tpu.memory_space<semaphore_mem>>) src(%dma_wait3A_113 : memref<128x128xf32, #tpu.memory_space<hbm>>) dst(%arg11 : memref<128x128xf32, #tpu.memory_space<vmem>>)
        tpu.yield
      }) : () -> ()
      %get3A = arith.constant 0 : index
      %get3A_31 = tpu.vector_load %arg8[%get3A] {strides = array<i32>} : memref<128xi32, #tpu.memory_space<vmem>>, vector<16xi32>,
      %get3A_32 = vector.shape_cast %get3A_31 : vector<16xi32> to vector<16xi32>
      %shift_right_logical3A = arith.constant 3 : i32
      %shift_right_logical3A_33 = vector.broadcast %shift_right_logical3A : i32 to vector<16xi32>
      %shift_right_logical3A_34 = arith.shrui %get3A_32, %shift_right_logical3A_33 : vector<16xi32>
      %swap3A = arith.constant 0 : index
      %swap3A_35 = tpu.vector_load %arg9[%swap3A] {strides = array<i32>} : memref<128xi32, #tpu.memory_space<vmem>>, vector<16xi32>,
      %swap3A_36 = vector.shape_cast %swap3A_35 : vector<16xi32> to vector<16xi32>
      %swap3A_37 = vector.shape_cast %shift_right_logical3A_34 : vector<16xi32> to vector<16xi32>
      tpu.vector_store %arg9[%swap3A], %swap3A_37 {strides = array<i32>} : memref<128xi32, #tpu.memory_space<vmem>>, vector<16xi32>,
      %get3A_38 = arith.constant 16 : index
      %get3A_39 = tpu.vector_load %arg8[%get3A_38] {strides = array<i32>} : memref<128xi32, #tpu.memory_space<vmem>>, vector<16xi32>,
      %get3A_40 = vector.shape_cast %get3A_39 : vector<16xi32> to vector<16xi32>
      %shift_right_logical3A_41 = arith.constant 3 : i32
      %shift_right_logical3A_42 = vector.broadcast %shift_right_logical3A_41 : i32 to vector<16xi32>
      %shift_right_logical3A_43 = arith.shrui %get3A_40, %shift_right_logical3A_42 : vector<16xi32>
      %swap3A_44 = arith.constant 16 : index
      %swap3A_45 = tpu.vector_load %arg9[%swap3A_44] {strides = array<i32>} : memref<128xi32, #tpu.memory_space<vmem>>, vector<16xi32>,
      %swap3A_46 = vector.shape_cast %swap3A_45 : vector<16xi32> to vector<16xi32>
      %swap3A_47 = vector.shape_cast %shift_right_logical3A_43 : vector<16xi32> to vector<16xi32>
      tpu.vector_store %arg9[%swap3A_44], %swap3A_47 {strides = array<i32>} : memref<128xi32, #tpu.memory_space<vmem>>, vector<16xi32>,
      %get3A_48 = arith.constant 32 : index
      %get3A_49 = tpu.vector_load %arg8[%get3A_48] {strides = array<i32>} : memref<128xi32, #tpu.memory_space<vmem>>, vector<16xi32>,
      %get3A_50 = vector.shape_cast %get3A_49 : vector<16xi32> to vector<16xi32>
      %shift_right_logical3A_51 = arith.constant 3 : i32
      %shift_right_logical3A_52 = vector.broadcast %shift_right_logical3A_51 : i32 to vector<16xi32>
      %shift_right_logical3A_53 = arith.shrui %get3A_50, %shift_right_logical3A_52 : vector<16xi32>
      %swap3A_54 = arith.constant 32 : index
      %swap3A_55 = tpu.vector_load %arg9[%swap3A_54] {strides = array<i32>} : memref<128xi32, #tpu.memory_space<vmem>>, vector<16xi32>,
      %swap3A_56 = vector.shape_cast %swap3A_55 : vector<16xi32> to vector<16xi32>
      %swap3A_57 = vector.shape_cast %shift_right_logical3A_53 : vector<16xi32> to vector<16xi32>
      tpu.vector_store %arg9[%swap3A_54], %swap3A_57 {strides = array<i32>} : memref<128xi32, #tpu.memory_space<vmem>>, vector<16xi32>,
      %get3A_58 = arith.constant 48 : index
      %get3A_59 = tpu.vector_load %arg8[%get3A_58] {strides = array<i32>} : memref<128xi32, #tpu.memory_space<vmem>>, vector<16xi32>,
      %get3A_60 = vector.shape_cast %get3A_59 : vector<16xi32> to vector<16xi32>
      %shift_right_logical3A_61 = arith.constant 3 : i32
      %shift_right_logical3A_62 = vector.broadcast %shift_right_logical3A_61 : i32 to vector<16xi32>
      %shift_right_logical3A_63 = arith.shrui %get3A_60, %shift_right_logical3A_62 : vector<16xi32>
      %swap3A_64 = arith.constant 48 : index
      %swap3A_65 = tpu.vector_load %arg9[%swap3A_64] {strides = array<i32>} : memref<128xi32, #tpu.memory_space<vmem>>, vector<16xi32>,
      %swap3A_66 = vector.shape_cast %swap3A_65 : vector<16xi32> to vector<16xi32>
      %swap3A_67 = vector.shape_cast %shift_right_logical3A_63 : vector<16xi32> to vector<16xi32>
      tpu.vector_store %arg9[%swap3A_64], %swap3A_67 {strides = array<i32>} : memref<128xi32, #tpu.memory_space<vmem>>, vector<16xi32>,
      %get3A_68 = arith.constant 64 : index
      %get3A_69 = tpu.vector_load %arg8[%get3A_68] {strides = array<i32>} : memref<128xi32, #tpu.memory_space<vmem>>, vector<16xi32>,
      %get3A_70 = vector.shape_cast %get3A_69 : vector<16xi32> to vector<16xi32>
      %shift_right_logical3A_71 = arith.constant 3 : i32
      %shift_right_logical3A_72 = vector.broadcast %shift_right_logical3A_71 : i32 to vector<16xi32>
      %shift_right_logical3A_73 = arith.shrui %get3A_70, %shift_right_logical3A_72 : vector<16xi32>
      %swap3A_74 = arith.constant 64 : index
      %swap3A_75 = tpu.vector_load %arg9[%swap3A_74] {strides = array<i32>} : memref<128xi32, #tpu.memory_space<vmem>>, vector<16xi32>,
      %swap3A_76 = vector.shape_cast %swap3A_75 : vector<16xi32> to vector<16xi32>
      %swap3A_77 = vector.shape_cast %shift_right_logical3A_73 : vector<16xi32> to vector<16xi32>
      tpu.vector_store %arg9[%swap3A_74], %swap3A_77 {strides = array<i32>} : memref<128xi32, #tpu.memory_space<vmem>>, vector<16xi32>,
      %get3A_78 = arith.constant 80 : index
      %get3A_79 = tpu.vector_load %arg8[%get3A_78] {strides = array<i32>} : memref<128xi32, #tpu.memory_space<vmem>>, vector<16xi32>,
      %get3A_80 = vector.shape_cast %get3A_79 : vector<16xi32> to vector<16xi32>
      %shift_right_logical3A_81 = arith.constant 3 : i32
      %shift_right_logical3A_82 = vector.broadcast %shift_right_logical3A_81 : i32 to vector<16xi32>
      %shift_right_logical3A_83 = arith.shrui %get3A_80, %shift_right_logical3A_82 : vector<16xi32>
      %swap3A_84 = arith.constant 80 : index
      %swap3A_85 = tpu.vector_load %arg9[%swap3A_84] {strides = array<i32>} : memref<128xi32, #tpu.memory_space<vmem>>, vector<16xi32>,
      %swap3A_86 = vector.shape_cast %swap3A_85 : vector<16xi32> to vector<16xi32>
      %swap3A_87 = vector.shape_cast %shift_right_logical3A_83 : vector<16xi32> to vector<16xi32>
      tpu.vector_store %arg9[%swap3A_84], %swap3A_87 {strides = array<i32>} : memref<128xi32, #tpu.memory_space<vmem>>, vector<16xi32>,
      %get3A_88 = arith.constant 96 : index
      %get3A_89 = tpu.vector_load %arg8[%get3A_88] {strides = array<i32>} : memref<128xi32, #tpu.memory_space<vmem>>, vector<16xi32>,
      %get3A_90 = vector.shape_cast %get3A_89 : vector<16xi32> to vector<16xi32>
      %shift_right_logical3A_91 = arith.constant 3 : i32
      %shift_right_logical3A_92 = vector.broadcast %shift_right_logical3A_91 : i32 to vector<16xi32>
      %shift_right_logical3A_93 = arith.shrui %get3A_90, %shift_right_logical3A_92 : vector<16xi32>
      %swap3A_94 = arith.constant 96 : index
      %swap3A_95 = tpu.vector_load %arg9[%swap3A_94] {strides = array<i32>} : memref<128xi32, #tpu.memory_space<vmem>>, vector<16xi32>,
      %swap3A_96 = vector.shape_cast %swap3A_95 : vector<16xi32> to vector<16xi32>
      %swap3A_97 = vector.shape_cast %shift_right_logical3A_93 : vector<16xi32> to vector<16xi32>
      tpu.vector_store %arg9[%swap3A_94], %swap3A_97 {strides = array<i32>} : memref<128xi32, #tpu.memory_space<vmem>>, vector<16xi32>,
      %get3A_98 = arith.constant 112 : index
      %get3A_99 = tpu.vector_load %arg8[%get3A_98] {strides = array<i32>} : memref<128xi32, #tpu.memory_space<vmem>>, vector<16xi32>,
      %get3A_100 = vector.shape_cast %get3A_99 : vector<16xi32> to vector<16xi32>
      %shift_right_logical3A_101 = arith.constant 3 : i32
      %shift_right_logical3A_102 = vector.broadcast %shift_right_logical3A_101 : i32 to vector<16xi32>
      %shift_right_logical3A_103 = arith.shrui %get3A_100, %shift_right_logical3A_102 : vector<16xi32>
      %swap3A_104 = arith.constant 112 : index
      %swap3A_105 = tpu.vector_load %arg9[%swap3A_104] {strides = array<i32>} : memref<128xi32, #tpu.memory_space<vmem>>, vector<16xi32>,
      %swap3A_106 = vector.shape_cast %swap3A_105 : vector<16xi32> to vector<16xi32>
      %swap3A_107 = vector.shape_cast %shift_right_logical3A_103 : vector<16xi32> to vector<16xi32>
      tpu.vector_store %arg9[%swap3A_104], %swap3A_107 {strides = array<i32>} : memref<128xi32, #tpu.memory_space<vmem>>, vector<16xi32>,
      "tpu.region"() ({
        %run_scoped3A = tpu.sem_alloc : memref<!tpu.dma_semaphore, #tpu.memory_space<semaphore_mem>>
        %dma_start3A = arith.constant 0 : i32
        %dma_start3A_108 = arith.constant 0 : i32
        %dma_start3A_109 = tpu.memref_slice %arg12[%dma_start3A, %dma_start3A_108] : memref<10240x128xf32, #tpu.memory_space<vmem_shared>> -> memref<10240x128xf32, #tpu.memory_space<vmem_shared>>
        tpu.enqueue_indirect_dma source(%arg10 : memref<128x128xf32, #tpu.memory_space<vmem>>) target(%dma_start3A_109 : memref<10240x128xf32, #tpu.memory_space<vmem_shared>>) offsets(%arg8 : memref<128xi32, #tpu.memory_space<vmem>>) semaphore(%run_scoped3A : memref<!tpu.dma_semaphore, #tpu.memory_space<semaphore_mem>>) {add = true}
        %dma_wait3A = arith.constant 0 : i32
        %dma_wait3A_110 = arith.constant 0 : i32
        %dma_wait3A_111 = tpu.memref_slice %arg12[%dma_wait3A, %dma_wait3A_110] : memref<10240x128xf32, #tpu.memory_space<vmem_shared>> -> memref<10240x128xf32, #tpu.memory_space<vmem_shared>>
        tpu.wait_indirect_dma semaphore(%run_scoped3A : memref<!tpu.dma_semaphore, #tpu.memory_space<semaphore_mem>>) src(%arg10 : memref<128x128xf32, #tpu.memory_space<vmem>>) dst(%dma_wait3A_111 : memref<10240x128xf32, #tpu.memory_space<vmem_shared>>)
        tpu.yield
      }) : () -> ()
      "tpu.region"() ({
        %run_scoped3A = tpu.sem_alloc : memref<!tpu.dma_semaphore, #tpu.memory_space<semaphore_mem>>
        %dma_start3A = arith.constant 0 : i32
        %dma_start3A_108 = arith.constant 0 : i32
        %dma_start3A_109 = tpu.memref_slice %arg13[%dma_start3A, %dma_start3A_108] : memref<1280x128xf32, #tpu.memory_space<vmem_shared>> -> memref<1280x128xf32, #tpu.memory_space<vmem_shared>>
        tpu.enqueue_indirect_dma source(%arg11 : memref<128x128xf32, #tpu.memory_space<vmem>>) target(%dma_start3A_109 : memref<1280x128xf32, #tpu.memory_space<vmem_shared>>) offsets(%arg9 : memref<128xi32, #tpu.memory_space<vmem>>) semaphore(%run_scoped3A : memref<!tpu.dma_semaphore, #tpu.memory_space<semaphore_mem>>) {add = true}
        %dma_wait3A = arith.constant 0 : i32
        %dma_wait3A_110 = arith.constant 0 : i32
        %dma_wait3A_111 = tpu.memref_slice %arg13[%dma_wait3A, %dma_wait3A_110] : memref<1280x128xf32, #tpu.memory_space<vmem_shared>> -> memref<1280x128xf32, #tpu.memory_space<vmem_shared>>
        tpu.wait_indirect_dma semaphore(%run_scoped3A : memref<!tpu.dma_semaphore, #tpu.memory_space<semaphore_mem>>) src(%arg11 : memref<128x128xf32, #tpu.memory_space<vmem>>) dst(%dma_wait3A_111 : memref<1280x128xf32, #tpu.memory_space<vmem_shared>>)
        tpu.yield
      }) : () -> ()
    }
    %barrier3A_16 = arith.constant 0 : index
    tpu.barrier barrier_id(%barrier3A_16)
    %mul3A_17 = arith.constant 640 : i32
    %mul3A_18 = arith.muli %arg1, %mul3A_17 : i32
    %mul3A_19 = arith.constant 640 : i32
    %mul3A_20 = arith.muli %arg1, %mul3A_19 : i32
    "tpu.region"() ({
      %run_scoped3A = tpu.sem_alloc : memref<!tpu.dma_semaphore, #tpu.memory_space<semaphore_mem>>
      %dma_start3A = arith.constant 0 : i32
      %dma_start3A_25 = tpu.memref_slice %arg6[%arg0, %mul3A_20, %dma_start3A] : memref<2x10240x128xf32, #tpu.memory_space<hbm>> -> memref<1x640x128xf32, #tpu.memory_space<hbm>>
      %dma_start3A_26 = tpu.memref_squeeze %dma_start3A_25 : memref<1x640x128xf32, #tpu.memory_space<hbm>> -> memref<640x128xf32, #tpu.memory_space<hbm>>
      %dma_start3A_27 = arith.constant 0 : i32
      %dma_start3A_28 = tpu.memref_slice %arg12[%mul3A_18, %dma_start3A_27] : memref<10240x128xf32, #tpu.memory_space<vmem_shared>> -> memref<640x128xf32, #tpu.memory_space<vmem_shared>>
      tpu.enqueue_dma source(%dma_start3A_28 : memref<640x128xf32, #tpu.memory_space<vmem_shared>>) target(%dma_start3A_26 : memref<640x128xf32, #tpu.memory_space<hbm>>) target_semaphore(%run_scoped3A : memref<!tpu.dma_semaphore, #tpu.memory_space<semaphore_mem>>)
      %dma_wait3A = arith.constant 0 : i32
      %dma_wait3A_29 = tpu.memref_slice %arg6[%arg0, %mul3A_20, %dma_wait3A] : memref<2x10240x128xf32, #tpu.memory_space<hbm>> -> memref<1x640x128xf32, #tpu.memory_space<hbm>>
      %dma_wait3A_30 = tpu.memref_squeeze %dma_wait3A_29 : memref<1x640x128xf32, #tpu.memory_space<hbm>> -> memref<640x128xf32, #tpu.memory_space<hbm>>
      %dma_wait3A_31 = arith.constant 0 : i32
      %dma_wait3A_32 = tpu.memref_slice %arg12[%mul3A_18, %dma_wait3A_31] : memref<10240x128xf32, #tpu.memory_space<vmem_shared>> -> memref<640x128xf32, #tpu.memory_space<vmem_shared>>
      tpu.wait_dma2 semaphore(%run_scoped3A : memref<!tpu.dma_semaphore, #tpu.memory_space<semaphore_mem>>) src(%dma_wait3A_32 : memref<640x128xf32, #tpu.memory_space<vmem_shared>>) dst(%dma_wait3A_30 : memref<640x128xf32, #tpu.memory_space<hbm>>)
      tpu.yield
    }) : () -> ()
    %mul3A_21 = arith.constant 80 : i32
    %mul3A_22 = arith.muli %arg1, %mul3A_21 : i32
    %mul3A_23 = arith.constant 80 : i32
    %mul3A_24 = arith.muli %arg1, %mul3A_23 : i32
    "tpu.region"() ({
      %run_scoped3A = tpu.sem_alloc : memref<!tpu.dma_semaphore, #tpu.memory_space<semaphore_mem>>
      %dma_start3A = arith.constant 0 : i32
      %dma_start3A_25 = tpu.memref_slice %arg7[%arg0, %mul3A_24, %dma_start3A] : memref<2x1280x128xf32, #tpu.memory_space<hbm>> -> memref<1x80x128xf32, #tpu.memory_space<hbm>>
      %dma_start3A_26 = tpu.memref_squeeze %dma_start3A_25 : memref<1x80x128xf32, #tpu.memory_space<hbm>> -> memref<80x128xf32, #tpu.memory_space<hbm>>
      %dma_start3A_27 = arith.constant 0 : i32
      %dma_start3A_28 = tpu.memref_slice %arg13[%mul3A_22, %dma_start3A_27] : memref<1280x128xf32, #tpu.memory_space<vmem_shared>> -> memref<80x128xf32, #tpu.memory_space<vmem_shared>>
      tpu.enqueue_dma source(%dma_start3A_28 : memref<80x128xf32, #tpu.memory_space<vmem_shared>>) target(%dma_start3A_26 : memref<80x128xf32, #tpu.memory_space<hbm>>) target_semaphore(%run_scoped3A : memref<!tpu.dma_semaphore, #tpu.memory_space<semaphore_mem>>)
      %dma_wait3A = arith.constant 0 : i32
      %dma_wait3A_29 = tpu.memref_slice %arg7[%arg0, %mul3A_24, %dma_wait3A] : memref<2x1280x128xf32, #tpu.memory_space<hbm>> -> memref<1x80x128xf32, #tpu.memory_space<hbm>>
      %dma_wait3A_30 = tpu.memref_squeeze %dma_wait3A_29 : memref<1x80x128xf32, #tpu.memory_space<hbm>> -> memref<80x128xf32, #tpu.memory_space<hbm>>
      %dma_wait3A_31 = arith.constant 0 : i32
      %dma_wait3A_32 = tpu.memref_slice %arg13[%mul3A_22, %dma_wait3A_31] : memref<1280x128xf32, #tpu.memory_space<vmem_shared>> -> memref<80x128xf32, #tpu.memory_space<vmem_shared>>
      tpu.wait_dma2 semaphore(%run_scoped3A : memref<!tpu.dma_semaphore, #tpu.memory_space<semaphore_mem>>) src(%dma_wait3A_32 : memref<80x128xf32, #tpu.memory_space<vmem_shared>>) dst(%dma_wait3A_30 : memref<80x128xf32, #tpu.memory_space<hbm>>)
      tpu.yield
    }) : () -> ()
    return
  }
}

#map = affine_map<(d0, d1) -> (0, 0)>
#map1 = affine_map<(d0, d1) -> (0)>
module attributes {stable_mosaic.version = 14 : i64} {
  func.func @gather_k(%arg0: i32, %arg1: i32, %arg2: memref<10000x128xf32, #tpu.memory_space<hbm>>, %arg3: memref<160000xi32, #tpu.memory_space<hbm>>, %arg4: memref<160000xi32, #tpu.memory_space<hbm>>, %arg5: memref<160000x128xf32, #tpu.memory_space<hbm>>, %arg6: memref<160000x128xf32, #tpu.memory_space<hbm>>, %arg7: memref<128xi32, #tpu.memory_space<vmem>>, %arg8: memref<128xi32, #tpu.memory_space<vmem>>, %arg9: memref<128x128xf32, #tpu.memory_space<vmem>>, %arg10: memref<128x128xf32, #tpu.memory_space<vmem>>, %arg11: memref<!tpu.dma_semaphore, #tpu.memory_space<semaphore_mem>>, %arg12: memref<!tpu.dma_semaphore, #tpu.memory_space<semaphore_mem>>) attributes {dimension_semantics = [#tpu.dimension_semantics<core_parallel>, #tpu.dimension_semantics<subcore_parallel>], iteration_bounds = array<i64: 2, 16>, scalar_prefetch = 0 : i64, scratch_operands = 6 : i64, tpu.core_type = #tpu.core_type<sc_vector_subcore>, window_params = [{transform_indices = #map}, {transform_indices = #map1}, {transform_indices = #map1}, {transform_indices = #map}, {transform_indices = #map}]} {
    %mul3A = arith.constant 2 : i32
    %mul3A_0 = arith.muli %arg1, %mul3A : i32
    %add3A = arith.addi %mul3A_0, %arg0 : i32
    %lt3A = arith.constant 2 : i32
    %lt3A_1 = arith.cmpi slt, %add3A, %lt3A : i32
    %jit3A = arith.constant 40 : i32
    %jit3A_2 = arith.constant 39 : i32
    %select_n3A = arith.select %lt3A_1, %jit3A, %jit3A_2 : i32
    %while3A = arith.constant 0 : i32
    %while3A_3 = arith.constant 0 : i32
    %while3A_4 = arith.subi %select_n3A, %while3A_3 : i32
    %while3A_5 = arith.addi %while3A_3, %while3A_4 : i32
    %while3A_6 = arith.constant 1 : i32
    %while3A_7 = arith.divsi %while3A_4, %while3A_6 : i32
    %while3A_8 = arith.muli %while3A_7, %while3A_6 : i32
    %while3A_9 = arith.addi %while3A_3, %while3A_8 : i32
    %while3A_10 = arith.constant 1 : i32
    scf.for %while3A_12 = %while3A_3 to %while3A_9 step %while3A_10  : i32 {
      %mul3A_13 = arith.constant 32 : i32
      %mul3A_14 = arith.muli %mul3A_13, %while3A_12 : i32
      %add3A_15 = arith.addi %add3A, %mul3A_14 : i32
      %mul3A_16 = arith.constant 128 : i32
      %mul3A_17 = arith.muli %add3A_15, %mul3A_16 : i32
      "tpu.region"() ({
        %run_scoped3A = tpu.sem_alloc : memref<!tpu.dma_semaphore, #tpu.memory_space<semaphore_mem>>
        %dma_start3A_28 = tpu.memref_slice %arg3[%mul3A_17] : memref<160000xi32, #tpu.memory_space<hbm>> -> memref<128xi32, #tpu.memory_space<hbm>>
        %dma_start3A_29 = tpu.memref_slice %arg3[%mul3A_17] : memref<160000xi32, #tpu.memory_space<hbm>> -> memref<128xi32, #tpu.memory_space<hbm>>
        tpu.enqueue_dma source(%dma_start3A_29 : memref<128xi32, #tpu.memory_space<hbm>>) target(%arg7 : memref<128xi32, #tpu.memory_space<vmem>>) target_semaphore(%run_scoped3A : memref<!tpu.dma_semaphore, #tpu.memory_space<semaphore_mem>>)
        %dma_wait3A_30 = tpu.memref_slice %arg3[%mul3A_17] : memref<160000xi32, #tpu.memory_space<hbm>> -> memref<128xi32, #tpu.memory_space<hbm>>
        %dma_wait3A_31 = tpu.memref_slice %arg3[%mul3A_17] : memref<160000xi32, #tpu.memory_space<hbm>> -> memref<128xi32, #tpu.memory_space<hbm>>
        tpu.wait_dma2 semaphore(%run_scoped3A : memref<!tpu.dma_semaphore, #tpu.memory_space<semaphore_mem>>) src(%dma_wait3A_31 : memref<128xi32, #tpu.memory_space<hbm>>) dst(%arg7 : memref<128xi32, #tpu.memory_space<vmem>>)
        tpu.yield
      }) : () -> ()
      "tpu.region"() ({
        %run_scoped3A = tpu.sem_alloc : memref<!tpu.dma_semaphore, #tpu.memory_space<semaphore_mem>>
        %dma_start3A_28 = tpu.memref_slice %arg4[%mul3A_17] : memref<160000xi32, #tpu.memory_space<hbm>> -> memref<128xi32, #tpu.memory_space<hbm>>
        %dma_start3A_29 = tpu.memref_slice %arg4[%mul3A_17] : memref<160000xi32, #tpu.memory_space<hbm>> -> memref<128xi32, #tpu.memory_space<hbm>>
        tpu.enqueue_dma source(%dma_start3A_29 : memref<128xi32, #tpu.memory_space<hbm>>) target(%arg8 : memref<128xi32, #tpu.memory_space<vmem>>) target_semaphore(%run_scoped3A : memref<!tpu.dma_semaphore, #tpu.memory_space<semaphore_mem>>)
        %dma_wait3A_30 = tpu.memref_slice %arg4[%mul3A_17] : memref<160000xi32, #tpu.memory_space<hbm>> -> memref<128xi32, #tpu.memory_space<hbm>>
        %dma_wait3A_31 = tpu.memref_slice %arg4[%mul3A_17] : memref<160000xi32, #tpu.memory_space<hbm>> -> memref<128xi32, #tpu.memory_space<hbm>>
        tpu.wait_dma2 semaphore(%run_scoped3A : memref<!tpu.dma_semaphore, #tpu.memory_space<semaphore_mem>>) src(%dma_wait3A_31 : memref<128xi32, #tpu.memory_space<hbm>>) dst(%arg8 : memref<128xi32, #tpu.memory_space<vmem>>)
        tpu.yield
      }) : () -> ()
      %dma_start3A = arith.constant 0 : i32
      %dma_start3A_18 = arith.constant 0 : i32
      %dma_start3A_19 = tpu.memref_slice %arg2[%dma_start3A, %dma_start3A_18] : memref<10000x128xf32, #tpu.memory_space<hbm>> -> memref<10000x128xf32, #tpu.memory_space<hbm>>
      tpu.enqueue_indirect_dma source(%dma_start3A_19 : memref<10000x128xf32, #tpu.memory_space<hbm>>) target(%arg9 : memref<128x128xf32, #tpu.memory_space<vmem>>) offsets(%arg7 : memref<128xi32, #tpu.memory_space<vmem>>) semaphore(%arg11 : memref<!tpu.dma_semaphore, #tpu.memory_space<semaphore_mem>>)
      %dma_start3A_20 = arith.constant 0 : i32
      %dma_start3A_21 = arith.constant 0 : i32
      %dma_start3A_22 = tpu.memref_slice %arg2[%dma_start3A_20, %dma_start3A_21] : memref<10000x128xf32, #tpu.memory_space<hbm>> -> memref<10000x128xf32, #tpu.memory_space<hbm>>
      tpu.enqueue_indirect_dma source(%dma_start3A_22 : memref<10000x128xf32, #tpu.memory_space<hbm>>) target(%arg10 : memref<128x128xf32, #tpu.memory_space<vmem>>) offsets(%arg8 : memref<128xi32, #tpu.memory_space<vmem>>) semaphore(%arg12 : memref<!tpu.dma_semaphore, #tpu.memory_space<semaphore_mem>>)
      %dma_wait3A = arith.constant 0 : i32
      %dma_wait3A_23 = arith.constant 0 : i32
      %dma_wait3A_24 = tpu.memref_slice %arg2[%dma_wait3A, %dma_wait3A_23] : memref<10000x128xf32, #tpu.memory_space<hbm>> -> memref<10000x128xf32, #tpu.memory_space<hbm>>
      tpu.wait_indirect_dma semaphore(%arg11 : memref<!tpu.dma_semaphore, #tpu.memory_space<semaphore_mem>>) src(%dma_wait3A_24 : memref<10000x128xf32, #tpu.memory_space<hbm>>) dst(%arg9 : memref<128x128xf32, #tpu.memory_space<vmem>>)
      %dma_wait3A_25 = arith.constant 0 : i32
      %dma_wait3A_26 = arith.constant 0 : i32
      %dma_wait3A_27 = tpu.memref_slice %arg2[%dma_wait3A_25, %dma_wait3A_26] : memref<10000x128xf32, #tpu.memory_space<hbm>> -> memref<10000x128xf32, #tpu.memory_space<hbm>>
      tpu.wait_indirect_dma semaphore(%arg12 : memref<!tpu.dma_semaphore, #tpu.memory_space<semaphore_mem>>) src(%dma_wait3A_27 : memref<10000x128xf32, #tpu.memory_space<hbm>>) dst(%arg10 : memref<128x128xf32, #tpu.memory_space<vmem>>)
      "tpu.region"() ({
        %run_scoped3A = tpu.sem_alloc : memref<!tpu.dma_semaphore, #tpu.memory_space<semaphore_mem>>
        %dma_start3A_28 = arith.constant 0 : i32
        %dma_start3A_29 = tpu.memref_slice %arg5[%mul3A_17, %dma_start3A_28] : memref<160000x128xf32, #tpu.memory_space<hbm>> -> memref<128x128xf32, #tpu.memory_space<hbm>>
        %dma_start3A_30 = arith.constant 0 : i32
        %dma_start3A_31 = tpu.memref_slice %arg5[%mul3A_17, %dma_start3A_30] : memref<160000x128xf32, #tpu.memory_space<hbm>> -> memref<128x128xf32, #tpu.memory_space<hbm>>
        tpu.enqueue_dma source(%arg9 : memref<128x128xf32, #tpu.memory_space<vmem>>) target(%dma_start3A_31 : memref<128x128xf32, #tpu.memory_space<hbm>>) target_semaphore(%run_scoped3A : memref<!tpu.dma_semaphore, #tpu.memory_space<semaphore_mem>>)
        %dma_wait3A_32 = arith.constant 0 : i32
        %dma_wait3A_33 = tpu.memref_slice %arg5[%mul3A_17, %dma_wait3A_32] : memref<160000x128xf32, #tpu.memory_space<hbm>> -> memref<128x128xf32, #tpu.memory_space<hbm>>
        %dma_wait3A_34 = arith.constant 0 : i32
        %dma_wait3A_35 = tpu.memref_slice %arg5[%mul3A_17, %dma_wait3A_34] : memref<160000x128xf32, #tpu.memory_space<hbm>> -> memref<128x128xf32, #tpu.memory_space<hbm>>
        tpu.wait_dma2 semaphore(%run_scoped3A : memref<!tpu.dma_semaphore, #tpu.memory_space<semaphore_mem>>) src(%arg9 : memref<128x128xf32, #tpu.memory_space<vmem>>) dst(%dma_wait3A_35 : memref<128x128xf32, #tpu.memory_space<hbm>>)
        tpu.yield
      }) : () -> ()
      "tpu.region"() ({
        %run_scoped3A = tpu.sem_alloc : memref<!tpu.dma_semaphore, #tpu.memory_space<semaphore_mem>>
        %dma_start3A_28 = arith.constant 0 : i32
        %dma_start3A_29 = tpu.memref_slice %arg6[%mul3A_17, %dma_start3A_28] : memref<160000x128xf32, #tpu.memory_space<hbm>> -> memref<128x128xf32, #tpu.memory_space<hbm>>
        %dma_start3A_30 = arith.constant 0 : i32
        %dma_start3A_31 = tpu.memref_slice %arg6[%mul3A_17, %dma_start3A_30] : memref<160000x128xf32, #tpu.memory_space<hbm>> -> memref<128x128xf32, #tpu.memory_space<hbm>>
        tpu.enqueue_dma source(%arg10 : memref<128x128xf32, #tpu.memory_space<vmem>>) target(%dma_start3A_31 : memref<128x128xf32, #tpu.memory_space<hbm>>) target_semaphore(%run_scoped3A : memref<!tpu.dma_semaphore, #tpu.memory_space<semaphore_mem>>)
        %dma_wait3A_32 = arith.constant 0 : i32
        %dma_wait3A_33 = tpu.memref_slice %arg6[%mul3A_17, %dma_wait3A_32] : memref<160000x128xf32, #tpu.memory_space<hbm>> -> memref<128x128xf32, #tpu.memory_space<hbm>>
        %dma_wait3A_34 = arith.constant 0 : i32
        %dma_wait3A_35 = tpu.memref_slice %arg6[%mul3A_17, %dma_wait3A_34] : memref<160000x128xf32, #tpu.memory_space<hbm>> -> memref<128x128xf32, #tpu.memory_space<hbm>>
        tpu.wait_dma2 semaphore(%run_scoped3A : memref<!tpu.dma_semaphore, #tpu.memory_space<semaphore_mem>>) src(%arg10 : memref<128x128xf32, #tpu.memory_space<vmem>>) dst(%dma_wait3A_35 : memref<128x128xf32, #tpu.memory_space<hbm>>)
        tpu.yield
      }) : () -> ()
    }
    %while3A_11 = arith.constant 1 : i32
    scf.for %while3A_12 = %while3A_9 to %while3A_5 step %while3A_11  : i32 {
      %mul3A_13 = arith.constant 32 : i32
      %mul3A_14 = arith.muli %mul3A_13, %while3A_12 : i32
      %add3A_15 = arith.addi %add3A, %mul3A_14 : i32
      %mul3A_16 = arith.constant 128 : i32
      %mul3A_17 = arith.muli %add3A_15, %mul3A_16 : i32
      "tpu.region"() ({
        %run_scoped3A = tpu.sem_alloc : memref<!tpu.dma_semaphore, #tpu.memory_space<semaphore_mem>>
        %dma_start3A_28 = tpu.memref_slice %arg3[%mul3A_17] : memref<160000xi32, #tpu.memory_space<hbm>> -> memref<128xi32, #tpu.memory_space<hbm>>
        %dma_start3A_29 = tpu.memref_slice %arg3[%mul3A_17] : memref<160000xi32, #tpu.memory_space<hbm>> -> memref<128xi32, #tpu.memory_space<hbm>>
        tpu.enqueue_dma source(%dma_start3A_29 : memref<128xi32, #tpu.memory_space<hbm>>) target(%arg7 : memref<128xi32, #tpu.memory_space<vmem>>) target_semaphore(%run_scoped3A : memref<!tpu.dma_semaphore, #tpu.memory_space<semaphore_mem>>)
        %dma_wait3A_30 = tpu.memref_slice %arg3[%mul3A_17] : memref<160000xi32, #tpu.memory_space<hbm>> -> memref<128xi32, #tpu.memory_space<hbm>>
        %dma_wait3A_31 = tpu.memref_slice %arg3[%mul3A_17] : memref<160000xi32, #tpu.memory_space<hbm>> -> memref<128xi32, #tpu.memory_space<hbm>>
        tpu.wait_dma2 semaphore(%run_scoped3A : memref<!tpu.dma_semaphore, #tpu.memory_space<semaphore_mem>>) src(%dma_wait3A_31 : memref<128xi32, #tpu.memory_space<hbm>>) dst(%arg7 : memref<128xi32, #tpu.memory_space<vmem>>)
        tpu.yield
      }) : () -> ()
      "tpu.region"() ({
        %run_scoped3A = tpu.sem_alloc : memref<!tpu.dma_semaphore, #tpu.memory_space<semaphore_mem>>
        %dma_start3A_28 = tpu.memref_slice %arg4[%mul3A_17] : memref<160000xi32, #tpu.memory_space<hbm>> -> memref<128xi32, #tpu.memory_space<hbm>>
        %dma_start3A_29 = tpu.memref_slice %arg4[%mul3A_17] : memref<160000xi32, #tpu.memory_space<hbm>> -> memref<128xi32, #tpu.memory_space<hbm>>
        tpu.enqueue_dma source(%dma_start3A_29 : memref<128xi32, #tpu.memory_space<hbm>>) target(%arg8 : memref<128xi32, #tpu.memory_space<vmem>>) target_semaphore(%run_scoped3A : memref<!tpu.dma_semaphore, #tpu.memory_space<semaphore_mem>>)
        %dma_wait3A_30 = tpu.memref_slice %arg4[%mul3A_17] : memref<160000xi32, #tpu.memory_space<hbm>> -> memref<128xi32, #tpu.memory_space<hbm>>
        %dma_wait3A_31 = tpu.memref_slice %arg4[%mul3A_17] : memref<160000xi32, #tpu.memory_space<hbm>> -> memref<128xi32, #tpu.memory_space<hbm>>
        tpu.wait_dma2 semaphore(%run_scoped3A : memref<!tpu.dma_semaphore, #tpu.memory_space<semaphore_mem>>) src(%dma_wait3A_31 : memref<128xi32, #tpu.memory_space<hbm>>) dst(%arg8 : memref<128xi32, #tpu.memory_space<vmem>>)
        tpu.yield
      }) : () -> ()
      %dma_start3A = arith.constant 0 : i32
      %dma_start3A_18 = arith.constant 0 : i32
      %dma_start3A_19 = tpu.memref_slice %arg2[%dma_start3A, %dma_start3A_18] : memref<10000x128xf32, #tpu.memory_space<hbm>> -> memref<10000x128xf32, #tpu.memory_space<hbm>>
      tpu.enqueue_indirect_dma source(%dma_start3A_19 : memref<10000x128xf32, #tpu.memory_space<hbm>>) target(%arg9 : memref<128x128xf32, #tpu.memory_space<vmem>>) offsets(%arg7 : memref<128xi32, #tpu.memory_space<vmem>>) semaphore(%arg11 : memref<!tpu.dma_semaphore, #tpu.memory_space<semaphore_mem>>)
      %dma_start3A_20 = arith.constant 0 : i32
      %dma_start3A_21 = arith.constant 0 : i32
      %dma_start3A_22 = tpu.memref_slice %arg2[%dma_start3A_20, %dma_start3A_21] : memref<10000x128xf32, #tpu.memory_space<hbm>> -> memref<10000x128xf32, #tpu.memory_space<hbm>>
      tpu.enqueue_indirect_dma source(%dma_start3A_22 : memref<10000x128xf32, #tpu.memory_space<hbm>>) target(%arg10 : memref<128x128xf32, #tpu.memory_space<vmem>>) offsets(%arg8 : memref<128xi32, #tpu.memory_space<vmem>>) semaphore(%arg12 : memref<!tpu.dma_semaphore, #tpu.memory_space<semaphore_mem>>)
      %dma_wait3A = arith.constant 0 : i32
      %dma_wait3A_23 = arith.constant 0 : i32
      %dma_wait3A_24 = tpu.memref_slice %arg2[%dma_wait3A, %dma_wait3A_23] : memref<10000x128xf32, #tpu.memory_space<hbm>> -> memref<10000x128xf32, #tpu.memory_space<hbm>>
      tpu.wait_indirect_dma semaphore(%arg11 : memref<!tpu.dma_semaphore, #tpu.memory_space<semaphore_mem>>) src(%dma_wait3A_24 : memref<10000x128xf32, #tpu.memory_space<hbm>>) dst(%arg9 : memref<128x128xf32, #tpu.memory_space<vmem>>)
      %dma_wait3A_25 = arith.constant 0 : i32
      %dma_wait3A_26 = arith.constant 0 : i32
      %dma_wait3A_27 = tpu.memref_slice %arg2[%dma_wait3A_25, %dma_wait3A_26] : memref<10000x128xf32, #tpu.memory_space<hbm>> -> memref<10000x128xf32, #tpu.memory_space<hbm>>
      tpu.wait_indirect_dma semaphore(%arg12 : memref<!tpu.dma_semaphore, #tpu.memory_space<semaphore_mem>>) src(%dma_wait3A_27 : memref<10000x128xf32, #tpu.memory_space<hbm>>) dst(%arg10 : memref<128x128xf32, #tpu.memory_space<vmem>>)
      "tpu.region"() ({
        %run_scoped3A = tpu.sem_alloc : memref<!tpu.dma_semaphore, #tpu.memory_space<semaphore_mem>>
        %dma_start3A_28 = arith.constant 0 : i32
        %dma_start3A_29 = tpu.memref_slice %arg5[%mul3A_17, %dma_start3A_28] : memref<160000x128xf32, #tpu.memory_space<hbm>> -> memref<128x128xf32, #tpu.memory_space<hbm>>
        %dma_start3A_30 = arith.constant 0 : i32
        %dma_start3A_31 = tpu.memref_slice %arg5[%mul3A_17, %dma_start3A_30] : memref<160000x128xf32, #tpu.memory_space<hbm>> -> memref<128x128xf32, #tpu.memory_space<hbm>>
        tpu.enqueue_dma source(%arg9 : memref<128x128xf32, #tpu.memory_space<vmem>>) target(%dma_start3A_31 : memref<128x128xf32, #tpu.memory_space<hbm>>) target_semaphore(%run_scoped3A : memref<!tpu.dma_semaphore, #tpu.memory_space<semaphore_mem>>)
        %dma_wait3A_32 = arith.constant 0 : i32
        %dma_wait3A_33 = tpu.memref_slice %arg5[%mul3A_17, %dma_wait3A_32] : memref<160000x128xf32, #tpu.memory_space<hbm>> -> memref<128x128xf32, #tpu.memory_space<hbm>>
        %dma_wait3A_34 = arith.constant 0 : i32
        %dma_wait3A_35 = tpu.memref_slice %arg5[%mul3A_17, %dma_wait3A_34] : memref<160000x128xf32, #tpu.memory_space<hbm>> -> memref<128x128xf32, #tpu.memory_space<hbm>>
        tpu.wait_dma2 semaphore(%run_scoped3A : memref<!tpu.dma_semaphore, #tpu.memory_space<semaphore_mem>>) src(%arg9 : memref<128x128xf32, #tpu.memory_space<vmem>>) dst(%dma_wait3A_35 : memref<128x128xf32, #tpu.memory_space<hbm>>)
        tpu.yield
      }) : () -> ()
      "tpu.region"() ({
        %run_scoped3A = tpu.sem_alloc : memref<!tpu.dma_semaphore, #tpu.memory_space<semaphore_mem>>
        %dma_start3A_28 = arith.constant 0 : i32
        %dma_start3A_29 = tpu.memref_slice %arg6[%mul3A_17, %dma_start3A_28] : memref<160000x128xf32, #tpu.memory_space<hbm>> -> memref<128x128xf32, #tpu.memory_space<hbm>>
        %dma_start3A_30 = arith.constant 0 : i32
        %dma_start3A_31 = tpu.memref_slice %arg6[%mul3A_17, %dma_start3A_30] : memref<160000x128xf32, #tpu.memory_space<hbm>> -> memref<128x128xf32, #tpu.memory_space<hbm>>
        tpu.enqueue_dma source(%arg10 : memref<128x128xf32, #tpu.memory_space<vmem>>) target(%dma_start3A_31 : memref<128x128xf32, #tpu.memory_space<hbm>>) target_semaphore(%run_scoped3A : memref<!tpu.dma_semaphore, #tpu.memory_space<semaphore_mem>>)
        %dma_wait3A_32 = arith.constant 0 : i32
        %dma_wait3A_33 = tpu.memref_slice %arg6[%mul3A_17, %dma_wait3A_32] : memref<160000x128xf32, #tpu.memory_space<hbm>> -> memref<128x128xf32, #tpu.memory_space<hbm>>
        %dma_wait3A_34 = arith.constant 0 : i32
        %dma_wait3A_35 = tpu.memref_slice %arg6[%mul3A_17, %dma_wait3A_34] : memref<160000x128xf32, #tpu.memory_space<hbm>> -> memref<128x128xf32, #tpu.memory_space<hbm>>
        tpu.wait_dma2 semaphore(%run_scoped3A : memref<!tpu.dma_semaphore, #tpu.memory_space<semaphore_mem>>) src(%arg10 : memref<128x128xf32, #tpu.memory_space<vmem>>) dst(%dma_wait3A_35 : memref<128x128xf32, #tpu.memory_space<hbm>>)
        tpu.yield
      }) : () -> ()
    }
    return
  }
}

#map = affine_map<(d0, d1) -> (0, 0)>
#map1 = affine_map<(d0, d1) -> (0)>
#map2 = affine_map<(d0, d1) -> (0, 0, 0)>
module attributes {stable_mosaic.version = 14 : i64} {
  func.func @scatter_k(%arg0: i32, %arg1: i32, %arg2: memref<160000x128xf32, #tpu.memory_space<hbm>>, %arg3: memref<160000x128xf32, #tpu.memory_space<hbm>>, %arg4: memref<160000xi32, #tpu.memory_space<hbm>>, %arg5: memref<640x128xf32, #tpu.memory_space<hbm>>, %arg6: memref<2x10240x128xf32, #tpu.memory_space<hbm>>, %arg7: memref<2x1280x128xf32, #tpu.memory_space<hbm>>, %arg8: memref<128xi32, #tpu.memory_space<vmem>>, %arg9: memref<128xi32, #tpu.memory_space<vmem>>, %arg10: memref<128x128xf32, #tpu.memory_space<vmem>>, %arg11: memref<128x128xf32, #tpu.memory_space<vmem>>, %arg12: memref<10240x128xf32, #tpu.memory_space<vmem_shared>>, %arg13: memref<1280x128xf32, #tpu.memory_space<vmem_shared>>) attributes {dimension_semantics = [#tpu.dimension_semantics<core_parallel>, #tpu.dimension_semantics<subcore_parallel>], iteration_bounds = array<i64: 2, 16>, scalar_prefetch = 0 : i64, scratch_operands = 6 : i64, tpu.core_type = #tpu.core_type<sc_vector_subcore>, window_params = [{transform_indices = #map}, {transform_indices = #map}, {transform_indices = #map1}, {transform_indices = #map}, {transform_indices = #map2}, {transform_indices = #map2}]} {
    %mul3A = arith.constant 2 : i32
    %mul3A_0 = arith.muli %arg1, %mul3A : i32
    %add3A = arith.addi %mul3A_0, %arg0 : i32
    %mul3A_1 = arith.constant 640 : i32
    %mul3A_2 = arith.muli %arg1, %mul3A_1 : i32
    "tpu.region"() ({
      %run_scoped3A = tpu.sem_alloc : memref<!tpu.dma_semaphore, #tpu.memory_space<semaphore_mem>>
      %dma_start3A = arith.constant 0 : i32
      %dma_start3A_25 = tpu.memref_slice %arg12[%mul3A_2, %dma_start3A] : memref<10240x128xf32, #tpu.memory_space<vmem_shared>> -> memref<640x128xf32, #tpu.memory_space<vmem_shared>>
      tpu.enqueue_dma source(%arg5 : memref<640x128xf32, #tpu.memory_space<hbm>>) target(%dma_start3A_25 : memref<640x128xf32, #tpu.memory_space<vmem_shared>>) target_semaphore(%run_scoped3A : memref<!tpu.dma_semaphore, #tpu.memory_space<semaphore_mem>>)
      %dma_wait3A = arith.constant 0 : i32
      %dma_wait3A_26 = tpu.memref_slice %arg12[%mul3A_2, %dma_wait3A] : memref<10240x128xf32, #tpu.memory_space<vmem_shared>> -> memref<640x128xf32, #tpu.memory_space<vmem_shared>>
      tpu.wait_dma2 semaphore(%run_scoped3A : memref<!tpu.dma_semaphore, #tpu.memory_space<semaphore_mem>>) src(%arg5 : memref<640x128xf32, #tpu.memory_space<hbm>>) dst(%dma_wait3A_26 : memref<640x128xf32, #tpu.memory_space<vmem_shared>>)
      tpu.yield
    }) : () -> ()
    %mul3A_3 = arith.constant 80 : i32
    %mul3A_4 = arith.muli %arg1, %mul3A_3 : i32
    "tpu.region"() ({
      %run_scoped3A = tpu.sem_alloc : memref<!tpu.dma_semaphore, #tpu.memory_space<semaphore_mem>>
      %dma_start3A = arith.constant 0 : i32
      %dma_start3A_25 = tpu.memref_slice %arg13[%mul3A_4, %dma_start3A] : memref<1280x128xf32, #tpu.memory_space<vmem_shared>> -> memref<80x128xf32, #tpu.memory_space<vmem_shared>>
      %dma_start3A_26 = arith.constant 0 : i32
      %dma_start3A_27 = arith.constant 0 : i32
      %dma_start3A_28 = tpu.memref_slice %arg5[%dma_start3A_26, %dma_start3A_27] : memref<640x128xf32, #tpu.memory_space<hbm>> -> memref<80x128xf32, #tpu.memory_space<hbm>>
      tpu.enqueue_dma source(%dma_start3A_28 : memref<80x128xf32, #tpu.memory_space<hbm>>) target(%dma_start3A_25 : memref<80x128xf32, #tpu.memory_space<vmem_shared>>) target_semaphore(%run_scoped3A : memref<!tpu.dma_semaphore, #tpu.memory_space<semaphore_mem>>)
      %dma_wait3A = arith.constant 0 : i32
      %dma_wait3A_29 = tpu.memref_slice %arg13[%mul3A_4, %dma_wait3A] : memref<1280x128xf32, #tpu.memory_space<vmem_shared>> -> memref<80x128xf32, #tpu.memory_space<vmem_shared>>
      %dma_wait3A_30 = arith.constant 0 : i32
      %dma_wait3A_31 = arith.constant 0 : i32
      %dma_wait3A_32 = tpu.memref_slice %arg5[%dma_wait3A_30, %dma_wait3A_31] : memref<640x128xf32, #tpu.memory_space<hbm>> -> memref<80x128xf32, #tpu.memory_space<hbm>>
      tpu.wait_dma2 semaphore(%run_scoped3A : memref<!tpu.dma_semaphore, #tpu.memory_space<semaphore_mem>>) src(%dma_wait3A_32 : memref<80x128xf32, #tpu.memory_space<hbm>>) dst(%dma_wait3A_29 : memref<80x128xf32, #tpu.memory_space<vmem_shared>>)
      tpu.yield
    }) : () -> ()
    %barrier3A = arith.constant 0 : index
    tpu.barrier barrier_id(%barrier3A)
    %lt3A = arith.constant 2 : i32
    %lt3A_5 = arith.cmpi slt, %add3A, %lt3A : i32
    %jit3A = arith.constant 40 : i32
    %jit3A_6 = arith.constant 39 : i32
    %select_n3A = arith.select %lt3A_5, %jit3A, %jit3A_6 : i32
    %while3A = arith.constant 0 : i32
    %while3A_7 = arith.constant 0 : i32
    %while3A_8 = arith.subi %select_n3A, %while3A_7 : i32
    %while3A_9 = arith.addi %while3A_7, %while3A_8 : i32
    %while3A_10 = arith.constant 1 : i32
    %while3A_11 = arith.divsi %while3A_8, %while3A_10 : i32
    %while3A_12 = arith.muli %while3A_11, %while3A_10 : i32
    %while3A_13 = arith.addi %while3A_7, %while3A_12 : i32
    %while3A_14 = arith.constant 1 : i32
    scf.for %while3A_25 = %while3A_7 to %while3A_13 step %while3A_14  : i32 {
      %mul3A_26 = arith.constant 32 : i32
      %mul3A_27 = arith.muli %mul3A_26, %while3A_25 : i32
      %add3A_28 = arith.addi %add3A, %mul3A_27 : i32
      %mul3A_29 = arith.constant 128 : i32
      %mul3A_30 = arith.muli %add3A_28, %mul3A_29 : i32
      "tpu.region"() ({
        %run_scoped3A = tpu.sem_alloc : memref<!tpu.dma_semaphore, #tpu.memory_space<semaphore_mem>>
        %dma_start3A = tpu.memref_slice %arg4[%mul3A_30] : memref<160000xi32, #tpu.memory_space<hbm>> -> memref<128xi32, #tpu.memory_space<hbm>>
        %dma_start3A_108 = tpu.memref_slice %arg4[%mul3A_30] : memref<160000xi32, #tpu.memory_space<hbm>> -> memref<128xi32, #tpu.memory_space<hbm>>
        tpu.enqueue_dma source(%dma_start3A_108 : memref<128xi32, #tpu.memory_space<hbm>>) target(%arg8 : memref<128xi32, #tpu.memory_space<vmem>>) target_semaphore(%run_scoped3A : memref<!tpu.dma_semaphore, #tpu.memory_space<semaphore_mem>>)
        %dma_wait3A = tpu.memref_slice %arg4[%mul3A_30] : memref<160000xi32, #tpu.memory_space<hbm>> -> memref<128xi32, #tpu.memory_space<hbm>>
        %dma_wait3A_109 = tpu.memref_slice %arg4[%mul3A_30] : memref<160000xi32, #tpu.memory_space<hbm>> -> memref<128xi32, #tpu.memory_space<hbm>>
        tpu.wait_dma2 semaphore(%run_scoped3A : memref<!tpu.dma_semaphore, #tpu.memory_space<semaphore_mem>>) src(%dma_wait3A_109 : memref<128xi32, #tpu.memory_space<hbm>>) dst(%arg8 : memref<128xi32, #tpu.memory_space<vmem>>)
        tpu.yield
      }) : () -> ()
      "tpu.region"() ({
        %run_scoped3A = tpu.sem_alloc : memref<!tpu.dma_semaphore, #tpu.memory_space<semaphore_mem>>
        %dma_start3A = arith.constant 0 : i32
        %dma_start3A_108 = tpu.memref_slice %arg2[%mul3A_30, %dma_start3A] : memref<160000x128xf32, #tpu.memory_space<hbm>> -> memref<128x128xf32, #tpu.memory_space<hbm>>
        %dma_start3A_109 = arith.constant 0 : i32
        %dma_start3A_110 = tpu.memref_slice %arg2[%mul3A_30, %dma_start3A_109] : memref<160000x128xf32, #tpu.memory_space<hbm>> -> memref<128x128xf32, #tpu.memory_space<hbm>>
        tpu.enqueue_dma source(%dma_start3A_110 : memref<128x128xf32, #tpu.memory_space<hbm>>) target(%arg10 : memref<128x128xf32, #tpu.memory_space<vmem>>) target_semaphore(%run_scoped3A : memref<!tpu.dma_semaphore, #tpu.memory_space<semaphore_mem>>)
        %dma_wait3A = arith.constant 0 : i32
        %dma_wait3A_111 = tpu.memref_slice %arg2[%mul3A_30, %dma_wait3A] : memref<160000x128xf32, #tpu.memory_space<hbm>> -> memref<128x128xf32, #tpu.memory_space<hbm>>
        %dma_wait3A_112 = arith.constant 0 : i32
        %dma_wait3A_113 = tpu.memref_slice %arg2[%mul3A_30, %dma_wait3A_112] : memref<160000x128xf32, #tpu.memory_space<hbm>> -> memref<128x128xf32, #tpu.memory_space<hbm>>
        tpu.wait_dma2 semaphore(%run_scoped3A : memref<!tpu.dma_semaphore, #tpu.memory_space<semaphore_mem>>) src(%dma_wait3A_113 : memref<128x128xf32, #tpu.memory_space<hbm>>) dst(%arg10 : memref<128x128xf32, #tpu.memory_space<vmem>>)
        tpu.yield
      }) : () -> ()
      "tpu.region"() ({
        %run_scoped3A = tpu.sem_alloc : memref<!tpu.dma_semaphore, #tpu.memory_space<semaphore_mem>>
        %dma_start3A = arith.constant 0 : i32
        %dma_start3A_108 = tpu.memref_slice %arg3[%mul3A_30, %dma_start3A] : memref<160000x128xf32, #tpu.memory_space<hbm>> -> memref<128x128xf32, #tpu.memory_space<hbm>>
        %dma_start3A_109 = arith.constant 0 : i32
        %dma_start3A_110 = tpu.memref_slice %arg3[%mul3A_30, %dma_start3A_109] : memref<160000x128xf32, #tpu.memory_space<hbm>> -> memref<128x128xf32, #tpu.memory_space<hbm>>
        tpu.enqueue_dma source(%dma_start3A_110 : memref<128x128xf32, #tpu.memory_space<hbm>>) target(%arg11 : memref<128x128xf32, #tpu.memory_space<vmem>>) target_semaphore(%run_scoped3A : memref<!tpu.dma_semaphore, #tpu.memory_space<semaphore_mem>>)
        %dma_wait3A = arith.constant 0 : i32
        %dma_wait3A_111 = tpu.memref_slice %arg3[%mul3A_30, %dma_wait3A] : memref<160000x128xf32, #tpu.memory_space<hbm>> -> memref<128x128xf32, #tpu.memory_space<hbm>>
        %dma_wait3A_112 = arith.constant 0 : i32
        %dma_wait3A_113 = tpu.memref_slice %arg3[%mul3A_30, %dma_wait3A_112] : memref<160000x128xf32, #tpu.memory_space<hbm>> -> memref<128x128xf32, #tpu.memory_space<hbm>>
        tpu.wait_dma2 semaphore(%run_scoped3A : memref<!tpu.dma_semaphore, #tpu.memory_space<semaphore_mem>>) src(%dma_wait3A_113 : memref<128x128xf32, #tpu.memory_space<hbm>>) dst(%arg11 : memref<128x128xf32, #tpu.memory_space<vmem>>)
        tpu.yield
      }) : () -> ()
      %get3A = arith.constant 0 : index
      %get3A_31 = tpu.vector_load %arg8[%get3A] {strides = array<i32>} : memref<128xi32, #tpu.memory_space<vmem>>, vector<16xi32>,
      %get3A_32 = vector.shape_cast %get3A_31 : vector<16xi32> to vector<16xi32>
      %shift_right_logical3A = arith.constant 3 : i32
      %shift_right_logical3A_33 = vector.broadcast %shift_right_logical3A : i32 to vector<16xi32>
      %shift_right_logical3A_34 = arith.shrui %get3A_32, %shift_right_logical3A_33 : vector<16xi32>
      %swap3A = arith.constant 0 : index
      %swap3A_35 = tpu.vector_load %arg9[%swap3A] {strides = array<i32>} : memref<128xi32, #tpu.memory_space<vmem>>, vector<16xi32>,
      %swap3A_36 = vector.shape_cast %swap3A_35 : vector<16xi32> to vector<16xi32>
      %swap3A_37 = vector.shape_cast %shift_right_logical3A_34 : vector<16xi32> to vector<16xi32>
      tpu.vector_store %arg9[%swap3A], %swap3A_37 {strides = array<i32>} : memref<128xi32, #tpu.memory_space<vmem>>, vector<16xi32>,
      %get3A_38 = arith.constant 16 : index
      %get3A_39 = tpu.vector_load %arg8[%get3A_38] {strides = array<i32>} : memref<128xi32, #tpu.memory_space<vmem>>, vector<16xi32>,
      %get3A_40 = vector.shape_cast %get3A_39 : vector<16xi32> to vector<16xi32>
      %shift_right_logical3A_41 = arith.constant 3 : i32
      %shift_right_logical3A_42 = vector.broadcast %shift_right_logical3A_41 : i32 to vector<16xi32>
      %shift_right_logical3A_43 = arith.shrui %get3A_40, %shift_right_logical3A_42 : vector<16xi32>
      %swap3A_44 = arith.constant 16 : index
      %swap3A_45 = tpu.vector_load %arg9[%swap3A_44] {strides = array<i32>} : memref<128xi32, #tpu.memory_space<vmem>>, vector<16xi32>,
      %swap3A_46 = vector.shape_cast %swap3A_45 : vector<16xi32> to vector<16xi32>
      %swap3A_47 = vector.shape_cast %shift_right_logical3A_43 : vector<16xi32> to vector<16xi32>
      tpu.vector_store %arg9[%swap3A_44], %swap3A_47 {strides = array<i32>} : memref<128xi32, #tpu.memory_space<vmem>>, vector<16xi32>,
      %get3A_48 = arith.constant 32 : index
      %get3A_49 = tpu.vector_load %arg8[%get3A_48] {strides = array<i32>} : memref<128xi32, #tpu.memory_space<vmem>>, vector<16xi32>,
      %get3A_50 = vector.shape_cast %get3A_49 : vector<16xi32> to vector<16xi32>
      %shift_right_logical3A_51 = arith.constant 3 : i32
      %shift_right_logical3A_52 = vector.broadcast %shift_right_logical3A_51 : i32 to vector<16xi32>
      %shift_right_logical3A_53 = arith.shrui %get3A_50, %shift_right_logical3A_52 : vector<16xi32>
      %swap3A_54 = arith.constant 32 : index
      %swap3A_55 = tpu.vector_load %arg9[%swap3A_54] {strides = array<i32>} : memref<128xi32, #tpu.memory_space<vmem>>, vector<16xi32>,
      %swap3A_56 = vector.shape_cast %swap3A_55 : vector<16xi32> to vector<16xi32>
      %swap3A_57 = vector.shape_cast %shift_right_logical3A_53 : vector<16xi32> to vector<16xi32>
      tpu.vector_store %arg9[%swap3A_54], %swap3A_57 {strides = array<i32>} : memref<128xi32, #tpu.memory_space<vmem>>, vector<16xi32>,
      %get3A_58 = arith.constant 48 : index
      %get3A_59 = tpu.vector_load %arg8[%get3A_58] {strides = array<i32>} : memref<128xi32, #tpu.memory_space<vmem>>, vector<16xi32>,
      %get3A_60 = vector.shape_cast %get3A_59 : vector<16xi32> to vector<16xi32>
      %shift_right_logical3A_61 = arith.constant 3 : i32
      %shift_right_logical3A_62 = vector.broadcast %shift_right_logical3A_61 : i32 to vector<16xi32>
      %shift_right_logical3A_63 = arith.shrui %get3A_60, %shift_right_logical3A_62 : vector<16xi32>
      %swap3A_64 = arith.constant 48 : index
      %swap3A_65 = tpu.vector_load %arg9[%swap3A_64] {strides = array<i32>} : memref<128xi32, #tpu.memory_space<vmem>>, vector<16xi32>,
      %swap3A_66 = vector.shape_cast %swap3A_65 : vector<16xi32> to vector<16xi32>
      %swap3A_67 = vector.shape_cast %shift_right_logical3A_63 : vector<16xi32> to vector<16xi32>
      tpu.vector_store %arg9[%swap3A_64], %swap3A_67 {strides = array<i32>} : memref<128xi32, #tpu.memory_space<vmem>>, vector<16xi32>,
      %get3A_68 = arith.constant 64 : index
      %get3A_69 = tpu.vector_load %arg8[%get3A_68] {strides = array<i32>} : memref<128xi32, #tpu.memory_space<vmem>>, vector<16xi32>,
      %get3A_70 = vector.shape_cast %get3A_69 : vector<16xi32> to vector<16xi32>
      %shift_right_logical3A_71 = arith.constant 3 : i32
      %shift_right_logical3A_72 = vector.broadcast %shift_right_logical3A_71 : i32 to vector<16xi32>
      %shift_right_logical3A_73 = arith.shrui %get3A_70, %shift_right_logical3A_72 : vector<16xi32>
      %swap3A_74 = arith.constant 64 : index
      %swap3A_75 = tpu.vector_load %arg9[%swap3A_74] {strides = array<i32>} : memref<128xi32, #tpu.memory_space<vmem>>, vector<16xi32>,
      %swap3A_76 = vector.shape_cast %swap3A_75 : vector<16xi32> to vector<16xi32>
      %swap3A_77 = vector.shape_cast %shift_right_logical3A_73 : vector<16xi32> to vector<16xi32>
      tpu.vector_store %arg9[%swap3A_74], %swap3A_77 {strides = array<i32>} : memref<128xi32, #tpu.memory_space<vmem>>, vector<16xi32>,
      %get3A_78 = arith.constant 80 : index
      %get3A_79 = tpu.vector_load %arg8[%get3A_78] {strides = array<i32>} : memref<128xi32, #tpu.memory_space<vmem>>, vector<16xi32>,
      %get3A_80 = vector.shape_cast %get3A_79 : vector<16xi32> to vector<16xi32>
      %shift_right_logical3A_81 = arith.constant 3 : i32
      %shift_right_logical3A_82 = vector.broadcast %shift_right_logical3A_81 : i32 to vector<16xi32>
      %shift_right_logical3A_83 = arith.shrui %get3A_80, %shift_right_logical3A_82 : vector<16xi32>
      %swap3A_84 = arith.constant 80 : index
      %swap3A_85 = tpu.vector_load %arg9[%swap3A_84] {strides = array<i32>} : memref<128xi32, #tpu.memory_space<vmem>>, vector<16xi32>,
      %swap3A_86 = vector.shape_cast %swap3A_85 : vector<16xi32> to vector<16xi32>
      %swap3A_87 = vector.shape_cast %shift_right_logical3A_83 : vector<16xi32> to vector<16xi32>
      tpu.vector_store %arg9[%swap3A_84], %swap3A_87 {strides = array<i32>} : memref<128xi32, #tpu.memory_space<vmem>>, vector<16xi32>,
      %get3A_88 = arith.constant 96 : index
      %get3A_89 = tpu.vector_load %arg8[%get3A_88] {strides = array<i32>} : memref<128xi32, #tpu.memory_space<vmem>>, vector<16xi32>,
      %get3A_90 = vector.shape_cast %get3A_89 : vector<16xi32> to vector<16xi32>
      %shift_right_logical3A_91 = arith.constant 3 : i32
      %shift_right_logical3A_92 = vector.broadcast %shift_right_logical3A_91 : i32 to vector<16xi32>
      %shift_right_logical3A_93 = arith.shrui %get3A_90, %shift_right_logical3A_92 : vector<16xi32>
      %swap3A_94 = arith.constant 96 : index
      %swap3A_95 = tpu.vector_load %arg9[%swap3A_94] {strides = array<i32>} : memref<128xi32, #tpu.memory_space<vmem>>, vector<16xi32>,
      %swap3A_96 = vector.shape_cast %swap3A_95 : vector<16xi32> to vector<16xi32>
      %swap3A_97 = vector.shape_cast %shift_right_logical3A_93 : vector<16xi32> to vector<16xi32>
      tpu.vector_store %arg9[%swap3A_94], %swap3A_97 {strides = array<i32>} : memref<128xi32, #tpu.memory_space<vmem>>, vector<16xi32>,
      %get3A_98 = arith.constant 112 : index
      %get3A_99 = tpu.vector_load %arg8[%get3A_98] {strides = array<i32>} : memref<128xi32, #tpu.memory_space<vmem>>, vector<16xi32>,
      %get3A_100 = vector.shape_cast %get3A_99 : vector<16xi32> to vector<16xi32>
      %shift_right_logical3A_101 = arith.constant 3 : i32
      %shift_right_logical3A_102 = vector.broadcast %shift_right_logical3A_101 : i32 to vector<16xi32>
      %shift_right_logical3A_103 = arith.shrui %get3A_100, %shift_right_logical3A_102 : vector<16xi32>
      %swap3A_104 = arith.constant 112 : index
      %swap3A_105 = tpu.vector_load %arg9[%swap3A_104] {strides = array<i32>} : memref<128xi32, #tpu.memory_space<vmem>>, vector<16xi32>,
      %swap3A_106 = vector.shape_cast %swap3A_105 : vector<16xi32> to vector<16xi32>
      %swap3A_107 = vector.shape_cast %shift_right_logical3A_103 : vector<16xi32> to vector<16xi32>
      tpu.vector_store %arg9[%swap3A_104], %swap3A_107 {strides = array<i32>} : memref<128xi32, #tpu.memory_space<vmem>>, vector<16xi32>,
      "tpu.region"() ({
        %run_scoped3A = tpu.sem_alloc : memref<!tpu.dma_semaphore, #tpu.memory_space<semaphore_mem>>
        %dma_start3A = arith.constant 0 : i32
        %dma_start3A_108 = arith.constant 0 : i32
        %dma_start3A_109 = tpu.memref_slice %arg12[%dma_start3A, %dma_start3A_108] : memref<10240x128xf32, #tpu.memory_space<vmem_shared>> -> memref<10240x128xf32, #tpu.memory_space<vmem_shared>>
        tpu.enqueue_indirect_dma source(%arg10 : memref<128x128xf32, #tpu.memory_space<vmem>>) target(%dma_start3A_109 : memref<10240x128xf32, #tpu.memory_space<vmem_shared>>) offsets(%arg8 : memref<128xi32, #tpu.memory_space<vmem>>) semaphore(%run_scoped3A : memref<!tpu.dma_semaphore, #tpu.memory_space<semaphore_mem>>) {add = true}
        %dma_wait3A = arith.constant 0 : i32
        %dma_wait3A_110 = arith.constant 0 : i32
        %dma_wait3A_111 = tpu.memref_slice %arg12[%dma_wait3A, %dma_wait3A_110] : memref<10240x128xf32, #tpu.memory_space<vmem_shared>> -> memref<10240x128xf32, #tpu.memory_space<vmem_shared>>
        tpu.wait_indirect_dma semaphore(%run_scoped3A : memref<!tpu.dma_semaphore, #tpu.memory_space<semaphore_mem>>) src(%arg10 : memref<128x128xf32, #tpu.memory_space<vmem>>) dst(%dma_wait3A_111 : memref<10240x128xf32, #tpu.memory_space<vmem_shared>>)
        tpu.yield
      }) : () -> ()
      "tpu.region"() ({
        %run_scoped3A = tpu.sem_alloc : memref<!tpu.dma_semaphore, #tpu.memory_space<semaphore_mem>>
        %dma_start3A = arith.constant 0 : i32
        %dma_start3A_108 = arith.constant 0 : i32
        %dma_start3A_109 = tpu.memref_slice %arg13[%dma_start3A, %dma_start3A_108] : memref<1280x128xf32, #tpu.memory_space<vmem_shared>> -> memref<1280x128xf32, #tpu.memory_space<vmem_shared>>
        tpu.enqueue_indirect_dma source(%arg11 : memref<128x128xf32, #tpu.memory_space<vmem>>) target(%dma_start3A_109 : memref<1280x128xf32, #tpu.memory_space<vmem_shared>>) offsets(%arg9 : memref<128xi32, #tpu.memory_space<vmem>>) semaphore(%run_scoped3A : memref<!tpu.dma_semaphore, #tpu.memory_space<semaphore_mem>>) {add = true}
        %dma_wait3A = arith.constant 0 : i32
        %dma_wait3A_110 = arith.constant 0 : i32
        %dma_wait3A_111 = tpu.memref_slice %arg13[%dma_wait3A, %dma_wait3A_110] : memref<1280x128xf32, #tpu.memory_space<vmem_shared>> -> memref<1280x128xf32, #tpu.memory_space<vmem_shared>>
        tpu.wait_indirect_dma semaphore(%run_scoped3A : memref<!tpu.dma_semaphore, #tpu.memory_space<semaphore_mem>>) src(%arg11 : memref<128x128xf32, #tpu.memory_space<vmem>>) dst(%dma_wait3A_111 : memref<1280x128xf32, #tpu.memory_space<vmem_shared>>)
        tpu.yield
      }) : () -> ()
    }
    %while3A_15 = arith.constant 1 : i32
    scf.for %while3A_25 = %while3A_13 to %while3A_9 step %while3A_15  : i32 {
      %mul3A_26 = arith.constant 32 : i32
      %mul3A_27 = arith.muli %mul3A_26, %while3A_25 : i32
      %add3A_28 = arith.addi %add3A, %mul3A_27 : i32
      %mul3A_29 = arith.constant 128 : i32
      %mul3A_30 = arith.muli %add3A_28, %mul3A_29 : i32
      "tpu.region"() ({
        %run_scoped3A = tpu.sem_alloc : memref<!tpu.dma_semaphore, #tpu.memory_space<semaphore_mem>>
        %dma_start3A = tpu.memref_slice %arg4[%mul3A_30] : memref<160000xi32, #tpu.memory_space<hbm>> -> memref<128xi32, #tpu.memory_space<hbm>>
        %dma_start3A_108 = tpu.memref_slice %arg4[%mul3A_30] : memref<160000xi32, #tpu.memory_space<hbm>> -> memref<128xi32, #tpu.memory_space<hbm>>
        tpu.enqueue_dma source(%dma_start3A_108 : memref<128xi32, #tpu.memory_space<hbm>>) target(%arg8 : memref<128xi32, #tpu.memory_space<vmem>>) target_semaphore(%run_scoped3A : memref<!tpu.dma_semaphore, #tpu.memory_space<semaphore_mem>>)
        %dma_wait3A = tpu.memref_slice %arg4[%mul3A_30] : memref<160000xi32, #tpu.memory_space<hbm>> -> memref<128xi32, #tpu.memory_space<hbm>>
        %dma_wait3A_109 = tpu.memref_slice %arg4[%mul3A_30] : memref<160000xi32, #tpu.memory_space<hbm>> -> memref<128xi32, #tpu.memory_space<hbm>>
        tpu.wait_dma2 semaphore(%run_scoped3A : memref<!tpu.dma_semaphore, #tpu.memory_space<semaphore_mem>>) src(%dma_wait3A_109 : memref<128xi32, #tpu.memory_space<hbm>>) dst(%arg8 : memref<128xi32, #tpu.memory_space<vmem>>)
        tpu.yield
      }) : () -> ()
      "tpu.region"() ({
        %run_scoped3A = tpu.sem_alloc : memref<!tpu.dma_semaphore, #tpu.memory_space<semaphore_mem>>
        %dma_start3A = arith.constant 0 : i32
        %dma_start3A_108 = tpu.memref_slice %arg2[%mul3A_30, %dma_start3A] : memref<160000x128xf32, #tpu.memory_space<hbm>> -> memref<128x128xf32, #tpu.memory_space<hbm>>
        %dma_start3A_109 = arith.constant 0 : i32
        %dma_start3A_110 = tpu.memref_slice %arg2[%mul3A_30, %dma_start3A_109] : memref<160000x128xf32, #tpu.memory_space<hbm>> -> memref<128x128xf32, #tpu.memory_space<hbm>>
        tpu.enqueue_dma source(%dma_start3A_110 : memref<128x128xf32, #tpu.memory_space<hbm>>) target(%arg10 : memref<128x128xf32, #tpu.memory_space<vmem>>) target_semaphore(%run_scoped3A : memref<!tpu.dma_semaphore, #tpu.memory_space<semaphore_mem>>)
        %dma_wait3A = arith.constant 0 : i32
        %dma_wait3A_111 = tpu.memref_slice %arg2[%mul3A_30, %dma_wait3A] : memref<160000x128xf32, #tpu.memory_space<hbm>> -> memref<128x128xf32, #tpu.memory_space<hbm>>
        %dma_wait3A_112 = arith.constant 0 : i32
        %dma_wait3A_113 = tpu.memref_slice %arg2[%mul3A_30, %dma_wait3A_112] : memref<160000x128xf32, #tpu.memory_space<hbm>> -> memref<128x128xf32, #tpu.memory_space<hbm>>
        tpu.wait_dma2 semaphore(%run_scoped3A : memref<!tpu.dma_semaphore, #tpu.memory_space<semaphore_mem>>) src(%dma_wait3A_113 : memref<128x128xf32, #tpu.memory_space<hbm>>) dst(%arg10 : memref<128x128xf32, #tpu.memory_space<vmem>>)
        tpu.yield
      }) : () -> ()
      "tpu.region"() ({
        %run_scoped3A = tpu.sem_alloc : memref<!tpu.dma_semaphore, #tpu.memory_space<semaphore_mem>>
        %dma_start3A = arith.constant 0 : i32
        %dma_start3A_108 = tpu.memref_slice %arg3[%mul3A_30, %dma_start3A] : memref<160000x128xf32, #tpu.memory_space<hbm>> -> memref<128x128xf32, #tpu.memory_space<hbm>>
        %dma_start3A_109 = arith.constant 0 : i32
        %dma_start3A_110 = tpu.memref_slice %arg3[%mul3A_30, %dma_start3A_109] : memref<160000x128xf32, #tpu.memory_space<hbm>> -> memref<128x128xf32, #tpu.memory_space<hbm>>
        tpu.enqueue_dma source(%dma_start3A_110 : memref<128x128xf32, #tpu.memory_space<hbm>>) target(%arg11 : memref<128x128xf32, #tpu.memory_space<vmem>>) target_semaphore(%run_scoped3A : memref<!tpu.dma_semaphore, #tpu.memory_space<semaphore_mem>>)
        %dma_wait3A = arith.constant 0 : i32
        %dma_wait3A_111 = tpu.memref_slice %arg3[%mul3A_30, %dma_wait3A] : memref<160000x128xf32, #tpu.memory_space<hbm>> -> memref<128x128xf32, #tpu.memory_space<hbm>>
        %dma_wait3A_112 = arith.constant 0 : i32
        %dma_wait3A_113 = tpu.memref_slice %arg3[%mul3A_30, %dma_wait3A_112] : memref<160000x128xf32, #tpu.memory_space<hbm>> -> memref<128x128xf32, #tpu.memory_space<hbm>>
        tpu.wait_dma2 semaphore(%run_scoped3A : memref<!tpu.dma_semaphore, #tpu.memory_space<semaphore_mem>>) src(%dma_wait3A_113 : memref<128x128xf32, #tpu.memory_space<hbm>>) dst(%arg11 : memref<128x128xf32, #tpu.memory_space<vmem>>)
        tpu.yield
      }) : () -> ()
      %get3A = arith.constant 0 : index
      %get3A_31 = tpu.vector_load %arg8[%get3A] {strides = array<i32>} : memref<128xi32, #tpu.memory_space<vmem>>, vector<16xi32>,
      %get3A_32 = vector.shape_cast %get3A_31 : vector<16xi32> to vector<16xi32>
      %shift_right_logical3A = arith.constant 3 : i32
      %shift_right_logical3A_33 = vector.broadcast %shift_right_logical3A : i32 to vector<16xi32>
      %shift_right_logical3A_34 = arith.shrui %get3A_32, %shift_right_logical3A_33 : vector<16xi32>
      %swap3A = arith.constant 0 : index
      %swap3A_35 = tpu.vector_load %arg9[%swap3A] {strides = array<i32>} : memref<128xi32, #tpu.memory_space<vmem>>, vector<16xi32>,
      %swap3A_36 = vector.shape_cast %swap3A_35 : vector<16xi32> to vector<16xi32>
      %swap3A_37 = vector.shape_cast %shift_right_logical3A_34 : vector<16xi32> to vector<16xi32>
      tpu.vector_store %arg9[%swap3A], %swap3A_37 {strides = array<i32>} : memref<128xi32, #tpu.memory_space<vmem>>, vector<16xi32>,
      %get3A_38 = arith.constant 16 : index
      %get3A_39 = tpu.vector_load %arg8[%get3A_38] {strides = array<i32>} : memref<128xi32, #tpu.memory_space<vmem>>, vector<16xi32>,
      %get3A_40 = vector.shape_cast %get3A_39 : vector<16xi32> to vector<16xi32>
      %shift_right_logical3A_41 = arith.constant 3 : i32
      %shift_right_logical3A_42 = vector.broadcast %shift_right_logical3A_41 : i32 to vector<16xi32>
      %shift_right_logical3A_43 = arith.shrui %get3A_40, %shift_right_logical3A_42 : vector<16xi32>
      %swap3A_44 = arith.constant 16 : index
      %swap3A_45 = tpu.vector_load %arg9[%swap3A_44] {strides = array<i32>} : memref<128xi32, #tpu.memory_space<vmem>>, vector<16xi32>,
      %swap3A_46 = vector.shape_cast %swap3A_45 : vector<16xi32> to vector<16xi32>
      %swap3A_47 = vector.shape_cast %shift_right_logical3A_43 : vector<16xi32> to vector<16xi32>
      tpu.vector_store %arg9[%swap3A_44], %swap3A_47 {strides = array<i32>} : memref<128xi32, #tpu.memory_space<vmem>>, vector<16xi32>,
      %get3A_48 = arith.constant 32 : index
      %get3A_49 = tpu.vector_load %arg8[%get3A_48] {strides = array<i32>} : memref<128xi32, #tpu.memory_space<vmem>>, vector<16xi32>,
      %get3A_50 = vector.shape_cast %get3A_49 : vector<16xi32> to vector<16xi32>
      %shift_right_logical3A_51 = arith.constant 3 : i32
      %shift_right_logical3A_52 = vector.broadcast %shift_right_logical3A_51 : i32 to vector<16xi32>
      %shift_right_logical3A_53 = arith.shrui %get3A_50, %shift_right_logical3A_52 : vector<16xi32>
      %swap3A_54 = arith.constant 32 : index
      %swap3A_55 = tpu.vector_load %arg9[%swap3A_54] {strides = array<i32>} : memref<128xi32, #tpu.memory_space<vmem>>, vector<16xi32>,
      %swap3A_56 = vector.shape_cast %swap3A_55 : vector<16xi32> to vector<16xi32>
      %swap3A_57 = vector.shape_cast %shift_right_logical3A_53 : vector<16xi32> to vector<16xi32>
      tpu.vector_store %arg9[%swap3A_54], %swap3A_57 {strides = array<i32>} : memref<128xi32, #tpu.memory_space<vmem>>, vector<16xi32>,
      %get3A_58 = arith.constant 48 : index
      %get3A_59 = tpu.vector_load %arg8[%get3A_58] {strides = array<i32>} : memref<128xi32, #tpu.memory_space<vmem>>, vector<16xi32>,
      %get3A_60 = vector.shape_cast %get3A_59 : vector<16xi32> to vector<16xi32>
      %shift_right_logical3A_61 = arith.constant 3 : i32
      %shift_right_logical3A_62 = vector.broadcast %shift_right_logical3A_61 : i32 to vector<16xi32>
      %shift_right_logical3A_63 = arith.shrui %get3A_60, %shift_right_logical3A_62 : vector<16xi32>
      %swap3A_64 = arith.constant 48 : index
      %swap3A_65 = tpu.vector_load %arg9[%swap3A_64] {strides = array<i32>} : memref<128xi32, #tpu.memory_space<vmem>>, vector<16xi32>,
      %swap3A_66 = vector.shape_cast %swap3A_65 : vector<16xi32> to vector<16xi32>
      %swap3A_67 = vector.shape_cast %shift_right_logical3A_63 : vector<16xi32> to vector<16xi32>
      tpu.vector_store %arg9[%swap3A_64], %swap3A_67 {strides = array<i32>} : memref<128xi32, #tpu.memory_space<vmem>>, vector<16xi32>,
      %get3A_68 = arith.constant 64 : index
      %get3A_69 = tpu.vector_load %arg8[%get3A_68] {strides = array<i32>} : memref<128xi32, #tpu.memory_space<vmem>>, vector<16xi32>,
      %get3A_70 = vector.shape_cast %get3A_69 : vector<16xi32> to vector<16xi32>
      %shift_right_logical3A_71 = arith.constant 3 : i32
      %shift_right_logical3A_72 = vector.broadcast %shift_right_logical3A_71 : i32 to vector<16xi32>
      %shift_right_logical3A_73 = arith.shrui %get3A_70, %shift_right_logical3A_72 : vector<16xi32>
      %swap3A_74 = arith.constant 64 : index
      %swap3A_75 = tpu.vector_load %arg9[%swap3A_74] {strides = array<i32>} : memref<128xi32, #tpu.memory_space<vmem>>, vector<16xi32>,
      %swap3A_76 = vector.shape_cast %swap3A_75 : vector<16xi32> to vector<16xi32>
      %swap3A_77 = vector.shape_cast %shift_right_logical3A_73 : vector<16xi32> to vector<16xi32>
      tpu.vector_store %arg9[%swap3A_74], %swap3A_77 {strides = array<i32>} : memref<128xi32, #tpu.memory_space<vmem>>, vector<16xi32>,
      %get3A_78 = arith.constant 80 : index
      %get3A_79 = tpu.vector_load %arg8[%get3A_78] {strides = array<i32>} : memref<128xi32, #tpu.memory_space<vmem>>, vector<16xi32>,
      %get3A_80 = vector.shape_cast %get3A_79 : vector<16xi32> to vector<16xi32>
      %shift_right_logical3A_81 = arith.constant 3 : i32
      %shift_right_logical3A_82 = vector.broadcast %shift_right_logical3A_81 : i32 to vector<16xi32>
      %shift_right_logical3A_83 = arith.shrui %get3A_80, %shift_right_logical3A_82 : vector<16xi32>
      %swap3A_84 = arith.constant 80 : index
      %swap3A_85 = tpu.vector_load %arg9[%swap3A_84] {strides = array<i32>} : memref<128xi32, #tpu.memory_space<vmem>>, vector<16xi32>,
      %swap3A_86 = vector.shape_cast %swap3A_85 : vector<16xi32> to vector<16xi32>
      %swap3A_87 = vector.shape_cast %shift_right_logical3A_83 : vector<16xi32> to vector<16xi32>
      tpu.vector_store %arg9[%swap3A_84], %swap3A_87 {strides = array<i32>} : memref<128xi32, #tpu.memory_space<vmem>>, vector<16xi32>,
      %get3A_88 = arith.constant 96 : index
      %get3A_89 = tpu.vector_load %arg8[%get3A_88] {strides = array<i32>} : memref<128xi32, #tpu.memory_space<vmem>>, vector<16xi32>,
      %get3A_90 = vector.shape_cast %get3A_89 : vector<16xi32> to vector<16xi32>
      %shift_right_logical3A_91 = arith.constant 3 : i32
      %shift_right_logical3A_92 = vector.broadcast %shift_right_logical3A_91 : i32 to vector<16xi32>
      %shift_right_logical3A_93 = arith.shrui %get3A_90, %shift_right_logical3A_92 : vector<16xi32>
      %swap3A_94 = arith.constant 96 : index
      %swap3A_95 = tpu.vector_load %arg9[%swap3A_94] {strides = array<i32>} : memref<128xi32, #tpu.memory_space<vmem>>, vector<16xi32>,
      %swap3A_96 = vector.shape_cast %swap3A_95 : vector<16xi32> to vector<16xi32>
      %swap3A_97 = vector.shape_cast %shift_right_logical3A_93 : vector<16xi32> to vector<16xi32>
      tpu.vector_store %arg9[%swap3A_94], %swap3A_97 {strides = array<i32>} : memref<128xi32, #tpu.memory_space<vmem>>, vector<16xi32>,
      %get3A_98 = arith.constant 112 : index
      %get3A_99 = tpu.vector_load %arg8[%get3A_98] {strides = array<i32>} : memref<128xi32, #tpu.memory_space<vmem>>, vector<16xi32>,
      %get3A_100 = vector.shape_cast %get3A_99 : vector<16xi32> to vector<16xi32>
      %shift_right_logical3A_101 = arith.constant 3 : i32
      %shift_right_logical3A_102 = vector.broadcast %shift_right_logical3A_101 : i32 to vector<16xi32>
      %shift_right_logical3A_103 = arith.shrui %get3A_100, %shift_right_logical3A_102 : vector<16xi32>
      %swap3A_104 = arith.constant 112 : index
      %swap3A_105 = tpu.vector_load %arg9[%swap3A_104] {strides = array<i32>} : memref<128xi32, #tpu.memory_space<vmem>>, vector<16xi32>,
      %swap3A_106 = vector.shape_cast %swap3A_105 : vector<16xi32> to vector<16xi32>
      %swap3A_107 = vector.shape_cast %shift_right_logical3A_103 : vector<16xi32> to vector<16xi32>
      tpu.vector_store %arg9[%swap3A_104], %swap3A_107 {strides = array<i32>} : memref<128xi32, #tpu.memory_space<vmem>>, vector<16xi32>,
      "tpu.region"() ({
        %run_scoped3A = tpu.sem_alloc : memref<!tpu.dma_semaphore, #tpu.memory_space<semaphore_mem>>
        %dma_start3A = arith.constant 0 : i32
        %dma_start3A_108 = arith.constant 0 : i32
        %dma_start3A_109 = tpu.memref_slice %arg12[%dma_start3A, %dma_start3A_108] : memref<10240x128xf32, #tpu.memory_space<vmem_shared>> -> memref<10240x128xf32, #tpu.memory_space<vmem_shared>>
        tpu.enqueue_indirect_dma source(%arg10 : memref<128x128xf32, #tpu.memory_space<vmem>>) target(%dma_start3A_109 : memref<10240x128xf32, #tpu.memory_space<vmem_shared>>) offsets(%arg8 : memref<128xi32, #tpu.memory_space<vmem>>) semaphore(%run_scoped3A : memref<!tpu.dma_semaphore, #tpu.memory_space<semaphore_mem>>) {add = true}
        %dma_wait3A = arith.constant 0 : i32
        %dma_wait3A_110 = arith.constant 0 : i32
        %dma_wait3A_111 = tpu.memref_slice %arg12[%dma_wait3A, %dma_wait3A_110] : memref<10240x128xf32, #tpu.memory_space<vmem_shared>> -> memref<10240x128xf32, #tpu.memory_space<vmem_shared>>
        tpu.wait_indirect_dma semaphore(%run_scoped3A : memref<!tpu.dma_semaphore, #tpu.memory_space<semaphore_mem>>) src(%arg10 : memref<128x128xf32, #tpu.memory_space<vmem>>) dst(%dma_wait3A_111 : memref<10240x128xf32, #tpu.memory_space<vmem_shared>>)
        tpu.yield
      }) : () -> ()
      "tpu.region"() ({
        %run_scoped3A = tpu.sem_alloc : memref<!tpu.dma_semaphore, #tpu.memory_space<semaphore_mem>>
        %dma_start3A = arith.constant 0 : i32
        %dma_start3A_108 = arith.constant 0 : i32
        %dma_start3A_109 = tpu.memref_slice %arg13[%dma_start3A, %dma_start3A_108] : memref<1280x128xf32, #tpu.memory_space<vmem_shared>> -> memref<1280x128xf32, #tpu.memory_space<vmem_shared>>
        tpu.enqueue_indirect_dma source(%arg11 : memref<128x128xf32, #tpu.memory_space<vmem>>) target(%dma_start3A_109 : memref<1280x128xf32, #tpu.memory_space<vmem_shared>>) offsets(%arg9 : memref<128xi32, #tpu.memory_space<vmem>>) semaphore(%run_scoped3A : memref<!tpu.dma_semaphore, #tpu.memory_space<semaphore_mem>>) {add = true}
        %dma_wait3A = arith.constant 0 : i32
        %dma_wait3A_110 = arith.constant 0 : i32
        %dma_wait3A_111 = tpu.memref_slice %arg13[%dma_wait3A, %dma_wait3A_110] : memref<1280x128xf32, #tpu.memory_space<vmem_shared>> -> memref<1280x128xf32, #tpu.memory_space<vmem_shared>>
        tpu.wait_indirect_dma semaphore(%run_scoped3A : memref<!tpu.dma_semaphore, #tpu.memory_space<semaphore_mem>>) src(%arg11 : memref<128x128xf32, #tpu.memory_space<vmem>>) dst(%dma_wait3A_111 : memref<1280x128xf32, #tpu.memory_space<vmem_shared>>)
        tpu.yield
      }) : () -> ()
    }
    %barrier3A_16 = arith.constant 0 : index
    tpu.barrier barrier_id(%barrier3A_16)
    %mul3A_17 = arith.constant 640 : i32
    %mul3A_18 = arith.muli %arg1, %mul3A_17 : i32
    %mul3A_19 = arith.constant 640 : i32
    %mul3A_20 = arith.muli %arg1, %mul3A_19 : i32
    "tpu.region"() ({
      %run_scoped3A = tpu.sem_alloc : memref<!tpu.dma_semaphore, #tpu.memory_space<semaphore_mem>>
      %dma_start3A = arith.constant 0 : i32
      %dma_start3A_25 = tpu.memref_slice %arg6[%arg0, %mul3A_20, %dma_start3A] : memref<2x10240x128xf32, #tpu.memory_space<hbm>> -> memref<1x640x128xf32, #tpu.memory_space<hbm>>
      %dma_start3A_26 = tpu.memref_squeeze %dma_start3A_25 : memref<1x640x128xf32, #tpu.memory_space<hbm>> -> memref<640x128xf32, #tpu.memory_space<hbm>>
      %dma_start3A_27 = arith.constant 0 : i32
      %dma_start3A_28 = tpu.memref_slice %arg12[%mul3A_18, %dma_start3A_27] : memref<10240x128xf32, #tpu.memory_space<vmem_shared>> -> memref<640x128xf32, #tpu.memory_space<vmem_shared>>
      tpu.enqueue_dma source(%dma_start3A_28 : memref<640x128xf32, #tpu.memory_space<vmem_shared>>) target(%dma_start3A_26 : memref<640x128xf32, #tpu.memory_space<hbm>>) target_semaphore(%run_scoped3A : memref<!tpu.dma_semaphore, #tpu.memory_space<semaphore_mem>>)
      %dma_wait3A = arith.constant 0 : i32
      %dma_wait3A_29 = tpu.memref_slice %arg6[%arg0, %mul3A_20, %dma_wait3A] : memref<2x10240x128xf32, #tpu.memory_space<hbm>> -> memref<1x640x128xf32, #tpu.memory_space<hbm>>
      %dma_wait3A_30 = tpu.memref_squeeze %dma_wait3A_29 : memref<1x640x128xf32, #tpu.memory_space<hbm>> -> memref<640x128xf32, #tpu.memory_space<hbm>>
      %dma_wait3A_31 = arith.constant 0 : i32
      %dma_wait3A_32 = tpu.memref_slice %arg12[%mul3A_18, %dma_wait3A_31] : memref<10240x128xf32, #tpu.memory_space<vmem_shared>> -> memref<640x128xf32, #tpu.memory_space<vmem_shared>>
      tpu.wait_dma2 semaphore(%run_scoped3A : memref<!tpu.dma_semaphore, #tpu.memory_space<semaphore_mem>>) src(%dma_wait3A_32 : memref<640x128xf32, #tpu.memory_space<vmem_shared>>) dst(%dma_wait3A_30 : memref<640x128xf32, #tpu.memory_space<hbm>>)
      tpu.yield
    }) : () -> ()
    %mul3A_21 = arith.constant 80 : i32
    %mul3A_22 = arith.muli %arg1, %mul3A_21 : i32
    %mul3A_23 = arith.constant 80 : i32
    %mul3A_24 = arith.muli %arg1, %mul3A_23 : i32
    "tpu.region"() ({
      %run_scoped3A = tpu.sem_alloc : memref<!tpu.dma_semaphore, #tpu.memory_space<semaphore_mem>>
      %dma_start3A = arith.constant 0 : i32
      %dma_start3A_25 = tpu.memref_slice %arg7[%arg0, %mul3A_24, %dma_start3A] : memref<2x1280x128xf32, #tpu.memory_space<hbm>> -> memref<1x80x128xf32, #tpu.memory_space<hbm>>
      %dma_start3A_26 = tpu.memref_squeeze %dma_start3A_25 : memref<1x80x128xf32, #tpu.memory_space<hbm>> -> memref<80x128xf32, #tpu.memory_space<hbm>>
      %dma_start3A_27 = arith.constant 0 : i32
      %dma_start3A_28 = tpu.memref_slice %arg13[%mul3A_22, %dma_start3A_27] : memref<1280x128xf32, #tpu.memory_space<vmem_shared>> -> memref<80x128xf32, #tpu.memory_space<vmem_shared>>
      tpu.enqueue_dma source(%dma_start3A_28 : memref<80x128xf32, #tpu.memory_space<vmem_shared>>) target(%dma_start3A_26 : memref<80x128xf32, #tpu.memory_space<hbm>>) target_semaphore(%run_scoped3A : memref<!tpu.dma_semaphore, #tpu.memory_space<semaphore_mem>>)
      %dma_wait3A = arith.constant 0 : i32
      %dma_wait3A_29 = tpu.memref_slice %arg7[%arg0, %mul3A_24, %dma_wait3A] : memref<2x1280x128xf32, #tpu.memory_space<hbm>> -> memref<1x80x128xf32, #tpu.memory_space<hbm>>
      %dma_wait3A_30 = tpu.memref_squeeze %dma_wait3A_29 : memref<1x80x128xf32, #tpu.memory_space<hbm>> -> memref<80x128xf32, #tpu.memory_space<hbm>>
      %dma_wait3A_31 = arith.constant 0 : i32
      %dma_wait3A_32 = tpu.memref_slice %arg13[%mul3A_22, %dma_wait3A_31] : memref<1280x128xf32, #tpu.memory_space<vmem_shared>> -> memref<80x128xf32, #tpu.memory_space<vmem_shared>>
      tpu.wait_dma2 semaphore(%run_scoped3A : memref<!tpu.dma_semaphore, #tpu.memory_space<semaphore_mem>>) src(%dma_wait3A_32 : memref<80x128xf32, #tpu.memory_space<vmem_shared>>) dst(%dma_wait3A_30 : memref<80x128xf32, #tpu.memory_space<hbm>>)
      tpu.yield
    }) : () -> ()
    return
  }
}

#map = affine_map<(d0, d1) -> (0, 0)>
#map1 = affine_map<(d0, d1) -> (0)>
module attributes {stable_mosaic.version = 14 : i64} {
  func.func @gather_k(%arg0: i32, %arg1: i32, %arg2: memref<10000x128xf32, #tpu.memory_space<hbm>>, %arg3: memref<160000xi32, #tpu.memory_space<hbm>>, %arg4: memref<160000xi32, #tpu.memory_space<hbm>>, %arg5: memref<160000x128xf32, #tpu.memory_space<hbm>>, %arg6: memref<160000x128xf32, #tpu.memory_space<hbm>>, %arg7: memref<128xi32, #tpu.memory_space<vmem>>, %arg8: memref<128xi32, #tpu.memory_space<vmem>>, %arg9: memref<128x128xf32, #tpu.memory_space<vmem>>, %arg10: memref<128x128xf32, #tpu.memory_space<vmem>>, %arg11: memref<!tpu.dma_semaphore, #tpu.memory_space<semaphore_mem>>, %arg12: memref<!tpu.dma_semaphore, #tpu.memory_space<semaphore_mem>>) attributes {dimension_semantics = [#tpu.dimension_semantics<core_parallel>, #tpu.dimension_semantics<subcore_parallel>], iteration_bounds = array<i64: 2, 16>, scalar_prefetch = 0 : i64, scratch_operands = 6 : i64, tpu.core_type = #tpu.core_type<sc_vector_subcore>, window_params = [{transform_indices = #map}, {transform_indices = #map1}, {transform_indices = #map1}, {transform_indices = #map}, {transform_indices = #map}]} {
    %mul3A = arith.constant 2 : i32
    %mul3A_0 = arith.muli %arg1, %mul3A : i32
    %add3A = arith.addi %mul3A_0, %arg0 : i32
    %lt3A = arith.constant 2 : i32
    %lt3A_1 = arith.cmpi slt, %add3A, %lt3A : i32
    %jit3A = arith.constant 40 : i32
    %jit3A_2 = arith.constant 39 : i32
    %select_n3A = arith.select %lt3A_1, %jit3A, %jit3A_2 : i32
    %while3A = arith.constant 0 : i32
    %while3A_3 = arith.constant 0 : i32
    %while3A_4 = arith.subi %select_n3A, %while3A_3 : i32
    %while3A_5 = arith.addi %while3A_3, %while3A_4 : i32
    %while3A_6 = arith.constant 1 : i32
    %while3A_7 = arith.divsi %while3A_4, %while3A_6 : i32
    %while3A_8 = arith.muli %while3A_7, %while3A_6 : i32
    %while3A_9 = arith.addi %while3A_3, %while3A_8 : i32
    %while3A_10 = arith.constant 1 : i32
    scf.for %while3A_12 = %while3A_3 to %while3A_9 step %while3A_10  : i32 {
      %mul3A_13 = arith.constant 32 : i32
      %mul3A_14 = arith.muli %mul3A_13, %while3A_12 : i32
      %add3A_15 = arith.addi %add3A, %mul3A_14 : i32
      %mul3A_16 = arith.constant 128 : i32
      %mul3A_17 = arith.muli %add3A_15, %mul3A_16 : i32
      "tpu.region"() ({
        %run_scoped3A = tpu.sem_alloc : memref<!tpu.dma_semaphore, #tpu.memory_space<semaphore_mem>>
        %dma_start3A_28 = tpu.memref_slice %arg3[%mul3A_17] : memref<160000xi32, #tpu.memory_space<hbm>> -> memref<128xi32, #tpu.memory_space<hbm>>
        %dma_start3A_29 = tpu.memref_slice %arg3[%mul3A_17] : memref<160000xi32, #tpu.memory_space<hbm>> -> memref<128xi32, #tpu.memory_space<hbm>>
        tpu.enqueue_dma source(%dma_start3A_29 : memref<128xi32, #tpu.memory_space<hbm>>) target(%arg7 : memref<128xi32, #tpu.memory_space<vmem>>) target_semaphore(%run_scoped3A : memref<!tpu.dma_semaphore, #tpu.memory_space<semaphore_mem>>)
        %dma_wait3A_30 = tpu.memref_slice %arg3[%mul3A_17] : memref<160000xi32, #tpu.memory_space<hbm>> -> memref<128xi32, #tpu.memory_space<hbm>>
        %dma_wait3A_31 = tpu.memref_slice %arg3[%mul3A_17] : memref<160000xi32, #tpu.memory_space<hbm>> -> memref<128xi32, #tpu.memory_space<hbm>>
        tpu.wait_dma2 semaphore(%run_scoped3A : memref<!tpu.dma_semaphore, #tpu.memory_space<semaphore_mem>>) src(%dma_wait3A_31 : memref<128xi32, #tpu.memory_space<hbm>>) dst(%arg7 : memref<128xi32, #tpu.memory_space<vmem>>)
        tpu.yield
      }) : () -> ()
      "tpu.region"() ({
        %run_scoped3A = tpu.sem_alloc : memref<!tpu.dma_semaphore, #tpu.memory_space<semaphore_mem>>
        %dma_start3A_28 = tpu.memref_slice %arg4[%mul3A_17] : memref<160000xi32, #tpu.memory_space<hbm>> -> memref<128xi32, #tpu.memory_space<hbm>>
        %dma_start3A_29 = tpu.memref_slice %arg4[%mul3A_17] : memref<160000xi32, #tpu.memory_space<hbm>> -> memref<128xi32, #tpu.memory_space<hbm>>
        tpu.enqueue_dma source(%dma_start3A_29 : memref<128xi32, #tpu.memory_space<hbm>>) target(%arg8 : memref<128xi32, #tpu.memory_space<vmem>>) target_semaphore(%run_scoped3A : memref<!tpu.dma_semaphore, #tpu.memory_space<semaphore_mem>>)
        %dma_wait3A_30 = tpu.memref_slice %arg4[%mul3A_17] : memref<160000xi32, #tpu.memory_space<hbm>> -> memref<128xi32, #tpu.memory_space<hbm>>
        %dma_wait3A_31 = tpu.memref_slice %arg4[%mul3A_17] : memref<160000xi32, #tpu.memory_space<hbm>> -> memref<128xi32, #tpu.memory_space<hbm>>
        tpu.wait_dma2 semaphore(%run_scoped3A : memref<!tpu.dma_semaphore, #tpu.memory_space<semaphore_mem>>) src(%dma_wait3A_31 : memref<128xi32, #tpu.memory_space<hbm>>) dst(%arg8 : memref<128xi32, #tpu.memory_space<vmem>>)
        tpu.yield
      }) : () -> ()
      %dma_start3A = arith.constant 0 : i32
      %dma_start3A_18 = arith.constant 0 : i32
      %dma_start3A_19 = tpu.memref_slice %arg2[%dma_start3A, %dma_start3A_18] : memref<10000x128xf32, #tpu.memory_space<hbm>> -> memref<10000x128xf32, #tpu.memory_space<hbm>>
      tpu.enqueue_indirect_dma source(%dma_start3A_19 : memref<10000x128xf32, #tpu.memory_space<hbm>>) target(%arg9 : memref<128x128xf32, #tpu.memory_space<vmem>>) offsets(%arg7 : memref<128xi32, #tpu.memory_space<vmem>>) semaphore(%arg11 : memref<!tpu.dma_semaphore, #tpu.memory_space<semaphore_mem>>)
      %dma_start3A_20 = arith.constant 0 : i32
      %dma_start3A_21 = arith.constant 0 : i32
      %dma_start3A_22 = tpu.memref_slice %arg2[%dma_start3A_20, %dma_start3A_21] : memref<10000x128xf32, #tpu.memory_space<hbm>> -> memref<10000x128xf32, #tpu.memory_space<hbm>>
      tpu.enqueue_indirect_dma source(%dma_start3A_22 : memref<10000x128xf32, #tpu.memory_space<hbm>>) target(%arg10 : memref<128x128xf32, #tpu.memory_space<vmem>>) offsets(%arg8 : memref<128xi32, #tpu.memory_space<vmem>>) semaphore(%arg12 : memref<!tpu.dma_semaphore, #tpu.memory_space<semaphore_mem>>)
      %dma_wait3A = arith.constant 0 : i32
      %dma_wait3A_23 = arith.constant 0 : i32
      %dma_wait3A_24 = tpu.memref_slice %arg2[%dma_wait3A, %dma_wait3A_23] : memref<10000x128xf32, #tpu.memory_space<hbm>> -> memref<10000x128xf32, #tpu.memory_space<hbm>>
      tpu.wait_indirect_dma semaphore(%arg11 : memref<!tpu.dma_semaphore, #tpu.memory_space<semaphore_mem>>) src(%dma_wait3A_24 : memref<10000x128xf32, #tpu.memory_space<hbm>>) dst(%arg9 : memref<128x128xf32, #tpu.memory_space<vmem>>)
      %dma_wait3A_25 = arith.constant 0 : i32
      %dma_wait3A_26 = arith.constant 0 : i32
      %dma_wait3A_27 = tpu.memref_slice %arg2[%dma_wait3A_25, %dma_wait3A_26] : memref<10000x128xf32, #tpu.memory_space<hbm>> -> memref<10000x128xf32, #tpu.memory_space<hbm>>
      tpu.wait_indirect_dma semaphore(%arg12 : memref<!tpu.dma_semaphore, #tpu.memory_space<semaphore_mem>>) src(%dma_wait3A_27 : memref<10000x128xf32, #tpu.memory_space<hbm>>) dst(%arg10 : memref<128x128xf32, #tpu.memory_space<vmem>>)
      "tpu.region"() ({
        %run_scoped3A = tpu.sem_alloc : memref<!tpu.dma_semaphore, #tpu.memory_space<semaphore_mem>>
        %dma_start3A_28 = arith.constant 0 : i32
        %dma_start3A_29 = tpu.memref_slice %arg5[%mul3A_17, %dma_start3A_28] : memref<160000x128xf32, #tpu.memory_space<hbm>> -> memref<128x128xf32, #tpu.memory_space<hbm>>
        %dma_start3A_30 = arith.constant 0 : i32
        %dma_start3A_31 = tpu.memref_slice %arg5[%mul3A_17, %dma_start3A_30] : memref<160000x128xf32, #tpu.memory_space<hbm>> -> memref<128x128xf32, #tpu.memory_space<hbm>>
        tpu.enqueue_dma source(%arg9 : memref<128x128xf32, #tpu.memory_space<vmem>>) target(%dma_start3A_31 : memref<128x128xf32, #tpu.memory_space<hbm>>) target_semaphore(%run_scoped3A : memref<!tpu.dma_semaphore, #tpu.memory_space<semaphore_mem>>)
        %dma_wait3A_32 = arith.constant 0 : i32
        %dma_wait3A_33 = tpu.memref_slice %arg5[%mul3A_17, %dma_wait3A_32] : memref<160000x128xf32, #tpu.memory_space<hbm>> -> memref<128x128xf32, #tpu.memory_space<hbm>>
        %dma_wait3A_34 = arith.constant 0 : i32
        %dma_wait3A_35 = tpu.memref_slice %arg5[%mul3A_17, %dma_wait3A_34] : memref<160000x128xf32, #tpu.memory_space<hbm>> -> memref<128x128xf32, #tpu.memory_space<hbm>>
        tpu.wait_dma2 semaphore(%run_scoped3A : memref<!tpu.dma_semaphore, #tpu.memory_space<semaphore_mem>>) src(%arg9 : memref<128x128xf32, #tpu.memory_space<vmem>>) dst(%dma_wait3A_35 : memref<128x128xf32, #tpu.memory_space<hbm>>)
        tpu.yield
      }) : () -> ()
      "tpu.region"() ({
        %run_scoped3A = tpu.sem_alloc : memref<!tpu.dma_semaphore, #tpu.memory_space<semaphore_mem>>
        %dma_start3A_28 = arith.constant 0 : i32
        %dma_start3A_29 = tpu.memref_slice %arg6[%mul3A_17, %dma_start3A_28] : memref<160000x128xf32, #tpu.memory_space<hbm>> -> memref<128x128xf32, #tpu.memory_space<hbm>>
        %dma_start3A_30 = arith.constant 0 : i32
        %dma_start3A_31 = tpu.memref_slice %arg6[%mul3A_17, %dma_start3A_30] : memref<160000x128xf32, #tpu.memory_space<hbm>> -> memref<128x128xf32, #tpu.memory_space<hbm>>
        tpu.enqueue_dma source(%arg10 : memref<128x128xf32, #tpu.memory_space<vmem>>) target(%dma_start3A_31 : memref<128x128xf32, #tpu.memory_space<hbm>>) target_semaphore(%run_scoped3A : memref<!tpu.dma_semaphore, #tpu.memory_space<semaphore_mem>>)
        %dma_wait3A_32 = arith.constant 0 : i32
        %dma_wait3A_33 = tpu.memref_slice %arg6[%mul3A_17, %dma_wait3A_32] : memref<160000x128xf32, #tpu.memory_space<hbm>> -> memref<128x128xf32, #tpu.memory_space<hbm>>
        %dma_wait3A_34 = arith.constant 0 : i32
        %dma_wait3A_35 = tpu.memref_slice %arg6[%mul3A_17, %dma_wait3A_34] : memref<160000x128xf32, #tpu.memory_space<hbm>> -> memref<128x128xf32, #tpu.memory_space<hbm>>
        tpu.wait_dma2 semaphore(%run_scoped3A : memref<!tpu.dma_semaphore, #tpu.memory_space<semaphore_mem>>) src(%arg10 : memref<128x128xf32, #tpu.memory_space<vmem>>) dst(%dma_wait3A_35 : memref<128x128xf32, #tpu.memory_space<hbm>>)
        tpu.yield
      }) : () -> ()
    }
    %while3A_11 = arith.constant 1 : i32
    scf.for %while3A_12 = %while3A_9 to %while3A_5 step %while3A_11  : i32 {
      %mul3A_13 = arith.constant 32 : i32
      %mul3A_14 = arith.muli %mul3A_13, %while3A_12 : i32
      %add3A_15 = arith.addi %add3A, %mul3A_14 : i32
      %mul3A_16 = arith.constant 128 : i32
      %mul3A_17 = arith.muli %add3A_15, %mul3A_16 : i32
      "tpu.region"() ({
        %run_scoped3A = tpu.sem_alloc : memref<!tpu.dma_semaphore, #tpu.memory_space<semaphore_mem>>
        %dma_start3A_28 = tpu.memref_slice %arg3[%mul3A_17] : memref<160000xi32, #tpu.memory_space<hbm>> -> memref<128xi32, #tpu.memory_space<hbm>>
        %dma_start3A_29 = tpu.memref_slice %arg3[%mul3A_17] : memref<160000xi32, #tpu.memory_space<hbm>> -> memref<128xi32, #tpu.memory_space<hbm>>
        tpu.enqueue_dma source(%dma_start3A_29 : memref<128xi32, #tpu.memory_space<hbm>>) target(%arg7 : memref<128xi32, #tpu.memory_space<vmem>>) target_semaphore(%run_scoped3A : memref<!tpu.dma_semaphore, #tpu.memory_space<semaphore_mem>>)
        %dma_wait3A_30 = tpu.memref_slice %arg3[%mul3A_17] : memref<160000xi32, #tpu.memory_space<hbm>> -> memref<128xi32, #tpu.memory_space<hbm>>
        %dma_wait3A_31 = tpu.memref_slice %arg3[%mul3A_17] : memref<160000xi32, #tpu.memory_space<hbm>> -> memref<128xi32, #tpu.memory_space<hbm>>
        tpu.wait_dma2 semaphore(%run_scoped3A : memref<!tpu.dma_semaphore, #tpu.memory_space<semaphore_mem>>) src(%dma_wait3A_31 : memref<128xi32, #tpu.memory_space<hbm>>) dst(%arg7 : memref<128xi32, #tpu.memory_space<vmem>>)
        tpu.yield
      }) : () -> ()
      "tpu.region"() ({
        %run_scoped3A = tpu.sem_alloc : memref<!tpu.dma_semaphore, #tpu.memory_space<semaphore_mem>>
        %dma_start3A_28 = tpu.memref_slice %arg4[%mul3A_17] : memref<160000xi32, #tpu.memory_space<hbm>> -> memref<128xi32, #tpu.memory_space<hbm>>
        %dma_start3A_29 = tpu.memref_slice %arg4[%mul3A_17] : memref<160000xi32, #tpu.memory_space<hbm>> -> memref<128xi32, #tpu.memory_space<hbm>>
        tpu.enqueue_dma source(%dma_start3A_29 : memref<128xi32, #tpu.memory_space<hbm>>) target(%arg8 : memref<128xi32, #tpu.memory_space<vmem>>) target_semaphore(%run_scoped3A : memref<!tpu.dma_semaphore, #tpu.memory_space<semaphore_mem>>)
        %dma_wait3A_30 = tpu.memref_slice %arg4[%mul3A_17] : memref<160000xi32, #tpu.memory_space<hbm>> -> memref<128xi32, #tpu.memory_space<hbm>>
        %dma_wait3A_31 = tpu.memref_slice %arg4[%mul3A_17] : memref<160000xi32, #tpu.memory_space<hbm>> -> memref<128xi32, #tpu.memory_space<hbm>>
        tpu.wait_dma2 semaphore(%run_scoped3A : memref<!tpu.dma_semaphore, #tpu.memory_space<semaphore_mem>>) src(%dma_wait3A_31 : memref<128xi32, #tpu.memory_space<hbm>>) dst(%arg8 : memref<128xi32, #tpu.memory_space<vmem>>)
        tpu.yield
      }) : () -> ()
      %dma_start3A = arith.constant 0 : i32
      %dma_start3A_18 = arith.constant 0 : i32
      %dma_start3A_19 = tpu.memref_slice %arg2[%dma_start3A, %dma_start3A_18] : memref<10000x128xf32, #tpu.memory_space<hbm>> -> memref<10000x128xf32, #tpu.memory_space<hbm>>
      tpu.enqueue_indirect_dma source(%dma_start3A_19 : memref<10000x128xf32, #tpu.memory_space<hbm>>) target(%arg9 : memref<128x128xf32, #tpu.memory_space<vmem>>) offsets(%arg7 : memref<128xi32, #tpu.memory_space<vmem>>) semaphore(%arg11 : memref<!tpu.dma_semaphore, #tpu.memory_space<semaphore_mem>>)
      %dma_start3A_20 = arith.constant 0 : i32
      %dma_start3A_21 = arith.constant 0 : i32
      %dma_start3A_22 = tpu.memref_slice %arg2[%dma_start3A_20, %dma_start3A_21] : memref<10000x128xf32, #tpu.memory_space<hbm>> -> memref<10000x128xf32, #tpu.memory_space<hbm>>
      tpu.enqueue_indirect_dma source(%dma_start3A_22 : memref<10000x128xf32, #tpu.memory_space<hbm>>) target(%arg10 : memref<128x128xf32, #tpu.memory_space<vmem>>) offsets(%arg8 : memref<128xi32, #tpu.memory_space<vmem>>) semaphore(%arg12 : memref<!tpu.dma_semaphore, #tpu.memory_space<semaphore_mem>>)
      %dma_wait3A = arith.constant 0 : i32
      %dma_wait3A_23 = arith.constant 0 : i32
      %dma_wait3A_24 = tpu.memref_slice %arg2[%dma_wait3A, %dma_wait3A_23] : memref<10000x128xf32, #tpu.memory_space<hbm>> -> memref<10000x128xf32, #tpu.memory_space<hbm>>
      tpu.wait_indirect_dma semaphore(%arg11 : memref<!tpu.dma_semaphore, #tpu.memory_space<semaphore_mem>>) src(%dma_wait3A_24 : memref<10000x128xf32, #tpu.memory_space<hbm>>) dst(%arg9 : memref<128x128xf32, #tpu.memory_space<vmem>>)
      %dma_wait3A_25 = arith.constant 0 : i32
      %dma_wait3A_26 = arith.constant 0 : i32
      %dma_wait3A_27 = tpu.memref_slice %arg2[%dma_wait3A_25, %dma_wait3A_26] : memref<10000x128xf32, #tpu.memory_space<hbm>> -> memref<10000x128xf32, #tpu.memory_space<hbm>>
      tpu.wait_indirect_dma semaphore(%arg12 : memref<!tpu.dma_semaphore, #tpu.memory_space<semaphore_mem>>) src(%dma_wait3A_27 : memref<10000x128xf32, #tpu.memory_space<hbm>>) dst(%arg10 : memref<128x128xf32, #tpu.memory_space<vmem>>)
      "tpu.region"() ({
        %run_scoped3A = tpu.sem_alloc : memref<!tpu.dma_semaphore, #tpu.memory_space<semaphore_mem>>
        %dma_start3A_28 = arith.constant 0 : i32
        %dma_start3A_29 = tpu.memref_slice %arg5[%mul3A_17, %dma_start3A_28] : memref<160000x128xf32, #tpu.memory_space<hbm>> -> memref<128x128xf32, #tpu.memory_space<hbm>>
        %dma_start3A_30 = arith.constant 0 : i32
        %dma_start3A_31 = tpu.memref_slice %arg5[%mul3A_17, %dma_start3A_30] : memref<160000x128xf32, #tpu.memory_space<hbm>> -> memref<128x128xf32, #tpu.memory_space<hbm>>
        tpu.enqueue_dma source(%arg9 : memref<128x128xf32, #tpu.memory_space<vmem>>) target(%dma_start3A_31 : memref<128x128xf32, #tpu.memory_space<hbm>>) target_semaphore(%run_scoped3A : memref<!tpu.dma_semaphore, #tpu.memory_space<semaphore_mem>>)
        %dma_wait3A_32 = arith.constant 0 : i32
        %dma_wait3A_33 = tpu.memref_slice %arg5[%mul3A_17, %dma_wait3A_32] : memref<160000x128xf32, #tpu.memory_space<hbm>> -> memref<128x128xf32, #tpu.memory_space<hbm>>
        %dma_wait3A_34 = arith.constant 0 : i32
        %dma_wait3A_35 = tpu.memref_slice %arg5[%mul3A_17, %dma_wait3A_34] : memref<160000x128xf32, #tpu.memory_space<hbm>> -> memref<128x128xf32, #tpu.memory_space<hbm>>
        tpu.wait_dma2 semaphore(%run_scoped3A : memref<!tpu.dma_semaphore, #tpu.memory_space<semaphore_mem>>) src(%arg9 : memref<128x128xf32, #tpu.memory_space<vmem>>) dst(%dma_wait3A_35 : memref<128x128xf32, #tpu.memory_space<hbm>>)
        tpu.yield
      }) : () -> ()
      "tpu.region"() ({
        %run_scoped3A = tpu.sem_alloc : memref<!tpu.dma_semaphore, #tpu.memory_space<semaphore_mem>>
        %dma_start3A_28 = arith.constant 0 : i32
        %dma_start3A_29 = tpu.memref_slice %arg6[%mul3A_17, %dma_start3A_28] : memref<160000x128xf32, #tpu.memory_space<hbm>> -> memref<128x128xf32, #tpu.memory_space<hbm>>
        %dma_start3A_30 = arith.constant 0 : i32
        %dma_start3A_31 = tpu.memref_slice %arg6[%mul3A_17, %dma_start3A_30] : memref<160000x128xf32, #tpu.memory_space<hbm>> -> memref<128x128xf32, #tpu.memory_space<hbm>>
        tpu.enqueue_dma source(%arg10 : memref<128x128xf32, #tpu.memory_space<vmem>>) target(%dma_start3A_31 : memref<128x128xf32, #tpu.memory_space<hbm>>) target_semaphore(%run_scoped3A : memref<!tpu.dma_semaphore, #tpu.memory_space<semaphore_mem>>)
        %dma_wait3A_32 = arith.constant 0 : i32
        %dma_wait3A_33 = tpu.memref_slice %arg6[%mul3A_17, %dma_wait3A_32] : memref<160000x128xf32, #tpu.memory_space<hbm>> -> memref<128x128xf32, #tpu.memory_space<hbm>>
        %dma_wait3A_34 = arith.constant 0 : i32
        %dma_wait3A_35 = tpu.memref_slice %arg6[%mul3A_17, %dma_wait3A_34] : memref<160000x128xf32, #tpu.memory_space<hbm>> -> memref<128x128xf32, #tpu.memory_space<hbm>>
        tpu.wait_dma2 semaphore(%run_scoped3A : memref<!tpu.dma_semaphore, #tpu.memory_space<semaphore_mem>>) src(%arg10 : memref<128x128xf32, #tpu.memory_space<vmem>>) dst(%dma_wait3A_35 : memref<128x128xf32, #tpu.memory_space<hbm>>)
        tpu.yield
      }) : () -> ()
    }
    return
  }
}

#map = affine_map<(d0, d1) -> (0, 0)>
#map1 = affine_map<(d0, d1) -> (0)>
#map2 = affine_map<(d0, d1) -> (0, 0, 0)>
module attributes {stable_mosaic.version = 14 : i64} {
  func.func @scatter_k(%arg0: i32, %arg1: i32, %arg2: memref<160000x128xf32, #tpu.memory_space<hbm>>, %arg3: memref<160000x128xf32, #tpu.memory_space<hbm>>, %arg4: memref<160000xi32, #tpu.memory_space<hbm>>, %arg5: memref<640x128xf32, #tpu.memory_space<hbm>>, %arg6: memref<2x10240x128xf32, #tpu.memory_space<hbm>>, %arg7: memref<2x1280x128xf32, #tpu.memory_space<hbm>>, %arg8: memref<128xi32, #tpu.memory_space<vmem>>, %arg9: memref<128xi32, #tpu.memory_space<vmem>>, %arg10: memref<128x128xf32, #tpu.memory_space<vmem>>, %arg11: memref<128x128xf32, #tpu.memory_space<vmem>>, %arg12: memref<10240x128xf32, #tpu.memory_space<vmem_shared>>, %arg13: memref<1280x128xf32, #tpu.memory_space<vmem_shared>>) attributes {dimension_semantics = [#tpu.dimension_semantics<core_parallel>, #tpu.dimension_semantics<subcore_parallel>], iteration_bounds = array<i64: 2, 16>, scalar_prefetch = 0 : i64, scratch_operands = 6 : i64, tpu.core_type = #tpu.core_type<sc_vector_subcore>, window_params = [{transform_indices = #map}, {transform_indices = #map}, {transform_indices = #map1}, {transform_indices = #map}, {transform_indices = #map2}, {transform_indices = #map2}]} {
    %mul3A = arith.constant 2 : i32
    %mul3A_0 = arith.muli %arg1, %mul3A : i32
    %add3A = arith.addi %mul3A_0, %arg0 : i32
    %mul3A_1 = arith.constant 640 : i32
    %mul3A_2 = arith.muli %arg1, %mul3A_1 : i32
    "tpu.region"() ({
      %run_scoped3A = tpu.sem_alloc : memref<!tpu.dma_semaphore, #tpu.memory_space<semaphore_mem>>
      %dma_start3A = arith.constant 0 : i32
      %dma_start3A_25 = tpu.memref_slice %arg12[%mul3A_2, %dma_start3A] : memref<10240x128xf32, #tpu.memory_space<vmem_shared>> -> memref<640x128xf32, #tpu.memory_space<vmem_shared>>
      tpu.enqueue_dma source(%arg5 : memref<640x128xf32, #tpu.memory_space<hbm>>) target(%dma_start3A_25 : memref<640x128xf32, #tpu.memory_space<vmem_shared>>) target_semaphore(%run_scoped3A : memref<!tpu.dma_semaphore, #tpu.memory_space<semaphore_mem>>)
      %dma_wait3A = arith.constant 0 : i32
      %dma_wait3A_26 = tpu.memref_slice %arg12[%mul3A_2, %dma_wait3A] : memref<10240x128xf32, #tpu.memory_space<vmem_shared>> -> memref<640x128xf32, #tpu.memory_space<vmem_shared>>
      tpu.wait_dma2 semaphore(%run_scoped3A : memref<!tpu.dma_semaphore, #tpu.memory_space<semaphore_mem>>) src(%arg5 : memref<640x128xf32, #tpu.memory_space<hbm>>) dst(%dma_wait3A_26 : memref<640x128xf32, #tpu.memory_space<vmem_shared>>)
      tpu.yield
    }) : () -> ()
    %mul3A_3 = arith.constant 80 : i32
    %mul3A_4 = arith.muli %arg1, %mul3A_3 : i32
    "tpu.region"() ({
      %run_scoped3A = tpu.sem_alloc : memref<!tpu.dma_semaphore, #tpu.memory_space<semaphore_mem>>
      %dma_start3A = arith.constant 0 : i32
      %dma_start3A_25 = tpu.memref_slice %arg13[%mul3A_4, %dma_start3A] : memref<1280x128xf32, #tpu.memory_space<vmem_shared>> -> memref<80x128xf32, #tpu.memory_space<vmem_shared>>
      %dma_start3A_26 = arith.constant 0 : i32
      %dma_start3A_27 = arith.constant 0 : i32
      %dma_start3A_28 = tpu.memref_slice %arg5[%dma_start3A_26, %dma_start3A_27] : memref<640x128xf32, #tpu.memory_space<hbm>> -> memref<80x128xf32, #tpu.memory_space<hbm>>
      tpu.enqueue_dma source(%dma_start3A_28 : memref<80x128xf32, #tpu.memory_space<hbm>>) target(%dma_start3A_25 : memref<80x128xf32, #tpu.memory_space<vmem_shared>>) target_semaphore(%run_scoped3A : memref<!tpu.dma_semaphore, #tpu.memory_space<semaphore_mem>>)
      %dma_wait3A = arith.constant 0 : i32
      %dma_wait3A_29 = tpu.memref_slice %arg13[%mul3A_4, %dma_wait3A] : memref<1280x128xf32, #tpu.memory_space<vmem_shared>> -> memref<80x128xf32, #tpu.memory_space<vmem_shared>>
      %dma_wait3A_30 = arith.constant 0 : i32
      %dma_wait3A_31 = arith.constant 0 : i32
      %dma_wait3A_32 = tpu.memref_slice %arg5[%dma_wait3A_30, %dma_wait3A_31] : memref<640x128xf32, #tpu.memory_space<hbm>> -> memref<80x128xf32, #tpu.memory_space<hbm>>
      tpu.wait_dma2 semaphore(%run_scoped3A : memref<!tpu.dma_semaphore, #tpu.memory_space<semaphore_mem>>) src(%dma_wait3A_32 : memref<80x128xf32, #tpu.memory_space<hbm>>) dst(%dma_wait3A_29 : memref<80x128xf32, #tpu.memory_space<vmem_shared>>)
      tpu.yield
    }) : () -> ()
    %barrier3A = arith.constant 0 : index
    tpu.barrier barrier_id(%barrier3A)
    %lt3A = arith.constant 2 : i32
    %lt3A_5 = arith.cmpi slt, %add3A, %lt3A : i32
    %jit3A = arith.constant 40 : i32
    %jit3A_6 = arith.constant 39 : i32
    %select_n3A = arith.select %lt3A_5, %jit3A, %jit3A_6 : i32
    %while3A = arith.constant 0 : i32
    %while3A_7 = arith.constant 0 : i32
    %while3A_8 = arith.subi %select_n3A, %while3A_7 : i32
    %while3A_9 = arith.addi %while3A_7, %while3A_8 : i32
    %while3A_10 = arith.constant 1 : i32
    %while3A_11 = arith.divsi %while3A_8, %while3A_10 : i32
    %while3A_12 = arith.muli %while3A_11, %while3A_10 : i32
    %while3A_13 = arith.addi %while3A_7, %while3A_12 : i32
    %while3A_14 = arith.constant 1 : i32
    scf.for %while3A_25 = %while3A_7 to %while3A_13 step %while3A_14  : i32 {
      %mul3A_26 = arith.constant 32 : i32
      %mul3A_27 = arith.muli %mul3A_26, %while3A_25 : i32
      %add3A_28 = arith.addi %add3A, %mul3A_27 : i32
      %mul3A_29 = arith.constant 128 : i32
      %mul3A_30 = arith.muli %add3A_28, %mul3A_29 : i32
      "tpu.region"() ({
        %run_scoped3A = tpu.sem_alloc : memref<!tpu.dma_semaphore, #tpu.memory_space<semaphore_mem>>
        %dma_start3A = tpu.memref_slice %arg4[%mul3A_30] : memref<160000xi32, #tpu.memory_space<hbm>> -> memref<128xi32, #tpu.memory_space<hbm>>
        %dma_start3A_108 = tpu.memref_slice %arg4[%mul3A_30] : memref<160000xi32, #tpu.memory_space<hbm>> -> memref<128xi32, #tpu.memory_space<hbm>>
        tpu.enqueue_dma source(%dma_start3A_108 : memref<128xi32, #tpu.memory_space<hbm>>) target(%arg8 : memref<128xi32, #tpu.memory_space<vmem>>) target_semaphore(%run_scoped3A : memref<!tpu.dma_semaphore, #tpu.memory_space<semaphore_mem>>)
        %dma_wait3A = tpu.memref_slice %arg4[%mul3A_30] : memref<160000xi32, #tpu.memory_space<hbm>> -> memref<128xi32, #tpu.memory_space<hbm>>
        %dma_wait3A_109 = tpu.memref_slice %arg4[%mul3A_30] : memref<160000xi32, #tpu.memory_space<hbm>> -> memref<128xi32, #tpu.memory_space<hbm>>
        tpu.wait_dma2 semaphore(%run_scoped3A : memref<!tpu.dma_semaphore, #tpu.memory_space<semaphore_mem>>) src(%dma_wait3A_109 : memref<128xi32, #tpu.memory_space<hbm>>) dst(%arg8 : memref<128xi32, #tpu.memory_space<vmem>>)
        tpu.yield
      }) : () -> ()
      "tpu.region"() ({
        %run_scoped3A = tpu.sem_alloc : memref<!tpu.dma_semaphore, #tpu.memory_space<semaphore_mem>>
        %dma_start3A = arith.constant 0 : i32
        %dma_start3A_108 = tpu.memref_slice %arg2[%mul3A_30, %dma_start3A] : memref<160000x128xf32, #tpu.memory_space<hbm>> -> memref<128x128xf32, #tpu.memory_space<hbm>>
        %dma_start3A_109 = arith.constant 0 : i32
        %dma_start3A_110 = tpu.memref_slice %arg2[%mul3A_30, %dma_start3A_109] : memref<160000x128xf32, #tpu.memory_space<hbm>> -> memref<128x128xf32, #tpu.memory_space<hbm>>
        tpu.enqueue_dma source(%dma_start3A_110 : memref<128x128xf32, #tpu.memory_space<hbm>>) target(%arg10 : memref<128x128xf32, #tpu.memory_space<vmem>>) target_semaphore(%run_scoped3A : memref<!tpu.dma_semaphore, #tpu.memory_space<semaphore_mem>>)
        %dma_wait3A = arith.constant 0 : i32
        %dma_wait3A_111 = tpu.memref_slice %arg2[%mul3A_30, %dma_wait3A] : memref<160000x128xf32, #tpu.memory_space<hbm>> -> memref<128x128xf32, #tpu.memory_space<hbm>>
        %dma_wait3A_112 = arith.constant 0 : i32
        %dma_wait3A_113 = tpu.memref_slice %arg2[%mul3A_30, %dma_wait3A_112] : memref<160000x128xf32, #tpu.memory_space<hbm>> -> memref<128x128xf32, #tpu.memory_space<hbm>>
        tpu.wait_dma2 semaphore(%run_scoped3A : memref<!tpu.dma_semaphore, #tpu.memory_space<semaphore_mem>>) src(%dma_wait3A_113 : memref<128x128xf32, #tpu.memory_space<hbm>>) dst(%arg10 : memref<128x128xf32, #tpu.memory_space<vmem>>)
        tpu.yield
      }) : () -> ()
      "tpu.region"() ({
        %run_scoped3A = tpu.sem_alloc : memref<!tpu.dma_semaphore, #tpu.memory_space<semaphore_mem>>
        %dma_start3A = arith.constant 0 : i32
        %dma_start3A_108 = tpu.memref_slice %arg3[%mul3A_30, %dma_start3A] : memref<160000x128xf32, #tpu.memory_space<hbm>> -> memref<128x128xf32, #tpu.memory_space<hbm>>
        %dma_start3A_109 = arith.constant 0 : i32
        %dma_start3A_110 = tpu.memref_slice %arg3[%mul3A_30, %dma_start3A_109] : memref<160000x128xf32, #tpu.memory_space<hbm>> -> memref<128x128xf32, #tpu.memory_space<hbm>>
        tpu.enqueue_dma source(%dma_start3A_110 : memref<128x128xf32, #tpu.memory_space<hbm>>) target(%arg11 : memref<128x128xf32, #tpu.memory_space<vmem>>) target_semaphore(%run_scoped3A : memref<!tpu.dma_semaphore, #tpu.memory_space<semaphore_mem>>)
        %dma_wait3A = arith.constant 0 : i32
        %dma_wait3A_111 = tpu.memref_slice %arg3[%mul3A_30, %dma_wait3A] : memref<160000x128xf32, #tpu.memory_space<hbm>> -> memref<128x128xf32, #tpu.memory_space<hbm>>
        %dma_wait3A_112 = arith.constant 0 : i32
        %dma_wait3A_113 = tpu.memref_slice %arg3[%mul3A_30, %dma_wait3A_112] : memref<160000x128xf32, #tpu.memory_space<hbm>> -> memref<128x128xf32, #tpu.memory_space<hbm>>
        tpu.wait_dma2 semaphore(%run_scoped3A : memref<!tpu.dma_semaphore, #tpu.memory_space<semaphore_mem>>) src(%dma_wait3A_113 : memref<128x128xf32, #tpu.memory_space<hbm>>) dst(%arg11 : memref<128x128xf32, #tpu.memory_space<vmem>>)
        tpu.yield
      }) : () -> ()
      %get3A = arith.constant 0 : index
      %get3A_31 = tpu.vector_load %arg8[%get3A] {strides = array<i32>} : memref<128xi32, #tpu.memory_space<vmem>>, vector<16xi32>,
      %get3A_32 = vector.shape_cast %get3A_31 : vector<16xi32> to vector<16xi32>
      %shift_right_logical3A = arith.constant 3 : i32
      %shift_right_logical3A_33 = vector.broadcast %shift_right_logical3A : i32 to vector<16xi32>
      %shift_right_logical3A_34 = arith.shrui %get3A_32, %shift_right_logical3A_33 : vector<16xi32>
      %swap3A = arith.constant 0 : index
      %swap3A_35 = tpu.vector_load %arg9[%swap3A] {strides = array<i32>} : memref<128xi32, #tpu.memory_space<vmem>>, vector<16xi32>,
      %swap3A_36 = vector.shape_cast %swap3A_35 : vector<16xi32> to vector<16xi32>
      %swap3A_37 = vector.shape_cast %shift_right_logical3A_34 : vector<16xi32> to vector<16xi32>
      tpu.vector_store %arg9[%swap3A], %swap3A_37 {strides = array<i32>} : memref<128xi32, #tpu.memory_space<vmem>>, vector<16xi32>,
      %get3A_38 = arith.constant 16 : index
      %get3A_39 = tpu.vector_load %arg8[%get3A_38] {strides = array<i32>} : memref<128xi32, #tpu.memory_space<vmem>>, vector<16xi32>,
      %get3A_40 = vector.shape_cast %get3A_39 : vector<16xi32> to vector<16xi32>
      %shift_right_logical3A_41 = arith.constant 3 : i32
      %shift_right_logical3A_42 = vector.broadcast %shift_right_logical3A_41 : i32 to vector<16xi32>
      %shift_right_logical3A_43 = arith.shrui %get3A_40, %shift_right_logical3A_42 : vector<16xi32>
      %swap3A_44 = arith.constant 16 : index
      %swap3A_45 = tpu.vector_load %arg9[%swap3A_44] {strides = array<i32>} : memref<128xi32, #tpu.memory_space<vmem>>, vector<16xi32>,
      %swap3A_46 = vector.shape_cast %swap3A_45 : vector<16xi32> to vector<16xi32>
      %swap3A_47 = vector.shape_cast %shift_right_logical3A_43 : vector<16xi32> to vector<16xi32>
      tpu.vector_store %arg9[%swap3A_44], %swap3A_47 {strides = array<i32>} : memref<128xi32, #tpu.memory_space<vmem>>, vector<16xi32>,
      %get3A_48 = arith.constant 32 : index
      %get3A_49 = tpu.vector_load %arg8[%get3A_48] {strides = array<i32>} : memref<128xi32, #tpu.memory_space<vmem>>, vector<16xi32>,
      %get3A_50 = vector.shape_cast %get3A_49 : vector<16xi32> to vector<16xi32>
      %shift_right_logical3A_51 = arith.constant 3 : i32
      %shift_right_logical3A_52 = vector.broadcast %shift_right_logical3A_51 : i32 to vector<16xi32>
      %shift_right_logical3A_53 = arith.shrui %get3A_50, %shift_right_logical3A_52 : vector<16xi32>
      %swap3A_54 = arith.constant 32 : index
      %swap3A_55 = tpu.vector_load %arg9[%swap3A_54] {strides = array<i32>} : memref<128xi32, #tpu.memory_space<vmem>>, vector<16xi32>,
      %swap3A_56 = vector.shape_cast %swap3A_55 : vector<16xi32> to vector<16xi32>
      %swap3A_57 = vector.shape_cast %shift_right_logical3A_53 : vector<16xi32> to vector<16xi32>
      tpu.vector_store %arg9[%swap3A_54], %swap3A_57 {strides = array<i32>} : memref<128xi32, #tpu.memory_space<vmem>>, vector<16xi32>,
      %get3A_58 = arith.constant 48 : index
      %get3A_59 = tpu.vector_load %arg8[%get3A_58] {strides = array<i32>} : memref<128xi32, #tpu.memory_space<vmem>>, vector<16xi32>,
      %get3A_60 = vector.shape_cast %get3A_59 : vector<16xi32> to vector<16xi32>
      %shift_right_logical3A_61 = arith.constant 3 : i32
      %shift_right_logical3A_62 = vector.broadcast %shift_right_logical3A_61 : i32 to vector<16xi32>
      %shift_right_logical3A_63 = arith.shrui %get3A_60, %shift_right_logical3A_62 : vector<16xi32>
      %swap3A_64 = arith.constant 48 : index
      %swap3A_65 = tpu.vector_load %arg9[%swap3A_64] {strides = array<i32>} : memref<128xi32, #tpu.memory_space<vmem>>, vector<16xi32>,
      %swap3A_66 = vector.shape_cast %swap3A_65 : vector<16xi32> to vector<16xi32>
      %swap3A_67 = vector.shape_cast %shift_right_logical3A_63 : vector<16xi32> to vector<16xi32>
      tpu.vector_store %arg9[%swap3A_64], %swap3A_67 {strides = array<i32>} : memref<128xi32, #tpu.memory_space<vmem>>, vector<16xi32>,
      %get3A_68 = arith.constant 64 : index
      %get3A_69 = tpu.vector_load %arg8[%get3A_68] {strides = array<i32>} : memref<128xi32, #tpu.memory_space<vmem>>, vector<16xi32>,
      %get3A_70 = vector.shape_cast %get3A_69 : vector<16xi32> to vector<16xi32>
      %shift_right_logical3A_71 = arith.constant 3 : i32
      %shift_right_logical3A_72 = vector.broadcast %shift_right_logical3A_71 : i32 to vector<16xi32>
      %shift_right_logical3A_73 = arith.shrui %get3A_70, %shift_right_logical3A_72 : vector<16xi32>
      %swap3A_74 = arith.constant 64 : index
      %swap3A_75 = tpu.vector_load %arg9[%swap3A_74] {strides = array<i32>} : memref<128xi32, #tpu.memory_space<vmem>>, vector<16xi32>,
      %swap3A_76 = vector.shape_cast %swap3A_75 : vector<16xi32> to vector<16xi32>
      %swap3A_77 = vector.shape_cast %shift_right_logical3A_73 : vector<16xi32> to vector<16xi32>
      tpu.vector_store %arg9[%swap3A_74], %swap3A_77 {strides = array<i32>} : memref<128xi32, #tpu.memory_space<vmem>>, vector<16xi32>,
      %get3A_78 = arith.constant 80 : index
      %get3A_79 = tpu.vector_load %arg8[%get3A_78] {strides = array<i32>} : memref<128xi32, #tpu.memory_space<vmem>>, vector<16xi32>,
      %get3A_80 = vector.shape_cast %get3A_79 : vector<16xi32> to vector<16xi32>
      %shift_right_logical3A_81 = arith.constant 3 : i32
      %shift_right_logical3A_82 = vector.broadcast %shift_right_logical3A_81 : i32 to vector<16xi32>
      %shift_right_logical3A_83 = arith.shrui %get3A_80, %shift_right_logical3A_82 : vector<16xi32>
      %swap3A_84 = arith.constant 80 : index
      %swap3A_85 = tpu.vector_load %arg9[%swap3A_84] {strides = array<i32>} : memref<128xi32, #tpu.memory_space<vmem>>, vector<16xi32>,
      %swap3A_86 = vector.shape_cast %swap3A_85 : vector<16xi32> to vector<16xi32>
      %swap3A_87 = vector.shape_cast %shift_right_logical3A_83 : vector<16xi32> to vector<16xi32>
      tpu.vector_store %arg9[%swap3A_84], %swap3A_87 {strides = array<i32>} : memref<128xi32, #tpu.memory_space<vmem>>, vector<16xi32>,
      %get3A_88 = arith.constant 96 : index
      %get3A_89 = tpu.vector_load %arg8[%get3A_88] {strides = array<i32>} : memref<128xi32, #tpu.memory_space<vmem>>, vector<16xi32>,
      %get3A_90 = vector.shape_cast %get3A_89 : vector<16xi32> to vector<16xi32>
      %shift_right_logical3A_91 = arith.constant 3 : i32
      %shift_right_logical3A_92 = vector.broadcast %shift_right_logical3A_91 : i32 to vector<16xi32>
      %shift_right_logical3A_93 = arith.shrui %get3A_90, %shift_right_logical3A_92 : vector<16xi32>
      %swap3A_94 = arith.constant 96 : index
      %swap3A_95 = tpu.vector_load %arg9[%swap3A_94] {strides = array<i32>} : memref<128xi32, #tpu.memory_space<vmem>>, vector<16xi32>,
      %swap3A_96 = vector.shape_cast %swap3A_95 : vector<16xi32> to vector<16xi32>
      %swap3A_97 = vector.shape_cast %shift_right_logical3A_93 : vector<16xi32> to vector<16xi32>
      tpu.vector_store %arg9[%swap3A_94], %swap3A_97 {strides = array<i32>} : memref<128xi32, #tpu.memory_space<vmem>>, vector<16xi32>,
      %get3A_98 = arith.constant 112 : index
      %get3A_99 = tpu.vector_load %arg8[%get3A_98] {strides = array<i32>} : memref<128xi32, #tpu.memory_space<vmem>>, vector<16xi32>,
      %get3A_100 = vector.shape_cast %get3A_99 : vector<16xi32> to vector<16xi32>
      %shift_right_logical3A_101 = arith.constant 3 : i32
      %shift_right_logical3A_102 = vector.broadcast %shift_right_logical3A_101 : i32 to vector<16xi32>
      %shift_right_logical3A_103 = arith.shrui %get3A_100, %shift_right_logical3A_102 : vector<16xi32>
      %swap3A_104 = arith.constant 112 : index
      %swap3A_105 = tpu.vector_load %arg9[%swap3A_104] {strides = array<i32>} : memref<128xi32, #tpu.memory_space<vmem>>, vector<16xi32>,
      %swap3A_106 = vector.shape_cast %swap3A_105 : vector<16xi32> to vector<16xi32>
      %swap3A_107 = vector.shape_cast %shift_right_logical3A_103 : vector<16xi32> to vector<16xi32>
      tpu.vector_store %arg9[%swap3A_104], %swap3A_107 {strides = array<i32>} : memref<128xi32, #tpu.memory_space<vmem>>, vector<16xi32>,
      "tpu.region"() ({
        %run_scoped3A = tpu.sem_alloc : memref<!tpu.dma_semaphore, #tpu.memory_space<semaphore_mem>>
        %dma_start3A = arith.constant 0 : i32
        %dma_start3A_108 = arith.constant 0 : i32
        %dma_start3A_109 = tpu.memref_slice %arg12[%dma_start3A, %dma_start3A_108] : memref<10240x128xf32, #tpu.memory_space<vmem_shared>> -> memref<10240x128xf32, #tpu.memory_space<vmem_shared>>
        tpu.enqueue_indirect_dma source(%arg10 : memref<128x128xf32, #tpu.memory_space<vmem>>) target(%dma_start3A_109 : memref<10240x128xf32, #tpu.memory_space<vmem_shared>>) offsets(%arg8 : memref<128xi32, #tpu.memory_space<vmem>>) semaphore(%run_scoped3A : memref<!tpu.dma_semaphore, #tpu.memory_space<semaphore_mem>>) {add = true}
        %dma_wait3A = arith.constant 0 : i32
        %dma_wait3A_110 = arith.constant 0 : i32
        %dma_wait3A_111 = tpu.memref_slice %arg12[%dma_wait3A, %dma_wait3A_110] : memref<10240x128xf32, #tpu.memory_space<vmem_shared>> -> memref<10240x128xf32, #tpu.memory_space<vmem_shared>>
        tpu.wait_indirect_dma semaphore(%run_scoped3A : memref<!tpu.dma_semaphore, #tpu.memory_space<semaphore_mem>>) src(%arg10 : memref<128x128xf32, #tpu.memory_space<vmem>>) dst(%dma_wait3A_111 : memref<10240x128xf32, #tpu.memory_space<vmem_shared>>)
        tpu.yield
      }) : () -> ()
      "tpu.region"() ({
        %run_scoped3A = tpu.sem_alloc : memref<!tpu.dma_semaphore, #tpu.memory_space<semaphore_mem>>
        %dma_start3A = arith.constant 0 : i32
        %dma_start3A_108 = arith.constant 0 : i32
        %dma_start3A_109 = tpu.memref_slice %arg13[%dma_start3A, %dma_start3A_108] : memref<1280x128xf32, #tpu.memory_space<vmem_shared>> -> memref<1280x128xf32, #tpu.memory_space<vmem_shared>>
        tpu.enqueue_indirect_dma source(%arg11 : memref<128x128xf32, #tpu.memory_space<vmem>>) target(%dma_start3A_109 : memref<1280x128xf32, #tpu.memory_space<vmem_shared>>) offsets(%arg9 : memref<128xi32, #tpu.memory_space<vmem>>) semaphore(%run_scoped3A : memref<!tpu.dma_semaphore, #tpu.memory_space<semaphore_mem>>) {add = true}
        %dma_wait3A = arith.constant 0 : i32
        %dma_wait3A_110 = arith.constant 0 : i32
        %dma_wait3A_111 = tpu.memref_slice %arg13[%dma_wait3A, %dma_wait3A_110] : memref<1280x128xf32, #tpu.memory_space<vmem_shared>> -> memref<1280x128xf32, #tpu.memory_space<vmem_shared>>
        tpu.wait_indirect_dma semaphore(%run_scoped3A : memref<!tpu.dma_semaphore, #tpu.memory_space<semaphore_mem>>) src(%arg11 : memref<128x128xf32, #tpu.memory_space<vmem>>) dst(%dma_wait3A_111 : memref<1280x128xf32, #tpu.memory_space<vmem_shared>>)
        tpu.yield
      }) : () -> ()
    }
    %while3A_15 = arith.constant 1 : i32
    scf.for %while3A_25 = %while3A_13 to %while3A_9 step %while3A_15  : i32 {
      %mul3A_26 = arith.constant 32 : i32
      %mul3A_27 = arith.muli %mul3A_26, %while3A_25 : i32
      %add3A_28 = arith.addi %add3A, %mul3A_27 : i32
      %mul3A_29 = arith.constant 128 : i32
      %mul3A_30 = arith.muli %add3A_28, %mul3A_29 : i32
      "tpu.region"() ({
        %run_scoped3A = tpu.sem_alloc : memref<!tpu.dma_semaphore, #tpu.memory_space<semaphore_mem>>
        %dma_start3A = tpu.memref_slice %arg4[%mul3A_30] : memref<160000xi32, #tpu.memory_space<hbm>> -> memref<128xi32, #tpu.memory_space<hbm>>
        %dma_start3A_108 = tpu.memref_slice %arg4[%mul3A_30] : memref<160000xi32, #tpu.memory_space<hbm>> -> memref<128xi32, #tpu.memory_space<hbm>>
        tpu.enqueue_dma source(%dma_start3A_108 : memref<128xi32, #tpu.memory_space<hbm>>) target(%arg8 : memref<128xi32, #tpu.memory_space<vmem>>) target_semaphore(%run_scoped3A : memref<!tpu.dma_semaphore, #tpu.memory_space<semaphore_mem>>)
        %dma_wait3A = tpu.memref_slice %arg4[%mul3A_30] : memref<160000xi32, #tpu.memory_space<hbm>> -> memref<128xi32, #tpu.memory_space<hbm>>
        %dma_wait3A_109 = tpu.memref_slice %arg4[%mul3A_30] : memref<160000xi32, #tpu.memory_space<hbm>> -> memref<128xi32, #tpu.memory_space<hbm>>
        tpu.wait_dma2 semaphore(%run_scoped3A : memref<!tpu.dma_semaphore, #tpu.memory_space<semaphore_mem>>) src(%dma_wait3A_109 : memref<128xi32, #tpu.memory_space<hbm>>) dst(%arg8 : memref<128xi32, #tpu.memory_space<vmem>>)
        tpu.yield
      }) : () -> ()
      "tpu.region"() ({
        %run_scoped3A = tpu.sem_alloc : memref<!tpu.dma_semaphore, #tpu.memory_space<semaphore_mem>>
        %dma_start3A = arith.constant 0 : i32
        %dma_start3A_108 = tpu.memref_slice %arg2[%mul3A_30, %dma_start3A] : memref<160000x128xf32, #tpu.memory_space<hbm>> -> memref<128x128xf32, #tpu.memory_space<hbm>>
        %dma_start3A_109 = arith.constant 0 : i32
        %dma_start3A_110 = tpu.memref_slice %arg2[%mul3A_30, %dma_start3A_109] : memref<160000x128xf32, #tpu.memory_space<hbm>> -> memref<128x128xf32, #tpu.memory_space<hbm>>
        tpu.enqueue_dma source(%dma_start3A_110 : memref<128x128xf32, #tpu.memory_space<hbm>>) target(%arg10 : memref<128x128xf32, #tpu.memory_space<vmem>>) target_semaphore(%run_scoped3A : memref<!tpu.dma_semaphore, #tpu.memory_space<semaphore_mem>>)
        %dma_wait3A = arith.constant 0 : i32
        %dma_wait3A_111 = tpu.memref_slice %arg2[%mul3A_30, %dma_wait3A] : memref<160000x128xf32, #tpu.memory_space<hbm>> -> memref<128x128xf32, #tpu.memory_space<hbm>>
        %dma_wait3A_112 = arith.constant 0 : i32
        %dma_wait3A_113 = tpu.memref_slice %arg2[%mul3A_30, %dma_wait3A_112] : memref<160000x128xf32, #tpu.memory_space<hbm>> -> memref<128x128xf32, #tpu.memory_space<hbm>>
        tpu.wait_dma2 semaphore(%run_scoped3A : memref<!tpu.dma_semaphore, #tpu.memory_space<semaphore_mem>>) src(%dma_wait3A_113 : memref<128x128xf32, #tpu.memory_space<hbm>>) dst(%arg10 : memref<128x128xf32, #tpu.memory_space<vmem>>)
        tpu.yield
      }) : () -> ()
      "tpu.region"() ({
        %run_scoped3A = tpu.sem_alloc : memref<!tpu.dma_semaphore, #tpu.memory_space<semaphore_mem>>
        %dma_start3A = arith.constant 0 : i32
        %dma_start3A_108 = tpu.memref_slice %arg3[%mul3A_30, %dma_start3A] : memref<160000x128xf32, #tpu.memory_space<hbm>> -> memref<128x128xf32, #tpu.memory_space<hbm>>
        %dma_start3A_109 = arith.constant 0 : i32
        %dma_start3A_110 = tpu.memref_slice %arg3[%mul3A_30, %dma_start3A_109] : memref<160000x128xf32, #tpu.memory_space<hbm>> -> memref<128x128xf32, #tpu.memory_space<hbm>>
        tpu.enqueue_dma source(%dma_start3A_110 : memref<128x128xf32, #tpu.memory_space<hbm>>) target(%arg11 : memref<128x128xf32, #tpu.memory_space<vmem>>) target_semaphore(%run_scoped3A : memref<!tpu.dma_semaphore, #tpu.memory_space<semaphore_mem>>)
        %dma_wait3A = arith.constant 0 : i32
        %dma_wait3A_111 = tpu.memref_slice %arg3[%mul3A_30, %dma_wait3A] : memref<160000x128xf32, #tpu.memory_space<hbm>> -> memref<128x128xf32, #tpu.memory_space<hbm>>
        %dma_wait3A_112 = arith.constant 0 : i32
        %dma_wait3A_113 = tpu.memref_slice %arg3[%mul3A_30, %dma_wait3A_112] : memref<160000x128xf32, #tpu.memory_space<hbm>> -> memref<128x128xf32, #tpu.memory_space<hbm>>
        tpu.wait_dma2 semaphore(%run_scoped3A : memref<!tpu.dma_semaphore, #tpu.memory_space<semaphore_mem>>) src(%dma_wait3A_113 : memref<128x128xf32, #tpu.memory_space<hbm>>) dst(%arg11 : memref<128x128xf32, #tpu.memory_space<vmem>>)
        tpu.yield
      }) : () -> ()
      %get3A = arith.constant 0 : index
      %get3A_31 = tpu.vector_load %arg8[%get3A] {strides = array<i32>} : memref<128xi32, #tpu.memory_space<vmem>>, vector<16xi32>,
      %get3A_32 = vector.shape_cast %get3A_31 : vector<16xi32> to vector<16xi32>
      %shift_right_logical3A = arith.constant 3 : i32
      %shift_right_logical3A_33 = vector.broadcast %shift_right_logical3A : i32 to vector<16xi32>
      %shift_right_logical3A_34 = arith.shrui %get3A_32, %shift_right_logical3A_33 : vector<16xi32>
      %swap3A = arith.constant 0 : index
      %swap3A_35 = tpu.vector_load %arg9[%swap3A] {strides = array<i32>} : memref<128xi32, #tpu.memory_space<vmem>>, vector<16xi32>,
      %swap3A_36 = vector.shape_cast %swap3A_35 : vector<16xi32> to vector<16xi32>
      %swap3A_37 = vector.shape_cast %shift_right_logical3A_34 : vector<16xi32> to vector<16xi32>
      tpu.vector_store %arg9[%swap3A], %swap3A_37 {strides = array<i32>} : memref<128xi32, #tpu.memory_space<vmem>>, vector<16xi32>,
      %get3A_38 = arith.constant 16 : index
      %get3A_39 = tpu.vector_load %arg8[%get3A_38] {strides = array<i32>} : memref<128xi32, #tpu.memory_space<vmem>>, vector<16xi32>,
      %get3A_40 = vector.shape_cast %get3A_39 : vector<16xi32> to vector<16xi32>
      %shift_right_logical3A_41 = arith.constant 3 : i32
      %shift_right_logical3A_42 = vector.broadcast %shift_right_logical3A_41 : i32 to vector<16xi32>
      %shift_right_logical3A_43 = arith.shrui %get3A_40, %shift_right_logical3A_42 : vector<16xi32>
      %swap3A_44 = arith.constant 16 : index
      %swap3A_45 = tpu.vector_load %arg9[%swap3A_44] {strides = array<i32>} : memref<128xi32, #tpu.memory_space<vmem>>, vector<16xi32>,
      %swap3A_46 = vector.shape_cast %swap3A_45 : vector<16xi32> to vector<16xi32>
      %swap3A_47 = vector.shape_cast %shift_right_logical3A_43 : vector<16xi32> to vector<16xi32>
      tpu.vector_store %arg9[%swap3A_44], %swap3A_47 {strides = array<i32>} : memref<128xi32, #tpu.memory_space<vmem>>, vector<16xi32>,
      %get3A_48 = arith.constant 32 : index
      %get3A_49 = tpu.vector_load %arg8[%get3A_48] {strides = array<i32>} : memref<128xi32, #tpu.memory_space<vmem>>, vector<16xi32>,
      %get3A_50 = vector.shape_cast %get3A_49 : vector<16xi32> to vector<16xi32>
      %shift_right_logical3A_51 = arith.constant 3 : i32
      %shift_right_logical3A_52 = vector.broadcast %shift_right_logical3A_51 : i32 to vector<16xi32>
      %shift_right_logical3A_53 = arith.shrui %get3A_50, %shift_right_logical3A_52 : vector<16xi32>
      %swap3A_54 = arith.constant 32 : index
      %swap3A_55 = tpu.vector_load %arg9[%swap3A_54] {strides = array<i32>} : memref<128xi32, #tpu.memory_space<vmem>>, vector<16xi32>,
      %swap3A_56 = vector.shape_cast %swap3A_55 : vector<16xi32> to vector<16xi32>
      %swap3A_57 = vector.shape_cast %shift_right_logical3A_53 : vector<16xi32> to vector<16xi32>
      tpu.vector_store %arg9[%swap3A_54], %swap3A_57 {strides = array<i32>} : memref<128xi32, #tpu.memory_space<vmem>>, vector<16xi32>,
      %get3A_58 = arith.constant 48 : index
      %get3A_59 = tpu.vector_load %arg8[%get3A_58] {strides = array<i32>} : memref<128xi32, #tpu.memory_space<vmem>>, vector<16xi32>,
      %get3A_60 = vector.shape_cast %get3A_59 : vector<16xi32> to vector<16xi32>
      %shift_right_logical3A_61 = arith.constant 3 : i32
      %shift_right_logical3A_62 = vector.broadcast %shift_right_logical3A_61 : i32 to vector<16xi32>
      %shift_right_logical3A_63 = arith.shrui %get3A_60, %shift_right_logical3A_62 : vector<16xi32>
      %swap3A_64 = arith.constant 48 : index
      %swap3A_65 = tpu.vector_load %arg9[%swap3A_64] {strides = array<i32>} : memref<128xi32, #tpu.memory_space<vmem>>, vector<16xi32>,
      %swap3A_66 = vector.shape_cast %swap3A_65 : vector<16xi32> to vector<16xi32>
      %swap3A_67 = vector.shape_cast %shift_right_logical3A_63 : vector<16xi32> to vector<16xi32>
      tpu.vector_store %arg9[%swap3A_64], %swap3A_67 {strides = array<i32>} : memref<128xi32, #tpu.memory_space<vmem>>, vector<16xi32>,
      %get3A_68 = arith.constant 64 : index
      %get3A_69 = tpu.vector_load %arg8[%get3A_68] {strides = array<i32>} : memref<128xi32, #tpu.memory_space<vmem>>, vector<16xi32>,
      %get3A_70 = vector.shape_cast %get3A_69 : vector<16xi32> to vector<16xi32>
      %shift_right_logical3A_71 = arith.constant 3 : i32
      %shift_right_logical3A_72 = vector.broadcast %shift_right_logical3A_71 : i32 to vector<16xi32>
      %shift_right_logical3A_73 = arith.shrui %get3A_70, %shift_right_logical3A_72 : vector<16xi32>
      %swap3A_74 = arith.constant 64 : index
      %swap3A_75 = tpu.vector_load %arg9[%swap3A_74] {strides = array<i32>} : memref<128xi32, #tpu.memory_space<vmem>>, vector<16xi32>,
      %swap3A_76 = vector.shape_cast %swap3A_75 : vector<16xi32> to vector<16xi32>
      %swap3A_77 = vector.shape_cast %shift_right_logical3A_73 : vector<16xi32> to vector<16xi32>
      tpu.vector_store %arg9[%swap3A_74], %swap3A_77 {strides = array<i32>} : memref<128xi32, #tpu.memory_space<vmem>>, vector<16xi32>,
      %get3A_78 = arith.constant 80 : index
      %get3A_79 = tpu.vector_load %arg8[%get3A_78] {strides = array<i32>} : memref<128xi32, #tpu.memory_space<vmem>>, vector<16xi32>,
      %get3A_80 = vector.shape_cast %get3A_79 : vector<16xi32> to vector<16xi32>
      %shift_right_logical3A_81 = arith.constant 3 : i32
      %shift_right_logical3A_82 = vector.broadcast %shift_right_logical3A_81 : i32 to vector<16xi32>
      %shift_right_logical3A_83 = arith.shrui %get3A_80, %shift_right_logical3A_82 : vector<16xi32>
      %swap3A_84 = arith.constant 80 : index
      %swap3A_85 = tpu.vector_load %arg9[%swap3A_84] {strides = array<i32>} : memref<128xi32, #tpu.memory_space<vmem>>, vector<16xi32>,
      %swap3A_86 = vector.shape_cast %swap3A_85 : vector<16xi32> to vector<16xi32>
      %swap3A_87 = vector.shape_cast %shift_right_logical3A_83 : vector<16xi32> to vector<16xi32>
      tpu.vector_store %arg9[%swap3A_84], %swap3A_87 {strides = array<i32>} : memref<128xi32, #tpu.memory_space<vmem>>, vector<16xi32>,
      %get3A_88 = arith.constant 96 : index
      %get3A_89 = tpu.vector_load %arg8[%get3A_88] {strides = array<i32>} : memref<128xi32, #tpu.memory_space<vmem>>, vector<16xi32>,
      %get3A_90 = vector.shape_cast %get3A_89 : vector<16xi32> to vector<16xi32>
      %shift_right_logical3A_91 = arith.constant 3 : i32
      %shift_right_logical3A_92 = vector.broadcast %shift_right_logical3A_91 : i32 to vector<16xi32>
      %shift_right_logical3A_93 = arith.shrui %get3A_90, %shift_right_logical3A_92 : vector<16xi32>
      %swap3A_94 = arith.constant 96 : index
      %swap3A_95 = tpu.vector_load %arg9[%swap3A_94] {strides = array<i32>} : memref<128xi32, #tpu.memory_space<vmem>>, vector<16xi32>,
      %swap3A_96 = vector.shape_cast %swap3A_95 : vector<16xi32> to vector<16xi32>
      %swap3A_97 = vector.shape_cast %shift_right_logical3A_93 : vector<16xi32> to vector<16xi32>
      tpu.vector_store %arg9[%swap3A_94], %swap3A_97 {strides = array<i32>} : memref<128xi32, #tpu.memory_space<vmem>>, vector<16xi32>,
      %get3A_98 = arith.constant 112 : index
      %get3A_99 = tpu.vector_load %arg8[%get3A_98] {strides = array<i32>} : memref<128xi32, #tpu.memory_space<vmem>>, vector<16xi32>,
      %get3A_100 = vector.shape_cast %get3A_99 : vector<16xi32> to vector<16xi32>
      %shift_right_logical3A_101 = arith.constant 3 : i32
      %shift_right_logical3A_102 = vector.broadcast %shift_right_logical3A_101 : i32 to vector<16xi32>
      %shift_right_logical3A_103 = arith.shrui %get3A_100, %shift_right_logical3A_102 : vector<16xi32>
      %swap3A_104 = arith.constant 112 : index
      %swap3A_105 = tpu.vector_load %arg9[%swap3A_104] {strides = array<i32>} : memref<128xi32, #tpu.memory_space<vmem>>, vector<16xi32>,
      %swap3A_106 = vector.shape_cast %swap3A_105 : vector<16xi32> to vector<16xi32>
      %swap3A_107 = vector.shape_cast %shift_right_logical3A_103 : vector<16xi32> to vector<16xi32>
      tpu.vector_store %arg9[%swap3A_104], %swap3A_107 {strides = array<i32>} : memref<128xi32, #tpu.memory_space<vmem>>, vector<16xi32>,
      "tpu.region"() ({
        %run_scoped3A = tpu.sem_alloc : memref<!tpu.dma_semaphore, #tpu.memory_space<semaphore_mem>>
        %dma_start3A = arith.constant 0 : i32
        %dma_start3A_108 = arith.constant 0 : i32
        %dma_start3A_109 = tpu.memref_slice %arg12[%dma_start3A, %dma_start3A_108] : memref<10240x128xf32, #tpu.memory_space<vmem_shared>> -> memref<10240x128xf32, #tpu.memory_space<vmem_shared>>
        tpu.enqueue_indirect_dma source(%arg10 : memref<128x128xf32, #tpu.memory_space<vmem>>) target(%dma_start3A_109 : memref<10240x128xf32, #tpu.memory_space<vmem_shared>>) offsets(%arg8 : memref<128xi32, #tpu.memory_space<vmem>>) semaphore(%run_scoped3A : memref<!tpu.dma_semaphore, #tpu.memory_space<semaphore_mem>>) {add = true}
        %dma_wait3A = arith.constant 0 : i32
        %dma_wait3A_110 = arith.constant 0 : i32
        %dma_wait3A_111 = tpu.memref_slice %arg12[%dma_wait3A, %dma_wait3A_110] : memref<10240x128xf32, #tpu.memory_space<vmem_shared>> -> memref<10240x128xf32, #tpu.memory_space<vmem_shared>>
        tpu.wait_indirect_dma semaphore(%run_scoped3A : memref<!tpu.dma_semaphore, #tpu.memory_space<semaphore_mem>>) src(%arg10 : memref<128x128xf32, #tpu.memory_space<vmem>>) dst(%dma_wait3A_111 : memref<10240x128xf32, #tpu.memory_space<vmem_shared>>)
        tpu.yield
      }) : () -> ()
      "tpu.region"() ({
        %run_scoped3A = tpu.sem_alloc : memref<!tpu.dma_semaphore, #tpu.memory_space<semaphore_mem>>
        %dma_start3A = arith.constant 0 : i32
        %dma_start3A_108 = arith.constant 0 : i32
        %dma_start3A_109 = tpu.memref_slice %arg13[%dma_start3A, %dma_start3A_108] : memref<1280x128xf32, #tpu.memory_space<vmem_shared>> -> memref<1280x128xf32, #tpu.memory_space<vmem_shared>>
        tpu.enqueue_indirect_dma source(%arg11 : memref<128x128xf32, #tpu.memory_space<vmem>>) target(%dma_start3A_109 : memref<1280x128xf32, #tpu.memory_space<vmem_shared>>) offsets(%arg9 : memref<128xi32, #tpu.memory_space<vmem>>) semaphore(%run_scoped3A : memref<!tpu.dma_semaphore, #tpu.memory_space<semaphore_mem>>) {add = true}
        %dma_wait3A = arith.constant 0 : i32
        %dma_wait3A_110 = arith.constant 0 : i32
        %dma_wait3A_111 = tpu.memref_slice %arg13[%dma_wait3A, %dma_wait3A_110] : memref<1280x128xf32, #tpu.memory_space<vmem_shared>> -> memref<1280x128xf32, #tpu.memory_space<vmem_shared>>
        tpu.wait_indirect_dma semaphore(%run_scoped3A : memref<!tpu.dma_semaphore, #tpu.memory_space<semaphore_mem>>) src(%arg11 : memref<128x128xf32, #tpu.memory_space<vmem>>) dst(%dma_wait3A_111 : memref<1280x128xf32, #tpu.memory_space<vmem_shared>>)
        tpu.yield
      }) : () -> ()
    }
    %barrier3A_16 = arith.constant 0 : index
    tpu.barrier barrier_id(%barrier3A_16)
    %mul3A_17 = arith.constant 640 : i32
    %mul3A_18 = arith.muli %arg1, %mul3A_17 : i32
    %mul3A_19 = arith.constant 640 : i32
    %mul3A_20 = arith.muli %arg1, %mul3A_19 : i32
    "tpu.region"() ({
      %run_scoped3A = tpu.sem_alloc : memref<!tpu.dma_semaphore, #tpu.memory_space<semaphore_mem>>
      %dma_start3A = arith.constant 0 : i32
      %dma_start3A_25 = tpu.memref_slice %arg6[%arg0, %mul3A_20, %dma_start3A] : memref<2x10240x128xf32, #tpu.memory_space<hbm>> -> memref<1x640x128xf32, #tpu.memory_space<hbm>>
      %dma_start3A_26 = tpu.memref_squeeze %dma_start3A_25 : memref<1x640x128xf32, #tpu.memory_space<hbm>> -> memref<640x128xf32, #tpu.memory_space<hbm>>
      %dma_start3A_27 = arith.constant 0 : i32
      %dma_start3A_28 = tpu.memref_slice %arg12[%mul3A_18, %dma_start3A_27] : memref<10240x128xf32, #tpu.memory_space<vmem_shared>> -> memref<640x128xf32, #tpu.memory_space<vmem_shared>>
      tpu.enqueue_dma source(%dma_start3A_28 : memref<640x128xf32, #tpu.memory_space<vmem_shared>>) target(%dma_start3A_26 : memref<640x128xf32, #tpu.memory_space<hbm>>) target_semaphore(%run_scoped3A : memref<!tpu.dma_semaphore, #tpu.memory_space<semaphore_mem>>)
      %dma_wait3A = arith.constant 0 : i32
      %dma_wait3A_29 = tpu.memref_slice %arg6[%arg0, %mul3A_20, %dma_wait3A] : memref<2x10240x128xf32, #tpu.memory_space<hbm>> -> memref<1x640x128xf32, #tpu.memory_space<hbm>>
      %dma_wait3A_30 = tpu.memref_squeeze %dma_wait3A_29 : memref<1x640x128xf32, #tpu.memory_space<hbm>> -> memref<640x128xf32, #tpu.memory_space<hbm>>
      %dma_wait3A_31 = arith.constant 0 : i32
      %dma_wait3A_32 = tpu.memref_slice %arg12[%mul3A_18, %dma_wait3A_31] : memref<10240x128xf32, #tpu.memory_space<vmem_shared>> -> memref<640x128xf32, #tpu.memory_space<vmem_shared>>
      tpu.wait_dma2 semaphore(%run_scoped3A : memref<!tpu.dma_semaphore, #tpu.memory_space<semaphore_mem>>) src(%dma_wait3A_32 : memref<640x128xf32, #tpu.memory_space<vmem_shared>>) dst(%dma_wait3A_30 : memref<640x128xf32, #tpu.memory_space<hbm>>)
      tpu.yield
    }) : () -> ()
    %mul3A_21 = arith.constant 80 : i32
    %mul3A_22 = arith.muli %arg1, %mul3A_21 : i32
    %mul3A_23 = arith.constant 80 : i32
    %mul3A_24 = arith.muli %arg1, %mul3A_23 : i32
    "tpu.region"() ({
      %run_scoped3A = tpu.sem_alloc : memref<!tpu.dma_semaphore, #tpu.memory_space<semaphore_mem>>
      %dma_start3A = arith.constant 0 : i32
      %dma_start3A_25 = tpu.memref_slice %arg7[%arg0, %mul3A_24, %dma_start3A] : memref<2x1280x128xf32, #tpu.memory_space<hbm>> -> memref<1x80x128xf32, #tpu.memory_space<hbm>>
      %dma_start3A_26 = tpu.memref_squeeze %dma_start3A_25 : memref<1x80x128xf32, #tpu.memory_space<hbm>> -> memref<80x128xf32, #tpu.memory_space<hbm>>
      %dma_start3A_27 = arith.constant 0 : i32
      %dma_start3A_28 = tpu.memref_slice %arg13[%mul3A_22, %dma_start3A_27] : memref<1280x128xf32, #tpu.memory_space<vmem_shared>> -> memref<80x128xf32, #tpu.memory_space<vmem_shared>>
      tpu.enqueue_dma source(%dma_start3A_28 : memref<80x128xf32, #tpu.memory_space<vmem_shared>>) target(%dma_start3A_26 : memref<80x128xf32, #tpu.memory_space<hbm>>) target_semaphore(%run_scoped3A : memref<!tpu.dma_semaphore, #tpu.memory_space<semaphore_mem>>)
      %dma_wait3A = arith.constant 0 : i32
      %dma_wait3A_29 = tpu.memref_slice %arg7[%arg0, %mul3A_24, %dma_wait3A] : memref<2x1280x128xf32, #tpu.memory_space<hbm>> -> memref<1x80x128xf32, #tpu.memory_space<hbm>>
      %dma_wait3A_30 = tpu.memref_squeeze %dma_wait3A_29 : memref<1x80x128xf32, #tpu.memory_space<hbm>> -> memref<80x128xf32, #tpu.memory_space<hbm>>
      %dma_wait3A_31 = arith.constant 0 : i32
      %dma_wait3A_32 = tpu.memref_slice %arg13[%mul3A_22, %dma_wait3A_31] : memref<1280x128xf32, #tpu.memory_space<vmem_shared>> -> memref<80x128xf32, #tpu.memory_space<vmem_shared>>
      tpu.wait_dma2 semaphore(%run_scoped3A : memref<!tpu.dma_semaphore, #tpu.memory_space<semaphore_mem>>) src(%dma_wait3A_32 : memref<80x128xf32, #tpu.memory_space<vmem_shared>>) dst(%dma_wait3A_30 : memref<80x128xf32, #tpu.memory_space<hbm>>)
      tpu.yield
    }) : () -> ()
    return
  }
}

module attributes {stable_mosaic.version = 14 : i64} {
  func.func @_edge_body(%arg0: i32, %arg1: memref<1280x16xf32, #tpu.memory_space<vmem>>, %arg2: memref<1280x128xf32, #tpu.memory_space<vmem>>, %arg3: memref<1280x128xf32, #tpu.memory_space<vmem>>, %arg4: memref<1280x1xi32, #tpu.memory_space<vmem>>, %arg5: memref<272x512xbf16, #tpu.memory_space<vmem>>, %arg6: memref<272x512xbf16, #tpu.memory_space<vmem>>, %arg7: memref<512xf32, #tpu.memory_space<vmem>>, %arg8: memref<512x256xbf16, #tpu.memory_space<vmem>>, %arg9: memref<512x256xbf16, #tpu.memory_space<vmem>>, %arg10: memref<256xf32, #tpu.memory_space<vmem>>, %arg11: memref<256x128xbf16, #tpu.memory_space<vmem>>, %arg12: memref<256x128xbf16, #tpu.memory_space<vmem>>, %arg13: memref<128xf32, #tpu.memory_space<vmem>>, %arg14: memref<128x256xbf16, #tpu.memory_space<vmem>>, %arg15: memref<128x256xbf16, #tpu.memory_space<vmem>>, %arg16: memref<256xf32, #tpu.memory_space<vmem>>, %arg17: memref<256x128xbf16, #tpu.memory_space<vmem>>, %arg18: memref<256x128xbf16, #tpu.memory_space<vmem>>, %arg19: memref<128xf32, #tpu.memory_space<vmem>>, %arg20: memref<128x1xbf16, #tpu.memory_space<vmem>>, %arg21: memref<128x1xbf16, #tpu.memory_space<vmem>>, %arg22: memref<1280x128xf32, #tpu.memory_space<vmem>>, %arg23: memref<1280x128xf32, #tpu.memory_space<vmem>>) attributes {dimension_semantics = [#tpu.dimension_semantics<arbitrary>], iteration_bounds = array<i64: 125>, scalar_prefetch = 0 : i64, scratch_operands = 0 : i64, tpu.core_type = #tpu.core_type<tc>, window_params = [{transform_indices = @transform_0, window_bounds = array<i64: 1280, 16>}, {transform_indices = @transform_1, window_bounds = array<i64: 1280, 128>}, {transform_indices = @transform_2, window_bounds = array<i64: 1280, 128>}, {transform_indices = @transform_3, window_bounds = array<i64: 1280, 1>}, {pipeline_mode = #tpu.pipeline_mode<synchronous>, transform_indices = @transform_4, window_bounds = array<i64: 272, 512>}, {pipeline_mode = #tpu.pipeline_mode<synchronous>, transform_indices = @transform_5, window_bounds = array<i64: 272, 512>}, {pipeline_mode = #tpu.pipeline_mode<synchronous>, transform_indices = @transform_6, window_bounds = array<i64: 512>}, {pipeline_mode = #tpu.pipeline_mode<synchronous>, transform_indices = @transform_7, window_bounds = array<i64: 512, 256>}, {pipeline_mode = #tpu.pipeline_mode<synchronous>, transform_indices = @transform_8, window_bounds = array<i64: 512, 256>}, {pipeline_mode = #tpu.pipeline_mode<synchronous>, transform_indices = @transform_9, window_bounds = array<i64: 256>}, {pipeline_mode = #tpu.pipeline_mode<synchronous>, transform_indices = @transform_10, window_bounds = array<i64: 256, 128>}, {pipeline_mode = #tpu.pipeline_mode<synchronous>, transform_indices = @transform_11, window_bounds = array<i64: 256, 128>}, {pipeline_mode = #tpu.pipeline_mode<synchronous>, transform_indices = @transform_12, window_bounds = array<i64: 128>}, {pipeline_mode = #tpu.pipeline_mode<synchronous>, transform_indices = @transform_13, window_bounds = array<i64: 128, 256>}, {pipeline_mode = #tpu.pipeline_mode<synchronous>, transform_indices = @transform_14, window_bounds = array<i64: 128, 256>}, {pipeline_mode = #tpu.pipeline_mode<synchronous>, transform_indices = @transform_15, window_bounds = array<i64: 256>}, {pipeline_mode = #tpu.pipeline_mode<synchronous>, transform_indices = @transform_16, window_bounds = array<i64: 256, 128>}, {pipeline_mode = #tpu.pipeline_mode<synchronous>, transform_indices = @transform_17, window_bounds = array<i64: 256, 128>}, {pipeline_mode = #tpu.pipeline_mode<synchronous>, transform_indices = @transform_18, window_bounds = array<i64: 128>}, {pipeline_mode = #tpu.pipeline_mode<synchronous>, transform_indices = @transform_19, window_bounds = array<i64: 128, 1>}, {pipeline_mode = #tpu.pipeline_mode<synchronous>, transform_indices = @transform_20, window_bounds = array<i64: 128, 1>}, {transform_indices = @transform_21, window_bounds = array<i64: 1280, 128>}, {transform_indices = @transform_22, window_bounds = array<i64: 1280, 128>}]} {
    %get3A = arith.constant 0 : index
    %get3A_0 = arith.constant 0 : index
    %get3A_1 = vector.load %arg1[%get3A, %get3A_0] : memref<1280x16xf32, #tpu.memory_space<vmem>>, vector<1280x16xf32>
    %get3A_2 = arith.constant 0 : index
    %get3A_3 = arith.constant 0 : index
    %get3A_4 = vector.load %arg2[%get3A_2, %get3A_3] : memref<1280x128xf32, #tpu.memory_space<vmem>>, vector<1280x128xf32>
    %get3A_5 = arith.constant 0 : index
    %get3A_6 = arith.constant 0 : index
    %get3A_7 = vector.load %arg3[%get3A_5, %get3A_6] : memref<1280x128xf32, #tpu.memory_space<vmem>>, vector<1280x128xf32>
    %concatenate3A = tpu.concatenate %get3A_1, %get3A_4, %get3A_7 in 1 : vector<1280x16xf32>, vector<1280x128xf32>, vector<1280x128xf32> -> vector<1280x272xf32>
    %convert_element_type3A = arith.truncf %concatenate3A : vector<1280x272xf32> to vector<1280x272xbf16>
    %convert_element_type3A_8 = arith.extf %convert_element_type3A : vector<1280x272xbf16> to vector<1280x272xf32>
    %sub3A = arith.subf %concatenate3A, %convert_element_type3A_8 : vector<1280x272xf32>
    %convert_element_type3A_9 = arith.truncf %sub3A : vector<1280x272xf32> to vector<1280x272xbf16>
    %get3A_10 = arith.constant 0 : index
    %get3A_11 = arith.constant 0 : index
    %get3A_12 = vector.load %arg6[%get3A_10, %get3A_11] : memref<272x512xbf16, #tpu.memory_space<vmem>>, vector<272x512xbf16>
    %dot_general3A = arith.constant dense<0.000000e+00> : vector<1280x512xf32>
    %dot_general3A_13 = tpu.matmul %convert_element_type3A, %get3A_12, %dot_general3A {dimension_numbers = #tpu.dot_dimension_numbers<[1], [0], [0], [1], [0, 0, 1, 1], [], []>, transpose_lhs_hint = false} : vector<1280x272xbf16>, vector<272x512xbf16>, vector<1280x512xf32> -> vector<1280x512xf32>
    %get3A_14 = arith.constant 0 : index
    %get3A_15 = arith.constant 0 : index
    %get3A_16 = vector.load %arg5[%get3A_14, %get3A_15] : memref<272x512xbf16, #tpu.memory_space<vmem>>, vector<272x512xbf16>
    %dot_general3A_17 = arith.constant dense<0.000000e+00> : vector<1280x512xf32>
    %dot_general3A_18 = tpu.matmul %convert_element_type3A_9, %get3A_16, %dot_general3A_17 {dimension_numbers = #tpu.dot_dimension_numbers<[1], [0], [0], [1], [0, 0, 1, 1], [], []>, transpose_lhs_hint = false} : vector<1280x272xbf16>, vector<272x512xbf16>, vector<1280x512xf32> -> vector<1280x512xf32>
    %add3A = arith.addf %dot_general3A_13, %dot_general3A_18 : vector<1280x512xf32>
    %get3A_19 = arith.constant 0 : index
    %get3A_20 = arith.constant 0 : index
    %get3A_21 = vector.load %arg5[%get3A_19, %get3A_20] : memref<272x512xbf16, #tpu.memory_space<vmem>>, vector<272x512xbf16>
    %dot_general3A_22 = arith.constant dense<0.000000e+00> : vector<1280x512xf32>
    %dot_general3A_23 = tpu.matmul %convert_element_type3A, %get3A_21, %dot_general3A_22 {dimension_numbers = #tpu.dot_dimension_numbers<[1], [0], [0], [1], [0, 0, 1, 1], [], []>, transpose_lhs_hint = false} : vector<1280x272xbf16>, vector<272x512xbf16>, vector<1280x512xf32> -> vector<1280x512xf32>
    %add3A_24 = arith.addf %add3A, %dot_general3A_23 : vector<1280x512xf32>
    %get3A_25 = arith.constant 0 : index
    %get3A_26 = vector.load %arg7[%get3A_25] : memref<512xf32, #tpu.memory_space<vmem>>, vector<512xf32>
    %broadcast_in_dim3A = vector.shape_cast %get3A_26 : vector<512xf32> to vector<1x512xf32>
    %add3A_27 = vector.broadcast %broadcast_in_dim3A : vector<1x512xf32> to vector<1280x512xf32>
    %add3A_28 = arith.addf %add3A_24, %add3A_27 : vector<1280x512xf32>
    %logistic3A = arith.negf %add3A_28 : vector<1280x512xf32>
    %logistic3A_29 = math.exp %logistic3A : vector<1280x512xf32>
    %logistic3A_30 = arith.constant 1.000000e+00 : f32
    %logistic3A_31 = vector.broadcast %logistic3A_30 : f32 to vector<1280x512xf32>
    %logistic3A_32 = arith.addf %logistic3A_31, %logistic3A_29 : vector<1280x512xf32>
    %logistic3A_33 = arith.divf %logistic3A_31, %logistic3A_32 : vector<1280x512xf32>
    %mul3A = arith.mulf %add3A_28, %logistic3A_33 : vector<1280x512xf32>
    %convert_element_type3A_34 = arith.truncf %mul3A : vector<1280x512xf32> to vector<1280x512xbf16>
    %convert_element_type3A_35 = arith.extf %convert_element_type3A_34 : vector<1280x512xbf16> to vector<1280x512xf32>
    %sub3A_36 = arith.subf %mul3A, %convert_element_type3A_35 : vector<1280x512xf32>
    %convert_element_type3A_37 = arith.truncf %sub3A_36 : vector<1280x512xf32> to vector<1280x512xbf16>
    %get3A_38 = arith.constant 0 : index
    %get3A_39 = arith.constant 0 : index
    %get3A_40 = vector.load %arg9[%get3A_38, %get3A_39] : memref<512x256xbf16, #tpu.memory_space<vmem>>, vector<512x256xbf16>
    %dot_general3A_41 = arith.constant dense<0.000000e+00> : vector<1280x256xf32>
    %dot_general3A_42 = tpu.matmul %convert_element_type3A_34, %get3A_40, %dot_general3A_41 {dimension_numbers = #tpu.dot_dimension_numbers<[1], [0], [0], [1], [0, 0, 1, 1], [], []>, transpose_lhs_hint = false} : vector<1280x512xbf16>, vector<512x256xbf16>, vector<1280x256xf32> -> vector<1280x256xf32>
    %get3A_43 = arith.constant 0 : index
    %get3A_44 = arith.constant 0 : index
    %get3A_45 = vector.load %arg8[%get3A_43, %get3A_44] : memref<512x256xbf16, #tpu.memory_space<vmem>>, vector<512x256xbf16>
    %dot_general3A_46 = arith.constant dense<0.000000e+00> : vector<1280x256xf32>
    %dot_general3A_47 = tpu.matmul %convert_element_type3A_37, %get3A_45, %dot_general3A_46 {dimension_numbers = #tpu.dot_dimension_numbers<[1], [0], [0], [1], [0, 0, 1, 1], [], []>, transpose_lhs_hint = false} : vector<1280x512xbf16>, vector<512x256xbf16>, vector<1280x256xf32> -> vector<1280x256xf32>
    %add3A_48 = arith.addf %dot_general3A_42, %dot_general3A_47 : vector<1280x256xf32>
    %get3A_49 = arith.constant 0 : index
    %get3A_50 = arith.constant 0 : index
    %get3A_51 = vector.load %arg8[%get3A_49, %get3A_50] : memref<512x256xbf16, #tpu.memory_space<vmem>>, vector<512x256xbf16>
    %dot_general3A_52 = arith.constant dense<0.000000e+00> : vector<1280x256xf32>
    %dot_general3A_53 = tpu.matmul %convert_element_type3A_34, %get3A_51, %dot_general3A_52 {dimension_numbers = #tpu.dot_dimension_numbers<[1], [0], [0], [1], [0, 0, 1, 1], [], []>, transpose_lhs_hint = false} : vector<1280x512xbf16>, vector<512x256xbf16>, vector<1280x256xf32> -> vector<1280x256xf32>
    %add3A_54 = arith.addf %add3A_48, %dot_general3A_53 : vector<1280x256xf32>
    %get3A_55 = arith.constant 0 : index
    %get3A_56 = vector.load %arg10[%get3A_55] : memref<256xf32, #tpu.memory_space<vmem>>, vector<256xf32>
    %broadcast_in_dim3A_57 = vector.shape_cast %get3A_56 : vector<256xf32> to vector<1x256xf32>
    %add3A_58 = vector.broadcast %broadcast_in_dim3A_57 : vector<1x256xf32> to vector<1280x256xf32>
    %add3A_59 = arith.addf %add3A_54, %add3A_58 : vector<1280x256xf32>
    %logistic3A_60 = arith.negf %add3A_59 : vector<1280x256xf32>
    %logistic3A_61 = math.exp %logistic3A_60 : vector<1280x256xf32>
    %logistic3A_62 = arith.constant 1.000000e+00 : f32
    %logistic3A_63 = vector.broadcast %logistic3A_62 : f32 to vector<1280x256xf32>
    %logistic3A_64 = arith.addf %logistic3A_63, %logistic3A_61 : vector<1280x256xf32>
    %logistic3A_65 = arith.divf %logistic3A_63, %logistic3A_64 : vector<1280x256xf32>
    %mul3A_66 = arith.mulf %add3A_59, %logistic3A_65 : vector<1280x256xf32>
    %convert_element_type3A_67 = arith.truncf %mul3A_66 : vector<1280x256xf32> to vector<1280x256xbf16>
    %convert_element_type3A_68 = arith.extf %convert_element_type3A_67 : vector<1280x256xbf16> to vector<1280x256xf32>
    %sub3A_69 = arith.subf %mul3A_66, %convert_element_type3A_68 : vector<1280x256xf32>
    %convert_element_type3A_70 = arith.truncf %sub3A_69 : vector<1280x256xf32> to vector<1280x256xbf16>
    %get3A_71 = arith.constant 0 : index
    %get3A_72 = arith.constant 0 : index
    %get3A_73 = vector.load %arg12[%get3A_71, %get3A_72] : memref<256x128xbf16, #tpu.memory_space<vmem>>, vector<256x128xbf16>
    %dot_general3A_74 = arith.constant dense<0.000000e+00> : vector<1280x128xf32>
    %dot_general3A_75 = tpu.matmul %convert_element_type3A_67, %get3A_73, %dot_general3A_74 {dimension_numbers = #tpu.dot_dimension_numbers<[1], [0], [0], [1], [0, 0, 1, 1], [], []>, transpose_lhs_hint = false} : vector<1280x256xbf16>, vector<256x128xbf16>, vector<1280x128xf32> -> vector<1280x128xf32>
    %get3A_76 = arith.constant 0 : index
    %get3A_77 = arith.constant 0 : index
    %get3A_78 = vector.load %arg11[%get3A_76, %get3A_77] : memref<256x128xbf16, #tpu.memory_space<vmem>>, vector<256x128xbf16>
    %dot_general3A_79 = arith.constant dense<0.000000e+00> : vector<1280x128xf32>
    %dot_general3A_80 = tpu.matmul %convert_element_type3A_70, %get3A_78, %dot_general3A_79 {dimension_numbers = #tpu.dot_dimension_numbers<[1], [0], [0], [1], [0, 0, 1, 1], [], []>, transpose_lhs_hint = false} : vector<1280x256xbf16>, vector<256x128xbf16>, vector<1280x128xf32> -> vector<1280x128xf32>
    %add3A_81 = arith.addf %dot_general3A_75, %dot_general3A_80 : vector<1280x128xf32>
    %get3A_82 = arith.constant 0 : index
    %get3A_83 = arith.constant 0 : index
    %get3A_84 = vector.load %arg11[%get3A_82, %get3A_83] : memref<256x128xbf16, #tpu.memory_space<vmem>>, vector<256x128xbf16>
    %dot_general3A_85 = arith.constant dense<0.000000e+00> : vector<1280x128xf32>
    %dot_general3A_86 = tpu.matmul %convert_element_type3A_67, %get3A_84, %dot_general3A_85 {dimension_numbers = #tpu.dot_dimension_numbers<[1], [0], [0], [1], [0, 0, 1, 1], [], []>, transpose_lhs_hint = false} : vector<1280x256xbf16>, vector<256x128xbf16>, vector<1280x128xf32> -> vector<1280x128xf32>
    %add3A_87 = arith.addf %add3A_81, %dot_general3A_86 : vector<1280x128xf32>
    %get3A_88 = arith.constant 0 : index
    %get3A_89 = vector.load %arg13[%get3A_88] : memref<128xf32, #tpu.memory_space<vmem>>, vector<128xf32>
    %broadcast_in_dim3A_90 = vector.shape_cast %get3A_89 : vector<128xf32> to vector<1x128xf32>
    %add3A_91 = vector.broadcast %broadcast_in_dim3A_90 : vector<1x128xf32> to vector<1280x128xf32>
    %add3A_92 = arith.addf %add3A_87, %add3A_91 : vector<1280x128xf32>
    %convert_element_type3A_93 = arith.truncf %add3A_92 : vector<1280x128xf32> to vector<1280x128xbf16>
    %convert_element_type3A_94 = arith.extf %convert_element_type3A_93 : vector<1280x128xbf16> to vector<1280x128xf32>
    %sub3A_95 = arith.subf %add3A_92, %convert_element_type3A_94 : vector<1280x128xf32>
    %convert_element_type3A_96 = arith.truncf %sub3A_95 : vector<1280x128xf32> to vector<1280x128xbf16>
    %get3A_97 = arith.constant 0 : index
    %get3A_98 = arith.constant 0 : index
    %get3A_99 = vector.load %arg15[%get3A_97, %get3A_98] : memref<128x256xbf16, #tpu.memory_space<vmem>>, vector<128x256xbf16>
    %dot_general3A_100 = arith.constant dense<0.000000e+00> : vector<1280x256xf32>
    %dot_general3A_101 = tpu.matmul %convert_element_type3A_93, %get3A_99, %dot_general3A_100 {dimension_numbers = #tpu.dot_dimension_numbers<[1], [0], [0], [1], [0, 0, 1, 1], [], []>, transpose_lhs_hint = false} : vector<1280x128xbf16>, vector<128x256xbf16>, vector<1280x256xf32> -> vector<1280x256xf32>
    %get3A_102 = arith.constant 0 : index
    %get3A_103 = arith.constant 0 : index
    %get3A_104 = vector.load %arg14[%get3A_102, %get3A_103] : memref<128x256xbf16, #tpu.memory_space<vmem>>, vector<128x256xbf16>
    %dot_general3A_105 = arith.constant dense<0.000000e+00> : vector<1280x256xf32>
    %dot_general3A_106 = tpu.matmul %convert_element_type3A_96, %get3A_104, %dot_general3A_105 {dimension_numbers = #tpu.dot_dimension_numbers<[1], [0], [0], [1], [0, 0, 1, 1], [], []>, transpose_lhs_hint = false} : vector<1280x128xbf16>, vector<128x256xbf16>, vector<1280x256xf32> -> vector<1280x256xf32>
    %add3A_107 = arith.addf %dot_general3A_101, %dot_general3A_106 : vector<1280x256xf32>
    %get3A_108 = arith.constant 0 : index
    %get3A_109 = arith.constant 0 : index
    %get3A_110 = vector.load %arg14[%get3A_108, %get3A_109] : memref<128x256xbf16, #tpu.memory_space<vmem>>, vector<128x256xbf16>
    %dot_general3A_111 = arith.constant dense<0.000000e+00> : vector<1280x256xf32>
    %dot_general3A_112 = tpu.matmul %convert_element_type3A_93, %get3A_110, %dot_general3A_111 {dimension_numbers = #tpu.dot_dimension_numbers<[1], [0], [0], [1], [0, 0, 1, 1], [], []>, transpose_lhs_hint = false} : vector<1280x128xbf16>, vector<128x256xbf16>, vector<1280x256xf32> -> vector<1280x256xf32>
    %add3A_113 = arith.addf %add3A_107, %dot_general3A_112 : vector<1280x256xf32>
    %get3A_114 = arith.constant 0 : index
    %get3A_115 = vector.load %arg16[%get3A_114] : memref<256xf32, #tpu.memory_space<vmem>>, vector<256xf32>
    %broadcast_in_dim3A_116 = vector.shape_cast %get3A_115 : vector<256xf32> to vector<1x256xf32>
    %add3A_117 = vector.broadcast %broadcast_in_dim3A_116 : vector<1x256xf32> to vector<1280x256xf32>
    %add3A_118 = arith.addf %add3A_113, %add3A_117 : vector<1280x256xf32>
    %logistic3A_119 = arith.negf %add3A_118 : vector<1280x256xf32>
    %logistic3A_120 = math.exp %logistic3A_119 : vector<1280x256xf32>
    %logistic3A_121 = arith.constant 1.000000e+00 : f32
    %logistic3A_122 = vector.broadcast %logistic3A_121 : f32 to vector<1280x256xf32>
    %logistic3A_123 = arith.addf %logistic3A_122, %logistic3A_120 : vector<1280x256xf32>
    %logistic3A_124 = arith.divf %logistic3A_122, %logistic3A_123 : vector<1280x256xf32>
    %mul3A_125 = arith.mulf %add3A_118, %logistic3A_124 : vector<1280x256xf32>
    %convert_element_type3A_126 = arith.truncf %mul3A_125 : vector<1280x256xf32> to vector<1280x256xbf16>
    %convert_element_type3A_127 = arith.extf %convert_element_type3A_126 : vector<1280x256xbf16> to vector<1280x256xf32>
    %sub3A_128 = arith.subf %mul3A_125, %convert_element_type3A_127 : vector<1280x256xf32>
    %convert_element_type3A_129 = arith.truncf %sub3A_128 : vector<1280x256xf32> to vector<1280x256xbf16>
    %get3A_130 = arith.constant 0 : index
    %get3A_131 = arith.constant 0 : index
    %get3A_132 = vector.load %arg18[%get3A_130, %get3A_131] : memref<256x128xbf16, #tpu.memory_space<vmem>>, vector<256x128xbf16>
    %dot_general3A_133 = arith.constant dense<0.000000e+00> : vector<1280x128xf32>
    %dot_general3A_134 = tpu.matmul %convert_element_type3A_126, %get3A_132, %dot_general3A_133 {dimension_numbers = #tpu.dot_dimension_numbers<[1], [0], [0], [1], [0, 0, 1, 1], [], []>, transpose_lhs_hint = false} : vector<1280x256xbf16>, vector<256x128xbf16>, vector<1280x128xf32> -> vector<1280x128xf32>
    %get3A_135 = arith.constant 0 : index
    %get3A_136 = arith.constant 0 : index
    %get3A_137 = vector.load %arg17[%get3A_135, %get3A_136] : memref<256x128xbf16, #tpu.memory_space<vmem>>, vector<256x128xbf16>
    %dot_general3A_138 = arith.constant dense<0.000000e+00> : vector<1280x128xf32>
    %dot_general3A_139 = tpu.matmul %convert_element_type3A_129, %get3A_137, %dot_general3A_138 {dimension_numbers = #tpu.dot_dimension_numbers<[1], [0], [0], [1], [0, 0, 1, 1], [], []>, transpose_lhs_hint = false} : vector<1280x256xbf16>, vector<256x128xbf16>, vector<1280x128xf32> -> vector<1280x128xf32>
    %add3A_140 = arith.addf %dot_general3A_134, %dot_general3A_139 : vector<1280x128xf32>
    %get3A_141 = arith.constant 0 : index
    %get3A_142 = arith.constant 0 : index
    %get3A_143 = vector.load %arg17[%get3A_141, %get3A_142] : memref<256x128xbf16, #tpu.memory_space<vmem>>, vector<256x128xbf16>
    %dot_general3A_144 = arith.constant dense<0.000000e+00> : vector<1280x128xf32>
    %dot_general3A_145 = tpu.matmul %convert_element_type3A_126, %get3A_143, %dot_general3A_144 {dimension_numbers = #tpu.dot_dimension_numbers<[1], [0], [0], [1], [0, 0, 1, 1], [], []>, transpose_lhs_hint = false} : vector<1280x256xbf16>, vector<256x128xbf16>, vector<1280x128xf32> -> vector<1280x128xf32>
    %add3A_146 = arith.addf %add3A_140, %dot_general3A_145 : vector<1280x128xf32>
    %get3A_147 = arith.constant 0 : index
    %get3A_148 = vector.load %arg19[%get3A_147] : memref<128xf32, #tpu.memory_space<vmem>>, vector<128xf32>
    %broadcast_in_dim3A_149 = vector.shape_cast %get3A_148 : vector<128xf32> to vector<1x128xf32>
    %add3A_150 = vector.broadcast %broadcast_in_dim3A_149 : vector<1x128xf32> to vector<1280x128xf32>
    %add3A_151 = arith.addf %add3A_146, %add3A_150 : vector<1280x128xf32>
    %convert_element_type3A_152 = arith.truncf %add3A_151 : vector<1280x128xf32> to vector<1280x128xbf16>
    %convert_element_type3A_153 = arith.extf %convert_element_type3A_152 : vector<1280x128xbf16> to vector<1280x128xf32>
    %sub3A_154 = arith.subf %add3A_151, %convert_element_type3A_153 : vector<1280x128xf32>
    %convert_element_type3A_155 = arith.truncf %sub3A_154 : vector<1280x128xf32> to vector<1280x128xbf16>
    %get3A_156 = arith.constant 0 : index
    %get3A_157 = arith.constant 0 : index
    %get3A_158 = vector.load %arg21[%get3A_156, %get3A_157] : memref<128x1xbf16, #tpu.memory_space<vmem>>, vector<128x1xbf16>
    %dot_general3A_159 = arith.constant dense<0.000000e+00> : vector<1280x1xf32>
    %dot_general3A_160 = tpu.matmul %convert_element_type3A_152, %get3A_158, %dot_general3A_159 {dimension_numbers = #tpu.dot_dimension_numbers<[1], [0], [0], [1], [0, 0, 1, 1], [], []>, transpose_lhs_hint = false} : vector<1280x128xbf16>, vector<128x1xbf16>, vector<1280x1xf32> -> vector<1280x1xf32>
    %get3A_161 = arith.constant 0 : index
    %get3A_162 = arith.constant 0 : index
    %get3A_163 = vector.load %arg20[%get3A_161, %get3A_162] : memref<128x1xbf16, #tpu.memory_space<vmem>>, vector<128x1xbf16>
    %dot_general3A_164 = arith.constant dense<0.000000e+00> : vector<1280x1xf32>
    %dot_general3A_165 = tpu.matmul %convert_element_type3A_155, %get3A_163, %dot_general3A_164 {dimension_numbers = #tpu.dot_dimension_numbers<[1], [0], [0], [1], [0, 0, 1, 1], [], []>, transpose_lhs_hint = false} : vector<1280x128xbf16>, vector<128x1xbf16>, vector<1280x1xf32> -> vector<1280x1xf32>
    %add3A_166 = arith.addf %dot_general3A_160, %dot_general3A_165 : vector<1280x1xf32>
    %get3A_167 = arith.constant 0 : index
    %get3A_168 = arith.constant 0 : index
    %get3A_169 = vector.load %arg20[%get3A_167, %get3A_168] : memref<128x1xbf16, #tpu.memory_space<vmem>>, vector<128x1xbf16>
    %dot_general3A_170 = arith.constant dense<0.000000e+00> : vector<1280x1xf32>
    %dot_general3A_171 = tpu.matmul %convert_element_type3A_152, %get3A_169, %dot_general3A_170 {dimension_numbers = #tpu.dot_dimension_numbers<[1], [0], [0], [1], [0, 0, 1, 1], [], []>, transpose_lhs_hint = false} : vector<1280x128xbf16>, vector<128x1xbf16>, vector<1280x1xf32> -> vector<1280x1xf32>
    %add3A_172 = arith.addf %add3A_166, %dot_general3A_171 : vector<1280x1xf32>
    %exp3A = math.exp %add3A_172 : vector<1280x1xf32>
    %mul3A_173 = vector.broadcast %exp3A : vector<1280x1xf32> to vector<1280x128xf32>
    %mul3A_174 = arith.mulf %mul3A_173, %add3A_92 : vector<1280x128xf32>
    %swap3A = arith.constant 0 : index
    %swap3A_175 = arith.constant 0 : index
    %swap3A_176 = vector.load %arg22[%swap3A, %swap3A_175] : memref<1280x128xf32, #tpu.memory_space<vmem>>, vector<1280x128xf32>
    tpu.vector_store %arg22[%swap3A, %swap3A_175], %mul3A_174 {strides = array<i32>} : memref<1280x128xf32, #tpu.memory_space<vmem>>, vector<1280x128xf32>,
    %get3A_177 = arith.constant 0 : index
    %get3A_178 = arith.constant 0 : index
    %get3A_179 = vector.load %arg4[%get3A_177, %get3A_178] : memref<1280x1xi32, #tpu.memory_space<vmem>>, vector<1280x1xi32>
    %iota3A = tpu.iota {dimensions = array<i32: 0>} : vector<1280x1xi32>
    %and3A = arith.constant 15 : i32
    %and3A_180 = vector.broadcast %and3A : i32 to vector<1280x1xi32>
    %and3A_181 = arith.andi %iota3A, %and3A_180 : vector<1280x1xi32>
    %and3A_182 = arith.constant 7 : i32
    %and3A_183 = vector.broadcast %and3A_182 : i32 to vector<1280x1xi32>
    %and3A_184 = arith.andi %get3A_179, %and3A_183 : vector<1280x1xi32>
    %shift_left3A = arith.constant 4 : i32
    %shift_left3A_185 = vector.broadcast %shift_left3A : i32 to vector<1280x1xi32>
    %shift_left3A_186 = arith.shli %and3A_184, %shift_left3A_185 : vector<1280x1xi32>
    %add3A_187 = arith.addi %shift_left3A_186, %and3A_181 : vector<1280x1xi32>
    %iota3A_188 = tpu.iota {dimensions = array<i32: 1>} : vector<1280x128xi32>
    %eq3A = vector.broadcast %add3A_187 : vector<1280x1xi32> to vector<1280x128xi32>
    %eq3A_189 = arith.cmpi eq, %iota3A_188, %eq3A : vector<1280x128xi32>
    %convert_element_type3A_190 = arith.extui %eq3A_189 : vector<1280x128xi1> to vector<1280x128xi32>
    %convert_element_type3A_191 = arith.sitofp %convert_element_type3A_190 : vector<1280x128xi32> to vector<1280x128xf32>
    %mul3A_192 = vector.broadcast %exp3A : vector<1280x1xf32> to vector<1280x128xf32>
    %mul3A_193 = arith.mulf %mul3A_192, %convert_element_type3A_191 : vector<1280x128xf32>
    %swap3A_194 = arith.constant 0 : index
    %swap3A_195 = arith.constant 0 : index
    %swap3A_196 = vector.load %arg23[%swap3A_194, %swap3A_195] : memref<1280x128xf32, #tpu.memory_space<vmem>>, vector<1280x128xf32>
    tpu.vector_store %arg23[%swap3A_194, %swap3A_195], %mul3A_193 {strides = array<i32>} : memref<1280x128xf32, #tpu.memory_space<vmem>>, vector<1280x128xf32>,
    return
  }
  func.func @transform_0(%arg0: i32) -> (i32, i32) {
    %c0_i32 = arith.constant 0 : i32
    %c0_i32_0 = arith.constant 0 : i32
    return %arg0, %c0_i32 : i32, i32
  }
  func.func @transform_1(%arg0: i32) -> (i32, i32) {
    %c0_i32 = arith.constant 0 : i32
    %c0_i32_0 = arith.constant 0 : i32
    return %arg0, %c0_i32 : i32, i32
  }
  func.func @transform_2(%arg0: i32) -> (i32, i32) {
    %c0_i32 = arith.constant 0 : i32
    %c0_i32_0 = arith.constant 0 : i32
    return %arg0, %c0_i32 : i32, i32
  }
  func.func @transform_3(%arg0: i32) -> (i32, i32) {
    %c0_i32 = arith.constant 0 : i32
    %c0_i32_0 = arith.constant 0 : i32
    return %arg0, %c0_i32 : i32, i32
  }
  func.func @transform_4(%arg0: i32) -> (i32, i32) {
    %c0_i32 = arith.constant 0 : i32
    %c0_i32_0 = arith.constant 0 : i32
    %c0_i32_1 = arith.constant 0 : i32
    return %c0_i32, %c0_i32_0 : i32, i32
  }
  func.func @transform_5(%arg0: i32) -> (i32, i32) {
    %c0_i32 = arith.constant 0 : i32
    %c0_i32_0 = arith.constant 0 : i32
    %c0_i32_1 = arith.constant 0 : i32
    return %c0_i32, %c0_i32_0 : i32, i32
  }
  func.func @transform_6(%arg0: i32) -> i32 {
    %c0_i32 = arith.constant 0 : i32
    %c0_i32_0 = arith.constant 0 : i32
    return %c0_i32 : i32
  }
  func.func @transform_7(%arg0: i32) -> (i32, i32) {
    %c0_i32 = arith.constant 0 : i32
    %c0_i32_0 = arith.constant 0 : i32
    %c0_i32_1 = arith.constant 0 : i32
    return %c0_i32, %c0_i32_0 : i32, i32
  }
  func.func @transform_8(%arg0: i32) -> (i32, i32) {
    %c0_i32 = arith.constant 0 : i32
    %c0_i32_0 = arith.constant 0 : i32
    %c0_i32_1 = arith.constant 0 : i32
    return %c0_i32, %c0_i32_0 : i32, i32
  }
  func.func @transform_9(%arg0: i32) -> i32 {
    %c0_i32 = arith.constant 0 : i32
    %c0_i32_0 = arith.constant 0 : i32
    return %c0_i32 : i32
  }
  func.func @transform_10(%arg0: i32) -> (i32, i32) {
    %c0_i32 = arith.constant 0 : i32
    %c0_i32_0 = arith.constant 0 : i32
    %c0_i32_1 = arith.constant 0 : i32
    return %c0_i32, %c0_i32_0 : i32, i32
  }
  func.func @transform_11(%arg0: i32) -> (i32, i32) {
    %c0_i32 = arith.constant 0 : i32
    %c0_i32_0 = arith.constant 0 : i32
    %c0_i32_1 = arith.constant 0 : i32
    return %c0_i32, %c0_i32_0 : i32, i32
  }
  func.func @transform_12(%arg0: i32) -> i32 {
    %c0_i32 = arith.constant 0 : i32
    %c0_i32_0 = arith.constant 0 : i32
    return %c0_i32 : i32
  }
  func.func @transform_13(%arg0: i32) -> (i32, i32) {
    %c0_i32 = arith.constant 0 : i32
    %c0_i32_0 = arith.constant 0 : i32
    %c0_i32_1 = arith.constant 0 : i32
    return %c0_i32, %c0_i32_0 : i32, i32
  }
  func.func @transform_14(%arg0: i32) -> (i32, i32) {
    %c0_i32 = arith.constant 0 : i32
    %c0_i32_0 = arith.constant 0 : i32
    %c0_i32_1 = arith.constant 0 : i32
    return %c0_i32, %c0_i32_0 : i32, i32
  }
  func.func @transform_15(%arg0: i32) -> i32 {
    %c0_i32 = arith.constant 0 : i32
    %c0_i32_0 = arith.constant 0 : i32
    return %c0_i32 : i32
  }
  func.func @transform_16(%arg0: i32) -> (i32, i32) {
    %c0_i32 = arith.constant 0 : i32
    %c0_i32_0 = arith.constant 0 : i32
    %c0_i32_1 = arith.constant 0 : i32
    return %c0_i32, %c0_i32_0 : i32, i32
  }
  func.func @transform_17(%arg0: i32) -> (i32, i32) {
    %c0_i32 = arith.constant 0 : i32
    %c0_i32_0 = arith.constant 0 : i32
    %c0_i32_1 = arith.constant 0 : i32
    return %c0_i32, %c0_i32_0 : i32, i32
  }
  func.func @transform_18(%arg0: i32) -> i32 {
    %c0_i32 = arith.constant 0 : i32
    %c0_i32_0 = arith.constant 0 : i32
    return %c0_i32 : i32
  }
  func.func @transform_19(%arg0: i32) -> (i32, i32) {
    %c0_i32 = arith.constant 0 : i32
    %c0_i32_0 = arith.constant 0 : i32
    %c0_i32_1 = arith.constant 0 : i32
    return %c0_i32, %c0_i32_0 : i32, i32
  }
  func.func @transform_20(%arg0: i32) -> (i32, i32) {
    %c0_i32 = arith.constant 0 : i32
    %c0_i32_0 = arith.constant 0 : i32
    %c0_i32_1 = arith.constant 0 : i32
    return %c0_i32, %c0_i32_0 : i32, i32
  }
  func.func @transform_21(%arg0: i32) -> (i32, i32) {
    %c0_i32 = arith.constant 0 : i32
    %c0_i32_0 = arith.constant 0 : i32
    return %arg0, %c0_i32 : i32, i32
  }
  func.func @transform_22(%arg0: i32) -> (i32, i32) {
    %c0_i32 = arith.constant 0 : i32
    %c0_i32_0 = arith.constant 0 : i32
    return %arg0, %c0_i32 : i32, i32
  }
}

module attributes {stable_mosaic.version = 14 : i64} {
  func.func @_node_body(%arg0: i32, %arg1: memref<2048x128xf32, #tpu.memory_space<vmem>>, %arg2: memref<1x2048x128xf32, #tpu.memory_space<vmem>>, %arg3: memref<1x2048x128xf32, #tpu.memory_space<vmem>>, %arg4: memref<1x256x128xf32, #tpu.memory_space<vmem>>, %arg5: memref<1x256x128xf32, #tpu.memory_space<vmem>>, %arg6: memref<256x512xbf16, #tpu.memory_space<vmem>>, %arg7: memref<256x512xbf16, #tpu.memory_space<vmem>>, %arg8: memref<512xf32, #tpu.memory_space<vmem>>, %arg9: memref<512x256xbf16, #tpu.memory_space<vmem>>, %arg10: memref<512x256xbf16, #tpu.memory_space<vmem>>, %arg11: memref<256xf32, #tpu.memory_space<vmem>>, %arg12: memref<256x128xbf16, #tpu.memory_space<vmem>>, %arg13: memref<256x128xbf16, #tpu.memory_space<vmem>>, %arg14: memref<128xf32, #tpu.memory_space<vmem>>, %arg15: memref<2048x128xf32, #tpu.memory_space<vmem>>) attributes {dimension_semantics = [#tpu.dimension_semantics<arbitrary>], iteration_bounds = array<i64: 5>, scalar_prefetch = 0 : i64, scratch_operands = 0 : i64, tpu.core_type = #tpu.core_type<tc>, window_params = [{transform_indices = @transform_0, window_bounds = array<i64: 2048, 128>}, {transform_indices = @transform_1, window_bounds = array<i64: 1, 2048, 128>}, {transform_indices = @transform_2, window_bounds = array<i64: 1, 2048, 128>}, {transform_indices = @transform_3, window_bounds = array<i64: 1, 256, 128>}, {transform_indices = @transform_4, window_bounds = array<i64: 1, 256, 128>}, {pipeline_mode = #tpu.pipeline_mode<synchronous>, transform_indices = @transform_5, window_bounds = array<i64: 256, 512>}, {pipeline_mode = #tpu.pipeline_mode<synchronous>, transform_indices = @transform_6, window_bounds = array<i64: 256, 512>}, {pipeline_mode = #tpu.pipeline_mode<synchronous>, transform_indices = @transform_7, window_bounds = array<i64: 512>}, {pipeline_mode = #tpu.pipeline_mode<synchronous>, transform_indices = @transform_8, window_bounds = array<i64: 512, 256>}, {pipeline_mode = #tpu.pipeline_mode<synchronous>, transform_indices = @transform_9, window_bounds = array<i64: 512, 256>}, {pipeline_mode = #tpu.pipeline_mode<synchronous>, transform_indices = @transform_10, window_bounds = array<i64: 256>}, {pipeline_mode = #tpu.pipeline_mode<synchronous>, transform_indices = @transform_11, window_bounds = array<i64: 256, 128>}, {pipeline_mode = #tpu.pipeline_mode<synchronous>, transform_indices = @transform_12, window_bounds = array<i64: 256, 128>}, {pipeline_mode = #tpu.pipeline_mode<synchronous>, transform_indices = @transform_13, window_bounds = array<i64: 128>}, {transform_indices = @transform_14, window_bounds = array<i64: 2048, 128>}]} {
    %get3A = arith.constant 0 : index
    %get3A_0 = arith.constant 0 : index
    %get3A_1 = arith.constant 0 : index
    %get3A_2 = vector.load %arg2[%get3A, %get3A_0, %get3A_1] : memref<1x2048x128xf32, #tpu.memory_space<vmem>>, vector<1x2048x128xf32>
    %get3A_3 = vector.shape_cast %get3A_2 : vector<1x2048x128xf32> to vector<2048x128xf32>
    %get3A_4 = arith.constant 0 : index
    %get3A_5 = arith.constant 0 : index
    %get3A_6 = arith.constant 0 : index
    %get3A_7 = vector.load %arg3[%get3A_4, %get3A_5, %get3A_6] : memref<1x2048x128xf32, #tpu.memory_space<vmem>>, vector<1x2048x128xf32>
    %get3A_8 = vector.shape_cast %get3A_7 : vector<1x2048x128xf32> to vector<2048x128xf32>
    %add3A = arith.addf %get3A_3, %get3A_8 : vector<2048x128xf32>
    %get3A_9 = arith.constant 0 : index
    %get3A_10 = arith.constant 0 : index
    %get3A_11 = arith.constant 0 : index
    %get3A_12 = vector.load %arg4[%get3A_9, %get3A_10, %get3A_11] : memref<1x256x128xf32, #tpu.memory_space<vmem>>, vector<1x256x128xf32>
    %get3A_13 = vector.shape_cast %get3A_12 : vector<1x256x128xf32> to vector<256x128xf32>
    %get3A_14 = arith.constant 0 : index
    %get3A_15 = arith.constant 0 : index
    %get3A_16 = arith.constant 0 : index
    %get3A_17 = vector.load %arg5[%get3A_14, %get3A_15, %get3A_16] : memref<1x256x128xf32, #tpu.memory_space<vmem>>, vector<1x256x128xf32>
    %get3A_18 = vector.shape_cast %get3A_17 : vector<1x256x128xf32> to vector<256x128xf32>
    %add3A_19 = arith.addf %get3A_13, %get3A_18 : vector<256x128xf32>
    %iota3A = tpu.iota {dimensions = array<i32: 0>} : vector<2048x256xi32>
    %iota3A_20 = tpu.iota {dimensions = array<i32: 1>} : vector<2048x256xi32>
    %shift_right_logical3A = arith.constant 3 : i32
    %shift_right_logical3A_21 = vector.broadcast %shift_right_logical3A : i32 to vector<2048x256xi32>
    %shift_right_logical3A_22 = arith.shrui %iota3A, %shift_right_logical3A_21 : vector<2048x256xi32>
    %eq3A = arith.cmpi eq, %shift_right_logical3A_22, %iota3A_20 : vector<2048x256xi32>
    %convert_element_type3A = arith.extui %eq3A : vector<2048x256xi1> to vector<2048x256xi32>
    %convert_element_type3A_23 = arith.sitofp %convert_element_type3A : vector<2048x256xi32> to vector<2048x256xf32>
    %convert_element_type3A_24 = arith.truncf %convert_element_type3A_23 : vector<2048x256xf32> to vector<2048x256xbf16>
    %convert_element_type3A_25 = arith.truncf %add3A_19 : vector<256x128xf32> to vector<256x128xbf16>
    %convert_element_type3A_26 = arith.extf %convert_element_type3A_25 : vector<256x128xbf16> to vector<256x128xf32>
    %sub3A = arith.subf %add3A_19, %convert_element_type3A_26 : vector<256x128xf32>
    %convert_element_type3A_27 = arith.truncf %sub3A : vector<256x128xf32> to vector<256x128xbf16>
    %dot_general3A = arith.constant dense<0.000000e+00> : vector<2048x128xf32>
    %dot_general3A_28 = tpu.matmul %convert_element_type3A_24, %convert_element_type3A_27, %dot_general3A {dimension_numbers = #tpu.dot_dimension_numbers<[1], [0], [0], [1], [0, 0, 1, 1], [], []>, transpose_lhs_hint = false} : vector<2048x256xbf16>, vector<256x128xbf16>, vector<2048x128xf32> -> vector<2048x128xf32>
    %dot_general3A_29 = arith.constant dense<0.000000e+00> : vector<2048x128xf32>
    %dot_general3A_30 = tpu.matmul %convert_element_type3A_24, %convert_element_type3A_25, %dot_general3A_29 {dimension_numbers = #tpu.dot_dimension_numbers<[1], [0], [0], [1], [0, 0, 1, 1], [], []>, transpose_lhs_hint = false} : vector<2048x256xbf16>, vector<256x128xbf16>, vector<2048x128xf32> -> vector<2048x128xf32>
    %add3A_31 = arith.addf %dot_general3A_28, %dot_general3A_30 : vector<2048x128xf32>
    %iota3A_32 = tpu.iota {dimensions = array<i32: 0>} : vector<2048x128xi32>
    %iota3A_33 = tpu.iota {dimensions = array<i32: 1>} : vector<2048x128xi32>
    %and3A = arith.constant 7 : i32
    %and3A_34 = vector.broadcast %and3A : i32 to vector<2048x128xi32>
    %and3A_35 = arith.andi %iota3A_32, %and3A_34 : vector<2048x128xi32>
    %shift_right_logical3A_36 = arith.constant 4 : i32
    %shift_right_logical3A_37 = vector.broadcast %shift_right_logical3A_36 : i32 to vector<2048x128xi32>
    %shift_right_logical3A_38 = arith.shrui %iota3A_33, %shift_right_logical3A_37 : vector<2048x128xi32>
    %eq3A_39 = arith.cmpi eq, %and3A_35, %shift_right_logical3A_38 : vector<2048x128xi32>
    %convert_element_type3A_40 = arith.extui %eq3A_39 : vector<2048x128xi1> to vector<2048x128xi32>
    %convert_element_type3A_41 = arith.sitofp %convert_element_type3A_40 : vector<2048x128xi32> to vector<2048x128xf32>
    %mul3A = arith.mulf %add3A_31, %convert_element_type3A_41 : vector<2048x128xf32>
    %reduce_sum3A = arith.constant dense<0.000000e+00> : vector<2048xf32>
    %reduce_sum3A_42 = vector.multi_reduction <add>, %mul3A, %reduce_sum3A [1] : vector<2048x128xf32> to vector<2048xf32>
    %broadcast_in_dim3A = vector.shape_cast %reduce_sum3A_42 : vector<2048xf32> to vector<2048x1xf32>
    %gt3A = arith.constant 0.000000e+00 : f32
    %gt3A_43 = vector.broadcast %gt3A : f32 to vector<2048x1xf32>
    %gt3A_44 = arith.cmpf ogt, %broadcast_in_dim3A, %gt3A_43 : vector<2048x1xf32>
    %div3A = vector.broadcast %broadcast_in_dim3A : vector<2048x1xf32> to vector<2048x128xf32>
    %div3A_45 = arith.divf %add3A, %div3A : vector<2048x128xf32>
    %jit3A = arith.constant 0.000000e+00 : f32
    %broadcast_in_dim3A_46 = vector.shape_cast %gt3A_44 : vector<2048x1xi1> to vector<2048x1xi1>
    %broadcast_in_dim3A_47 = vector.broadcast %broadcast_in_dim3A_46 : vector<2048x1xi1> to vector<2048x128xi1>
    %broadcast_in_dim3A_48 = vector.broadcast %jit3A : f32 to vector<2048x128xf32>
    %select_n3A = arith.select %broadcast_in_dim3A_47, %div3A_45, %broadcast_in_dim3A_48 : vector<2048x128xi1>, vector<2048x128xf32>
    %get3A_49 = arith.constant 0 : index
    %get3A_50 = arith.constant 0 : index
    %get3A_51 = vector.load %arg1[%get3A_49, %get3A_50] : memref<2048x128xf32, #tpu.memory_space<vmem>>, vector<2048x128xf32>
    %concatenate3A = tpu.concatenate %get3A_51, %select_n3A in 1 : vector<2048x128xf32>, vector<2048x128xf32> -> vector<2048x256xf32>
    %convert_element_type3A_52 = arith.truncf %concatenate3A : vector<2048x256xf32> to vector<2048x256xbf16>
    %convert_element_type3A_53 = arith.extf %convert_element_type3A_52 : vector<2048x256xbf16> to vector<2048x256xf32>
    %sub3A_54 = arith.subf %concatenate3A, %convert_element_type3A_53 : vector<2048x256xf32>
    %convert_element_type3A_55 = arith.truncf %sub3A_54 : vector<2048x256xf32> to vector<2048x256xbf16>
    %get3A_56 = arith.constant 0 : index
    %get3A_57 = arith.constant 0 : index
    %get3A_58 = vector.load %arg7[%get3A_56, %get3A_57] : memref<256x512xbf16, #tpu.memory_space<vmem>>, vector<256x512xbf16>
    %dot_general3A_59 = arith.constant dense<0.000000e+00> : vector<2048x512xf32>
    %dot_general3A_60 = tpu.matmul %convert_element_type3A_52, %get3A_58, %dot_general3A_59 {dimension_numbers = #tpu.dot_dimension_numbers<[1], [0], [0], [1], [0, 0, 1, 1], [], []>, transpose_lhs_hint = false} : vector<2048x256xbf16>, vector<256x512xbf16>, vector<2048x512xf32> -> vector<2048x512xf32>
    %get3A_61 = arith.constant 0 : index
    %get3A_62 = arith.constant 0 : index
    %get3A_63 = vector.load %arg6[%get3A_61, %get3A_62] : memref<256x512xbf16, #tpu.memory_space<vmem>>, vector<256x512xbf16>
    %dot_general3A_64 = arith.constant dense<0.000000e+00> : vector<2048x512xf32>
    %dot_general3A_65 = tpu.matmul %convert_element_type3A_55, %get3A_63, %dot_general3A_64 {dimension_numbers = #tpu.dot_dimension_numbers<[1], [0], [0], [1], [0, 0, 1, 1], [], []>, transpose_lhs_hint = false} : vector<2048x256xbf16>, vector<256x512xbf16>, vector<2048x512xf32> -> vector<2048x512xf32>
    %add3A_66 = arith.addf %dot_general3A_60, %dot_general3A_65 : vector<2048x512xf32>
    %get3A_67 = arith.constant 0 : index
    %get3A_68 = arith.constant 0 : index
    %get3A_69 = vector.load %arg6[%get3A_67, %get3A_68] : memref<256x512xbf16, #tpu.memory_space<vmem>>, vector<256x512xbf16>
    %dot_general3A_70 = arith.constant dense<0.000000e+00> : vector<2048x512xf32>
    %dot_general3A_71 = tpu.matmul %convert_element_type3A_52, %get3A_69, %dot_general3A_70 {dimension_numbers = #tpu.dot_dimension_numbers<[1], [0], [0], [1], [0, 0, 1, 1], [], []>, transpose_lhs_hint = false} : vector<2048x256xbf16>, vector<256x512xbf16>, vector<2048x512xf32> -> vector<2048x512xf32>
    %add3A_72 = arith.addf %add3A_66, %dot_general3A_71 : vector<2048x512xf32>
    %get3A_73 = arith.constant 0 : index
    %get3A_74 = vector.load %arg8[%get3A_73] : memref<512xf32, #tpu.memory_space<vmem>>, vector<512xf32>
    %broadcast_in_dim3A_75 = vector.shape_cast %get3A_74 : vector<512xf32> to vector<1x512xf32>
    %add3A_76 = vector.broadcast %broadcast_in_dim3A_75 : vector<1x512xf32> to vector<2048x512xf32>
    %add3A_77 = arith.addf %add3A_72, %add3A_76 : vector<2048x512xf32>
    %logistic3A = arith.negf %add3A_77 : vector<2048x512xf32>
    %logistic3A_78 = math.exp %logistic3A : vector<2048x512xf32>
    %logistic3A_79 = arith.constant 1.000000e+00 : f32
    %logistic3A_80 = vector.broadcast %logistic3A_79 : f32 to vector<2048x512xf32>
    %logistic3A_81 = arith.addf %logistic3A_80, %logistic3A_78 : vector<2048x512xf32>
    %logistic3A_82 = arith.divf %logistic3A_80, %logistic3A_81 : vector<2048x512xf32>
    %mul3A_83 = arith.mulf %add3A_77, %logistic3A_82 : vector<2048x512xf32>
    %convert_element_type3A_84 = arith.truncf %mul3A_83 : vector<2048x512xf32> to vector<2048x512xbf16>
    %convert_element_type3A_85 = arith.extf %convert_element_type3A_84 : vector<2048x512xbf16> to vector<2048x512xf32>
    %sub3A_86 = arith.subf %mul3A_83, %convert_element_type3A_85 : vector<2048x512xf32>
    %convert_element_type3A_87 = arith.truncf %sub3A_86 : vector<2048x512xf32> to vector<2048x512xbf16>
    %get3A_88 = arith.constant 0 : index
    %get3A_89 = arith.constant 0 : index
    %get3A_90 = vector.load %arg10[%get3A_88, %get3A_89] : memref<512x256xbf16, #tpu.memory_space<vmem>>, vector<512x256xbf16>
    %dot_general3A_91 = arith.constant dense<0.000000e+00> : vector<2048x256xf32>
    %dot_general3A_92 = tpu.matmul %convert_element_type3A_84, %get3A_90, %dot_general3A_91 {dimension_numbers = #tpu.dot_dimension_numbers<[1], [0], [0], [1], [0, 0, 1, 1], [], []>, transpose_lhs_hint = false} : vector<2048x512xbf16>, vector<512x256xbf16>, vector<2048x256xf32> -> vector<2048x256xf32>
    %get3A_93 = arith.constant 0 : index
    %get3A_94 = arith.constant 0 : index
    %get3A_95 = vector.load %arg9[%get3A_93, %get3A_94] : memref<512x256xbf16, #tpu.memory_space<vmem>>, vector<512x256xbf16>
    %dot_general3A_96 = arith.constant dense<0.000000e+00> : vector<2048x256xf32>
    %dot_general3A_97 = tpu.matmul %convert_element_type3A_87, %get3A_95, %dot_general3A_96 {dimension_numbers = #tpu.dot_dimension_numbers<[1], [0], [0], [1], [0, 0, 1, 1], [], []>, transpose_lhs_hint = false} : vector<2048x512xbf16>, vector<512x256xbf16>, vector<2048x256xf32> -> vector<2048x256xf32>
    %add3A_98 = arith.addf %dot_general3A_92, %dot_general3A_97 : vector<2048x256xf32>
    %get3A_99 = arith.constant 0 : index
    %get3A_100 = arith.constant 0 : index
    %get3A_101 = vector.load %arg9[%get3A_99, %get3A_100] : memref<512x256xbf16, #tpu.memory_space<vmem>>, vector<512x256xbf16>
    %dot_general3A_102 = arith.constant dense<0.000000e+00> : vector<2048x256xf32>
    %dot_general3A_103 = tpu.matmul %convert_element_type3A_84, %get3A_101, %dot_general3A_102 {dimension_numbers = #tpu.dot_dimension_numbers<[1], [0], [0], [1], [0, 0, 1, 1], [], []>, transpose_lhs_hint = false} : vector<2048x512xbf16>, vector<512x256xbf16>, vector<2048x256xf32> -> vector<2048x256xf32>
    %add3A_104 = arith.addf %add3A_98, %dot_general3A_103 : vector<2048x256xf32>
    %get3A_105 = arith.constant 0 : index
    %get3A_106 = vector.load %arg11[%get3A_105] : memref<256xf32, #tpu.memory_space<vmem>>, vector<256xf32>
    %broadcast_in_dim3A_107 = vector.shape_cast %get3A_106 : vector<256xf32> to vector<1x256xf32>
    %add3A_108 = vector.broadcast %broadcast_in_dim3A_107 : vector<1x256xf32> to vector<2048x256xf32>
    %add3A_109 = arith.addf %add3A_104, %add3A_108 : vector<2048x256xf32>
    %logistic3A_110 = arith.negf %add3A_109 : vector<2048x256xf32>
    %logistic3A_111 = math.exp %logistic3A_110 : vector<2048x256xf32>
    %logistic3A_112 = arith.constant 1.000000e+00 : f32
    %logistic3A_113 = vector.broadcast %logistic3A_112 : f32 to vector<2048x256xf32>
    %logistic3A_114 = arith.addf %logistic3A_113, %logistic3A_111 : vector<2048x256xf32>
    %logistic3A_115 = arith.divf %logistic3A_113, %logistic3A_114 : vector<2048x256xf32>
    %mul3A_116 = arith.mulf %add3A_109, %logistic3A_115 : vector<2048x256xf32>
    %convert_element_type3A_117 = arith.truncf %mul3A_116 : vector<2048x256xf32> to vector<2048x256xbf16>
    %convert_element_type3A_118 = arith.extf %convert_element_type3A_117 : vector<2048x256xbf16> to vector<2048x256xf32>
    %sub3A_119 = arith.subf %mul3A_116, %convert_element_type3A_118 : vector<2048x256xf32>
    %convert_element_type3A_120 = arith.truncf %sub3A_119 : vector<2048x256xf32> to vector<2048x256xbf16>
    %get3A_121 = arith.constant 0 : index
    %get3A_122 = arith.constant 0 : index
    %get3A_123 = vector.load %arg13[%get3A_121, %get3A_122] : memref<256x128xbf16, #tpu.memory_space<vmem>>, vector<256x128xbf16>
    %dot_general3A_124 = arith.constant dense<0.000000e+00> : vector<2048x128xf32>
    %dot_general3A_125 = tpu.matmul %convert_element_type3A_117, %get3A_123, %dot_general3A_124 {dimension_numbers = #tpu.dot_dimension_numbers<[1], [0], [0], [1], [0, 0, 1, 1], [], []>, transpose_lhs_hint = false} : vector<2048x256xbf16>, vector<256x128xbf16>, vector<2048x128xf32> -> vector<2048x128xf32>
    %get3A_126 = arith.constant 0 : index
    %get3A_127 = arith.constant 0 : index
    %get3A_128 = vector.load %arg12[%get3A_126, %get3A_127] : memref<256x128xbf16, #tpu.memory_space<vmem>>, vector<256x128xbf16>
    %dot_general3A_129 = arith.constant dense<0.000000e+00> : vector<2048x128xf32>
    %dot_general3A_130 = tpu.matmul %convert_element_type3A_120, %get3A_128, %dot_general3A_129 {dimension_numbers = #tpu.dot_dimension_numbers<[1], [0], [0], [1], [0, 0, 1, 1], [], []>, transpose_lhs_hint = false} : vector<2048x256xbf16>, vector<256x128xbf16>, vector<2048x128xf32> -> vector<2048x128xf32>
    %add3A_131 = arith.addf %dot_general3A_125, %dot_general3A_130 : vector<2048x128xf32>
    %get3A_132 = arith.constant 0 : index
    %get3A_133 = arith.constant 0 : index
    %get3A_134 = vector.load %arg12[%get3A_132, %get3A_133] : memref<256x128xbf16, #tpu.memory_space<vmem>>, vector<256x128xbf16>
    %dot_general3A_135 = arith.constant dense<0.000000e+00> : vector<2048x128xf32>
    %dot_general3A_136 = tpu.matmul %convert_element_type3A_117, %get3A_134, %dot_general3A_135 {dimension_numbers = #tpu.dot_dimension_numbers<[1], [0], [0], [1], [0, 0, 1, 1], [], []>, transpose_lhs_hint = false} : vector<2048x256xbf16>, vector<256x128xbf16>, vector<2048x128xf32> -> vector<2048x128xf32>
    %add3A_137 = arith.addf %add3A_131, %dot_general3A_136 : vector<2048x128xf32>
    %get3A_138 = arith.constant 0 : index
    %get3A_139 = vector.load %arg14[%get3A_138] : memref<128xf32, #tpu.memory_space<vmem>>, vector<128xf32>
    %broadcast_in_dim3A_140 = vector.shape_cast %get3A_139 : vector<128xf32> to vector<1x128xf32>
    %add3A_141 = vector.broadcast %broadcast_in_dim3A_140 : vector<1x128xf32> to vector<2048x128xf32>
    %add3A_142 = arith.addf %add3A_137, %add3A_141 : vector<2048x128xf32>
    %mul3A_143 = arith.constant 5.000000e-01 : f32
    %mul3A_144 = vector.broadcast %mul3A_143 : f32 to vector<2048x128xf32>
    %mul3A_145 = arith.mulf %mul3A_144, %get3A_51 : vector<2048x128xf32>
    %add3A_146 = arith.addf %add3A_142, %mul3A_145 : vector<2048x128xf32>
    %swap3A = arith.constant 0 : index
    %swap3A_147 = arith.constant 0 : index
    %swap3A_148 = vector.load %arg15[%swap3A, %swap3A_147] : memref<2048x128xf32, #tpu.memory_space<vmem>>, vector<2048x128xf32>
    tpu.vector_store %arg15[%swap3A, %swap3A_147], %add3A_146 {strides = array<i32>} : memref<2048x128xf32, #tpu.memory_space<vmem>>, vector<2048x128xf32>,
    return
  }
  func.func @transform_0(%arg0: i32) -> (i32, i32) {
    %c0_i32 = arith.constant 0 : i32
    %c0_i32_0 = arith.constant 0 : i32
    return %arg0, %c0_i32 : i32, i32
  }
  func.func @transform_1(%arg0: i32) -> (i32, i32, i32) {
    %c0_i32 = arith.constant 0 : i32
    %c0_i32_0 = arith.constant 0 : i32
    %c0_i32_1 = arith.constant 0 : i32
    return %c0_i32, %arg0, %c0_i32_0 : i32, i32, i32
  }
  func.func @transform_2(%arg0: i32) -> (i32, i32, i32) {
    %c1_i32 = arith.constant 1 : i32
    %c0_i32 = arith.constant 0 : i32
    %c0_i32_0 = arith.constant 0 : i32
    return %c1_i32, %arg0, %c0_i32 : i32, i32, i32
  }
  func.func @transform_3(%arg0: i32) -> (i32, i32, i32) {
    %c0_i32 = arith.constant 0 : i32
    %c0_i32_0 = arith.constant 0 : i32
    %c0_i32_1 = arith.constant 0 : i32
    return %c0_i32, %arg0, %c0_i32_0 : i32, i32, i32
  }
  func.func @transform_4(%arg0: i32) -> (i32, i32, i32) {
    %c1_i32 = arith.constant 1 : i32
    %c0_i32 = arith.constant 0 : i32
    %c0_i32_0 = arith.constant 0 : i32
    return %c1_i32, %arg0, %c0_i32 : i32, i32, i32
  }
  func.func @transform_5(%arg0: i32) -> (i32, i32) {
    %c0_i32 = arith.constant 0 : i32
    %c0_i32_0 = arith.constant 0 : i32
    %c0_i32_1 = arith.constant 0 : i32
    return %c0_i32, %c0_i32_0 : i32, i32
  }
  func.func @transform_6(%arg0: i32) -> (i32, i32) {
    %c0_i32 = arith.constant 0 : i32
    %c0_i32_0 = arith.constant 0 : i32
    %c0_i32_1 = arith.constant 0 : i32
    return %c0_i32, %c0_i32_0 : i32, i32
  }
  func.func @transform_7(%arg0: i32) -> i32 {
    %c0_i32 = arith.constant 0 : i32
    %c0_i32_0 = arith.constant 0 : i32
    return %c0_i32 : i32
  }
  func.func @transform_8(%arg0: i32) -> (i32, i32) {
    %c0_i32 = arith.constant 0 : i32
    %c0_i32_0 = arith.constant 0 : i32
    %c0_i32_1 = arith.constant 0 : i32
    return %c0_i32, %c0_i32_0 : i32, i32
  }
  func.func @transform_9(%arg0: i32) -> (i32, i32) {
    %c0_i32 = arith.constant 0 : i32
    %c0_i32_0 = arith.constant 0 : i32
    %c0_i32_1 = arith.constant 0 : i32
    return %c0_i32, %c0_i32_0 : i32, i32
  }
  func.func @transform_10(%arg0: i32) -> i32 {
    %c0_i32 = arith.constant 0 : i32
    %c0_i32_0 = arith.constant 0 : i32
    return %c0_i32 : i32
  }
  func.func @transform_11(%arg0: i32) -> (i32, i32) {
    %c0_i32 = arith.constant 0 : i32
    %c0_i32_0 = arith.constant 0 : i32
    %c0_i32_1 = arith.constant 0 : i32
    return %c0_i32, %c0_i32_0 : i32, i32
  }
  func.func @transform_12(%arg0: i32) -> (i32, i32) {
    %c0_i32 = arith.constant 0 : i32
    %c0_i32_0 = arith.constant 0 : i32
    %c0_i32_1 = arith.constant 0 : i32
    return %c0_i32, %c0_i32_0 : i32, i32
  }
  func.func @transform_13(%arg0: i32) -> i32 {
    %c0_i32 = arith.constant 0 : i32
    %c0_i32_0 = arith.constant 0 : i32
    return %c0_i32 : i32
  }
  func.func @transform_14(%arg0: i32) -> (i32, i32) {
    %c0_i32 = arith.constant 0 : i32
    %c0_i32_0 = arith.constant 0 : i32
    return %arg0, %c0_i32 : i32, i32
  }
}

module attributes {stable_mosaic.version = 14 : i64} {
  func.func @_head_body(%arg0: memref<8x128xf32, #tpu.memory_space<vmem>>, %arg1: memref<128x512xf32, #tpu.memory_space<vmem>>, %arg2: memref<512xf32, #tpu.memory_space<vmem>>, %arg3: memref<512x256xf32, #tpu.memory_space<vmem>>, %arg4: memref<256xf32, #tpu.memory_space<vmem>>, %arg5: memref<256x128xf32, #tpu.memory_space<vmem>>, %arg6: memref<128xf32, #tpu.memory_space<vmem>>, %arg7: memref<128x1xf32, #tpu.memory_space<vmem>>, %arg8: memref<1xf32, #tpu.memory_space<smem>>, %arg9: memref<8x1xf32, #tpu.memory_space<vmem>>) attributes {dimension_semantics = [], scalar_prefetch = 0 : i64, scratch_operands = 0 : i64, tpu.core_type = #tpu.core_type<tc>} {
    %get3A = arith.constant 0 : index
    %get3A_0 = arith.constant 0 : index
    %get3A_1 = vector.load %arg0[%get3A, %get3A_0] : memref<8x128xf32, #tpu.memory_space<vmem>>, vector<8x128xf32>
    %get3A_2 = arith.constant 0 : index
    %get3A_3 = arith.constant 0 : index
    %get3A_4 = vector.load %arg1[%get3A_2, %get3A_3] : memref<128x512xf32, #tpu.memory_space<vmem>>, vector<128x512xf32>
    %dot_general3A = arith.constant dense<0.000000e+00> : vector<8x512xf32>
    %dot_general3A_5 = tpu.matmul %get3A_1, %get3A_4, %dot_general3A {dimension_numbers = #tpu.dot_dimension_numbers<[1], [0], [0], [1], [0, 0, 1, 1], [], []>, precision = #tpu.contract_precision<fp32>, transpose_lhs_hint = false} : vector<8x128xf32>, vector<128x512xf32>, vector<8x512xf32> -> vector<8x512xf32>
    %get3A_6 = arith.constant 0 : index
    %get3A_7 = vector.load %arg2[%get3A_6] : memref<512xf32, #tpu.memory_space<vmem>>, vector<512xf32>
    %broadcast_in_dim3A = vector.shape_cast %get3A_7 : vector<512xf32> to vector<1x512xf32>
    %add3A = vector.broadcast %broadcast_in_dim3A : vector<1x512xf32> to vector<8x512xf32>
    %add3A_8 = arith.addf %dot_general3A_5, %add3A : vector<8x512xf32>
    %logistic3A = arith.negf %add3A_8 : vector<8x512xf32>
    %logistic3A_9 = math.exp %logistic3A : vector<8x512xf32>
    %logistic3A_10 = arith.constant 1.000000e+00 : f32
    %logistic3A_11 = vector.broadcast %logistic3A_10 : f32 to vector<8x512xf32>
    %logistic3A_12 = arith.addf %logistic3A_11, %logistic3A_9 : vector<8x512xf32>
    %logistic3A_13 = arith.divf %logistic3A_11, %logistic3A_12 : vector<8x512xf32>
    %mul3A = arith.mulf %add3A_8, %logistic3A_13 : vector<8x512xf32>
    %get3A_14 = arith.constant 0 : index
    %get3A_15 = arith.constant 0 : index
    %get3A_16 = vector.load %arg3[%get3A_14, %get3A_15] : memref<512x256xf32, #tpu.memory_space<vmem>>, vector<512x256xf32>
    %dot_general3A_17 = arith.constant dense<0.000000e+00> : vector<8x256xf32>
    %dot_general3A_18 = tpu.matmul %mul3A, %get3A_16, %dot_general3A_17 {dimension_numbers = #tpu.dot_dimension_numbers<[1], [0], [0], [1], [0, 0, 1, 1], [], []>, precision = #tpu.contract_precision<fp32>, transpose_lhs_hint = false} : vector<8x512xf32>, vector<512x256xf32>, vector<8x256xf32> -> vector<8x256xf32>
    %get3A_19 = arith.constant 0 : index
    %get3A_20 = vector.load %arg4[%get3A_19] : memref<256xf32, #tpu.memory_space<vmem>>, vector<256xf32>
    %broadcast_in_dim3A_21 = vector.shape_cast %get3A_20 : vector<256xf32> to vector<1x256xf32>
    %add3A_22 = vector.broadcast %broadcast_in_dim3A_21 : vector<1x256xf32> to vector<8x256xf32>
    %add3A_23 = arith.addf %dot_general3A_18, %add3A_22 : vector<8x256xf32>
    %logistic3A_24 = arith.negf %add3A_23 : vector<8x256xf32>
    %logistic3A_25 = math.exp %logistic3A_24 : vector<8x256xf32>
    %logistic3A_26 = arith.constant 1.000000e+00 : f32
    %logistic3A_27 = vector.broadcast %logistic3A_26 : f32 to vector<8x256xf32>
    %logistic3A_28 = arith.addf %logistic3A_27, %logistic3A_25 : vector<8x256xf32>
    %logistic3A_29 = arith.divf %logistic3A_27, %logistic3A_28 : vector<8x256xf32>
    %mul3A_30 = arith.mulf %add3A_23, %logistic3A_29 : vector<8x256xf32>
    %get3A_31 = arith.constant 0 : index
    %get3A_32 = arith.constant 0 : index
    %get3A_33 = vector.load %arg5[%get3A_31, %get3A_32] : memref<256x128xf32, #tpu.memory_space<vmem>>, vector<256x128xf32>
    %dot_general3A_34 = arith.constant dense<0.000000e+00> : vector<8x128xf32>
    %dot_general3A_35 = tpu.matmul %mul3A_30, %get3A_33, %dot_general3A_34 {dimension_numbers = #tpu.dot_dimension_numbers<[1], [0], [0], [1], [0, 0, 1, 1], [], []>, precision = #tpu.contract_precision<fp32>, transpose_lhs_hint = false} : vector<8x256xf32>, vector<256x128xf32>, vector<8x128xf32> -> vector<8x128xf32>
    %get3A_36 = arith.constant 0 : index
    %get3A_37 = vector.load %arg6[%get3A_36] : memref<128xf32, #tpu.memory_space<vmem>>, vector<128xf32>
    %broadcast_in_dim3A_38 = vector.shape_cast %get3A_37 : vector<128xf32> to vector<1x128xf32>
    %add3A_39 = vector.broadcast %broadcast_in_dim3A_38 : vector<1x128xf32> to vector<8x128xf32>
    %add3A_40 = arith.addf %dot_general3A_35, %add3A_39 : vector<8x128xf32>
    %logistic3A_41 = arith.negf %add3A_40 : vector<8x128xf32>
    %logistic3A_42 = math.exp %logistic3A_41 : vector<8x128xf32>
    %logistic3A_43 = arith.constant 1.000000e+00 : f32
    %logistic3A_44 = vector.broadcast %logistic3A_43 : f32 to vector<8x128xf32>
    %logistic3A_45 = arith.addf %logistic3A_44, %logistic3A_42 : vector<8x128xf32>
    %logistic3A_46 = arith.divf %logistic3A_44, %logistic3A_45 : vector<8x128xf32>
    %mul3A_47 = arith.mulf %add3A_40, %logistic3A_46 : vector<8x128xf32>
    %get3A_48 = arith.constant 0 : index
    %get3A_49 = arith.constant 0 : index
    %get3A_50 = vector.load %arg7[%get3A_48, %get3A_49] : memref<128x1xf32, #tpu.memory_space<vmem>>, vector<128x1xf32>
    %dot_general3A_51 = arith.constant dense<0.000000e+00> : vector<8x1xf32>
    %dot_general3A_52 = tpu.matmul %mul3A_47, %get3A_50, %dot_general3A_51 {dimension_numbers = #tpu.dot_dimension_numbers<[1], [0], [0], [1], [0, 0, 1, 1], [], []>, precision = #tpu.contract_precision<fp32>, transpose_lhs_hint = false} : vector<8x128xf32>, vector<128x1xf32>, vector<8x1xf32> -> vector<8x1xf32>
    %get3A_53 = arith.constant 0 : index
    %get3A_54 = memref.load %arg8[%get3A_53] : memref<1xf32, #tpu.memory_space<smem>>
    %add3A_55 = vector.broadcast %get3A_54 : f32 to vector<8x1xf32>
    %add3A_56 = arith.addf %dot_general3A_52, %add3A_55 : vector<8x1xf32>
    %tanh3A = math.tanh %add3A_56 : vector<8x1xf32>
    %swap3A = arith.constant 0 : index
    %swap3A_57 = arith.constant 0 : index
    %swap3A_58 = vector.load %arg9[%swap3A, %swap3A_57] : memref<8x1xf32, #tpu.memory_space<vmem>>, vector<8x1xf32>
    tpu.vector_store %arg9[%swap3A, %swap3A_57], %tanh3A {strides = array<i32>} : memref<8x1xf32, #tpu.memory_space<vmem>>, vector<8x1xf32>,
    return
  }
}

</mosaic_0001>

<sc_bundles>
// kernel: kernel.19.cloned.1.call-start
scs
__scs_entry_jumppad:
0x0: {  	(pc) =	sbr.rel $0x88, $3  }
0x1: {  	(tag) =	ssettag $0x0;
	lr =	simm.s32 $0x1  }
0x2: {  	[smem:$0x3F51] =	sst lr;
	_ =	strace $0xD0000000  }
0x3: {  	_ = 	snop  }
0x4: {  	_ = 	snop  }
0x5: {  	_ = 	snop  }
0x6: {  	_ = 	snop  }
0x7: {  	_ = 	snop  }
__scs_overlays_trampoline_lowered:
0x8: {  	[smem:$0x3F60] =	sst s0  }
0x9: {  	[smem:$0x3F61] =	sst s1  }
0xa: {  	[smem:$0x3F62] =	sst s2  }
0xb: {  	[smem:$0x3F63] =	sst s3  }
0xc: {  	[smem:$0x3F64] =	sst s4  }
0xd: {  	[smem:$0x3F65] =	sst s5  }
0xe: {  	[smem:$0x3F66] =	sst s6  }
0xf: {  	[smem:$0x3F67] =	sst s7  }
0x10: {  	[smem:$0x3F68] =	sst s8  }
0x11: {  	[smem:$0x3F69] =	sst s9;
	s0 =	simm.s32 @!p0 $0x0  }
0x12: {  	s1 =	sld [smem:$0x3F4F];
	s0 =	simm.s32 @p0 $0x1  }
0x13: {  	[smem:$0x3F6A] =	sst s0;
	s0 =	simm.s32 @!p1 $0x0  }
0x14: {  	s2 =	sld [smem:$0x3F4E];
	s0 =	simm.s32 @p1 $0x1  }
0x15: {  	[smem:$0x3F6B] =	sst s0;
	s0 =	simm.s32 @!p2 $0x0  }
0x16: {  	s3 =	sld [smem:$0x3FDB];
	s0 =	simm.s32 @p2 $0x1  }
0x17: {  	s4 =	simm.s32 $0x1BF5;
	[smem:$0x3F6D] =	sst s0  }
0x18: {  	s0 =	sld [smem:$0x3F50];
	_ =	swait.ge [sflag:s4], $0x0  }
0x19: {  	s7 =	sld [smem:$0x3F51]  }
0x1a: {  	s8 =	sadd.s32 $0xFFFFE003, lr  }
0x1b: {  	s9 =	sadd.s32 $0xFFFFFEF7, lr;
	s5 =	simm.s32 $0xFFFFFFFF;
	p2 =	slt.u32 s8, $0xFFFFF086  }
0x1c: {  	p1 =	slt.u32 s9, $0xF7A;
	s5 =	simm.s32 @!p2 $0x0  }
0x1d: {  	s5 =	simm.s32 @p1 $0x1;
	p0 =	seq.s32 s7, s2  }
0x1e: {  	s7 =	smul.u32 @!p0 $0xF7A, s2;
	p2 =	seq.s32 @!p0 s5, $0x0  }
0x1f: {  	s9 =	smul.u32 $0xF7A, s1;
	s8 =	simm.s32 @!p0 $0x1BF5;
	p2 =	por !p2, p0  }
0x20: {  	[sflag:s8] =	ssyncset.s32 @!p0 $0xFFFFF086;
	s6 =	sadd.s32 @!p0 s3, s7;
	s7 =	simm.s32 @!p0 $0x108  }
0x21: {  	s3 =	sadd.s32 s3, s9;
	s6 =	sadd.s32 @!p0 $0x88, s6;
	s7 =	simm.s32 @p2 $0x1082  }
0x22: {  	[simem:s7], [sflag:s8] =	dma.local @!p0 [hbm:s6], $0xF7A  }
0x23: {  	s9 =	sor.u32 $0xD0000000, s2;
	s6 =	simm.s32 $0x108;
	_ =	swait.ge @!p0 [sflag:s8], $0x0  }
0x24: {  	s3 =	sadd.s32 $0x88, s3;
	s6 =	simm.s32 @!p1 $0x1082;
	[sflag:s4] =	ssyncset.s32 $0xFFFFF086  }
0x25: {  	[simem:s6], [sflag:s4] =	dma.local [hbm:s3], $0xF7A  }
0x26: {  	[smem:$0x3F51] =	sst s1;
	(tag) =	ssettag s2;
	_ =	strace s9  }
0x27: {  	s1 =	sld [smem:$0x3F61]  }
0x28: {  	s2 =	sld [smem:$0x3F62]  }
0x29: {  	s4 =	sld [smem:$0x3F64]  }
0x2a: {  	p0 =	seq.s32 s5, $0x0;
	s5 =	sld [smem:$0x3F65]  }
0x2b: {  	s6 =	sld [smem:$0x3F66]  }
0x2c: {  	s7 =	sld [smem:$0x3F67]  }
0x2d: {  	s3 =	simm.s32 $0x108;
	s8 =	sld [smem:$0x3F68]  }
0x2e: {  	s3 =	simm.s32 @!p0 $0x1082;
	s9 =	sld [smem:$0x3F69]  }
0x2f: {  	lr =	sadd.s32 s0, s3;
	s0 =	sld [smem:$0x3F60]  }
0x30: {  	s3 =	sld [smem:$0x3F63]  }
0x31: {  	[smem:$0x3F6C] =	sst s10  }
0x32: {  	s10 =	sld [smem:$0x3F6A];
	_ =	sdelay $0x3  }
0x33: {  	p0 =	seq.s32 s10, $0x1;
	s10 =	sld [smem:$0x3F6C];
	_ =	sdelay $0x3  }
0x34: {  	[smem:$0x3F6C] =	sst s10  }
0x35: {  	s10 =	sld [smem:$0x3F6B];
	_ =	sdelay $0x3  }
0x36: {  	p1 =	seq.s32 s10, $0x1;
	s10 =	sld [smem:$0x3F6C];
	_ =	sdelay $0x3  }
0x37: {  	[smem:$0x3F6C] =	sst s10  }
0x38: {  	s10 =	sld [smem:$0x3F6D]  }
0x39: {  	_ = 	snop;
	(pc) =	sbr.ind lr, $3  }
0x3a: {  	_ = 	snop  }
0x3b: {  	_ = 	snop  }
0x3c: {  	p2 =	seq.s32 s10, $0x1;
	s10 =	sld [smem:$0x3F6C]  }
0x3d: {  	_ =	shalt  }
0x3e: {  	_ =	shalt  }
0x3f: {  	_ =	shalt  }
0x40: {  	_ =	shalt  }
0x41: {  	_ =	shalt  }
0x42: {  	_ =	shalt  }
0x43: {  	_ =	shalt  }
0x44: {  	_ =	shalt  }
0x45: {  	_ =	shalt  }
0x46: {  	_ =	shalt  }
0x47: {  	_ =	shalt  }
0x48: {  	_ =	shalt  }
0x49: {  	_ =	shalt  }
0x4a: {  	_ =	shalt  }
0x4b: {  	_ =	shalt  }
0x4c: {  	_ =	shalt  }
0x4d: {  	_ =	shalt  }
0x4e: {  	_ =	shalt  }
0x4f: {  	_ =	shalt  }
0x50: {  	_ =	shalt  }
0x51: {  	_ =	shalt  }
0x52: {  	_ =	shalt  }
0x53: {  	_ =	shalt  }
0x54: {  	_ =	shalt  }
0x55: {  	_ =	shalt  }
0x56: {  	_ =	shalt  }
0x57: {  	_ =	shalt  }
0x58: {  	_ =	shalt  }
0x59: {  	_ =	shalt  }
0x5a: {  	_ =	shalt  }
0x5b: {  	_ =	shalt  }
0x5c: {  	_ =	shalt  }
0x5d: {  	_ =	shalt  }
0x5e: {  	_ =	shalt  }
0x5f: {  	_ =	shalt  }
0x60: {  	_ =	shalt  }
0x61: {  	_ =	shalt  }
0x62: {  	_ =	shalt  }
0x63: {  	_ =	shalt  }
0x64: {  	_ =	shalt  }
0x65: {  	_ =	shalt  }
0x66: {  	_ =	shalt  }
0x67: {  	_ =	shalt  }
0x68: {  	_ =	shalt  }
0x69: {  	_ =	shalt  }
0x6a: {  	_ =	shalt  }
0x6b: {  	_ =	shalt  }
0x6c: {  	_ =	shalt  }
0x6d: {  	_ =	shalt  }
0x6e: {  	_ =	shalt  }
0x6f: {  	_ =	shalt  }
0x70: {  	_ =	shalt  }
0x71: {  	_ =	shalt  }
0x72: {  	_ =	shalt  }
0x73: {  	_ =	shalt  }
0x74: {  	_ =	shalt  }
0x75: {  	_ =	shalt  }
0x76: {  	_ =	shalt  }
0x77: {  	_ =	shalt  }
0x78: {  	_ =	shalt  }
0x79: {  	_ =	shalt  }
0x7a: {  	_ =	shalt  }
0x7b: {  	_ =	shalt  }
0x7c: {  	_ =	shalt  }
0x7d: {  	_ =	shalt  }
0x7e: {  	_ =	shalt  }
0x7f: {  	_ =	shalt  }
0x80: {  	_ =	shalt  }
0x81: {  	_ =	shalt  }
0x82: {  	_ =	shalt  }
0x83: {  	_ =	shalt  }
0x84: {  	_ =	shalt  }
0x85: {  	_ =	shalt  }
0x86: {  	_ =	shalt  }
0x87: {  	_ =	shalt  }
.Lfunc_end0:
.L_simem_size_0:
called_computation_lowered:
.L_overlay_start_0:
0x88: {  	s2 =	sld [smem:$0x3FD9]  }
0x89: {  	s3 =	sld [smem:$0x3FFE];
	_ =	sdelay $0x1  }
0x8a: {  	s1 =	srdreg.scid  }
0x8b: {  	s0 =	sand.u32 $0x1, s1  }
0x8c: {  	s17 =	sshll.u32 s0, $0xA;
	s2 =	sadd.s32 s3, s2  }
0x8d: {  	s2 =	sadd.s32 s2, s17  }
0x8e: {  	[smem:$0x3F78] =	sst s2  }
0x8f: {  	_ = 	snop  }
0x90: {  	s2 =	sld [smem:$0x3FC9]  }
0x91: {  	s18 =	sld [smem:$0x3FC7]  }
0x92: {  	s4 =	sld [smem:$0x3FC6];
	(tm) =	ssettm $0x1  }
0x93: {  	s5 =	sld [smem:$0x3FFB];
	_ =	sdelay $0x3  }
0x94: {  	_ =	strace s5  }
0x95: {  	s5 =	sld [smem:$0x3FFC];
	_ =	sdelay $0x3  }
0x96: {  	_ =	strace s5  }
0x97: {  	s5 =	sld [smem:$0x3FFD];
	_ =	sdelay $0x3  }
0x98: {  	_ =	strace s5  }
0x99: {  	_ =	strace $0x8FFFFFFF  }
0x9a: {  	s19 =	sld [smem:$0x3FDB];
	_ =	sdelay $0x1  }
0x9b: {  	s6 =	simm.s32 $_scs_section_size  }
0x9c: {  	s7 =	simm.s32 $_size__tile_overlayer_lowered;
	s8 =	simm.s32 $_tile_overlayer_lowered  }
0x9d: {  	s22 =	simm.s32 $0x1BFF;
	s21 =	sshll.u32 s8, $0x1;
	s5 =	sadd.s32 s6, s19  }
0x9e: {  	s9 =	simm.s32 $0x0;
	s20 =	sshll.u32 s7, $0x1;
	s7 =	sadd.s32 s21, s5  }
0x9f: {  	[timem:s9], [sflag:s22] =	dma.local [hbm:s7], s20  }
0xa0: {  	_ =	swait.ge [sflag:s22], s20  }
0xa1: {  	s6 =	ssub.s32 $0x0, s20;
	[sflag:s22] =	ssyncset.done $0x0  }
0xa2: {  	[sflag:s22] =	ssyncadd.s32 s6;
	_ =	sdelay $0x1  }
0xa3: {  	s23 =	simm.s32 $0x1B8B  }
0xa4: {  	_ =	swait.ge [sflag:s23], $0x1  }
0xa5: {  	[sflag:s23] =	ssyncset.done $0x0  }
0xa6: {  	s25 =	simm.s32 $0x1B8E;
	s24 =	sld [smem:$0x3FFE];
	[sflag:s23] =	ssyncadd.s32 $0xFFFFFFFF  }
0xa7: {  	s26 =	simm.s32 $execute0_lowered;
	[smem:$0x3FD2] =	sst s25  }
0xa8: {  	s7 =	sshll.u32 s26, $0x1;
	_ =	strace $0x80000046;
	[dreg:$0x1] =	wrdreg $0xFFFFFFFF  }
0xa9: {  	s28 =	simm.s32 $_size_execute0_lowered;
	s5 =	sadd.s32 s5, s7;
	[dreg:$0x0] =	wrdreg $0x0  }
0xaa: {  	s7 =	sshll.u32 s28, $0x1;
	[dreg:$0x2] =	wrdreg s5  }
0xab: {  	[dreg:$0x3] =	wrdreg s7  }
0xac: {  	[dreg:$0x4] =	wrdreg $0xC0  }
0xad: {  	_ =	task [dreg:s9], $0x5FFFF  }
0xae: {  	[dreg:$0x1] =	wrdreg $0xFFFFFFFF  }
0xaf: {  	[dreg:$0x0] =	wrdreg $0x60  }
0xb0: {  	[dreg:$0x2] =	wrdreg s2  }
0xb1: {  	[dreg:$0x3] =	wrdreg s18  }
0xb2: {  	[dreg:$0x4] =	wrdreg s4  }
0xb3: {  	[dreg:$0x5] =	wrdreg s24  }
0xb4: {  	[dreg:$0x6] =	wrdreg $0x9  }
0xb5: {  	_ =	task.clear_ibuf [dreg:s9], $0x7FFFF;
	_ =	strace $0x90000046  }
0xb6: {  	s29 =	simm.s32 $0x9;
	_ =	strace $0x80000048  }
0xb7: {  	_ =	swait.ge [sflag:s29], $0x1  }
0xb8: {  	[sflag:s29] =	ssyncadd.s32 $0xFFFFFFFF  }
0xb9: {  	_ =	strace $0x90000048  }
0xba: {  	_ =	sfence  }
0xbb: {  	s30 =	sld [smem:$0x0];
	_ =	sdelay $0x2  }
0xbc: {  	s31 =	sshll.u32 s1, $0xD;
	s1 =	sshrl.u32 s1, $0x2  }
0xbd: {  	s3 =	sand.u32 $0x4000, s31;
	s1 =	sadd.s32 s1, s30  }
0xbe: {  	s0 =	sor.u32 s3, s0;
	s1 =	sshll.u32 s1, $0x11  }
0xbf: {  	s0 =	sor.u32 s1, s0  }
0xc0: {  	s0 =	sadd.s32 $0x8F2B, s0  }
0xc1: {  	[sflag:s0] =	ssyncadd.remote.s32 $0x1  }
0xc2: {  	_ =	sfence.sel $0xFFFF  }
0xc3: {  	[dreg:$0x0] =	wrdreg $0xFFFFFFFF;
	(pc) =	sbr.abs _section_cstart, $3  }
0xc4: {  	[dreg:$0x1] =	wrdreg $0xFFFFFFFF  }
0xc5: {  	_ =	task.clear_ibuf [dreg:s9], $0x2FFFF;
	_ =	strace $0x9FFFFFFF  }
0xc6: {  	(tm) =	ssettm $0x7FFFFFFF  }
0xc7: {  	_ =	shalt  }
tec
execute0_lowered:
.L_overlay_start_1:
0x0: {  	(tag) =	ssettag $0x1  }
0x1: {  	s1 =	rddreg [dreg:$0x0]  }
0x2: {  	s7 =	rddreg [dreg:$0x1]  }
0x3: {  	s6 =	rddreg [dreg:$0x2]  }
0x4: {  	s4 =	rddreg [dreg:$0x3]  }
0x5: {  	s0 =	rddreg [dreg:$0x4];
	s3 =	simm.s32 $0x0;
	s5 =	srdreg.scid  }
0x6: {  	s2 =	stileid.u32;
	s13 =	simm.s32 $0x4100;
	s14 =	simm.s32 $0x1  }
0x7: {  	s15 =	simm.s32 $0x2;
	s16 =	simm.s32 $0x0;
	[smem:$0x7FF] =	sst s3  }
0x8: {  	s8 =	sand.u32 $0x1, s5;
	s28 =	sshll.u32 s2, $0xC;
	p0 =	seq.s32 s2, $0x0  }
0x9: {  	s11 =	sshll.u32 s2, $0x8;
	_ =	strace $0x80000047;
	s9 =	ssub.s32 $0x2, s8  }
0xa: {  	s10 =	sadd.s32 s28, s4;
	s4 =	simm.s32 $0x28;
	s12 =	sshll.u32 s8, $0x7  }
0xb: {  	s8 =	sshll.u32 s8, $0xB;
	s29 =	sshrl.u32 s9, $0x1;
	s4 =	simm.s32 @!p0 $0x27  }
0xc: {  	s30 =	sor.u32 s12, s11;
	s31 =	sadd.s32 s8, s10;
	s10 =	simm.s32 $0x3  }
0xd: {  	s11 =	simm.s32 $0x80;
	s12 =	simm.s32 $0x100;
	s5 =	ssub.s32 s9, s29  }
0xe: {  	s9 =	sshrl.u32 s30, $0x3;
	s8 =	sadd.s32 $0x14000, s31;
	s5 =	smax.u32 s5, $0x1  }
0xf: {  	s6 =	sadd.s32 s9, s6;
	s7 =	sadd.s32 s9, s7;
	s9 =	sadd.s32 $0x285000, s31  }
.LBB2_1:
0x10: {  	[tilespmem:s3], [sflag:$0x3] =	stream.linear.gather [hbm4b:s7+s3], $0x80, $0x38;
	[tilespmem:$0x8100] =	vst v63  }
0x11: {  	_ =	swait.ge [sflag:s10], $0x80  }
0x12: {  	[sflag:s10] =	ssyncset.done $0x0  }
0x13: {  	[sflag:s10] =	ssyncadd.s32 $0xFFFFFF80  }
0x14: {  	[tilespmem:s11], [sflag:$0x3] =	stream.linear.gather [hbm4b:s6+s3], $0x80, $0x38;
	[tilespmem:$0x8100] =	vst v63  }
0x15: {  	_ =	swait.ge [sflag:s10], $0x80  }
0x16: {  	[sflag:s10] =	ssyncset.done $0x0  }
0x17: {  	[sflag:s10] =	ssyncadd.s32 $0xFFFFFF80  }
0x18: {  	[tilespmem:s12], [sflag:$0x1] =	stream.indirect.gather [hbm4b:s1+s11], $0x80, s3, s11, $0xb8;
	[tilespmem:$0x8100] =	vst v63  }
0x19: {  	_ = 	snop  }
0x1a: {  	[tilespmem:s13], [sflag:$0x2] =	stream.indirect.gather [hbm4b:s1+s11], $0x80, s11, s11, $0xb8;
	[tilespmem:$0x8100] =	vst v63  }
0x1b: {  	_ =	swait.ge [sflag:s14], $0x4000  }
0x1c: {  	[sflag:s14] =	ssyncset.done $0x0  }
0x1d: {  	[sflag:s14] =	ssyncadd.s32 $0xFFFFC000  }
0x1e: {  	_ =	swait.ge [sflag:s15], $0x4000  }
0x1f: {  	[sflag:s15] =	ssyncset.done $0x0  }
0x20: {  	[sflag:s15] =	ssyncadd.s32 $0xFFFFC000  }
0x21: {  	[hbm4b:s8+s3] =	stream.linear.scatter [tilespmem:s12], [sflag:$0x3], $0x4000, $0x38;
	[tilespmem:$0x8100] =	vst v63  }
0x22: {  	p0 =	sne.s32 s4, $0x1;
	_ =	swait.ge [sflag:s10], $0x4000  }
.Ltmp0:
0x23: {  	[sflag:s10] =	ssyncset.done $0x0;
	(pc) =	sbr.rel @!p0 .LBB2_3-.Ltmp0, $4  }
0x24: {  	s17 =	sadd.s32 $0xFFFFFFFF, s4;
	[sflag:s10] =	ssyncadd.s32 $0xFFFFC000  }
0x25: {  	[hbm4b:s9+s3] =	stream.linear.scatter [tilespmem:s13], [sflag:$0x3], $0x4000, $0x38;
	[tilespmem:$0x8100] =	vst v63  }
0x26: {  	s18 =	sadd.s32 $0x10000, s8;
	s19 =	sadd.s32 $0x10000, s9;
	_ =	swait.ge [sflag:s10], $0x4000  }
0x27: {  	s20 =	smov.u32 s6;
	s21 =	smov.u32 s7;
	[sflag:s10] =	ssyncset.done $0x0  }
.LBB2_2:
0x28: {  	[sflag:s10] =	ssyncadd.s32 $0xFFFFC000;
	s20 =	sadd.s32 $0x200, s20;
	s21 =	sadd.s32 $0x200, s21  }
0x29: {  	[tilespmem:s3], [sflag:$0x3] =	stream.linear.gather [hbm4b:s21+s3], $0x80, $0x38;
	[tilespmem:$0x8100] =	vst v63  }
0x2a: {  	p0 =	sne.s32 s17, $0x1;
	s17 =	sadd.s32 $0xFFFFFFFF, s17;
	_ =	swait.ge [sflag:s10], $0x80  }
0x2b: {  	[sflag:s10] =	ssyncset.done $0x0  }
0x2c: {  	[sflag:s10] =	ssyncadd.s32 $0xFFFFFF80  }
0x2d: {  	[tilespmem:s11], [sflag:$0x3] =	stream.linear.gather [hbm4b:s20+s3], $0x80, $0x38;
	[tilespmem:$0x8100] =	vst v63  }
0x2e: {  	_ =	swait.ge [sflag:s10], $0x80  }
0x2f: {  	[sflag:s10] =	ssyncset.done $0x0  }
0x30: {  	[sflag:s10] =	ssyncadd.s32 $0xFFFFFF80  }
0x31: {  	[tilespmem:s12], [sflag:$0x1] =	stream.indirect.gather [hbm4b:s1+s11], $0x80, s3, s11, $0xb8;
	[tilespmem:$0x8100] =	vst v63  }
0x32: {  	_ = 	snop  }
0x33: {  	[tilespmem:s13], [sflag:$0x2] =	stream.indirect.gather [hbm4b:s1+s11], $0x80, s11, s11, $0xb8;
	[tilespmem:$0x8100] =	vst v63  }
0x34: {  	_ =	swait.ge [sflag:s14], $0x4000  }
0x35: {  	[sflag:s14] =	ssyncset.done $0x0  }
0x36: {  	[sflag:s14] =	ssyncadd.s32 $0xFFFFC000  }
0x37: {  	_ =	swait.ge [sflag:s15], $0x4000  }
0x38: {  	[sflag:s15] =	ssyncset.done $0x0  }
0x39: {  	[sflag:s15] =	ssyncadd.s32 $0xFFFFC000  }
0x3a: {  	[hbm4b:s18+s3] =	stream.linear.scatter [tilespmem:s12], [sflag:$0x3], $0x4000, $0x38;
	[tilespmem:$0x8100] =	vst v63  }
0x3b: {  	_ =	swait.ge [sflag:s10], $0x4000  }
.Ltmp1:
0x3c: {  	[sflag:s10] =	ssyncset.done $0x0;
	(pc) =	sbr.rel @p0 .LBB2_2-.Ltmp1, $4  }
0x3d: {  	[sflag:s10] =	ssyncadd.s32 $0xFFFFC000  }
0x3e: {  	[hbm4b:s19+s3] =	stream.linear.scatter [tilespmem:s13], [sflag:$0x3], $0x4000, $0x38;
	[tilespmem:$0x8100] =	vst v63  }
0x3f: {  	_ =	swait.ge [sflag:s10], $0x4000  }
0x40: {  	s18 =	sadd.s32 $0x10000, s18;
	s19 =	sadd.s32 $0x10000, s19;
	[sflag:s10] =	ssyncset.done $0x0  }
.LBB2_3:
0x41: {  	s16 =	sadd.s32 $0x1, s16  }
0x42: {  	p0 =	sne.s32 s16, s5  }
.Ltmp2:
0x43: {  	_ = 	snop;
	(pc) =	sbr.rel @p0 .LBB2_1-.Ltmp2, $2  }
0x44: {  	_ =	sdelay $0x2  }
0x45: {  	[sflag:s10] =	ssyncadd.s32 $0xFFFFC000  }
0x46: {  	_ =	sfence.sel $0x180000  }
0x47: {  	[bflag:$0x0] =	sbarrier.arrive $0xFFFF  }
0x48: {  	p0 =	sne.s32 s2, $0x0;
	_ =	strace $0x90000047  }
0x49: {  	s0 =	sadd.s32 @!p0 $0x100000, s0;
	[bflag:$0x2] =	sbarrier.arrive $0xFFFF  }
0x4a: {  	[sflag:s0] =	ssyncadd.tile.s32 @!p0 $0x1;
	_ =	shalt  }
.Lfunc_end2:
_tile_overlayer_lowered:
.L_overlay_start_2:
0x4b: {  	(tag) =	ssettag $0x2  }
0x4c: {  	s0 =	rddreg [dreg:$0x0];
	s2 =	stileid.u32  }
0x4d: {  	s1 =	rddreg [dreg:$0x1];
	p0 =	sne.s32 s2, $0x0  }
0x4e: {  	s3 =	rddreg [dreg:$0x2];
	[bflag:$0x3] =	sbarrier.arrive $0xFFFF;
	s2 =	simm.s32 @!p0 $0x1C03  }
0x4f: {  	[timem:s3], [sflag:s2] =	dma.local @!p0 [hbm:s0], s1  }
0x50: {  	s0 =	simm.s32 @!p0 $0x3  }
0x51: {  	_ =	swait.ge @!p0 [sflag:s0], s1  }
0x52: {  	s1 =	ssub.s32 @!p0 $0x0, s1;
	[sflag:s0] =	ssyncset.done @!p0 $0x0  }
0x53: {  	[sflag:s0] =	ssyncadd.s32 @!p0 s1  }
0x54: {  	[bflag:$0x3] =	sbarrier.arrive $0xFFFF  }
0x55: {  	_ =	shalt  }

// kernel: kernel.22.cloned.1.call-start
scs
__scs_entry_jumppad:
0x0: {  	(pc) =	sbr.rel $0x88, $3  }
0x1: {  	(tag) =	ssettag $0x0;
	lr =	simm.s32 $0x1  }
0x2: {  	[smem:$0x3F51] =	sst lr;
	_ =	strace $0xD0000000  }
0x3: {  	_ = 	snop  }
0x4: {  	_ = 	snop  }
0x5: {  	_ = 	snop  }
0x6: {  	_ = 	snop  }
0x7: {  	_ = 	snop  }
__scs_overlays_trampoline_lowered:
0x8: {  	[smem:$0x3F60] =	sst s0  }
0x9: {  	[smem:$0x3F61] =	sst s1  }
0xa: {  	[smem:$0x3F62] =	sst s2  }
0xb: {  	[smem:$0x3F63] =	sst s3  }
0xc: {  	[smem:$0x3F64] =	sst s4  }
0xd: {  	[smem:$0x3F65] =	sst s5  }
0xe: {  	[smem:$0x3F66] =	sst s6  }
0xf: {  	[smem:$0x3F67] =	sst s7  }
0x10: {  	[smem:$0x3F68] =	sst s8  }
0x11: {  	[smem:$0x3F69] =	sst s9;
	s0 =	simm.s32 @!p0 $0x0  }
0x12: {  	s1 =	sld [smem:$0x3F4F];
	s0 =	simm.s32 @p0 $0x1  }
0x13: {  	[smem:$0x3F6A] =	sst s0;
	s0 =	simm.s32 @!p1 $0x0  }
0x14: {  	s2 =	sld [smem:$0x3F4E];
	s0 =	simm.s32 @p1 $0x1  }
0x15: {  	[smem:$0x3F6B] =	sst s0;
	s0 =	simm.s32 @!p2 $0x0  }
0x16: {  	s3 =	sld [smem:$0x3FDB];
	s0 =	simm.s32 @p2 $0x1  }
0x17: {  	s4 =	simm.s32 $0x1BF5;
	[smem:$0x3F6D] =	sst s0  }
0x18: {  	s0 =	sld [smem:$0x3F50];
	_ =	swait.ge [sflag:s4], $0x0  }
0x19: {  	s7 =	sld [smem:$0x3F51]  }
0x1a: {  	s8 =	sadd.s32 $0xFFFFE003, lr  }
0x1b: {  	s9 =	sadd.s32 $0xFFFFFEF7, lr;
	s5 =	simm.s32 $0xFFFFFFFF;
	p2 =	slt.u32 s8, $0xFFFFF086  }
0x1c: {  	p1 =	slt.u32 s9, $0xF7A;
	s5 =	simm.s32 @!p2 $0x0  }
0x1d: {  	s5 =	simm.s32 @p1 $0x1;
	p0 =	seq.s32 s7, s2  }
0x1e: {  	s7 =	smul.u32 @!p0 $0xF7A, s2;
	p2 =	seq.s32 @!p0 s5, $0x0  }
0x1f: {  	s9 =	smul.u32 $0xF7A, s1;
	s8 =	simm.s32 @!p0 $0x1BF5;
	p2 =	por !p2, p0  }
0x20: {  	[sflag:s8] =	ssyncset.s32 @!p0 $0xFFFFF086;
	s6 =	sadd.s32 @!p0 s3, s7;
	s7 =	simm.s32 @!p0 $0x108  }
0x21: {  	s3 =	sadd.s32 s3, s9;
	s6 =	sadd.s32 @!p0 $0x88, s6;
	s7 =	simm.s32 @p2 $0x1082  }
0x22: {  	[simem:s7], [sflag:s8] =	dma.local @!p0 [hbm:s6], $0xF7A  }
0x23: {  	s9 =	sor.u32 $0xD0000000, s2;
	s6 =	simm.s32 $0x108;
	_ =	swait.ge @!p0 [sflag:s8], $0x0  }
0x24: {  	s3 =	sadd.s32 $0x88, s3;
	s6 =	simm.s32 @!p1 $0x1082;
	[sflag:s4] =	ssyncset.s32 $0xFFFFF086  }
0x25: {  	[simem:s6], [sflag:s4] =	dma.local [hbm:s3], $0xF7A  }
0x26: {  	[smem:$0x3F51] =	sst s1;
	(tag) =	ssettag s2;
	_ =	strace s9  }
0x27: {  	s1 =	sld [smem:$0x3F61]  }
0x28: {  	s2 =	sld [smem:$0x3F62]  }
0x29: {  	s4 =	sld [smem:$0x3F64]  }
0x2a: {  	p0 =	seq.s32 s5, $0x0;
	s5 =	sld [smem:$0x3F65]  }
0x2b: {  	s6 =	sld [smem:$0x3F66]  }
0x2c: {  	s7 =	sld [smem:$0x3F67]  }
0x2d: {  	s3 =	simm.s32 $0x108;
	s8 =	sld [smem:$0x3F68]  }
0x2e: {  	s3 =	simm.s32 @!p0 $0x1082;
	s9 =	sld [smem:$0x3F69]  }
0x2f: {  	lr =	sadd.s32 s0, s3;
	s0 =	sld [smem:$0x3F60]  }
0x30: {  	s3 =	sld [smem:$0x3F63]  }
0x31: {  	[smem:$0x3F6C] =	sst s10  }
0x32: {  	s10 =	sld [smem:$0x3F6A];
	_ =	sdelay $0x3  }
0x33: {  	p0 =	seq.s32 s10, $0x1;
	s10 =	sld [smem:$0x3F6C];
	_ =	sdelay $0x3  }
0x34: {  	[smem:$0x3F6C] =	sst s10  }
0x35: {  	s10 =	sld [smem:$0x3F6B];
	_ =	sdelay $0x3  }
0x36: {  	p1 =	seq.s32 s10, $0x1;
	s10 =	sld [smem:$0x3F6C];
	_ =	sdelay $0x3  }
0x37: {  	[smem:$0x3F6C] =	sst s10  }
0x38: {  	s10 =	sld [smem:$0x3F6D]  }
0x39: {  	_ = 	snop;
	(pc) =	sbr.ind lr, $3  }
0x3a: {  	_ = 	snop  }
0x3b: {  	_ = 	snop  }
0x3c: {  	p2 =	seq.s32 s10, $0x1;
	s10 =	sld [smem:$0x3F6C]  }
0x3d: {  	_ =	shalt  }
0x3e: {  	_ =	shalt  }
0x3f: {  	_ =	shalt  }
0x40: {  	_ =	shalt  }
0x41: {  	_ =	shalt  }
0x42: {  	_ =	shalt  }
0x43: {  	_ =	shalt  }
0x44: {  	_ =	shalt  }
0x45: {  	_ =	shalt  }
0x46: {  	_ =	shalt  }
0x47: {  	_ =	shalt  }
0x48: {  	_ =	shalt  }
0x49: {  	_ =	shalt  }
0x4a: {  	_ =	shalt  }
0x4b: {  	_ =	shalt  }
0x4c: {  	_ =	shalt  }
0x4d: {  	_ =	shalt  }
0x4e: {  	_ =	shalt  }
0x4f: {  	_ =	shalt  }
0x50: {  	_ =	shalt  }
0x51: {  	_ =	shalt  }
0x52: {  	_ =	shalt  }
0x53: {  	_ =	shalt  }
0x54: {  	_ =	shalt  }
0x55: {  	_ =	shalt  }
0x56: {  	_ =	shalt  }
0x57: {  	_ =	shalt  }
0x58: {  	_ =	shalt  }
0x59: {  	_ =	shalt  }
0x5a: {  	_ =	shalt  }
0x5b: {  	_ =	shalt  }
0x5c: {  	_ =	shalt  }
0x5d: {  	_ =	shalt  }
0x5e: {  	_ =	shalt  }
0x5f: {  	_ =	shalt  }
0x60: {  	_ =	shalt  }
0x61: {  	_ =	shalt  }
0x62: {  	_ =	shalt  }
0x63: {  	_ =	shalt  }
0x64: {  	_ =	shalt  }
0x65: {  	_ =	shalt  }
0x66: {  	_ =	shalt  }
0x67: {  	_ =	shalt  }
0x68: {  	_ =	shalt  }
0x69: {  	_ =	shalt  }
0x6a: {  	_ =	shalt  }
0x6b: {  	_ =	shalt  }
0x6c: {  	_ =	shalt  }
0x6d: {  	_ =	shalt  }
0x6e: {  	_ =	shalt  }
0x6f: {  	_ =	shalt  }
0x70: {  	_ =	shalt  }
0x71: {  	_ =	shalt  }
0x72: {  	_ =	shalt  }
0x73: {  	_ =	shalt  }
0x74: {  	_ =	shalt  }
0x75: {  	_ =	shalt  }
0x76: {  	_ =	shalt  }
0x77: {  	_ =	shalt  }
0x78: {  	_ =	shalt  }
0x79: {  	_ =	shalt  }
0x7a: {  	_ =	shalt  }
0x7b: {  	_ =	shalt  }
0x7c: {  	_ =	shalt  }
0x7d: {  	_ =	shalt  }
0x7e: {  	_ =	shalt  }
0x7f: {  	_ =	shalt  }
0x80: {  	_ =	shalt  }
0x81: {  	_ =	shalt  }
0x82: {  	_ =	shalt  }
0x83: {  	_ =	shalt  }
0x84: {  	_ =	shalt  }
0x85: {  	_ =	shalt  }
0x86: {  	_ =	shalt  }
0x87: {  	_ =	shalt  }
.Lfunc_end0:
.L_simem_size_0:
called_computation.1_lowered:
.L_overlay_start_0:
0x88: {  	s2 =	sld [smem:$0x3FD9]  }
0x89: {  	s3 =	sld [smem:$0x3FFE];
	_ =	sdelay $0x1  }
0x8a: {  	s1 =	srdreg.scid  }
0x8b: {  	s0 =	sand.u32 $0x1, s1  }
0x8c: {  	s17 =	sshll.u32 s0, $0xA;
	s2 =	sadd.s32 s3, s2  }
0x8d: {  	s2 =	sadd.s32 s2, s17  }
0x8e: {  	[smem:$0x3F78] =	sst s2  }
0x8f: {  	_ = 	snop  }
0x90: {  	s2 =	sld [smem:$0x3FC6];
	(tm) =	ssettm $0x1  }
0x91: {  	s18 =	sld [smem:$0x3FFB];
	_ =	sdelay $0x3  }
0x92: {  	_ =	strace s18  }
0x93: {  	s3 =	sld [smem:$0x3FFC];
	_ =	sdelay $0x3  }
0x94: {  	_ =	strace s3  }
0x95: {  	s3 =	sld [smem:$0x3FFD];
	_ =	sdelay $0x3  }
0x96: {  	_ =	strace s3  }
0x97: {  	_ =	strace $0x8FFFFFFF  }
0x98: {  	s19 =	sld [smem:$0x3FDB];
	_ =	sdelay $0x1  }
0x99: {  	s4 =	simm.s32 $_scs_section_size  }
0x9a: {  	s5 =	simm.s32 $_size__tile_overlayer_lowered;
	s6 =	simm.s32 $_tile_overlayer_lowered  }
0x9b: {  	s22 =	simm.s32 $0x1BFF;
	s21 =	sshll.u32 s6, $0x1;
	s3 =	sadd.s32 s4, s19  }
0x9c: {  	s7 =	simm.s32 $0x0;
	s20 =	sshll.u32 s5, $0x1;
	s5 =	sadd.s32 s21, s3  }
0x9d: {  	[timem:s7], [sflag:s22] =	dma.local [hbm:s5], s20  }
0x9e: {  	_ =	swait.ge [sflag:s22], s20  }
0x9f: {  	s4 =	ssub.s32 $0x0, s20;
	[sflag:s22] =	ssyncset.done $0x0  }
0xa0: {  	[sflag:s22] =	ssyncadd.s32 s4;
	_ =	sdelay $0x1  }
0xa1: {  	s23 =	simm.s32 $0x1B8B  }
0xa2: {  	_ =	swait.ge [sflag:s23], $0x1  }
0xa3: {  	[sflag:s23] =	ssyncset.done $0x0  }
0xa4: {  	s25 =	simm.s32 $0x1B8E;
	s24 =	sld [smem:$0x3FFE];
	[sflag:s23] =	ssyncadd.s32 $0xFFFFFFFF  }
0xa5: {  	s26 =	simm.s32 $execute0_lowered;
	[smem:$0x3FD2] =	sst s25  }
0xa6: {  	s5 =	sshll.u32 s26, $0x1;
	_ =	strace $0x80000049;
	[dreg:$0x1] =	wrdreg $0xFFFFFFFF  }
0xa7: {  	s28 =	simm.s32 $_size_execute0_lowered;
	s3 =	sadd.s32 s3, s5;
	[dreg:$0x0] =	wrdreg $0x0  }
0xa8: {  	s5 =	sshll.u32 s28, $0x1;
	[dreg:$0x2] =	wrdreg s3  }
0xa9: {  	[dreg:$0x3] =	wrdreg s5  }
0xaa: {  	[dreg:$0x4] =	wrdreg $0xC0  }
0xab: {  	_ =	task [dreg:s7], $0x5FFFF  }
0xac: {  	[dreg:$0x1] =	wrdreg $0xFFFFFFFF  }
0xad: {  	[dreg:$0x0] =	wrdreg $0x60  }
0xae: {  	[dreg:$0x2] =	wrdreg s24  }
0xaf: {  	[dreg:$0x3] =	wrdreg s2  }
0xb0: {  	[dreg:$0x4] =	wrdreg $0x81000  }
0xb1: {  	[dreg:$0x5] =	wrdreg $0x1C1000  }
0xb2: {  	[dreg:$0x6] =	wrdreg $0x9  }
0xb3: {  	_ =	task.clear_ibuf [dreg:s7], $0x7FFFF;
	_ =	strace $0x90000049  }
0xb4: {  	s29 =	simm.s32 $0x9;
	_ =	strace $0x8000004B  }
0xb5: {  	_ =	swait.ge [sflag:s29], $0x1  }
0xb6: {  	[sflag:s29] =	ssyncadd.s32 $0xFFFFFFFF  }
0xb7: {  	_ =	strace $0x9000004B  }
0xb8: {  	_ =	sfence  }
0xb9: {  	s30 =	sld [smem:$0x0];
	_ =	sdelay $0x2  }
0xba: {  	s31 =	sshll.u32 s1, $0xD;
	s1 =	sshrl.u32 s1, $0x2  }
0xbb: {  	s3 =	sand.u32 $0x4000, s31;
	s1 =	sadd.s32 s1, s30  }
0xbc: {  	s0 =	sor.u32 s3, s0;
	s1 =	sshll.u32 s1, $0x11  }
0xbd: {  	s0 =	sor.u32 s1, s0  }
0xbe: {  	s0 =	sadd.s32 $0x8F2B, s0  }
0xbf: {  	[sflag:s0] =	ssyncadd.remote.s32 $0x1  }
0xc0: {  	_ =	sfence.sel $0xFFFF  }
0xc1: {  	[dreg:$0x0] =	wrdreg $0xFFFFFFFF;
	(pc) =	sbr.abs _section_cstart, $3  }
0xc2: {  	[dreg:$0x1] =	wrdreg $0xFFFFFFFF  }
0xc3: {  	_ =	task.clear_ibuf [dreg:s7], $0x2FFFF;
	_ =	strace $0x9FFFFFFF  }
0xc4: {  	(tm) =	ssettm $0x7FFFFFFF  }
0xc5: {  	_ =	shalt  }
tec
execute0_lowered:
.L_overlay_start_1:
0x0: {  	(tag) =	ssettag $0x1  }
0x1: {  	s6 =	rddreg [dreg:$0x0]  }
0x2: {  	s11 =	rddreg [dreg:$0x1]  }
0x3: {  	s1 =	rddreg [dreg:$0x2];
	s0 =	srdreg.scid  }
0x4: {  	s3 =	rddreg [dreg:$0x3];
	s2 =	stileid.u32  }
0x5: {  	s4 =	simm.s32 $0x0;
	s19 =	simm.s32 $0x80;
	s7 =	smul.u32 $0x14000, s2  }
0x6: {  	s10 =	sand.u32 $0x1, s0;
	s0 =	rddreg [dreg:$0x4];
	s12 =	smul.u32 $0x2800, s2  }
0x7: {  	s20 =	simm.s32 $0x0;
	[smem:$0x7FF] =	sst s4;
	s24 =	smul.u32 $0x50000, s2  }
0x8: {  	s8 =	sshll.u32 s2, $0xC;
	s15 =	smul.u32 $0xA000, s2;
	s26 =	sshll.u32 s2, $0x6  }
0x9: {  	p0 =	seq.s32 s2, $0x0;
	s29 =	sshll.u32 s2, $0x8;
	s5 =	smul.u32 $0x140000, s10  }
0xa: {  	_ =	strace $0x8000004A;
	s21 =	smul.u32 $0x28000, s10;
	s13 =	sadd.s32 s8, s6  }
0xb: {  	s23 =	ssub.s32 $0x2, s10;
	s30 =	sshll.u32 s10, $0x7;
	s31 =	sshll.u32 s10, $0xB  }
0xc: {  	s14 =	sshrl.u32 s23, $0x1;
	s25 =	sshrl.u32 s24, $0x2;
	s28 =	sshrl.u32 s15, $0x2  }
0xd: {  	s13 =	sadd.s32 s31, s13;
	s15 =	simm.s32 $0x1;
	s5 =	sadd.s32 s7, s5  }
0xe: {  	s7 =	sadd.s32 s12, s21;
	s14 =	ssub.s32 s23, s14;
	s17 =	sadd.s32 s25, s1  }
0xf: {  	s18 =	sadd.s32 s28, s3;
	s12 =	sor.u32 s30, s29;
	s9 =	sshrl.u32 s5, $0x3  }
0x10: {  	s5 =	sadd.s32 $0x14000, s6;
	s7 =	sshrl.u32 s7, $0x3;
	s12 =	sshrl.u32 s12, $0x3  }
0x11: {  	s10 =	smax.u32 s14, $0x1;
	s14 =	sshrl.u32 s17, $0x3;
	s17 =	simm.s32 $0x100  }
0x12: {  	s22 =	sadd.s32 s9, s6;
	s16 =	sadd.s32 s7, s6;
	s6 =	sor.u32 $0x1C01, s26  }
0x13: {  	s7 =	simm.s32 $0x28;
	s11 =	sadd.s32 s12, s11;
	s12 =	sadd.s32 $0x9D8000, s13  }
0x14: {  	s13 =	sadd.s32 $0xC49000, s13;
	s7 =	simm.s32 @!p0 $0x27;
	s8 =	sadd.s32 $0x20800, s22  }
0x15: {  	s9 =	sadd.s32 $0x16800, s16;
	s16 =	sshrl.u32 s18, $0x3;
	s18 =	simm.s32 $0x4100  }
.LBB2_1:
0x16: {  	[spmem:s14], [sflag:s6] =	dma.local [hbm:s5], $0x2800  }
0x17: {  	_ =	swait.ge [sflag:s15], $0x2800  }
0x18: {  	[sflag:s15] =	ssyncset.done $0x0  }
0x19: {  	[sflag:s15] =	ssyncadd.s32 $0xFFFFD800  }
0x1a: {  	[spmem:s16], [sflag:s6] =	dma.local [hbm:s5], $0x500  }
0x1b: {  	_ =	swait.ge [sflag:s15], $0x500  }
0x1c: {  	[sflag:s15] =	ssyncset.done $0x0  }
0x1d: {  	[sflag:s15] =	ssyncadd.s32 $0xFFFFFB00  }
0x1e: {  	[bflag:$0x0] =	sbarrier.arrive $0xFFFF  }
0x1f: {  	[tilespmem:s4], [sflag:$0x1] =	stream.linear.gather [hbm4b:s11+s4], $0x80, $0x38;
	[tilespmem:$0x1E900] =	vst v63  }
0x20: {  	_ =	swait.ge [sflag:s15], $0x80  }
0x21: {  	[sflag:s15] =	ssyncset.done $0x0  }
0x22: {  	[sflag:s15] =	ssyncadd.s32 $0xFFFFFF80  }
0x23: {  	[tilespmem:s17], [sflag:$0x1] =	stream.linear.gather [hbm4b:s12+s4], $0x4000, $0x38;
	[tilespmem:$0x1E900] =	vst v63  }
0x24: {  	_ =	swait.ge [sflag:s15], $0x4000  }
0x25: {  	[sflag:s15] =	ssyncset.done $0x0  }
0x26: {  	[sflag:s15] =	ssyncadd.s32 $0xFFFFC000  }
0x27: {  	[tilespmem:s18], [sflag:$0x1] =	stream.linear.gather [hbm4b:s13+s4], $0x4000, $0x38;
	[tilespmem:$0x1E900] =	vst v63  }
0x28: {  	_ =	swait.ge [sflag:s15], $0x4000  }
0x29: {  	[sflag:s15] =	ssyncset.done $0x0  }
0x2a: {  	[sflag:s15] =	ssyncadd.s32 $0xFFFFC000  }
0x2b: {  	v0 =	vld [tilespmem:$0x70]  }
0x2c: {  	v1 =	vld [tilespmem:$0x30]  }
0x2d: {  	v2 =	vld [tilespmem:$0x50]  }
0x2e: {  	v3 =	vld [tilespmem:$0x60]  }
0x2f: {  	v4 =	vld [tilespmem:$0x20]  }
0x30: {  	v5 =	vld [tilespmem:$0x10];
	v0 =	vshrl.u32 v0, $0x3  }
0x31: {  	v6 =	vld [tilespmem:$0x40];
	v1 =	vshrl.u32 v1, $0x3;
	[tilespmem:$0xF0] =	vst v0  }
0x32: {  	v58 =	vld [tilespmem:$0x0];
	v59 =	vshrl.u32 v2, $0x3;
	[tilespmem:$0xB0] =	vst v1  }
0x33: {  	p0 =	sne.s32 s7, $0x1;
	v60 =	vshrl.u32 v3, $0x3;
	[tilespmem:$0xD0] =	vst v59  }
.Ltmp0:
0x34: {  	v61 =	vshrl.u32 v4, $0x3;
	[tilespmem:$0xE0] =	vst v60;
	(pc) =	sbr.rel @!p0 .LBB2_3-.Ltmp0, $4  }
0x35: {  	v62 =	vshrl.u32 v5, $0x3;
	[tilespmem:$0xA0] =	vst v61  }
0x36: {  	v63 =	vshrl.u32 v6, $0x3;
	[tilespmem:$0x90] =	vst v62  }
0x37: {  	s21 =	sadd.s32 $0xFFFFFFFF, s7;
	v0 =	vshrl.u32 v58, $0x3;
	[tilespmem:$0xC0] =	vst v63  }
0x38: {  	s22 =	sadd.s32 $0x200, s11;
	s23 =	sadd.s32 $0x10000, s12;
	s24 =	sadd.s32 $0x10000, s13;
	[tilespmem:$0x80] =	vst v0  }
.LBB2_2:
0x39: {  	[spmem:s1] =	stream.indirect.scatter.add.f32 [tilespmem:s17], [sflag:$0x1], $0x80, s4, s19, $0xb8;
	[tilespmem:$0x1E900] =	vst v63  }
0x3a: {  	p0 =	sne.s32 s21, $0x1;
	s21 =	sadd.s32 $0xFFFFFFFF, s21;
	_ =	swait.ge [sflag:s15], $0x4000  }
0x3b: {  	[sflag:s15] =	ssyncset.done $0x0  }
0x3c: {  	[sflag:s15] =	ssyncadd.s32 $0xFFFFC000  }
0x3d: {  	[spmem:s3] =	stream.indirect.scatter.add.f32 [tilespmem:s18], [sflag:$0x1], $0x80, s19, s19, $0xb8;
	[tilespmem:$0x1E900] =	vst v63  }
0x3e: {  	_ =	swait.ge [sflag:s15], $0x4000  }
0x3f: {  	[sflag:s15] =	ssyncset.done $0x0  }
0x40: {  	[sflag:s15] =	ssyncadd.s32 $0xFFFFC000  }
0x41: {  	[tilespmem:s4], [sflag:$0x1] =	stream.linear.gather [hbm4b:s22+s4], $0x80, $0x38;
	[tilespmem:$0x1E900] =	vst v63  }
0x42: {  	_ =	swait.ge [sflag:s15], $0x80  }
0x43: {  	[sflag:s15] =	ssyncset.done $0x0  }
0x44: {  	[sflag:s15] =	ssyncadd.s32 $0xFFFFFF80  }
0x45: {  	[tilespmem:s17], [sflag:$0x1] =	stream.linear.gather [hbm4b:s23+s4], $0x4000, $0x38;
	[tilespmem:$0x1E900] =	vst v63  }
0x46: {  	_ =	swait.ge [sflag:s15], $0x4000  }
0x47: {  	[sflag:s15] =	ssyncset.done $0x0  }
0x48: {  	[sflag:s15] =	ssyncadd.s32 $0xFFFFC000  }
0x49: {  	[tilespmem:s18], [sflag:$0x1] =	stream.linear.gather [hbm4b:s24+s4], $0x4000, $0x38;
	[tilespmem:$0x1E900] =	vst v63  }
0x4a: {  	_ =	swait.ge [sflag:s15], $0x4000  }
0x4b: {  	[sflag:s15] =	ssyncset.done $0x0  }
0x4c: {  	[sflag:s15] =	ssyncadd.s32 $0xFFFFC000  }
0x4d: {  	v0 =	vld [tilespmem:$0x70]  }
0x4e: {  	v1 =	vld [tilespmem:$0x30]  }
0x4f: {  	v2 =	vld [tilespmem:$0x50]  }
0x50: {  	v3 =	vld [tilespmem:$0x60]  }
0x51: {  	v4 =	vld [tilespmem:$0x20]  }
0x52: {  	v5 =	vld [tilespmem:$0x10];
	v0 =	vshrl.u32 v0, $0x3  }
0x53: {  	v1 =	vshrl.u32 v1, $0x3;
	v6 =	vld [tilespmem:$0x40];
	[tilespmem:$0xF0] =	vst v0  }
0x54: {  	v0 =	vld [tilespmem:$0x0];
	[tilespmem:$0xB0] =	vst v1;
	v1 =	vshrl.u32 v2, $0x3  }
0x55: {  	[tilespmem:$0xD0] =	vst v1;
	v1 =	vshrl.u32 v3, $0x3  }
.Ltmp1:
0x56: {  	v2 =	vshrl.u32 v4, $0x3;
	[tilespmem:$0xE0] =	vst v1;
	(pc) =	sbr.rel @p0 .LBB2_2-.Ltmp1, $4  }
0x57: {  	v1 =	vshrl.u32 v5, $0x3;
	[tilespmem:$0xA0] =	vst v2  }
0x58: {  	[tilespmem:$0x90] =	vst v1;
	v1 =	vshrl.u32 v6, $0x3  }
0x59: {  	v0 =	vshrl.u32 v0, $0x3;
	[tilespmem:$0xC0] =	vst v1  }
0x5a: {  	s22 =	sadd.s32 $0x200, s22;
	s23 =	sadd.s32 $0x10000, s23;
	s24 =	sadd.s32 $0x10000, s24;
	[tilespmem:$0x80] =	vst v0  }
.LBB2_3:
0x5b: {  	[spmem:s1] =	stream.indirect.scatter.add.f32 [tilespmem:s17], [sflag:$0x1], $0x80, s4, s19, $0xb8;
	[tilespmem:$0x1E900] =	vst v63  }
0x5c: {  	_ =	swait.ge [sflag:s15], $0x4000  }
0x5d: {  	[sflag:s15] =	ssyncset.done $0x0  }
0x5e: {  	[sflag:s15] =	ssyncadd.s32 $0xFFFFC000  }
0x5f: {  	[spmem:s3] =	stream.indirect.scatter.add.f32 [tilespmem:s18], [sflag:$0x1], $0x80, s19, s19, $0xb8;
	[tilespmem:$0x1E900] =	vst v63  }
0x60: {  	_ =	swait.ge [sflag:s15], $0x4000  }
0x61: {  	[sflag:s15] =	ssyncset.done $0x0  }
0x62: {  	[sflag:s15] =	ssyncadd.s32 $0xFFFFC000  }
0x63: {  	[bflag:$0x0] =	sbarrier.arrive $0xFFFF  }
0x64: {  	[hbm:s8], [sflag:s6] =	dma.local [spmem:s14], $0x2800  }
0x65: {  	s20 =	sadd.s32 $0x1, s20;
	_ =	swait.ge [sflag:s15], $0x2800  }
0x66: {  	p0 =	sne.s32 s20, s10;
	[sflag:s15] =	ssyncset.done $0x0  }
.Ltmp2:
0x67: {  	[sflag:s15] =	ssyncadd.s32 $0xFFFFD800;
	(pc) =	sbr.rel @p0 .LBB2_1-.Ltmp2, $4  }
0x68: {  	[hbm:s9], [sflag:s6] =	dma.local [spmem:s16], $0x500  }
0x69: {  	_ =	swait.ge [sflag:s15], $0x500  }
0x6a: {  	[sflag:s15] =	ssyncset.done $0x0  }
0x6b: {  	[sflag:s15] =	ssyncadd.s32 $0xFFFFFB00  }
0x6c: {  	_ =	sfence.sel $0x180000  }
0x6d: {  	[bflag:$0x0] =	sbarrier.arrive $0xFFFF  }
0x6e: {  	p0 =	sne.s32 s2, $0x0;
	_ =	strace $0x9000004A  }
0x6f: {  	s0 =	sadd.s32 @!p0 $0x100000, s0;
	[bflag:$0x2] =	sbarrier.arrive $0xFFFF  }
0x70: {  	[sflag:s0] =	ssyncadd.tile.s32 @!p0 $0x1;
	_ =	shalt  }
.Lfunc_end2:
_tile_overlayer_lowered:
.L_overlay_start_2:
0x71: {  	(tag) =	ssettag $0x2  }
0x72: {  	s0 =	rddreg [dreg:$0x0];
	s2 =	stileid.u32  }
0x73: {  	s1 =	rddreg [dreg:$0x1];
	p0 =	sne.s32 s2, $0x0  }
0x74: {  	s3 =	rddreg [dreg:$0x2];
	[bflag:$0x3] =	sbarrier.arrive $0xFFFF;
	s2 =	simm.s32 @!p0 $0x1C01  }
0x75: {  	[timem:s3], [sflag:s2] =	dma.local @!p0 [hbm:s0], s1  }
0x76: {  	s0 =	simm.s32 @!p0 $0x1  }
0x77: {  	_ =	swait.ge @!p0 [sflag:s0], s1  }
0x78: {  	s1 =	ssub.s32 @!p0 $0x0, s1;
	[sflag:s0] =	ssyncset.done @!p0 $0x0  }
0x79: {  	[sflag:s0] =	ssyncadd.s32 @!p0 s1  }
0x7a: {  	[bflag:$0x3] =	sbarrier.arrive $0xFFFF  }
0x7b: {  	_ =	shalt  }

// kernel: kernel.25.cloned.1.call-start
scs
__scs_entry_jumppad:
0x0: {  	(pc) =	sbr.rel $0x88, $3  }
0x1: {  	(tag) =	ssettag $0x0;
	lr =	simm.s32 $0x1  }
0x2: {  	[smem:$0x3F51] =	sst lr;
	_ =	strace $0xD0000000  }
0x3: {  	_ = 	snop  }
0x4: {  	_ = 	snop  }
0x5: {  	_ = 	snop  }
0x6: {  	_ = 	snop  }
0x7: {  	_ = 	snop  }
__scs_overlays_trampoline_lowered:
0x8: {  	[smem:$0x3F60] =	sst s0  }
0x9: {  	[smem:$0x3F61] =	sst s1  }
0xa: {  	[smem:$0x3F62] =	sst s2  }
0xb: {  	[smem:$0x3F63] =	sst s3  }
0xc: {  	[smem:$0x3F64] =	sst s4  }
0xd: {  	[smem:$0x3F65] =	sst s5  }
0xe: {  	[smem:$0x3F66] =	sst s6  }
0xf: {  	[smem:$0x3F67] =	sst s7  }
0x10: {  	[smem:$0x3F68] =	sst s8  }
0x11: {  	[smem:$0x3F69] =	sst s9;
	s0 =	simm.s32 @!p0 $0x0  }
0x12: {  	s1 =	sld [smem:$0x3F4F];
	s0 =	simm.s32 @p0 $0x1  }
0x13: {  	[smem:$0x3F6A] =	sst s0;
	s0 =	simm.s32 @!p1 $0x0  }
0x14: {  	s2 =	sld [smem:$0x3F4E];
	s0 =	simm.s32 @p1 $0x1  }
0x15: {  	[smem:$0x3F6B] =	sst s0;
	s0 =	simm.s32 @!p2 $0x0  }
0x16: {  	s3 =	sld [smem:$0x3FDB];
	s0 =	simm.s32 @p2 $0x1  }
0x17: {  	s4 =	simm.s32 $0x1BF5;
	[smem:$0x3F6D] =	sst s0  }
0x18: {  	s0 =	sld [smem:$0x3F50];
	_ =	swait.ge [sflag:s4], $0x0  }
0x19: {  	s7 =	sld [smem:$0x3F51]  }
0x1a: {  	s8 =	sadd.s32 $0xFFFFE003, lr  }
0x1b: {  	s9 =	sadd.s32 $0xFFFFFEF7, lr;
	s5 =	simm.s32 $0xFFFFFFFF;
	p2 =	slt.u32 s8, $0xFFFFF086  }
0x1c: {  	p1 =	slt.u32 s9, $0xF7A;
	s5 =	simm.s32 @!p2 $0x0  }
0x1d: {  	s5 =	simm.s32 @p1 $0x1;
	p0 =	seq.s32 s7, s2  }
0x1e: {  	s7 =	smul.u32 @!p0 $0xF7A, s2;
	p2 =	seq.s32 @!p0 s5, $0x0  }
0x1f: {  	s9 =	smul.u32 $0xF7A, s1;
	s8 =	simm.s32 @!p0 $0x1BF5;
	p2 =	por !p2, p0  }
0x20: {  	[sflag:s8] =	ssyncset.s32 @!p0 $0xFFFFF086;
	s6 =	sadd.s32 @!p0 s3, s7;
	s7 =	simm.s32 @!p0 $0x108  }
0x21: {  	s3 =	sadd.s32 s3, s9;
	s6 =	sadd.s32 @!p0 $0x88, s6;
	s7 =	simm.s32 @p2 $0x1082  }
0x22: {  	[simem:s7], [sflag:s8] =	dma.local @!p0 [hbm:s6], $0xF7A  }
0x23: {  	s9 =	sor.u32 $0xD0000000, s2;
	s6 =	simm.s32 $0x108;
	_ =	swait.ge @!p0 [sflag:s8], $0x0  }
0x24: {  	s3 =	sadd.s32 $0x88, s3;
	s6 =	simm.s32 @!p1 $0x1082;
	[sflag:s4] =	ssyncset.s32 $0xFFFFF086  }
0x25: {  	[simem:s6], [sflag:s4] =	dma.local [hbm:s3], $0xF7A  }
0x26: {  	[smem:$0x3F51] =	sst s1;
	(tag) =	ssettag s2;
	_ =	strace s9  }
0x27: {  	s1 =	sld [smem:$0x3F61]  }
0x28: {  	s2 =	sld [smem:$0x3F62]  }
0x29: {  	s4 =	sld [smem:$0x3F64]  }
0x2a: {  	p0 =	seq.s32 s5, $0x0;
	s5 =	sld [smem:$0x3F65]  }
0x2b: {  	s6 =	sld [smem:$0x3F66]  }
0x2c: {  	s7 =	sld [smem:$0x3F67]  }
0x2d: {  	s3 =	simm.s32 $0x108;
	s8 =	sld [smem:$0x3F68]  }
0x2e: {  	s3 =	simm.s32 @!p0 $0x1082;
	s9 =	sld [smem:$0x3F69]  }
0x2f: {  	lr =	sadd.s32 s0, s3;
	s0 =	sld [smem:$0x3F60]  }
0x30: {  	s3 =	sld [smem:$0x3F63]  }
0x31: {  	[smem:$0x3F6C] =	sst s10  }
0x32: {  	s10 =	sld [smem:$0x3F6A];
	_ =	sdelay $0x3  }
0x33: {  	p0 =	seq.s32 s10, $0x1;
	s10 =	sld [smem:$0x3F6C];
	_ =	sdelay $0x3  }
0x34: {  	[smem:$0x3F6C] =	sst s10  }
0x35: {  	s10 =	sld [smem:$0x3F6B];
	_ =	sdelay $0x3  }
0x36: {  	p1 =	seq.s32 s10, $0x1;
	s10 =	sld [smem:$0x3F6C];
	_ =	sdelay $0x3  }
0x37: {  	[smem:$0x3F6C] =	sst s10  }
0x38: {  	s10 =	sld [smem:$0x3F6D]  }
0x39: {  	_ = 	snop;
	(pc) =	sbr.ind lr, $3  }
0x3a: {  	_ = 	snop  }
0x3b: {  	_ = 	snop  }
0x3c: {  	p2 =	seq.s32 s10, $0x1;
	s10 =	sld [smem:$0x3F6C]  }
0x3d: {  	_ =	shalt  }
0x3e: {  	_ =	shalt  }
0x3f: {  	_ =	shalt  }
0x40: {  	_ =	shalt  }
0x41: {  	_ =	shalt  }
0x42: {  	_ =	shalt  }
0x43: {  	_ =	shalt  }
0x44: {  	_ =	shalt  }
0x45: {  	_ =	shalt  }
0x46: {  	_ =	shalt  }
0x47: {  	_ =	shalt  }
0x48: {  	_ =	shalt  }
0x49: {  	_ =	shalt  }
0x4a: {  	_ =	shalt  }
0x4b: {  	_ =	shalt  }
0x4c: {  	_ =	shalt  }
0x4d: {  	_ =	shalt  }
0x4e: {  	_ =	shalt  }
0x4f: {  	_ =	shalt  }
0x50: {  	_ =	shalt  }
0x51: {  	_ =	shalt  }
0x52: {  	_ =	shalt  }
0x53: {  	_ =	shalt  }
0x54: {  	_ =	shalt  }
0x55: {  	_ =	shalt  }
0x56: {  	_ =	shalt  }
0x57: {  	_ =	shalt  }
0x58: {  	_ =	shalt  }
0x59: {  	_ =	shalt  }
0x5a: {  	_ =	shalt  }
0x5b: {  	_ =	shalt  }
0x5c: {  	_ =	shalt  }
0x5d: {  	_ =	shalt  }
0x5e: {  	_ =	shalt  }
0x5f: {  	_ =	shalt  }
0x60: {  	_ =	shalt  }
0x61: {  	_ =	shalt  }
0x62: {  	_ =	shalt  }
0x63: {  	_ =	shalt  }
0x64: {  	_ =	shalt  }
0x65: {  	_ =	shalt  }
0x66: {  	_ =	shalt  }
0x67: {  	_ =	shalt  }
0x68: {  	_ =	shalt  }
0x69: {  	_ =	shalt  }
0x6a: {  	_ =	shalt  }
0x6b: {  	_ =	shalt  }
0x6c: {  	_ =	shalt  }
0x6d: {  	_ =	shalt  }
0x6e: {  	_ =	shalt  }
0x6f: {  	_ =	shalt  }
0x70: {  	_ =	shalt  }
0x71: {  	_ =	shalt  }
0x72: {  	_ =	shalt  }
0x73: {  	_ =	shalt  }
0x74: {  	_ =	shalt  }
0x75: {  	_ =	shalt  }
0x76: {  	_ =	shalt  }
0x77: {  	_ =	shalt  }
0x78: {  	_ =	shalt  }
0x79: {  	_ =	shalt  }
0x7a: {  	_ =	shalt  }
0x7b: {  	_ =	shalt  }
0x7c: {  	_ =	shalt  }
0x7d: {  	_ =	shalt  }
0x7e: {  	_ =	shalt  }
0x7f: {  	_ =	shalt  }
0x80: {  	_ =	shalt  }
0x81: {  	_ =	shalt  }
0x82: {  	_ =	shalt  }
0x83: {  	_ =	shalt  }
0x84: {  	_ =	shalt  }
0x85: {  	_ =	shalt  }
0x86: {  	_ =	shalt  }
0x87: {  	_ =	shalt  }
.Lfunc_end0:
.L_simem_size_0:
called_computation.2_lowered:
.L_overlay_start_0:
0x88: {  	s2 =	sld [smem:$0x3FD9]  }
0x89: {  	s3 =	sld [smem:$0x3FFE];
	_ =	sdelay $0x1  }
0x8a: {  	s1 =	srdreg.scid  }
0x8b: {  	s0 =	sand.u32 $0x1, s1  }
0x8c: {  	s17 =	sshll.u32 s0, $0xA;
	s2 =	sadd.s32 s3, s2  }
0x8d: {  	s2 =	sadd.s32 s2, s17  }
0x8e: {  	[smem:$0x3F78] =	sst s2  }
0x8f: {  	_ = 	snop  }
0x90: {  	s2 =	sld [smem:$0x3FC7]  }
0x91: {  	s18 =	sld [smem:$0x3FC6];
	(tm) =	ssettm $0x1  }
0x92: {  	s4 =	sld [smem:$0x3FFB];
	_ =	sdelay $0x3  }
0x93: {  	_ =	strace s4  }
0x94: {  	s4 =	sld [smem:$0x3FFC];
	_ =	sdelay $0x3  }
0x95: {  	_ =	strace s4  }
0x96: {  	s4 =	sld [smem:$0x3FFD];
	_ =	sdelay $0x3  }
0x97: {  	_ =	strace s4  }
0x98: {  	_ =	strace $0x8FFFFFFF  }
0x99: {  	s19 =	sld [smem:$0x3FDB];
	_ =	sdelay $0x1  }
0x9a: {  	s5 =	simm.s32 $_scs_section_size  }
0x9b: {  	s6 =	simm.s32 $_size__tile_overlayer_lowered;
	s7 =	simm.s32 $_tile_overlayer_lowered  }
0x9c: {  	s22 =	simm.s32 $0x1BFF;
	s21 =	sshll.u32 s7, $0x1;
	s4 =	sadd.s32 s5, s19  }
0x9d: {  	s8 =	simm.s32 $0x0;
	s20 =	sshll.u32 s6, $0x1;
	s6 =	sadd.s32 s21, s4  }
0x9e: {  	[timem:s8], [sflag:s22] =	dma.local [hbm:s6], s20  }
0x9f: {  	_ =	swait.ge [sflag:s22], s20  }
0xa0: {  	s5 =	ssub.s32 $0x0, s20;
	[sflag:s22] =	ssyncset.done $0x0  }
0xa1: {  	[sflag:s22] =	ssyncadd.s32 s5;
	_ =	sdelay $0x1  }
0xa2: {  	s23 =	simm.s32 $0x1B8B  }
0xa3: {  	_ =	swait.ge [sflag:s23], $0x1  }
0xa4: {  	[sflag:s23] =	ssyncset.done $0x0  }
0xa5: {  	s25 =	simm.s32 $0x1B8E;
	s24 =	sld [smem:$0x3FFE];
	[sflag:s23] =	ssyncadd.s32 $0xFFFFFFFF  }
0xa6: {  	s26 =	simm.s32 $execute0_lowered;
	[smem:$0x3FD2] =	sst s25  }
0xa7: {  	s6 =	sshll.u32 s26, $0x1;
	_ =	strace $0x8000004C;
	[dreg:$0x1] =	wrdreg $0xFFFFFFFF  }
0xa8: {  	s28 =	simm.s32 $_size_execute0_lowered;
	s4 =	sadd.s32 s4, s6;
	[dreg:$0x0] =	wrdreg $0x0  }
0xa9: {  	s6 =	sshll.u32 s28, $0x1;
	[dreg:$0x2] =	wrdreg s4  }
0xaa: {  	[dreg:$0x3] =	wrdreg s6  }
0xab: {  	[dreg:$0x4] =	wrdreg $0xC0  }
0xac: {  	_ =	task [dreg:s8], $0x5FFFF  }
0xad: {  	[dreg:$0x1] =	wrdreg $0xFFFFFFFF  }
0xae: {  	[dreg:$0x0] =	wrdreg $0x60  }
0xaf: {  	[dreg:$0x2] =	wrdreg s24  }
0xb0: {  	[dreg:$0x3] =	wrdreg s2  }
0xb1: {  	[dreg:$0x4] =	wrdreg s18  }
0xb2: {  	[dreg:$0x5] =	wrdreg $0x9  }
0xb3: {  	_ =	task.clear_ibuf [dreg:s8], $0x6FFFF;
	_ =	strace $0x9000004C  }
0xb4: {  	s29 =	simm.s32 $0x9;
	_ =	strace $0x8000004E  }
0xb5: {  	_ =	swait.ge [sflag:s29], $0x1  }
0xb6: {  	[sflag:s29] =	ssyncadd.s32 $0xFFFFFFFF  }
0xb7: {  	_ =	strace $0x9000004E  }
0xb8: {  	_ =	sfence  }
0xb9: {  	s30 =	sld [smem:$0x0];
	_ =	sdelay $0x2  }
0xba: {  	s31 =	sshll.u32 s1, $0xD;
	s1 =	sshrl.u32 s1, $0x2  }
0xbb: {  	s3 =	sand.u32 $0x4000, s31;
	s1 =	sadd.s32 s1, s30  }
0xbc: {  	s0 =	sor.u32 s3, s0;
	s1 =	sshll.u32 s1, $0x11  }
0xbd: {  	s0 =	sor.u32 s1, s0  }
0xbe: {  	s0 =	sadd.s32 $0x8F2B, s0  }
0xbf: {  	[sflag:s0] =	ssyncadd.remote.s32 $0x1  }
0xc0: {  	_ =	sfence.sel $0xFFFF  }
0xc1: {  	[dreg:$0x0] =	wrdreg $0xFFFFFFFF;
	(pc) =	sbr.abs _section_cstart, $3  }
0xc2: {  	[dreg:$0x1] =	wrdreg $0xFFFFFFFF  }
0xc3: {  	_ =	task.clear_ibuf [dreg:s8], $0x2FFFF;
	_ =	strace $0x9FFFFFFF  }
0xc4: {  	(tm) =	ssettm $0x7FFFFFFF  }
0xc5: {  	_ =	shalt  }
tec
execute0_lowered:
.L_overlay_start_1:
0x0: {  	(tag) =	ssettag $0x1  }
0x1: {  	s4 =	rddreg [dreg:$0x0]  }
0x2: {  	s7 =	rddreg [dreg:$0x1]  }
0x3: {  	s6 =	rddreg [dreg:$0x2]  }
0x4: {  	s0 =	rddreg [dreg:$0x3]  }
0x5: {  	s1 =	simm.s32 $0x0;
	s3 =	srdreg.scid;
	s2 =	stileid.u32  }
0x6: {  	s13 =	simm.s32 $0x4100;
	s14 =	simm.s32 $0x1;
	s15 =	simm.s32 $0x2  }
0x7: {  	s16 =	simm.s32 $0x0;
	[smem:$0x7FF] =	sst s1;
	s8 =	sand.u32 $0x1, s3  }
0x8: {  	s3 =	sadd.s32 $0x16800, s4;
	s5 =	sshll.u32 s2, $0xC;
	p0 =	seq.s32 s2, $0x0  }
0x9: {  	s11 =	sshll.u32 s2, $0x8;
	_ =	strace $0x8000004D;
	s9 =	ssub.s32 $0x2, s8  }
0xa: {  	s10 =	sadd.s32 s5, s4;
	s4 =	simm.s32 $0x28;
	s12 =	sshll.u32 s8, $0x7  }
0xb: {  	s8 =	sshll.u32 s8, $0xB;
	s29 =	sshrl.u32 s9, $0x1;
	s4 =	simm.s32 @!p0 $0x27  }
0xc: {  	s30 =	sor.u32 s12, s11;
	s31 =	sadd.s32 s8, s10;
	s10 =	simm.s32 $0x3  }
0xd: {  	s11 =	simm.s32 $0x80;
	s12 =	simm.s32 $0x100;
	s5 =	ssub.s32 s9, s29  }
0xe: {  	s9 =	sshrl.u32 s30, $0x3;
	s8 =	sadd.s32 $0x3DA00, s31;
	s5 =	smax.u32 s5, $0x1  }
0xf: {  	s6 =	sadd.s32 s9, s6;
	s7 =	sadd.s32 s9, s7;
	s9 =	sadd.s32 $0x9D8000, s31  }
.LBB2_1:
0x10: {  	[tilespmem:s1], [sflag:$0x3] =	stream.linear.gather [hbm4b:s7+s1], $0x80, $0x38;
	[tilespmem:$0x8100] =	vst v63  }
0x11: {  	_ =	swait.ge [sflag:s10], $0x80  }
0x12: {  	[sflag:s10] =	ssyncset.done $0x0  }
0x13: {  	[sflag:s10] =	ssyncadd.s32 $0xFFFFFF80  }
0x14: {  	[tilespmem:s11], [sflag:$0x3] =	stream.linear.gather [hbm4b:s6+s1], $0x80, $0x38;
	[tilespmem:$0x8100] =	vst v63  }
0x15: {  	_ =	swait.ge [sflag:s10], $0x80  }
0x16: {  	[sflag:s10] =	ssyncset.done $0x0  }
0x17: {  	[sflag:s10] =	ssyncadd.s32 $0xFFFFFF80  }
0x18: {  	[tilespmem:s12], [sflag:$0x1] =	stream.indirect.gather [hbm4b:s3+s11], $0x80, s1, s11, $0xb8;
	[tilespmem:$0x8100] =	vst v63  }
0x19: {  	_ = 	snop  }
0x1a: {  	[tilespmem:s13], [sflag:$0x2] =	stream.indirect.gather [hbm4b:s3+s11], $0x80, s11, s11, $0xb8;
	[tilespmem:$0x8100] =	vst v63  }
0x1b: {  	_ =	swait.ge [sflag:s14], $0x4000  }
0x1c: {  	[sflag:s14] =	ssyncset.done $0x0  }
0x1d: {  	[sflag:s14] =	ssyncadd.s32 $0xFFFFC000  }
0x1e: {  	_ =	swait.ge [sflag:s15], $0x4000  }
0x1f: {  	[sflag:s15] =	ssyncset.done $0x0  }
0x20: {  	[sflag:s15] =	ssyncadd.s32 $0xFFFFC000  }
0x21: {  	[hbm4b:s8+s1] =	stream.linear.scatter [tilespmem:s12], [sflag:$0x3], $0x4000, $0x38;
	[tilespmem:$0x8100] =	vst v63  }
0x22: {  	p0 =	sne.s32 s4, $0x1;
	_ =	swait.ge [sflag:s10], $0x4000  }
.Ltmp0:
0x23: {  	[sflag:s10] =	ssyncset.done $0x0;
	(pc) =	sbr.rel @!p0 .LBB2_3-.Ltmp0, $4  }
0x24: {  	s17 =	sadd.s32 $0xFFFFFFFF, s4;
	[sflag:s10] =	ssyncadd.s32 $0xFFFFC000  }
0x25: {  	[hbm4b:s9+s1] =	stream.linear.scatter [tilespmem:s13], [sflag:$0x3], $0x4000, $0x38;
	[tilespmem:$0x8100] =	vst v63  }
0x26: {  	s18 =	sadd.s32 $0x10000, s8;
	s19 =	sadd.s32 $0x10000, s9;
	_ =	swait.ge [sflag:s10], $0x4000  }
0x27: {  	s20 =	smov.u32 s6;
	s21 =	smov.u32 s7;
	[sflag:s10] =	ssyncset.done $0x0  }
.LBB2_2:
0x28: {  	[sflag:s10] =	ssyncadd.s32 $0xFFFFC000;
	s20 =	sadd.s32 $0x200, s20;
	s21 =	sadd.s32 $0x200, s21  }
0x29: {  	[tilespmem:s1], [sflag:$0x3] =	stream.linear.gather [hbm4b:s21+s1], $0x80, $0x38;
	[tilespmem:$0x8100] =	vst v63  }
0x2a: {  	p0 =	sne.s32 s17, $0x1;
	s17 =	sadd.s32 $0xFFFFFFFF, s17;
	_ =	swait.ge [sflag:s10], $0x80  }
0x2b: {  	[sflag:s10] =	ssyncset.done $0x0  }
0x2c: {  	[sflag:s10] =	ssyncadd.s32 $0xFFFFFF80  }
0x2d: {  	[tilespmem:s11], [sflag:$0x3] =	stream.linear.gather [hbm4b:s20+s1], $0x80, $0x38;
	[tilespmem:$0x8100] =	vst v63  }
0x2e: {  	_ =	swait.ge [sflag:s10], $0x80  }
0x2f: {  	[sflag:s10] =	ssyncset.done $0x0  }
0x30: {  	[sflag:s10] =	ssyncadd.s32 $0xFFFFFF80  }
0x31: {  	[tilespmem:s12], [sflag:$0x1] =	stream.indirect.gather [hbm4b:s3+s11], $0x80, s1, s11, $0xb8;
	[tilespmem:$0x8100] =	vst v63  }
0x32: {  	_ = 	snop  }
0x33: {  	[tilespmem:s13], [sflag:$0x2] =	stream.indirect.gather [hbm4b:s3+s11], $0x80, s11, s11, $0xb8;
	[tilespmem:$0x8100] =	vst v63  }
0x34: {  	_ =	swait.ge [sflag:s14], $0x4000  }
0x35: {  	[sflag:s14] =	ssyncset.done $0x0  }
0x36: {  	[sflag:s14] =	ssyncadd.s32 $0xFFFFC000  }
0x37: {  	_ =	swait.ge [sflag:s15], $0x4000  }
0x38: {  	[sflag:s15] =	ssyncset.done $0x0  }
0x39: {  	[sflag:s15] =	ssyncadd.s32 $0xFFFFC000  }
0x3a: {  	[hbm4b:s18+s1] =	stream.linear.scatter [tilespmem:s12], [sflag:$0x3], $0x4000, $0x38;
	[tilespmem:$0x8100] =	vst v63  }
0x3b: {  	_ =	swait.ge [sflag:s10], $0x4000  }
.Ltmp1:
0x3c: {  	[sflag:s10] =	ssyncset.done $0x0;
	(pc) =	sbr.rel @p0 .LBB2_2-.Ltmp1, $4  }
0x3d: {  	[sflag:s10] =	ssyncadd.s32 $0xFFFFC000  }
0x3e: {  	[hbm4b:s19+s1] =	stream.linear.scatter [tilespmem:s13], [sflag:$0x3], $0x4000, $0x38;
	[tilespmem:$0x8100] =	vst v63  }
0x3f: {  	_ =	swait.ge [sflag:s10], $0x4000  }
0x40: {  	s18 =	sadd.s32 $0x10000, s18;
	s19 =	sadd.s32 $0x10000, s19;
	[sflag:s10] =	ssyncset.done $0x0  }
.LBB2_3:
0x41: {  	s16 =	sadd.s32 $0x1, s16  }
0x42: {  	p0 =	sne.s32 s16, s5  }
.Ltmp2:
0x43: {  	_ = 	snop;
	(pc) =	sbr.rel @p0 .LBB2_1-.Ltmp2, $2  }
0x44: {  	_ =	sdelay $0x2  }
0x45: {  	[sflag:s10] =	ssyncadd.s32 $0xFFFFC000  }
0x46: {  	_ =	sfence.sel $0x180000  }
0x47: {  	[bflag:$0x0] =	sbarrier.arrive $0xFFFF  }
0x48: {  	p0 =	sne.s32 s2, $0x0;
	_ =	strace $0x9000004D  }
0x49: {  	s0 =	sadd.s32 @!p0 $0x100000, s0;
	[bflag:$0x2] =	sbarrier.arrive $0xFFFF  }
0x4a: {  	[sflag:s0] =	ssyncadd.tile.s32 @!p0 $0x1;
	_ =	shalt  }
.Lfunc_end2:
_tile_overlayer_lowered:
.L_overlay_start_2:
0x4b: {  	(tag) =	ssettag $0x2  }
0x4c: {  	s0 =	rddreg [dreg:$0x0];
	s2 =	stileid.u32  }
0x4d: {  	s1 =	rddreg [dreg:$0x1];
	p0 =	sne.s32 s2, $0x0  }
0x4e: {  	s3 =	rddreg [dreg:$0x2];
	[bflag:$0x3] =	sbarrier.arrive $0xFFFF;
	s2 =	simm.s32 @!p0 $0x1C03  }
0x4f: {  	[timem:s3], [sflag:s2] =	dma.local @!p0 [hbm:s0], s1  }
0x50: {  	s0 =	simm.s32 @!p0 $0x3  }
0x51: {  	_ =	swait.ge @!p0 [sflag:s0], s1  }
0x52: {  	s1 =	ssub.s32 @!p0 $0x0, s1;
	[sflag:s0] =	ssyncset.done @!p0 $0x0  }
0x53: {  	[sflag:s0] =	ssyncadd.s32 @!p0 s1  }
0x54: {  	[bflag:$0x3] =	sbarrier.arrive $0xFFFF  }
0x55: {  	_ =	shalt  }

// kernel: kernel.28.cloned.1.call-start
scs
__scs_entry_jumppad:
0x0: {  	(pc) =	sbr.rel $0x88, $3  }
0x1: {  	(tag) =	ssettag $0x0;
	lr =	simm.s32 $0x1  }
0x2: {  	[smem:$0x3F51] =	sst lr;
	_ =	strace $0xD0000000  }
0x3: {  	_ = 	snop  }
0x4: {  	_ = 	snop  }
0x5: {  	_ = 	snop  }
0x6: {  	_ = 	snop  }
0x7: {  	_ = 	snop  }
__scs_overlays_trampoline_lowered:
0x8: {  	[smem:$0x3F60] =	sst s0  }
0x9: {  	[smem:$0x3F61] =	sst s1  }
0xa: {  	[smem:$0x3F62] =	sst s2  }
0xb: {  	[smem:$0x3F63] =	sst s3  }
0xc: {  	[smem:$0x3F64] =	sst s4  }
0xd: {  	[smem:$0x3F65] =	sst s5  }
0xe: {  	[smem:$0x3F66] =	sst s6  }
0xf: {  	[smem:$0x3F67] =	sst s7  }
0x10: {  	[smem:$0x3F68] =	sst s8  }
0x11: {  	[smem:$0x3F69] =	sst s9;
	s0 =	simm.s32 @!p0 $0x0  }
0x12: {  	s1 =	sld [smem:$0x3F4F];
	s0 =	simm.s32 @p0 $0x1  }
0x13: {  	[smem:$0x3F6A] =	sst s0;
	s0 =	simm.s32 @!p1 $0x0  }
0x14: {  	s2 =	sld [smem:$0x3F4E];
	s0 =	simm.s32 @p1 $0x1  }
0x15: {  	[smem:$0x3F6B] =	sst s0;
	s0 =	simm.s32 @!p2 $0x0  }
0x16: {  	s3 =	sld [smem:$0x3FDB];
	s0 =	simm.s32 @p2 $0x1  }
0x17: {  	s4 =	simm.s32 $0x1BF5;
	[smem:$0x3F6D] =	sst s0  }
0x18: {  	s0 =	sld [smem:$0x3F50];
	_ =	swait.ge [sflag:s4], $0x0  }
0x19: {  	s7 =	sld [smem:$0x3F51]  }
0x1a: {  	s8 =	sadd.s32 $0xFFFFE003, lr  }
0x1b: {  	s9 =	sadd.s32 $0xFFFFFEF7, lr;
	s5 =	simm.s32 $0xFFFFFFFF;
	p2 =	slt.u32 s8, $0xFFFFF086  }
0x1c: {  	p1 =	slt.u32 s9, $0xF7A;
	s5 =	simm.s32 @!p2 $0x0  }
0x1d: {  	s5 =	simm.s32 @p1 $0x1;
	p0 =	seq.s32 s7, s2  }
0x1e: {  	s7 =	smul.u32 @!p0 $0xF7A, s2;
	p2 =	seq.s32 @!p0 s5, $0x0  }
0x1f: {  	s9 =	smul.u32 $0xF7A, s1;
	s8 =	simm.s32 @!p0 $0x1BF5;
	p2 =	por !p2, p0  }
0x20: {  	[sflag:s8] =	ssyncset.s32 @!p0 $0xFFFFF086;
	s6 =	sadd.s32 @!p0 s3, s7;
	s7 =	simm.s32 @!p0 $0x108  }
0x21: {  	s3 =	sadd.s32 s3, s9;
	s6 =	sadd.s32 @!p0 $0x88, s6;
	s7 =	simm.s32 @p2 $0x1082  }
0x22: {  	[simem:s7], [sflag:s8] =	dma.local @!p0 [hbm:s6], $0xF7A  }
0x23: {  	s9 =	sor.u32 $0xD0000000, s2;
	s6 =	simm.s32 $0x108;
	_ =	swait.ge @!p0 [sflag:s8], $0x0  }
0x24: {  	s3 =	sadd.s32 $0x88, s3;
	s6 =	simm.s32 @!p1 $0x1082;
	[sflag:s4] =	ssyncset.s32 $0xFFFFF086  }
0x25: {  	[simem:s6], [sflag:s4] =	dma.local [hbm:s3], $0xF7A  }
0x26: {  	[smem:$0x3F51] =	sst s1;
	(tag) =	ssettag s2;
	_ =	strace s9  }
0x27: {  	s1 =	sld [smem:$0x3F61]  }
0x28: {  	s2 =	sld [smem:$0x3F62]  }
0x29: {  	s4 =	sld [smem:$0x3F64]  }
0x2a: {  	p0 =	seq.s32 s5, $0x0;
	s5 =	sld [smem:$0x3F65]  }
0x2b: {  	s6 =	sld [smem:$0x3F66]  }
0x2c: {  	s7 =	sld [smem:$0x3F67]  }
0x2d: {  	s3 =	simm.s32 $0x108;
	s8 =	sld [smem:$0x3F68]  }
0x2e: {  	s3 =	simm.s32 @!p0 $0x1082;
	s9 =	sld [smem:$0x3F69]  }
0x2f: {  	lr =	sadd.s32 s0, s3;
	s0 =	sld [smem:$0x3F60]  }
0x30: {  	s3 =	sld [smem:$0x3F63]  }
0x31: {  	[smem:$0x3F6C] =	sst s10  }
0x32: {  	s10 =	sld [smem:$0x3F6A];
	_ =	sdelay $0x3  }
0x33: {  	p0 =	seq.s32 s10, $0x1;
	s10 =	sld [smem:$0x3F6C];
	_ =	sdelay $0x3  }
0x34: {  	[smem:$0x3F6C] =	sst s10  }
0x35: {  	s10 =	sld [smem:$0x3F6B];
	_ =	sdelay $0x3  }
0x36: {  	p1 =	seq.s32 s10, $0x1;
	s10 =	sld [smem:$0x3F6C];
	_ =	sdelay $0x3  }
0x37: {  	[smem:$0x3F6C] =	sst s10  }
0x38: {  	s10 =	sld [smem:$0x3F6D]  }
0x39: {  	_ = 	snop;
	(pc) =	sbr.ind lr, $3  }
0x3a: {  	_ = 	snop  }
0x3b: {  	_ = 	snop  }
0x3c: {  	p2 =	seq.s32 s10, $0x1;
	s10 =	sld [smem:$0x3F6C]  }
0x3d: {  	_ =	shalt  }
0x3e: {  	_ =	shalt  }
0x3f: {  	_ =	shalt  }
0x40: {  	_ =	shalt  }
0x41: {  	_ =	shalt  }
0x42: {  	_ =	shalt  }
0x43: {  	_ =	shalt  }
0x44: {  	_ =	shalt  }
0x45: {  	_ =	shalt  }
0x46: {  	_ =	shalt  }
0x47: {  	_ =	shalt  }
0x48: {  	_ =	shalt  }
0x49: {  	_ =	shalt  }
0x4a: {  	_ =	shalt  }
0x4b: {  	_ =	shalt  }
0x4c: {  	_ =	shalt  }
0x4d: {  	_ =	shalt  }
0x4e: {  	_ =	shalt  }
0x4f: {  	_ =	shalt  }
0x50: {  	_ =	shalt  }
0x51: {  	_ =	shalt  }
0x52: {  	_ =	shalt  }
0x53: {  	_ =	shalt  }
0x54: {  	_ =	shalt  }
0x55: {  	_ =	shalt  }
0x56: {  	_ =	shalt  }
0x57: {  	_ =	shalt  }
0x58: {  	_ =	shalt  }
0x59: {  	_ =	shalt  }
0x5a: {  	_ =	shalt  }
0x5b: {  	_ =	shalt  }
0x5c: {  	_ =	shalt  }
0x5d: {  	_ =	shalt  }
0x5e: {  	_ =	shalt  }
0x5f: {  	_ =	shalt  }
0x60: {  	_ =	shalt  }
0x61: {  	_ =	shalt  }
0x62: {  	_ =	shalt  }
0x63: {  	_ =	shalt  }
0x64: {  	_ =	shalt  }
0x65: {  	_ =	shalt  }
0x66: {  	_ =	shalt  }
0x67: {  	_ =	shalt  }
0x68: {  	_ =	shalt  }
0x69: {  	_ =	shalt  }
0x6a: {  	_ =	shalt  }
0x6b: {  	_ =	shalt  }
0x6c: {  	_ =	shalt  }
0x6d: {  	_ =	shalt  }
0x6e: {  	_ =	shalt  }
0x6f: {  	_ =	shalt  }
0x70: {  	_ =	shalt  }
0x71: {  	_ =	shalt  }
0x72: {  	_ =	shalt  }
0x73: {  	_ =	shalt  }
0x74: {  	_ =	shalt  }
0x75: {  	_ =	shalt  }
0x76: {  	_ =	shalt  }
0x77: {  	_ =	shalt  }
0x78: {  	_ =	shalt  }
0x79: {  	_ =	shalt  }
0x7a: {  	_ =	shalt  }
0x7b: {  	_ =	shalt  }
0x7c: {  	_ =	shalt  }
0x7d: {  	_ =	shalt  }
0x7e: {  	_ =	shalt  }
0x7f: {  	_ =	shalt  }
0x80: {  	_ =	shalt  }
0x81: {  	_ =	shalt  }
0x82: {  	_ =	shalt  }
0x83: {  	_ =	shalt  }
0x84: {  	_ =	shalt  }
0x85: {  	_ =	shalt  }
0x86: {  	_ =	shalt  }
0x87: {  	_ =	shalt  }
.Lfunc_end0:
.L_simem_size_0:
called_computation.3_lowered:
.L_overlay_start_0:
0x88: {  	s2 =	sld [smem:$0x3FD9]  }
0x89: {  	s3 =	sld [smem:$0x3FFE];
	_ =	sdelay $0x1  }
0x8a: {  	s1 =	srdreg.scid  }
0x8b: {  	s0 =	sand.u32 $0x1, s1  }
0x8c: {  	s17 =	sshll.u32 s0, $0xA;
	s2 =	sadd.s32 s3, s2  }
0x8d: {  	s2 =	sadd.s32 s2, s17  }
0x8e: {  	[smem:$0x3F78] =	sst s2  }
0x8f: {  	_ = 	snop  }
0x90: {  	s2 =	sld [smem:$0x3FC6];
	(tm) =	ssettm $0x1  }
0x91: {  	s18 =	sld [smem:$0x3FFB];
	_ =	sdelay $0x3  }
0x92: {  	_ =	strace s18  }
0x93: {  	s3 =	sld [smem:$0x3FFC];
	_ =	sdelay $0x3  }
0x94: {  	_ =	strace s3  }
0x95: {  	s3 =	sld [smem:$0x3FFD];
	_ =	sdelay $0x3  }
0x96: {  	_ =	strace s3  }
0x97: {  	_ =	strace $0x8FFFFFFF  }
0x98: {  	s19 =	sld [smem:$0x3FDB];
	_ =	sdelay $0x1  }
0x99: {  	s4 =	simm.s32 $_scs_section_size  }
0x9a: {  	s5 =	simm.s32 $_size__tile_overlayer_lowered;
	s6 =	simm.s32 $_tile_overlayer_lowered  }
0x9b: {  	s22 =	simm.s32 $0x1BFF;
	s21 =	sshll.u32 s6, $0x1;
	s3 =	sadd.s32 s4, s19  }
0x9c: {  	s7 =	simm.s32 $0x0;
	s20 =	sshll.u32 s5, $0x1;
	s5 =	sadd.s32 s21, s3  }
0x9d: {  	[timem:s7], [sflag:s22] =	dma.local [hbm:s5], s20  }
0x9e: {  	_ =	swait.ge [sflag:s22], s20  }
0x9f: {  	s4 =	ssub.s32 $0x0, s20;
	[sflag:s22] =	ssyncset.done $0x0  }
0xa0: {  	[sflag:s22] =	ssyncadd.s32 s4;
	_ =	sdelay $0x1  }
0xa1: {  	s23 =	simm.s32 $0x1B8B  }
0xa2: {  	_ =	swait.ge [sflag:s23], $0x1  }
0xa3: {  	[sflag:s23] =	ssyncset.done $0x0  }
0xa4: {  	s25 =	simm.s32 $0x1B8E;
	s24 =	sld [smem:$0x3FFE];
	[sflag:s23] =	ssyncadd.s32 $0xFFFFFFFF  }
0xa5: {  	s26 =	simm.s32 $execute0_lowered;
	[smem:$0x3FD2] =	sst s25  }
0xa6: {  	s5 =	sshll.u32 s26, $0x1;
	_ =	strace $0x8000004F;
	[dreg:$0x1] =	wrdreg $0xFFFFFFFF  }
0xa7: {  	s28 =	simm.s32 $_size_execute0_lowered;
	s3 =	sadd.s32 s3, s5;
	[dreg:$0x0] =	wrdreg $0x0  }
0xa8: {  	s5 =	sshll.u32 s28, $0x1;
	[dreg:$0x2] =	wrdreg s3  }
0xa9: {  	[dreg:$0x3] =	wrdreg s5  }
0xaa: {  	[dreg:$0x4] =	wrdreg $0xC0  }
0xab: {  	_ =	task [dreg:s7], $0x5FFFF  }
0xac: {  	[dreg:$0x1] =	wrdreg $0xFFFFFFFF  }
0xad: {  	[dreg:$0x0] =	wrdreg $0x60  }
0xae: {  	[dreg:$0x2] =	wrdreg s24  }
0xaf: {  	[dreg:$0x3] =	wrdreg s2  }
0xb0: {  	[dreg:$0x4] =	wrdreg $0x81000  }
0xb1: {  	[dreg:$0x5] =	wrdreg $0x1C1000  }
0xb2: {  	[dreg:$0x6] =	wrdreg $0x9  }
0xb3: {  	_ =	task.clear_ibuf [dreg:s7], $0x7FFFF;
	_ =	strace $0x9000004F  }
0xb4: {  	s29 =	simm.s32 $0x9;
	_ =	strace $0x80000051  }
0xb5: {  	_ =	swait.ge [sflag:s29], $0x1  }
0xb6: {  	[sflag:s29] =	ssyncadd.s32 $0xFFFFFFFF  }
0xb7: {  	_ =	strace $0x90000051  }
0xb8: {  	_ =	sfence  }
0xb9: {  	s30 =	sld [smem:$0x0];
	_ =	sdelay $0x2  }
0xba: {  	s31 =	sshll.u32 s1, $0xD;
	s1 =	sshrl.u32 s1, $0x2  }
0xbb: {  	s3 =	sand.u32 $0x4000, s31;
	s1 =	sadd.s32 s1, s30  }
0xbc: {  	s0 =	sor.u32 s3, s0;
	s1 =	sshll.u32 s1, $0x11  }
0xbd: {  	s0 =	sor.u32 s1, s0  }
0xbe: {  	s0 =	sadd.s32 $0x8F2B, s0  }
0xbf: {  	[sflag:s0] =	ssyncadd.remote.s32 $0x1  }
0xc0: {  	_ =	sfence.sel $0xFFFF  }
0xc1: {  	[dreg:$0x0] =	wrdreg $0xFFFFFFFF;
	(pc) =	sbr.abs _section_cstart, $3  }
0xc2: {  	[dreg:$0x1] =	wrdreg $0xFFFFFFFF  }
0xc3: {  	_ =	task.clear_ibuf [dreg:s7], $0x2FFFF;
	_ =	strace $0x9FFFFFFF  }
0xc4: {  	(tm) =	ssettm $0x7FFFFFFF  }
0xc5: {  	_ =	shalt  }
tec
execute0_lowered:
.L_overlay_start_1:
0x0: {  	(tag) =	ssettag $0x1  }
0x1: {  	s6 =	rddreg [dreg:$0x0]  }
0x2: {  	s11 =	rddreg [dreg:$0x1]  }
0x3: {  	s1 =	rddreg [dreg:$0x2];
	s0 =	srdreg.scid  }
0x4: {  	s3 =	rddreg [dreg:$0x3];
	s2 =	stileid.u32  }
0x5: {  	s4 =	simm.s32 $0x0;
	s19 =	simm.s32 $0x80;
	s7 =	smul.u32 $0x14000, s2  }
0x6: {  	s10 =	sand.u32 $0x1, s0;
	s0 =	rddreg [dreg:$0x4];
	s12 =	smul.u32 $0x2800, s2  }
0x7: {  	s20 =	simm.s32 $0x0;
	[smem:$0x7FF] =	sst s4;
	s24 =	smul.u32 $0x50000, s2  }
0x8: {  	s8 =	sshll.u32 s2, $0xC;
	s15 =	smul.u32 $0xA000, s2;
	s26 =	sshll.u32 s2, $0x6  }
0x9: {  	p0 =	seq.s32 s2, $0x0;
	s29 =	sshll.u32 s2, $0x8;
	s5 =	smul.u32 $0x140000, s10  }
0xa: {  	_ =	strace $0x80000050;
	s21 =	smul.u32 $0x28000, s10;
	s13 =	sadd.s32 s8, s6  }
0xb: {  	s23 =	ssub.s32 $0x2, s10;
	s30 =	sshll.u32 s10, $0x7;
	s31 =	sshll.u32 s10, $0xB  }
0xc: {  	s14 =	sshrl.u32 s23, $0x1;
	s25 =	sshrl.u32 s24, $0x2;
	s28 =	sshrl.u32 s15, $0x2  }
0xd: {  	s13 =	sadd.s32 s31, s13;
	s15 =	simm.s32 $0x1;
	s5 =	sadd.s32 s7, s5  }
0xe: {  	s7 =	sadd.s32 s12, s21;
	s14 =	ssub.s32 s23, s14;
	s17 =	sadd.s32 s25, s1  }
0xf: {  	s18 =	sadd.s32 s28, s3;
	s12 =	sor.u32 s30, s29;
	s9 =	sshrl.u32 s5, $0x3  }
0x10: {  	s5 =	sadd.s32 $0x14000, s6;
	s7 =	sshrl.u32 s7, $0x3;
	s12 =	sshrl.u32 s12, $0x3  }
0x11: {  	s10 =	smax.u32 s14, $0x1;
	s14 =	sshrl.u32 s17, $0x3;
	s17 =	simm.s32 $0x100  }
0x12: {  	s22 =	sadd.s32 s9, s6;
	s16 =	sadd.s32 s7, s6;
	s6 =	sor.u32 $0x1C01, s26  }
0x13: {  	s7 =	simm.s32 $0x28;
	s11 =	sadd.s32 s12, s11;
	s12 =	sadd.s32 $0xC49000, s13  }
0x14: {  	s13 =	sadd.s32 $0xEBA000, s13;
	s7 =	simm.s32 @!p0 $0x27;
	s8 =	sadd.s32 $0x9E2000, s22  }
0x15: {  	s9 =	sadd.s32 $0x9D8000, s16;
	s16 =	sshrl.u32 s18, $0x3;
	s18 =	simm.s32 $0x4100  }
.LBB2_1:
0x16: {  	[spmem:s14], [sflag:s6] =	dma.local [hbm:s5], $0x2800  }
0x17: {  	_ =	swait.ge [sflag:s15], $0x2800  }
0x18: {  	[sflag:s15] =	ssyncset.done $0x0  }
0x19: {  	[sflag:s15] =	ssyncadd.s32 $0xFFFFD800  }
0x1a: {  	[spmem:s16], [sflag:s6] =	dma.local [hbm:s5], $0x500  }
0x1b: {  	_ =	swait.ge [sflag:s15], $0x500  }
0x1c: {  	[sflag:s15] =	ssyncset.done $0x0  }
0x1d: {  	[sflag:s15] =	ssyncadd.s32 $0xFFFFFB00  }
0x1e: {  	[bflag:$0x0] =	sbarrier.arrive $0xFFFF  }
0x1f: {  	[tilespmem:s4], [sflag:$0x1] =	stream.linear.gather [hbm4b:s11+s4], $0x80, $0x38;
	[tilespmem:$0x1E900] =	vst v63  }
0x20: {  	_ =	swait.ge [sflag:s15], $0x80  }
0x21: {  	[sflag:s15] =	ssyncset.done $0x0  }
0x22: {  	[sflag:s15] =	ssyncadd.s32 $0xFFFFFF80  }
0x23: {  	[tilespmem:s17], [sflag:$0x1] =	stream.linear.gather [hbm4b:s12+s4], $0x4000, $0x38;
	[tilespmem:$0x1E900] =	vst v63  }
0x24: {  	_ =	swait.ge [sflag:s15], $0x4000  }
0x25: {  	[sflag:s15] =	ssyncset.done $0x0  }
0x26: {  	[sflag:s15] =	ssyncadd.s32 $0xFFFFC000  }
0x27: {  	[tilespmem:s18], [sflag:$0x1] =	stream.linear.gather [hbm4b:s13+s4], $0x4000, $0x38;
	[tilespmem:$0x1E900] =	vst v63  }
0x28: {  	_ =	swait.ge [sflag:s15], $0x4000  }
0x29: {  	[sflag:s15] =	ssyncset.done $0x0  }
0x2a: {  	[sflag:s15] =	ssyncadd.s32 $0xFFFFC000  }
0x2b: {  	v0 =	vld [tilespmem:$0x70]  }
0x2c: {  	v1 =	vld [tilespmem:$0x30]  }
0x2d: {  	v2 =	vld [tilespmem:$0x50]  }
0x2e: {  	v3 =	vld [tilespmem:$0x60]  }
0x2f: {  	v4 =	vld [tilespmem:$0x20]  }
0x30: {  	v5 =	vld [tilespmem:$0x10];
	v0 =	vshrl.u32 v0, $0x3  }
0x31: {  	v6 =	vld [tilespmem:$0x40];
	v1 =	vshrl.u32 v1, $0x3;
	[tilespmem:$0xF0] =	vst v0  }
0x32: {  	v58 =	vld [tilespmem:$0x0];
	v59 =	vshrl.u32 v2, $0x3;
	[tilespmem:$0xB0] =	vst v1  }
0x33: {  	p0 =	sne.s32 s7, $0x1;
	v60 =	vshrl.u32 v3, $0x3;
	[tilespmem:$0xD0] =	vst v59  }
.Ltmp0:
0x34: {  	v61 =	vshrl.u32 v4, $0x3;
	[tilespmem:$0xE0] =	vst v60;
	(pc) =	sbr.rel @!p0 .LBB2_3-.Ltmp0, $4  }
0x35: {  	v62 =	vshrl.u32 v5, $0x3;
	[tilespmem:$0xA0] =	vst v61  }
0x36: {  	v63 =	vshrl.u32 v6, $0x3;
	[tilespmem:$0x90] =	vst v62  }
0x37: {  	s21 =	sadd.s32 $0xFFFFFFFF, s7;
	v0 =	vshrl.u32 v58, $0x3;
	[tilespmem:$0xC0] =	vst v63  }
0x38: {  	s22 =	sadd.s32 $0x200, s11;
	s23 =	sadd.s32 $0x10000, s12;
	s24 =	sadd.s32 $0x10000, s13;
	[tilespmem:$0x80] =	vst v0  }
.LBB2_2:
0x39: {  	[spmem:s1] =	stream.indirect.scatter.add.f32 [tilespmem:s17], [sflag:$0x1], $0x80, s4, s19, $0xb8;
	[tilespmem:$0x1E900] =	vst v63  }
0x3a: {  	p0 =	sne.s32 s21, $0x1;
	s21 =	sadd.s32 $0xFFFFFFFF, s21;
	_ =	swait.ge [sflag:s15], $0x4000  }
0x3b: {  	[sflag:s15] =	ssyncset.done $0x0  }
0x3c: {  	[sflag:s15] =	ssyncadd.s32 $0xFFFFC000  }
0x3d: {  	[spmem:s3] =	stream.indirect.scatter.add.f32 [tilespmem:s18], [sflag:$0x1], $0x80, s19, s19, $0xb8;
	[tilespmem:$0x1E900] =	vst v63  }
0x3e: {  	_ =	swait.ge [sflag:s15], $0x4000  }
0x3f: {  	[sflag:s15] =	ssyncset.done $0x0  }
0x40: {  	[sflag:s15] =	ssyncadd.s32 $0xFFFFC000  }
0x41: {  	[tilespmem:s4], [sflag:$0x1] =	stream.linear.gather [hbm4b:s22+s4], $0x80, $0x38;
	[tilespmem:$0x1E900] =	vst v63  }
0x42: {  	_ =	swait.ge [sflag:s15], $0x80  }
0x43: {  	[sflag:s15] =	ssyncset.done $0x0  }
0x44: {  	[sflag:s15] =	ssyncadd.s32 $0xFFFFFF80  }
0x45: {  	[tilespmem:s17], [sflag:$0x1] =	stream.linear.gather [hbm4b:s23+s4], $0x4000, $0x38;
	[tilespmem:$0x1E900] =	vst v63  }
0x46: {  	_ =	swait.ge [sflag:s15], $0x4000  }
0x47: {  	[sflag:s15] =	ssyncset.done $0x0  }
0x48: {  	[sflag:s15] =	ssyncadd.s32 $0xFFFFC000  }
0x49: {  	[tilespmem:s18], [sflag:$0x1] =	stream.linear.gather [hbm4b:s24+s4], $0x4000, $0x38;
	[tilespmem:$0x1E900] =	vst v63  }
0x4a: {  	_ =	swait.ge [sflag:s15], $0x4000  }
0x4b: {  	[sflag:s15] =	ssyncset.done $0x0  }
0x4c: {  	[sflag:s15] =	ssyncadd.s32 $0xFFFFC000  }
0x4d: {  	v0 =	vld [tilespmem:$0x70]  }
0x4e: {  	v1 =	vld [tilespmem:$0x30]  }
0x4f: {  	v2 =	vld [tilespmem:$0x50]  }
0x50: {  	v3 =	vld [tilespmem:$0x60]  }
0x51: {  	v4 =	vld [tilespmem:$0x20]  }
0x52: {  	v5 =	vld [tilespmem:$0x10];
	v0 =	vshrl.u32 v0, $0x3  }
0x53: {  	v1 =	vshrl.u32 v1, $0x3;
	v6 =	vld [tilespmem:$0x40];
	[tilespmem:$0xF0] =	vst v0  }
0x54: {  	v0 =	vld [tilespmem:$0x0];
	[tilespmem:$0xB0] =	vst v1;
	v1 =	vshrl.u32 v2, $0x3  }
0x55: {  	[tilespmem:$0xD0] =	vst v1;
	v1 =	vshrl.u32 v3, $0x3  }
.Ltmp1:
0x56: {  	v2 =	vshrl.u32 v4, $0x3;
	[tilespmem:$0xE0] =	vst v1;
	(pc) =	sbr.rel @p0 .LBB2_2-.Ltmp1, $4  }
0x57: {  	v1 =	vshrl.u32 v5, $0x3;
	[tilespmem:$0xA0] =	vst v2  }
0x58: {  	[tilespmem:$0x90] =	vst v1;
	v1 =	vshrl.u32 v6, $0x3  }
0x59: {  	v0 =	vshrl.u32 v0, $0x3;
	[tilespmem:$0xC0] =	vst v1  }
0x5a: {  	s22 =	sadd.s32 $0x200, s22;
	s23 =	sadd.s32 $0x10000, s23;
	s24 =	sadd.s32 $0x10000, s24;
	[tilespmem:$0x80] =	vst v0  }
.LBB2_3:
0x5b: {  	[spmem:s1] =	stream.indirect.scatter.add.f32 [tilespmem:s17], [sflag:$0x1], $0x80, s4, s19, $0xb8;
	[tilespmem:$0x1E900] =	vst v63  }
0x5c: {  	_ =	swait.ge [sflag:s15], $0x4000  }
0x5d: {  	[sflag:s15] =	ssyncset.done $0x0  }
0x5e: {  	[sflag:s15] =	ssyncadd.s32 $0xFFFFC000  }
0x5f: {  	[spmem:s3] =	stream.indirect.scatter.add.f32 [tilespmem:s18], [sflag:$0x1], $0x80, s19, s19, $0xb8;
	[tilespmem:$0x1E900] =	vst v63  }
0x60: {  	_ =	swait.ge [sflag:s15], $0x4000  }
0x61: {  	[sflag:s15] =	ssyncset.done $0x0  }
0x62: {  	[sflag:s15] =	ssyncadd.s32 $0xFFFFC000  }
0x63: {  	[bflag:$0x0] =	sbarrier.arrive $0xFFFF  }
0x64: {  	[hbm:s8], [sflag:s6] =	dma.local [spmem:s14], $0x2800  }
0x65: {  	s20 =	sadd.s32 $0x1, s20;
	_ =	swait.ge [sflag:s15], $0x2800  }
0x66: {  	p0 =	sne.s32 s20, s10;
	[sflag:s15] =	ssyncset.done $0x0  }
.Ltmp2:
0x67: {  	[sflag:s15] =	ssyncadd.s32 $0xFFFFD800;
	(pc) =	sbr.rel @p0 .LBB2_1-.Ltmp2, $4  }
0x68: {  	[hbm:s9], [sflag:s6] =	dma.local [spmem:s16], $0x500  }
0x69: {  	_ =	swait.ge [sflag:s15], $0x500  }
0x6a: {  	[sflag:s15] =	ssyncset.done $0x0  }
0x6b: {  	[sflag:s15] =	ssyncadd.s32 $0xFFFFFB00  }
0x6c: {  	_ =	sfence.sel $0x180000  }
0x6d: {  	[bflag:$0x0] =	sbarrier.arrive $0xFFFF  }
0x6e: {  	p0 =	sne.s32 s2, $0x0;
	_ =	strace $0x90000050  }
0x6f: {  	s0 =	sadd.s32 @!p0 $0x100000, s0;
	[bflag:$0x2] =	sbarrier.arrive $0xFFFF  }
0x70: {  	[sflag:s0] =	ssyncadd.tile.s32 @!p0 $0x1;
	_ =	shalt  }
.Lfunc_end2:
_tile_overlayer_lowered:
.L_overlay_start_2:
0x71: {  	(tag) =	ssettag $0x2  }
0x72: {  	s0 =	rddreg [dreg:$0x0];
	s2 =	stileid.u32  }
0x73: {  	s1 =	rddreg [dreg:$0x1];
	p0 =	sne.s32 s2, $0x0  }
0x74: {  	s3 =	rddreg [dreg:$0x2];
	[bflag:$0x3] =	sbarrier.arrive $0xFFFF;
	s2 =	simm.s32 @!p0 $0x1C01  }
0x75: {  	[timem:s3], [sflag:s2] =	dma.local @!p0 [hbm:s0], s1  }
0x76: {  	s0 =	simm.s32 @!p0 $0x1  }
0x77: {  	_ =	swait.ge @!p0 [sflag:s0], s1  }
0x78: {  	s1 =	ssub.s32 @!p0 $0x0, s1;
	[sflag:s0] =	ssyncset.done @!p0 $0x0  }
0x79: {  	[sflag:s0] =	ssyncadd.s32 @!p0 s1  }
0x7a: {  	[bflag:$0x3] =	sbarrier.arrive $0xFFFF  }
0x7b: {  	_ =	shalt  }

// kernel: kernel.31.cloned.1.call-start
scs
__scs_entry_jumppad:
0x0: {  	(pc) =	sbr.rel $0x88, $3  }
0x1: {  	(tag) =	ssettag $0x0;
	lr =	simm.s32 $0x1  }
0x2: {  	[smem:$0x3F51] =	sst lr;
	_ =	strace $0xD0000000  }
0x3: {  	_ = 	snop  }
0x4: {  	_ = 	snop  }
0x5: {  	_ = 	snop  }
0x6: {  	_ = 	snop  }
0x7: {  	_ = 	snop  }
__scs_overlays_trampoline_lowered:
0x8: {  	[smem:$0x3F60] =	sst s0  }
0x9: {  	[smem:$0x3F61] =	sst s1  }
0xa: {  	[smem:$0x3F62] =	sst s2  }
0xb: {  	[smem:$0x3F63] =	sst s3  }
0xc: {  	[smem:$0x3F64] =	sst s4  }
0xd: {  	[smem:$0x3F65] =	sst s5  }
0xe: {  	[smem:$0x3F66] =	sst s6  }
0xf: {  	[smem:$0x3F67] =	sst s7  }
0x10: {  	[smem:$0x3F68] =	sst s8  }
0x11: {  	[smem:$0x3F69] =	sst s9;
	s0 =	simm.s32 @!p0 $0x0  }
0x12: {  	s1 =	sld [smem:$0x3F4F];
	s0 =	simm.s32 @p0 $0x1  }
0x13: {  	[smem:$0x3F6A] =	sst s0;
	s0 =	simm.s32 @!p1 $0x0  }
0x14: {  	s2 =	sld [smem:$0x3F4E];
	s0 =	simm.s32 @p1 $0x1  }
0x15: {  	[smem:$0x3F6B] =	sst s0;
	s0 =	simm.s32 @!p2 $0x0  }
0x16: {  	s3 =	sld [smem:$0x3FDB];
	s0 =	simm.s32 @p2 $0x1  }
0x17: {  	s4 =	simm.s32 $0x1BF5;
	[smem:$0x3F6D] =	sst s0  }
0x18: {  	s0 =	sld [smem:$0x3F50];
	_ =	swait.ge [sflag:s4], $0x0  }
0x19: {  	s7 =	sld [smem:$0x3F51]  }
0x1a: {  	s8 =	sadd.s32 $0xFFFFE003, lr  }
0x1b: {  	s9 =	sadd.s32 $0xFFFFFEF7, lr;
	s5 =	simm.s32 $0xFFFFFFFF;
	p2 =	slt.u32 s8, $0xFFFFF086  }
0x1c: {  	p1 =	slt.u32 s9, $0xF7A;
	s5 =	simm.s32 @!p2 $0x0  }
0x1d: {  	s5 =	simm.s32 @p1 $0x1;
	p0 =	seq.s32 s7, s2  }
0x1e: {  	s7 =	smul.u32 @!p0 $0xF7A, s2;
	p2 =	seq.s32 @!p0 s5, $0x0  }
0x1f: {  	s9 =	smul.u32 $0xF7A, s1;
	s8 =	simm.s32 @!p0 $0x1BF5;
	p2 =	por !p2, p0  }
0x20: {  	[sflag:s8] =	ssyncset.s32 @!p0 $0xFFFFF086;
	s6 =	sadd.s32 @!p0 s3, s7;
	s7 =	simm.s32 @!p0 $0x108  }
0x21: {  	s3 =	sadd.s32 s3, s9;
	s6 =	sadd.s32 @!p0 $0x88, s6;
	s7 =	simm.s32 @p2 $0x1082  }
0x22: {  	[simem:s7], [sflag:s8] =	dma.local @!p0 [hbm:s6], $0xF7A  }
0x23: {  	s9 =	sor.u32 $0xD0000000, s2;
	s6 =	simm.s32 $0x108;
	_ =	swait.ge @!p0 [sflag:s8], $0x0  }
0x24: {  	s3 =	sadd.s32 $0x88, s3;
	s6 =	simm.s32 @!p1 $0x1082;
	[sflag:s4] =	ssyncset.s32 $0xFFFFF086  }
0x25: {  	[simem:s6], [sflag:s4] =	dma.local [hbm:s3], $0xF7A  }
0x26: {  	[smem:$0x3F51] =	sst s1;
	(tag) =	ssettag s2;
	_ =	strace s9  }
0x27: {  	s1 =	sld [smem:$0x3F61]  }
0x28: {  	s2 =	sld [smem:$0x3F62]  }
0x29: {  	s4 =	sld [smem:$0x3F64]  }
0x2a: {  	p0 =	seq.s32 s5, $0x0;
	s5 =	sld [smem:$0x3F65]  }
0x2b: {  	s6 =	sld [smem:$0x3F66]  }
0x2c: {  	s7 =	sld [smem:$0x3F67]  }
0x2d: {  	s3 =	simm.s32 $0x108;
	s8 =	sld [smem:$0x3F68]  }
0x2e: {  	s3 =	simm.s32 @!p0 $0x1082;
	s9 =	sld [smem:$0x3F69]  }
0x2f: {  	lr =	sadd.s32 s0, s3;
	s0 =	sld [smem:$0x3F60]  }
0x30: {  	s3 =	sld [smem:$0x3F63]  }
0x31: {  	[smem:$0x3F6C] =	sst s10  }
0x32: {  	s10 =	sld [smem:$0x3F6A];
	_ =	sdelay $0x3  }
0x33: {  	p0 =	seq.s32 s10, $0x1;
	s10 =	sld [smem:$0x3F6C];
	_ =	sdelay $0x3  }
0x34: {  	[smem:$0x3F6C] =	sst s10  }
0x35: {  	s10 =	sld [smem:$0x3F6B];
	_ =	sdelay $0x3  }
0x36: {  	p1 =	seq.s32 s10, $0x1;
	s10 =	sld [smem:$0x3F6C];
	_ =	sdelay $0x3  }
0x37: {  	[smem:$0x3F6C] =	sst s10  }
0x38: {  	s10 =	sld [smem:$0x3F6D]  }
0x39: {  	_ = 	snop;
	(pc) =	sbr.ind lr, $3  }
0x3a: {  	_ = 	snop  }
0x3b: {  	_ = 	snop  }
0x3c: {  	p2 =	seq.s32 s10, $0x1;
	s10 =	sld [smem:$0x3F6C]  }
0x3d: {  	_ =	shalt  }
0x3e: {  	_ =	shalt  }
0x3f: {  	_ =	shalt  }
0x40: {  	_ =	shalt  }
0x41: {  	_ =	shalt  }
0x42: {  	_ =	shalt  }
0x43: {  	_ =	shalt  }
0x44: {  	_ =	shalt  }
0x45: {  	_ =	shalt  }
0x46: {  	_ =	shalt  }
0x47: {  	_ =	shalt  }
0x48: {  	_ =	shalt  }
0x49: {  	_ =	shalt  }
0x4a: {  	_ =	shalt  }
0x4b: {  	_ =	shalt  }
0x4c: {  	_ =	shalt  }
0x4d: {  	_ =	shalt  }
0x4e: {  	_ =	shalt  }
0x4f: {  	_ =	shalt  }
0x50: {  	_ =	shalt  }
0x51: {  	_ =	shalt  }
0x52: {  	_ =	shalt  }
0x53: {  	_ =	shalt  }
0x54: {  	_ =	shalt  }
0x55: {  	_ =	shalt  }
0x56: {  	_ =	shalt  }
0x57: {  	_ =	shalt  }
0x58: {  	_ =	shalt  }
0x59: {  	_ =	shalt  }
0x5a: {  	_ =	shalt  }
0x5b: {  	_ =	shalt  }
0x5c: {  	_ =	shalt  }
0x5d: {  	_ =	shalt  }
0x5e: {  	_ =	shalt  }
0x5f: {  	_ =	shalt  }
0x60: {  	_ =	shalt  }
0x61: {  	_ =	shalt  }
0x62: {  	_ =	shalt  }
0x63: {  	_ =	shalt  }
0x64: {  	_ =	shalt  }
0x65: {  	_ =	shalt  }
0x66: {  	_ =	shalt  }
0x67: {  	_ =	shalt  }
0x68: {  	_ =	shalt  }
0x69: {  	_ =	shalt  }
0x6a: {  	_ =	shalt  }
0x6b: {  	_ =	shalt  }
0x6c: {  	_ =	shalt  }
0x6d: {  	_ =	shalt  }
0x6e: {  	_ =	shalt  }
0x6f: {  	_ =	shalt  }
0x70: {  	_ =	shalt  }
0x71: {  	_ =	shalt  }
0x72: {  	_ =	shalt  }
0x73: {  	_ =	shalt  }
0x74: {  	_ =	shalt  }
0x75: {  	_ =	shalt  }
0x76: {  	_ =	shalt  }
0x77: {  	_ =	shalt  }
0x78: {  	_ =	shalt  }
0x79: {  	_ =	shalt  }
0x7a: {  	_ =	shalt  }
0x7b: {  	_ =	shalt  }
0x7c: {  	_ =	shalt  }
0x7d: {  	_ =	shalt  }
0x7e: {  	_ =	shalt  }
0x7f: {  	_ =	shalt  }
0x80: {  	_ =	shalt  }
0x81: {  	_ =	shalt  }
0x82: {  	_ =	shalt  }
0x83: {  	_ =	shalt  }
0x84: {  	_ =	shalt  }
0x85: {  	_ =	shalt  }
0x86: {  	_ =	shalt  }
0x87: {  	_ =	shalt  }
.Lfunc_end0:
.L_simem_size_0:
called_computation.4_lowered:
.L_overlay_start_0:
0x88: {  	s2 =	sld [smem:$0x3FD9]  }
0x89: {  	s3 =	sld [smem:$0x3FFE];
	_ =	sdelay $0x1  }
0x8a: {  	s1 =	srdreg.scid  }
0x8b: {  	s0 =	sand.u32 $0x1, s1  }
0x8c: {  	s17 =	sshll.u32 s0, $0xA;
	s2 =	sadd.s32 s3, s2  }
0x8d: {  	s2 =	sadd.s32 s2, s17  }
0x8e: {  	[smem:$0x3F78] =	sst s2  }
0x8f: {  	_ = 	snop  }
0x90: {  	s2 =	sld [smem:$0x3FC7]  }
0x91: {  	s18 =	sld [smem:$0x3FC6];
	(tm) =	ssettm $0x1  }
0x92: {  	s4 =	sld [smem:$0x3FFB];
	_ =	sdelay $0x3  }
0x93: {  	_ =	strace s4  }
0x94: {  	s4 =	sld [smem:$0x3FFC];
	_ =	sdelay $0x3  }
0x95: {  	_ =	strace s4  }
0x96: {  	s4 =	sld [smem:$0x3FFD];
	_ =	sdelay $0x3  }
0x97: {  	_ =	strace s4  }
0x98: {  	_ =	strace $0x8FFFFFFF  }
0x99: {  	s19 =	sld [smem:$0x3FDB];
	_ =	sdelay $0x1  }
0x9a: {  	s5 =	simm.s32 $_scs_section_size  }
0x9b: {  	s6 =	simm.s32 $_size__tile_overlayer_lowered;
	s7 =	simm.s32 $_tile_overlayer_lowered  }
0x9c: {  	s22 =	simm.s32 $0x1BFF;
	s21 =	sshll.u32 s7, $0x1;
	s4 =	sadd.s32 s5, s19  }
0x9d: {  	s8 =	simm.s32 $0x0;
	s20 =	sshll.u32 s6, $0x1;
	s6 =	sadd.s32 s21, s4  }
0x9e: {  	[timem:s8], [sflag:s22] =	dma.local [hbm:s6], s20  }
0x9f: {  	_ =	swait.ge [sflag:s22], s20  }
0xa0: {  	s5 =	ssub.s32 $0x0, s20;
	[sflag:s22] =	ssyncset.done $0x0  }
0xa1: {  	[sflag:s22] =	ssyncadd.s32 s5;
	_ =	sdelay $0x1  }
0xa2: {  	s23 =	simm.s32 $0x1B8B  }
0xa3: {  	_ =	swait.ge [sflag:s23], $0x1  }
0xa4: {  	[sflag:s23] =	ssyncset.done $0x0  }
0xa5: {  	s25 =	simm.s32 $0x1B8E;
	s24 =	sld [smem:$0x3FFE];
	[sflag:s23] =	ssyncadd.s32 $0xFFFFFFFF  }
0xa6: {  	s26 =	simm.s32 $execute0_lowered;
	[smem:$0x3FD2] =	sst s25  }
0xa7: {  	s6 =	sshll.u32 s26, $0x1;
	_ =	strace $0x80000052;
	[dreg:$0x1] =	wrdreg $0xFFFFFFFF  }
0xa8: {  	s28 =	simm.s32 $_size_execute0_lowered;
	s4 =	sadd.s32 s4, s6;
	[dreg:$0x0] =	wrdreg $0x0  }
0xa9: {  	s6 =	sshll.u32 s28, $0x1;
	[dreg:$0x2] =	wrdreg s4  }
0xaa: {  	[dreg:$0x3] =	wrdreg s6  }
0xab: {  	[dreg:$0x4] =	wrdreg $0xC0  }
0xac: {  	_ =	task [dreg:s8], $0x5FFFF  }
0xad: {  	[dreg:$0x1] =	wrdreg $0xFFFFFFFF  }
0xae: {  	[dreg:$0x0] =	wrdreg $0x60  }
0xaf: {  	[dreg:$0x2] =	wrdreg s24  }
0xb0: {  	[dreg:$0x3] =	wrdreg s2  }
0xb1: {  	[dreg:$0x4] =	wrdreg s18  }
0xb2: {  	[dreg:$0x5] =	wrdreg $0x9  }
0xb3: {  	_ =	task.clear_ibuf [dreg:s8], $0x6FFFF;
	_ =	strace $0x90000052  }
0xb4: {  	s29 =	simm.s32 $0x9;
	_ =	strace $0x80000054  }
0xb5: {  	_ =	swait.ge [sflag:s29], $0x1  }
0xb6: {  	[sflag:s29] =	ssyncadd.s32 $0xFFFFFFFF  }
0xb7: {  	_ =	strace $0x90000054  }
0xb8: {  	_ =	sfence  }
0xb9: {  	s30 =	sld [smem:$0x0];
	_ =	sdelay $0x2  }
0xba: {  	s31 =	sshll.u32 s1, $0xD;
	s1 =	sshrl.u32 s1, $0x2  }
0xbb: {  	s3 =	sand.u32 $0x4000, s31;
	s1 =	sadd.s32 s1, s30  }
0xbc: {  	s0 =	sor.u32 s3, s0;
	s1 =	sshll.u32 s1, $0x11  }
0xbd: {  	s0 =	sor.u32 s1, s0  }
0xbe: {  	s0 =	sadd.s32 $0x8F2B, s0  }
0xbf: {  	[sflag:s0] =	ssyncadd.remote.s32 $0x1  }
0xc0: {  	_ =	sfence.sel $0xFFFF  }
0xc1: {  	[dreg:$0x0] =	wrdreg $0xFFFFFFFF;
	(pc) =	sbr.abs _section_cstart, $3  }
0xc2: {  	[dreg:$0x1] =	wrdreg $0xFFFFFFFF  }
0xc3: {  	_ =	task.clear_ibuf [dreg:s8], $0x2FFFF;
	_ =	strace $0x9FFFFFFF  }
0xc4: {  	(tm) =	ssettm $0x7FFFFFFF  }
0xc5: {  	_ =	shalt  }
tec
execute0_lowered:
.L_overlay_start_1:
0x0: {  	(tag) =	ssettag $0x1  }
0x1: {  	s4 =	rddreg [dreg:$0x0]  }
0x2: {  	s7 =	rddreg [dreg:$0x1]  }
0x3: {  	s6 =	rddreg [dreg:$0x2]  }
0x4: {  	s0 =	rddreg [dreg:$0x3]  }
0x5: {  	s1 =	simm.s32 $0x0;
	s3 =	srdreg.scid;
	s2 =	stileid.u32  }
0x6: {  	s13 =	simm.s32 $0x4100;
	s14 =	simm.s32 $0x1;
	s15 =	simm.s32 $0x2  }
0x7: {  	s16 =	simm.s32 $0x0;
	[smem:$0x7FF] =	sst s1;
	s8 =	sand.u32 $0x1, s3  }
0x8: {  	s3 =	sadd.s32 $0x16800, s4;
	s5 =	sshll.u32 s2, $0xC;
	p0 =	seq.s32 s2, $0x0  }
0x9: {  	s11 =	sshll.u32 s2, $0x8;
	_ =	strace $0x80000053;
	s9 =	ssub.s32 $0x2, s8  }
0xa: {  	s10 =	sadd.s32 s5, s4;
	s4 =	simm.s32 $0x28;
	s12 =	sshll.u32 s8, $0x7  }
0xb: {  	s8 =	sshll.u32 s8, $0xB;
	s29 =	sshrl.u32 s9, $0x1;
	s4 =	simm.s32 @!p0 $0x27  }
0xc: {  	s30 =	sor.u32 s12, s11;
	s31 =	sadd.s32 s8, s10;
	s10 =	simm.s32 $0x3  }
0xd: {  	s11 =	simm.s32 $0x80;
	s12 =	simm.s32 $0x100;
	s5 =	ssub.s32 s9, s29  }
0xe: {  	s9 =	sshrl.u32 s30, $0x3;
	s8 =	sadd.s32 $0x3DA00, s31;
	s5 =	smax.u32 s5, $0x1  }
0xf: {  	s6 =	sadd.s32 s9, s6;
	s7 =	sadd.s32 s9, s7;
	s9 =	sadd.s32 $0x9D8000, s31  }
.LBB2_1:
0x10: {  	[tilespmem:s1], [sflag:$0x3] =	stream.linear.gather [hbm4b:s7+s1], $0x80, $0x38;
	[tilespmem:$0x8100] =	vst v63  }
0x11: {  	_ =	swait.ge [sflag:s10], $0x80  }
0x12: {  	[sflag:s10] =	ssyncset.done $0x0  }
0x13: {  	[sflag:s10] =	ssyncadd.s32 $0xFFFFFF80  }
0x14: {  	[tilespmem:s11], [sflag:$0x3] =	stream.linear.gather [hbm4b:s6+s1], $0x80, $0x38;
	[tilespmem:$0x8100] =	vst v63  }
0x15: {  	_ =	swait.ge [sflag:s10], $0x80  }
0x16: {  	[sflag:s10] =	ssyncset.done $0x0  }
0x17: {  	[sflag:s10] =	ssyncadd.s32 $0xFFFFFF80  }
0x18: {  	[tilespmem:s12], [sflag:$0x1] =	stream.indirect.gather [hbm4b:s3+s11], $0x80, s1, s11, $0xb8;
	[tilespmem:$0x8100] =	vst v63  }
0x19: {  	_ = 	snop  }
0x1a: {  	[tilespmem:s13], [sflag:$0x2] =	stream.indirect.gather [hbm4b:s3+s11], $0x80, s11, s11, $0xb8;
	[tilespmem:$0x8100] =	vst v63  }
0x1b: {  	_ =	swait.ge [sflag:s14], $0x4000  }
0x1c: {  	[sflag:s14] =	ssyncset.done $0x0  }
0x1d: {  	[sflag:s14] =	ssyncadd.s32 $0xFFFFC000  }
0x1e: {  	_ =	swait.ge [sflag:s15], $0x4000  }
0x1f: {  	[sflag:s15] =	ssyncset.done $0x0  }
0x20: {  	[sflag:s15] =	ssyncadd.s32 $0xFFFFC000  }
0x21: {  	[hbm4b:s8+s1] =	stream.linear.scatter [tilespmem:s12], [sflag:$0x3], $0x4000, $0x38;
	[tilespmem:$0x8100] =	vst v63  }
0x22: {  	p0 =	sne.s32 s4, $0x1;
	_ =	swait.ge [sflag:s10], $0x4000  }
.Ltmp0:
0x23: {  	[sflag:s10] =	ssyncset.done $0x0;
	(pc) =	sbr.rel @!p0 .LBB2_3-.Ltmp0, $4  }
0x24: {  	s17 =	sadd.s32 $0xFFFFFFFF, s4;
	[sflag:s10] =	ssyncadd.s32 $0xFFFFC000  }
0x25: {  	[hbm4b:s9+s1] =	stream.linear.scatter [tilespmem:s13], [sflag:$0x3], $0x4000, $0x38;
	[tilespmem:$0x8100] =	vst v63  }
0x26: {  	s18 =	sadd.s32 $0x10000, s8;
	s19 =	sadd.s32 $0x10000, s9;
	_ =	swait.ge [sflag:s10], $0x4000  }
0x27: {  	s20 =	smov.u32 s6;
	s21 =	smov.u32 s7;
	[sflag:s10] =	ssyncset.done $0x0  }
.LBB2_2:
0x28: {  	[sflag:s10] =	ssyncadd.s32 $0xFFFFC000;
	s20 =	sadd.s32 $0x200, s20;
	s21 =	sadd.s32 $0x200, s21  }
0x29: {  	[tilespmem:s1], [sflag:$0x3] =	stream.linear.gather [hbm4b:s21+s1], $0x80, $0x38;
	[tilespmem:$0x8100] =	vst v63  }
0x2a: {  	p0 =	sne.s32 s17, $0x1;
	s17 =	sadd.s32 $0xFFFFFFFF, s17;
	_ =	swait.ge [sflag:s10], $0x80  }
0x2b: {  	[sflag:s10] =	ssyncset.done $0x0  }
0x2c: {  	[sflag:s10] =	ssyncadd.s32 $0xFFFFFF80  }
0x2d: {  	[tilespmem:s11], [sflag:$0x3] =	stream.linear.gather [hbm4b:s20+s1], $0x80, $0x38;
	[tilespmem:$0x8100] =	vst v63  }
0x2e: {  	_ =	swait.ge [sflag:s10], $0x80  }
0x2f: {  	[sflag:s10] =	ssyncset.done $0x0  }
0x30: {  	[sflag:s10] =	ssyncadd.s32 $0xFFFFFF80  }
0x31: {  	[tilespmem:s12], [sflag:$0x1] =	stream.indirect.gather [hbm4b:s3+s11], $0x80, s1, s11, $0xb8;
	[tilespmem:$0x8100] =	vst v63  }
0x32: {  	_ = 	snop  }
0x33: {  	[tilespmem:s13], [sflag:$0x2] =	stream.indirect.gather [hbm4b:s3+s11], $0x80, s11, s11, $0xb8;
	[tilespmem:$0x8100] =	vst v63  }
0x34: {  	_ =	swait.ge [sflag:s14], $0x4000  }
0x35: {  	[sflag:s14] =	ssyncset.done $0x0  }
0x36: {  	[sflag:s14] =	ssyncadd.s32 $0xFFFFC000  }
0x37: {  	_ =	swait.ge [sflag:s15], $0x4000  }
0x38: {  	[sflag:s15] =	ssyncset.done $0x0  }
0x39: {  	[sflag:s15] =	ssyncadd.s32 $0xFFFFC000  }
0x3a: {  	[hbm4b:s18+s1] =	stream.linear.scatter [tilespmem:s12], [sflag:$0x3], $0x4000, $0x38;
	[tilespmem:$0x8100] =	vst v63  }
0x3b: {  	_ =	swait.ge [sflag:s10], $0x4000  }
.Ltmp1:
0x3c: {  	[sflag:s10] =	ssyncset.done $0x0;
	(pc) =	sbr.rel @p0 .LBB2_2-.Ltmp1, $4  }
0x3d: {  	[sflag:s10] =	ssyncadd.s32 $0xFFFFC000  }
0x3e: {  	[hbm4b:s19+s1] =	stream.linear.scatter [tilespmem:s13], [sflag:$0x3], $0x4000, $0x38;
	[tilespmem:$0x8100] =	vst v63  }
0x3f: {  	_ =	swait.ge [sflag:s10], $0x4000  }
0x40: {  	s18 =	sadd.s32 $0x10000, s18;
	s19 =	sadd.s32 $0x10000, s19;
	[sflag:s10] =	ssyncset.done $0x0  }
.LBB2_3:
0x41: {  	s16 =	sadd.s32 $0x1, s16  }
0x42: {  	p0 =	sne.s32 s16, s5  }
.Ltmp2:
0x43: {  	_ = 	snop;
	(pc) =	sbr.rel @p0 .LBB2_1-.Ltmp2, $2  }
0x44: {  	_ =	sdelay $0x2  }
0x45: {  	[sflag:s10] =	ssyncadd.s32 $0xFFFFC000  }
0x46: {  	_ =	sfence.sel $0x180000  }
0x47: {  	[bflag:$0x0] =	sbarrier.arrive $0xFFFF  }
0x48: {  	p0 =	sne.s32 s2, $0x0;
	_ =	strace $0x90000053  }
0x49: {  	s0 =	sadd.s32 @!p0 $0x100000, s0;
	[bflag:$0x2] =	sbarrier.arrive $0xFFFF  }
0x4a: {  	[sflag:s0] =	ssyncadd.tile.s32 @!p0 $0x1;
	_ =	shalt  }
.Lfunc_end2:
_tile_overlayer_lowered:
.L_overlay_start_2:
0x4b: {  	(tag) =	ssettag $0x2  }
0x4c: {  	s0 =	rddreg [dreg:$0x0];
	s2 =	stileid.u32  }
0x4d: {  	s1 =	rddreg [dreg:$0x1];
	p0 =	sne.s32 s2, $0x0  }
0x4e: {  	s3 =	rddreg [dreg:$0x2];
	[bflag:$0x3] =	sbarrier.arrive $0xFFFF;
	s2 =	simm.s32 @!p0 $0x1C03  }
0x4f: {  	[timem:s3], [sflag:s2] =	dma.local @!p0 [hbm:s0], s1  }
0x50: {  	s0 =	simm.s32 @!p0 $0x3  }
0x51: {  	_ =	swait.ge @!p0 [sflag:s0], s1  }
0x52: {  	s1 =	ssub.s32 @!p0 $0x0, s1;
	[sflag:s0] =	ssyncset.done @!p0 $0x0  }
0x53: {  	[sflag:s0] =	ssyncadd.s32 @!p0 s1  }
0x54: {  	[bflag:$0x3] =	sbarrier.arrive $0xFFFF  }
0x55: {  	_ =	shalt  }

// kernel: kernel.34.cloned.1.call-start
scs
__scs_entry_jumppad:
0x0: {  	(pc) =	sbr.rel $0x88, $3  }
0x1: {  	(tag) =	ssettag $0x0;
	lr =	simm.s32 $0x1  }
0x2: {  	[smem:$0x3F51] =	sst lr;
	_ =	strace $0xD0000000  }
0x3: {  	_ = 	snop  }
0x4: {  	_ = 	snop  }
0x5: {  	_ = 	snop  }
0x6: {  	_ = 	snop  }
0x7: {  	_ = 	snop  }
__scs_overlays_trampoline_lowered:
0x8: {  	[smem:$0x3F60] =	sst s0  }
0x9: {  	[smem:$0x3F61] =	sst s1  }
0xa: {  	[smem:$0x3F62] =	sst s2  }
0xb: {  	[smem:$0x3F63] =	sst s3  }
0xc: {  	[smem:$0x3F64] =	sst s4  }
0xd: {  	[smem:$0x3F65] =	sst s5  }
0xe: {  	[smem:$0x3F66] =	sst s6  }
0xf: {  	[smem:$0x3F67] =	sst s7  }
0x10: {  	[smem:$0x3F68] =	sst s8  }
0x11: {  	[smem:$0x3F69] =	sst s9;
	s0 =	simm.s32 @!p0 $0x0  }
0x12: {  	s1 =	sld [smem:$0x3F4F];
	s0 =	simm.s32 @p0 $0x1  }
0x13: {  	[smem:$0x3F6A] =	sst s0;
	s0 =	simm.s32 @!p1 $0x0  }
0x14: {  	s2 =	sld [smem:$0x3F4E];
	s0 =	simm.s32 @p1 $0x1  }
0x15: {  	[smem:$0x3F6B] =	sst s0;
	s0 =	simm.s32 @!p2 $0x0  }
0x16: {  	s3 =	sld [smem:$0x3FDB];
	s0 =	simm.s32 @p2 $0x1  }
0x17: {  	s4 =	simm.s32 $0x1BF5;
	[smem:$0x3F6D] =	sst s0  }
0x18: {  	s0 =	sld [smem:$0x3F50];
	_ =	swait.ge [sflag:s4], $0x0  }
0x19: {  	s7 =	sld [smem:$0x3F51]  }
0x1a: {  	s8 =	sadd.s32 $0xFFFFE003, lr  }
0x1b: {  	s9 =	sadd.s32 $0xFFFFFEF7, lr;
	s5 =	simm.s32 $0xFFFFFFFF;
	p2 =	slt.u32 s8, $0xFFFFF086  }
0x1c: {  	p1 =	slt.u32 s9, $0xF7A;
	s5 =	simm.s32 @!p2 $0x0  }
0x1d: {  	s5 =	simm.s32 @p1 $0x1;
	p0 =	seq.s32 s7, s2  }
0x1e: {  	s7 =	smul.u32 @!p0 $0xF7A, s2;
	p2 =	seq.s32 @!p0 s5, $0x0  }
0x1f: {  	s9 =	smul.u32 $0xF7A, s1;
	s8 =	simm.s32 @!p0 $0x1BF5;
	p2 =	por !p2, p0  }
0x20: {  	[sflag:s8] =	ssyncset.s32 @!p0 $0xFFFFF086;
	s6 =	sadd.s32 @!p0 s3, s7;
	s7 =	simm.s32 @!p0 $0x108  }
0x21: {  	s3 =	sadd.s32 s3, s9;
	s6 =	sadd.s32 @!p0 $0x88, s6;
	s7 =	simm.s32 @p2 $0x1082  }
0x22: {  	[simem:s7], [sflag:s8] =	dma.local @!p0 [hbm:s6], $0xF7A  }
0x23: {  	s9 =	sor.u32 $0xD0000000, s2;
	s6 =	simm.s32 $0x108;
	_ =	swait.ge @!p0 [sflag:s8], $0x0  }
0x24: {  	s3 =	sadd.s32 $0x88, s3;
	s6 =	simm.s32 @!p1 $0x1082;
	[sflag:s4] =	ssyncset.s32 $0xFFFFF086  }
0x25: {  	[simem:s6], [sflag:s4] =	dma.local [hbm:s3], $0xF7A  }
0x26: {  	[smem:$0x3F51] =	sst s1;
	(tag) =	ssettag s2;
	_ =	strace s9  }
0x27: {  	s1 =	sld [smem:$0x3F61]  }
0x28: {  	s2 =	sld [smem:$0x3F62]  }
0x29: {  	s4 =	sld [smem:$0x3F64]  }
0x2a: {  	p0 =	seq.s32 s5, $0x0;
	s5 =	sld [smem:$0x3F65]  }
0x2b: {  	s6 =	sld [smem:$0x3F66]  }
0x2c: {  	s7 =	sld [smem:$0x3F67]  }
0x2d: {  	s3 =	simm.s32 $0x108;
	s8 =	sld [smem:$0x3F68]  }
0x2e: {  	s3 =	simm.s32 @!p0 $0x1082;
	s9 =	sld [smem:$0x3F69]  }
0x2f: {  	lr =	sadd.s32 s0, s3;
	s0 =	sld [smem:$0x3F60]  }
0x30: {  	s3 =	sld [smem:$0x3F63]  }
0x31: {  	[smem:$0x3F6C] =	sst s10  }
0x32: {  	s10 =	sld [smem:$0x3F6A];
	_ =	sdelay $0x3  }
0x33: {  	p0 =	seq.s32 s10, $0x1;
	s10 =	sld [smem:$0x3F6C];
	_ =	sdelay $0x3  }
0x34: {  	[smem:$0x3F6C] =	sst s10  }
0x35: {  	s10 =	sld [smem:$0x3F6B];
	_ =	sdelay $0x3  }
0x36: {  	p1 =	seq.s32 s10, $0x1;
	s10 =	sld [smem:$0x3F6C];
	_ =	sdelay $0x3  }
0x37: {  	[smem:$0x3F6C] =	sst s10  }
0x38: {  	s10 =	sld [smem:$0x3F6D]  }
0x39: {  	_ = 	snop;
	(pc) =	sbr.ind lr, $3  }
0x3a: {  	_ = 	snop  }
0x3b: {  	_ = 	snop  }
0x3c: {  	p2 =	seq.s32 s10, $0x1;
	s10 =	sld [smem:$0x3F6C]  }
0x3d: {  	_ =	shalt  }
0x3e: {  	_ =	shalt  }
0x3f: {  	_ =	shalt  }
0x40: {  	_ =	shalt  }
0x41: {  	_ =	shalt  }
0x42: {  	_ =	shalt  }
0x43: {  	_ =	shalt  }
0x44: {  	_ =	shalt  }
0x45: {  	_ =	shalt  }
0x46: {  	_ =	shalt  }
0x47: {  	_ =	shalt  }
0x48: {  	_ =	shalt  }
0x49: {  	_ =	shalt  }
0x4a: {  	_ =	shalt  }
0x4b: {  	_ =	shalt  }
0x4c: {  	_ =	shalt  }
0x4d: {  	_ =	shalt  }
0x4e: {  	_ =	shalt  }
0x4f: {  	_ =	shalt  }
0x50: {  	_ =	shalt  }
0x51: {  	_ =	shalt  }
0x52: {  	_ =	shalt  }
0x53: {  	_ =	shalt  }
0x54: {  	_ =	shalt  }
0x55: {  	_ =	shalt  }
0x56: {  	_ =	shalt  }
0x57: {  	_ =	shalt  }
0x58: {  	_ =	shalt  }
0x59: {  	_ =	shalt  }
0x5a: {  	_ =	shalt  }
0x5b: {  	_ =	shalt  }
0x5c: {  	_ =	shalt  }
0x5d: {  	_ =	shalt  }
0x5e: {  	_ =	shalt  }
0x5f: {  	_ =	shalt  }
0x60: {  	_ =	shalt  }
0x61: {  	_ =	shalt  }
0x62: {  	_ =	shalt  }
0x63: {  	_ =	shalt  }
0x64: {  	_ =	shalt  }
0x65: {  	_ =	shalt  }
0x66: {  	_ =	shalt  }
0x67: {  	_ =	shalt  }
0x68: {  	_ =	shalt  }
0x69: {  	_ =	shalt  }
0x6a: {  	_ =	shalt  }
0x6b: {  	_ =	shalt  }
0x6c: {  	_ =	shalt  }
0x6d: {  	_ =	shalt  }
0x6e: {  	_ =	shalt  }
0x6f: {  	_ =	shalt  }
0x70: {  	_ =	shalt  }
0x71: {  	_ =	shalt  }
0x72: {  	_ =	shalt  }
0x73: {  	_ =	shalt  }
0x74: {  	_ =	shalt  }
0x75: {  	_ =	shalt  }
0x76: {  	_ =	shalt  }
0x77: {  	_ =	shalt  }
0x78: {  	_ =	shalt  }
0x79: {  	_ =	shalt  }
0x7a: {  	_ =	shalt  }
0x7b: {  	_ =	shalt  }
0x7c: {  	_ =	shalt  }
0x7d: {  	_ =	shalt  }
0x7e: {  	_ =	shalt  }
0x7f: {  	_ =	shalt  }
0x80: {  	_ =	shalt  }
0x81: {  	_ =	shalt  }
0x82: {  	_ =	shalt  }
0x83: {  	_ =	shalt  }
0x84: {  	_ =	shalt  }
0x85: {  	_ =	shalt  }
0x86: {  	_ =	shalt  }
0x87: {  	_ =	shalt  }
.Lfunc_end0:
.L_simem_size_0:
called_computation.5_lowered:
.L_overlay_start_0:
0x88: {  	s2 =	sld [smem:$0x3FD9]  }
0x89: {  	s3 =	sld [smem:$0x3FFE];
	_ =	sdelay $0x1  }
0x8a: {  	s1 =	srdreg.scid  }
0x8b: {  	s0 =	sand.u32 $0x1, s1  }
0x8c: {  	s17 =	sshll.u32 s0, $0xA;
	s2 =	sadd.s32 s3, s2  }
0x8d: {  	s2 =	sadd.s32 s2, s17  }
0x8e: {  	[smem:$0x3F78] =	sst s2  }
0x8f: {  	_ = 	snop  }
0x90: {  	s2 =	sld [smem:$0x3FC6];
	(tm) =	ssettm $0x1  }
0x91: {  	s18 =	sld [smem:$0x3FFB];
	_ =	sdelay $0x3  }
0x92: {  	_ =	strace s18  }
0x93: {  	s3 =	sld [smem:$0x3FFC];
	_ =	sdelay $0x3  }
0x94: {  	_ =	strace s3  }
0x95: {  	s3 =	sld [smem:$0x3FFD];
	_ =	sdelay $0x3  }
0x96: {  	_ =	strace s3  }
0x97: {  	_ =	strace $0x8FFFFFFF  }
0x98: {  	s19 =	sld [smem:$0x3FDB];
	_ =	sdelay $0x1  }
0x99: {  	s4 =	simm.s32 $_scs_section_size  }
0x9a: {  	s5 =	simm.s32 $_size__tile_overlayer_lowered;
	s6 =	simm.s32 $_tile_overlayer_lowered  }
0x9b: {  	s22 =	simm.s32 $0x1BFF;
	s21 =	sshll.u32 s6, $0x1;
	s3 =	sadd.s32 s4, s19  }
0x9c: {  	s7 =	simm.s32 $0x0;
	s20 =	sshll.u32 s5, $0x1;
	s5 =	sadd.s32 s21, s3  }
0x9d: {  	[timem:s7], [sflag:s22] =	dma.local [hbm:s5], s20  }
0x9e: {  	_ =	swait.ge [sflag:s22], s20  }
0x9f: {  	s4 =	ssub.s32 $0x0, s20;
	[sflag:s22] =	ssyncset.done $0x0  }
0xa0: {  	[sflag:s22] =	ssyncadd.s32 s4;
	_ =	sdelay $0x1  }
0xa1: {  	s23 =	simm.s32 $0x1B8B  }
0xa2: {  	_ =	swait.ge [sflag:s23], $0x1  }
0xa3: {  	[sflag:s23] =	ssyncset.done $0x0  }
0xa4: {  	s25 =	simm.s32 $0x1B8E;
	s24 =	sld [smem:$0x3FFE];
	[sflag:s23] =	ssyncadd.s32 $0xFFFFFFFF  }
0xa5: {  	s26 =	simm.s32 $execute0_lowered;
	[smem:$0x3FD2] =	sst s25  }
0xa6: {  	s5 =	sshll.u32 s26, $0x1;
	_ =	strace $0x80000055;
	[dreg:$0x1] =	wrdreg $0xFFFFFFFF  }
0xa7: {  	s28 =	simm.s32 $_size_execute0_lowered;
	s3 =	sadd.s32 s3, s5;
	[dreg:$0x0] =	wrdreg $0x0  }
0xa8: {  	s5 =	sshll.u32 s28, $0x1;
	[dreg:$0x2] =	wrdreg s3  }
0xa9: {  	[dreg:$0x3] =	wrdreg s5  }
0xaa: {  	[dreg:$0x4] =	wrdreg $0xC0  }
0xab: {  	_ =	task [dreg:s7], $0x5FFFF  }
0xac: {  	[dreg:$0x1] =	wrdreg $0xFFFFFFFF  }
0xad: {  	[dreg:$0x0] =	wrdreg $0x60  }
0xae: {  	[dreg:$0x2] =	wrdreg s24  }
0xaf: {  	[dreg:$0x3] =	wrdreg s2  }
0xb0: {  	[dreg:$0x4] =	wrdreg $0x81000  }
0xb1: {  	[dreg:$0x5] =	wrdreg $0x1C1000  }
0xb2: {  	[dreg:$0x6] =	wrdreg $0x9  }
0xb3: {  	_ =	task.clear_ibuf [dreg:s7], $0x7FFFF;
	_ =	strace $0x90000055  }
0xb4: {  	s29 =	simm.s32 $0x9;
	_ =	strace $0x80000057  }
0xb5: {  	_ =	swait.ge [sflag:s29], $0x1  }
0xb6: {  	[sflag:s29] =	ssyncadd.s32 $0xFFFFFFFF  }
0xb7: {  	_ =	strace $0x90000057  }
0xb8: {  	_ =	sfence  }
0xb9: {  	s30 =	sld [smem:$0x0];
	_ =	sdelay $0x2  }
0xba: {  	s31 =	sshll.u32 s1, $0xD;
	s1 =	sshrl.u32 s1, $0x2  }
0xbb: {  	s3 =	sand.u32 $0x4000, s31;
	s1 =	sadd.s32 s1, s30  }
0xbc: {  	s0 =	sor.u32 s3, s0;
	s1 =	sshll.u32 s1, $0x11  }
0xbd: {  	s0 =	sor.u32 s1, s0  }
0xbe: {  	s0 =	sadd.s32 $0x8F2B, s0  }
0xbf: {  	[sflag:s0] =	ssyncadd.remote.s32 $0x1  }
0xc0: {  	_ =	sfence.sel $0xFFFF  }
0xc1: {  	[dreg:$0x0] =	wrdreg $0xFFFFFFFF;
	(pc) =	sbr.abs _section_cstart, $3  }
0xc2: {  	[dreg:$0x1] =	wrdreg $0xFFFFFFFF  }
0xc3: {  	_ =	task.clear_ibuf [dreg:s7], $0x2FFFF;
	_ =	strace $0x9FFFFFFF  }
0xc4: {  	(tm) =	ssettm $0x7FFFFFFF  }
0xc5: {  	_ =	shalt  }
tec
execute0_lowered:
.L_overlay_start_1:
0x0: {  	(tag) =	ssettag $0x1  }
0x1: {  	s6 =	rddreg [dreg:$0x0]  }
0x2: {  	s11 =	rddreg [dreg:$0x1]  }
0x3: {  	s1 =	rddreg [dreg:$0x2];
	s0 =	srdreg.scid  }
0x4: {  	s3 =	rddreg [dreg:$0x3];
	s2 =	stileid.u32  }
0x5: {  	s4 =	simm.s32 $0x0;
	s19 =	simm.s32 $0x80;
	s7 =	smul.u32 $0x14000, s2  }
0x6: {  	s10 =	sand.u32 $0x1, s0;
	s0 =	rddreg [dreg:$0x4];
	s12 =	smul.u32 $0x2800, s2  }
0x7: {  	s20 =	simm.s32 $0x0;
	[smem:$0x7FF] =	sst s4;
	s24 =	smul.u32 $0x50000, s2  }
0x8: {  	s8 =	sshll.u32 s2, $0xC;
	s15 =	smul.u32 $0xA000, s2;
	s26 =	sshll.u32 s2, $0x6  }
0x9: {  	p0 =	seq.s32 s2, $0x0;
	s29 =	sshll.u32 s2, $0x8;
	s5 =	smul.u32 $0x140000, s10  }
0xa: {  	_ =	strace $0x80000056;
	s21 =	smul.u32 $0x28000, s10;
	s13 =	sadd.s32 s8, s6  }
0xb: {  	s23 =	ssub.s32 $0x2, s10;
	s30 =	sshll.u32 s10, $0x7;
	s31 =	sshll.u32 s10, $0xB  }
0xc: {  	s14 =	sshrl.u32 s23, $0x1;
	s25 =	sshrl.u32 s24, $0x2;
	s28 =	sshrl.u32 s15, $0x2  }
0xd: {  	s13 =	sadd.s32 s31, s13;
	s15 =	simm.s32 $0x1;
	s5 =	sadd.s32 s7, s5  }
0xe: {  	s7 =	sadd.s32 s12, s21;
	s14 =	ssub.s32 s23, s14;
	s17 =	sadd.s32 s25, s1  }
0xf: {  	s18 =	sadd.s32 s28, s3;
	s12 =	sor.u32 s30, s29;
	s9 =	sshrl.u32 s5, $0x3  }
0x10: {  	s5 =	sadd.s32 $0x14000, s6;
	s7 =	sshrl.u32 s7, $0x3;
	s12 =	sshrl.u32 s12, $0x3  }
0x11: {  	s10 =	smax.u32 s14, $0x1;
	s14 =	sshrl.u32 s17, $0x3;
	s17 =	simm.s32 $0x100  }
0x12: {  	s22 =	sadd.s32 s9, s6;
	s16 =	sadd.s32 s7, s6;
	s6 =	sor.u32 $0x1C01, s26  }
0x13: {  	s7 =	simm.s32 $0x28;
	s11 =	sadd.s32 s12, s11;
	s12 =	sadd.s32 $0xC49000, s13  }
0x14: {  	s13 =	sadd.s32 $0xEBA000, s13;
	s7 =	simm.s32 @!p0 $0x27;
	s8 =	sadd.s32 $0x9E2000, s22  }
0x15: {  	s9 =	sadd.s32 $0x9D8000, s16;
	s16 =	sshrl.u32 s18, $0x3;
	s18 =	simm.s32 $0x4100  }
.LBB2_1:
0x16: {  	[spmem:s14], [sflag:s6] =	dma.local [hbm:s5], $0x2800  }
0x17: {  	_ =	swait.ge [sflag:s15], $0x2800  }
0x18: {  	[sflag:s15] =	ssyncset.done $0x0  }
0x19: {  	[sflag:s15] =	ssyncadd.s32 $0xFFFFD800  }
0x1a: {  	[spmem:s16], [sflag:s6] =	dma.local [hbm:s5], $0x500  }
0x1b: {  	_ =	swait.ge [sflag:s15], $0x500  }
0x1c: {  	[sflag:s15] =	ssyncset.done $0x0  }
0x1d: {  	[sflag:s15] =	ssyncadd.s32 $0xFFFFFB00  }
0x1e: {  	[bflag:$0x0] =	sbarrier.arrive $0xFFFF  }
0x1f: {  	[tilespmem:s4], [sflag:$0x1] =	stream.linear.gather [hbm4b:s11+s4], $0x80, $0x38;
	[tilespmem:$0x1E900] =	vst v63  }
0x20: {  	_ =	swait.ge [sflag:s15], $0x80  }
0x21: {  	[sflag:s15] =	ssyncset.done $0x0  }
0x22: {  	[sflag:s15] =	ssyncadd.s32 $0xFFFFFF80  }
0x23: {  	[tilespmem:s17], [sflag:$0x1] =	stream.linear.gather [hbm4b:s12+s4], $0x4000, $0x38;
	[tilespmem:$0x1E900] =	vst v63  }
0x24: {  	_ =	swait.ge [sflag:s15], $0x4000  }
0x25: {  	[sflag:s15] =	ssyncset.done $0x0  }
0x26: {  	[sflag:s15] =	ssyncadd.s32 $0xFFFFC000  }
0x27: {  	[tilespmem:s18], [sflag:$0x1] =	stream.linear.gather [hbm4b:s13+s4], $0x4000, $0x38;
	[tilespmem:$0x1E900] =	vst v63  }
0x28: {  	_ =	swait.ge [sflag:s15], $0x4000  }
0x29: {  	[sflag:s15] =	ssyncset.done $0x0  }
0x2a: {  	[sflag:s15] =	ssyncadd.s32 $0xFFFFC000  }
0x2b: {  	v0 =	vld [tilespmem:$0x70]  }
0x2c: {  	v1 =	vld [tilespmem:$0x30]  }
0x2d: {  	v2 =	vld [tilespmem:$0x50]  }
0x2e: {  	v3 =	vld [tilespmem:$0x60]  }
0x2f: {  	v4 =	vld [tilespmem:$0x20]  }
0x30: {  	v5 =	vld [tilespmem:$0x10];
	v0 =	vshrl.u32 v0, $0x3  }
0x31: {  	v6 =	vld [tilespmem:$0x40];
	v1 =	vshrl.u32 v1, $0x3;
	[tilespmem:$0xF0] =	vst v0  }
0x32: {  	v58 =	vld [tilespmem:$0x0];
	v59 =	vshrl.u32 v2, $0x3;
	[tilespmem:$0xB0] =	vst v1  }
0x33: {  	p0 =	sne.s32 s7, $0x1;
	v60 =	vshrl.u32 v3, $0x3;
	[tilespmem:$0xD0] =	vst v59  }
.Ltmp0:
0x34: {  	v61 =	vshrl.u32 v4, $0x3;
	[tilespmem:$0xE0] =	vst v60;
	(pc) =	sbr.rel @!p0 .LBB2_3-.Ltmp0, $4  }
0x35: {  	v62 =	vshrl.u32 v5, $0x3;
	[tilespmem:$0xA0] =	vst v61  }
0x36: {  	v63 =	vshrl.u32 v6, $0x3;
	[tilespmem:$0x90] =	vst v62  }
0x37: {  	s21 =	sadd.s32 $0xFFFFFFFF, s7;
	v0 =	vshrl.u32 v58, $0x3;
	[tilespmem:$0xC0] =	vst v63  }
0x38: {  	s22 =	sadd.s32 $0x200, s11;
	s23 =	sadd.s32 $0x10000, s12;
	s24 =	sadd.s32 $0x10000, s13;
	[tilespmem:$0x80] =	vst v0  }
.LBB2_2:
0x39: {  	[spmem:s1] =	stream.indirect.scatter.add.f32 [tilespmem:s17], [sflag:$0x1], $0x80, s4, s19, $0xb8;
	[tilespmem:$0x1E900] =	vst v63  }
0x3a: {  	p0 =	sne.s32 s21, $0x1;
	s21 =	sadd.s32 $0xFFFFFFFF, s21;
	_ =	swait.ge [sflag:s15], $0x4000  }
0x3b: {  	[sflag:s15] =	ssyncset.done $0x0  }
0x3c: {  	[sflag:s15] =	ssyncadd.s32 $0xFFFFC000  }
0x3d: {  	[spmem:s3] =	stream.indirect.scatter.add.f32 [tilespmem:s18], [sflag:$0x1], $0x80, s19, s19, $0xb8;
	[tilespmem:$0x1E900] =	vst v63  }
0x3e: {  	_ =	swait.ge [sflag:s15], $0x4000  }
0x3f: {  	[sflag:s15] =	ssyncset.done $0x0  }
0x40: {  	[sflag:s15] =	ssyncadd.s32 $0xFFFFC000  }
0x41: {  	[tilespmem:s4], [sflag:$0x1] =	stream.linear.gather [hbm4b:s22+s4], $0x80, $0x38;
	[tilespmem:$0x1E900] =	vst v63  }
0x42: {  	_ =	swait.ge [sflag:s15], $0x80  }
0x43: {  	[sflag:s15] =	ssyncset.done $0x0  }
0x44: {  	[sflag:s15] =	ssyncadd.s32 $0xFFFFFF80  }
0x45: {  	[tilespmem:s17], [sflag:$0x1] =	stream.linear.gather [hbm4b:s23+s4], $0x4000, $0x38;
	[tilespmem:$0x1E900] =	vst v63  }
0x46: {  	_ =	swait.ge [sflag:s15], $0x4000  }
0x47: {  	[sflag:s15] =	ssyncset.done $0x0  }
0x48: {  	[sflag:s15] =	ssyncadd.s32 $0xFFFFC000  }
0x49: {  	[tilespmem:s18], [sflag:$0x1] =	stream.linear.gather [hbm4b:s24+s4], $0x4000, $0x38;
	[tilespmem:$0x1E900] =	vst v63  }
0x4a: {  	_ =	swait.ge [sflag:s15], $0x4000  }
0x4b: {  	[sflag:s15] =	ssyncset.done $0x0  }
0x4c: {  	[sflag:s15] =	ssyncadd.s32 $0xFFFFC000  }
0x4d: {  	v0 =	vld [tilespmem:$0x70]  }
0x4e: {  	v1 =	vld [tilespmem:$0x30]  }
0x4f: {  	v2 =	vld [tilespmem:$0x50]  }
0x50: {  	v3 =	vld [tilespmem:$0x60]  }
0x51: {  	v4 =	vld [tilespmem:$0x20]  }
0x52: {  	v5 =	vld [tilespmem:$0x10];
	v0 =	vshrl.u32 v0, $0x3  }
0x53: {  	v1 =	vshrl.u32 v1, $0x3;
	v6 =	vld [tilespmem:$0x40];
	[tilespmem:$0xF0] =	vst v0  }
0x54: {  	v0 =	vld [tilespmem:$0x0];
	[tilespmem:$0xB0] =	vst v1;
	v1 =	vshrl.u32 v2, $0x3  }
0x55: {  	[tilespmem:$0xD0] =	vst v1;
	v1 =	vshrl.u32 v3, $0x3  }
.Ltmp1:
0x56: {  	v2 =	vshrl.u32 v4, $0x3;
	[tilespmem:$0xE0] =	vst v1;
	(pc) =	sbr.rel @p0 .LBB2_2-.Ltmp1, $4  }
0x57: {  	v1 =	vshrl.u32 v5, $0x3;
	[tilespmem:$0xA0] =	vst v2  }
0x58: {  	[tilespmem:$0x90] =	vst v1;
	v1 =	vshrl.u32 v6, $0x3  }
0x59: {  	v0 =	vshrl.u32 v0, $0x3;
	[tilespmem:$0xC0] =	vst v1  }
0x5a: {  	s22 =	sadd.s32 $0x200, s22;
	s23 =	sadd.s32 $0x10000, s23;
	s24 =	sadd.s32 $0x10000, s24;
	[tilespmem:$0x80] =	vst v0  }
.LBB2_3:
0x5b: {  	[spmem:s1] =	stream.indirect.scatter.add.f32 [tilespmem:s17], [sflag:$0x1], $0x80, s4, s19, $0xb8;
	[tilespmem:$0x1E900] =	vst v63  }
0x5c: {  	_ =	swait.ge [sflag:s15], $0x4000  }
0x5d: {  	[sflag:s15] =	ssyncset.done $0x0  }
0x5e: {  	[sflag:s15] =	ssyncadd.s32 $0xFFFFC000  }
0x5f: {  	[spmem:s3] =	stream.indirect.scatter.add.f32 [tilespmem:s18], [sflag:$0x1], $0x80, s19, s19, $0xb8;
	[tilespmem:$0x1E900] =	vst v63  }
0x60: {  	_ =	swait.ge [sflag:s15], $0x4000  }
0x61: {  	[sflag:s15] =	ssyncset.done $0x0  }
0x62: {  	[sflag:s15] =	ssyncadd.s32 $0xFFFFC000  }
0x63: {  	[bflag:$0x0] =	sbarrier.arrive $0xFFFF  }
0x64: {  	[hbm:s8], [sflag:s6] =	dma.local [spmem:s14], $0x2800  }
0x65: {  	s20 =	sadd.s32 $0x1, s20;
	_ =	swait.ge [sflag:s15], $0x2800  }
0x66: {  	p0 =	sne.s32 s20, s10;
	[sflag:s15] =	ssyncset.done $0x0  }
.Ltmp2:
0x67: {  	[sflag:s15] =	ssyncadd.s32 $0xFFFFD800;
	(pc) =	sbr.rel @p0 .LBB2_1-.Ltmp2, $4  }
0x68: {  	[hbm:s9], [sflag:s6] =	dma.local [spmem:s16], $0x500  }
0x69: {  	_ =	swait.ge [sflag:s15], $0x500  }
0x6a: {  	[sflag:s15] =	ssyncset.done $0x0  }
0x6b: {  	[sflag:s15] =	ssyncadd.s32 $0xFFFFFB00  }
0x6c: {  	_ =	sfence.sel $0x180000  }
0x6d: {  	[bflag:$0x0] =	sbarrier.arrive $0xFFFF  }
0x6e: {  	p0 =	sne.s32 s2, $0x0;
	_ =	strace $0x90000056  }
0x6f: {  	s0 =	sadd.s32 @!p0 $0x100000, s0;
	[bflag:$0x2] =	sbarrier.arrive $0xFFFF  }
0x70: {  	[sflag:s0] =	ssyncadd.tile.s32 @!p0 $0x1;
	_ =	shalt  }
.Lfunc_end2:
_tile_overlayer_lowered:
.L_overlay_start_2:
0x71: {  	(tag) =	ssettag $0x2  }
0x72: {  	s0 =	rddreg [dreg:$0x0];
	s2 =	stileid.u32  }
0x73: {  	s1 =	rddreg [dreg:$0x1];
	p0 =	sne.s32 s2, $0x0  }
0x74: {  	s3 =	rddreg [dreg:$0x2];
	[bflag:$0x3] =	sbarrier.arrive $0xFFFF;
	s2 =	simm.s32 @!p0 $0x1C01  }
0x75: {  	[timem:s3], [sflag:s2] =	dma.local @!p0 [hbm:s0], s1  }
0x76: {  	s0 =	simm.s32 @!p0 $0x1  }
0x77: {  	_ =	swait.ge @!p0 [sflag:s0], s1  }
0x78: {  	s1 =	ssub.s32 @!p0 $0x0, s1;
	[sflag:s0] =	ssyncset.done @!p0 $0x0  }
0x79: {  	[sflag:s0] =	ssyncadd.s32 @!p0 s1  }
0x7a: {  	[bflag:$0x3] =	sbarrier.arrive $0xFFFF  }
0x7b: {  	_ =	shalt  }

// kernel: kernel.37.cloned.1.call-start
scs
__scs_entry_jumppad:
0x0: {  	(pc) =	sbr.rel $0x88, $3  }
0x1: {  	(tag) =	ssettag $0x0;
	lr =	simm.s32 $0x1  }
0x2: {  	[smem:$0x3F51] =	sst lr;
	_ =	strace $0xD0000000  }
0x3: {  	_ = 	snop  }
0x4: {  	_ = 	snop  }
0x5: {  	_ = 	snop  }
0x6: {  	_ = 	snop  }
0x7: {  	_ = 	snop  }
__scs_overlays_trampoline_lowered:
0x8: {  	[smem:$0x3F60] =	sst s0  }
0x9: {  	[smem:$0x3F61] =	sst s1  }
0xa: {  	[smem:$0x3F62] =	sst s2  }
0xb: {  	[smem:$0x3F63] =	sst s3  }
0xc: {  	[smem:$0x3F64] =	sst s4  }
0xd: {  	[smem:$0x3F65] =	sst s5  }
0xe: {  	[smem:$0x3F66] =	sst s6  }
0xf: {  	[smem:$0x3F67] =	sst s7  }
0x10: {  	[smem:$0x3F68] =	sst s8  }
0x11: {  	[smem:$0x3F69] =	sst s9;
	s0 =	simm.s32 @!p0 $0x0  }
0x12: {  	s1 =	sld [smem:$0x3F4F];
	s0 =	simm.s32 @p0 $0x1  }
0x13: {  	[smem:$0x3F6A] =	sst s0;
	s0 =	simm.s32 @!p1 $0x0  }
0x14: {  	s2 =	sld [smem:$0x3F4E];
	s0 =	simm.s32 @p1 $0x1  }
0x15: {  	[smem:$0x3F6B] =	sst s0;
	s0 =	simm.s32 @!p2 $0x0  }
0x16: {  	s3 =	sld [smem:$0x3FDB];
	s0 =	simm.s32 @p2 $0x1  }
0x17: {  	s4 =	simm.s32 $0x1BF5;
	[smem:$0x3F6D] =	sst s0  }
0x18: {  	s0 =	sld [smem:$0x3F50];
	_ =	swait.ge [sflag:s4], $0x0  }
0x19: {  	s7 =	sld [smem:$0x3F51]  }
0x1a: {  	s8 =	sadd.s32 $0xFFFFE003, lr  }
0x1b: {  	s9 =	sadd.s32 $0xFFFFFEF7, lr;
	s5 =	simm.s32 $0xFFFFFFFF;
	p2 =	slt.u32 s8, $0xFFFFF086  }
0x1c: {  	p1 =	slt.u32 s9, $0xF7A;
	s5 =	simm.s32 @!p2 $0x0  }
0x1d: {  	s5 =	simm.s32 @p1 $0x1;
	p0 =	seq.s32 s7, s2  }
0x1e: {  	s7 =	smul.u32 @!p0 $0xF7A, s2;
	p2 =	seq.s32 @!p0 s5, $0x0  }
0x1f: {  	s9 =	smul.u32 $0xF7A, s1;
	s8 =	simm.s32 @!p0 $0x1BF5;
	p2 =	por !p2, p0  }
0x20: {  	[sflag:s8] =	ssyncset.s32 @!p0 $0xFFFFF086;
	s6 =	sadd.s32 @!p0 s3, s7;
	s7 =	simm.s32 @!p0 $0x108  }
0x21: {  	s3 =	sadd.s32 s3, s9;
	s6 =	sadd.s32 @!p0 $0x88, s6;
	s7 =	simm.s32 @p2 $0x1082  }
0x22: {  	[simem:s7], [sflag:s8] =	dma.local @!p0 [hbm:s6], $0xF7A  }
0x23: {  	s9 =	sor.u32 $0xD0000000, s2;
	s6 =	simm.s32 $0x108;
	_ =	swait.ge @!p0 [sflag:s8], $0x0  }
0x24: {  	s3 =	sadd.s32 $0x88, s3;
	s6 =	simm.s32 @!p1 $0x1082;
	[sflag:s4] =	ssyncset.s32 $0xFFFFF086  }
0x25: {  	[simem:s6], [sflag:s4] =	dma.local [hbm:s3], $0xF7A  }
0x26: {  	[smem:$0x3F51] =	sst s1;
	(tag) =	ssettag s2;
	_ =	strace s9  }
0x27: {  	s1 =	sld [smem:$0x3F61]  }
0x28: {  	s2 =	sld [smem:$0x3F62]  }
0x29: {  	s4 =	sld [smem:$0x3F64]  }
0x2a: {  	p0 =	seq.s32 s5, $0x0;
	s5 =	sld [smem:$0x3F65]  }
0x2b: {  	s6 =	sld [smem:$0x3F66]  }
0x2c: {  	s7 =	sld [smem:$0x3F67]  }
0x2d: {  	s3 =	simm.s32 $0x108;
	s8 =	sld [smem:$0x3F68]  }
0x2e: {  	s3 =	simm.s32 @!p0 $0x1082;
	s9 =	sld [smem:$0x3F69]  }
0x2f: {  	lr =	sadd.s32 s0, s3;
	s0 =	sld [smem:$0x3F60]  }
0x30: {  	s3 =	sld [smem:$0x3F63]  }
0x31: {  	[smem:$0x3F6C] =	sst s10  }
0x32: {  	s10 =	sld [smem:$0x3F6A];
	_ =	sdelay $0x3  }
0x33: {  	p0 =	seq.s32 s10, $0x1;
	s10 =	sld [smem:$0x3F6C];
	_ =	sdelay $0x3  }
0x34: {  	[smem:$0x3F6C] =	sst s10  }
0x35: {  	s10 =	sld [smem:$0x3F6B];
	_ =	sdelay $0x3  }
0x36: {  	p1 =	seq.s32 s10, $0x1;
	s10 =	sld [smem:$0x3F6C];
	_ =	sdelay $0x3  }
0x37: {  	[smem:$0x3F6C] =	sst s10  }
0x38: {  	s10 =	sld [smem:$0x3F6D]  }
0x39: {  	_ = 	snop;
	(pc) =	sbr.ind lr, $3  }
0x3a: {  	_ = 	snop  }
0x3b: {  	_ = 	snop  }
0x3c: {  	p2 =	seq.s32 s10, $0x1;
	s10 =	sld [smem:$0x3F6C]  }
0x3d: {  	_ =	shalt  }
0x3e: {  	_ =	shalt  }
0x3f: {  	_ =	shalt  }
0x40: {  	_ =	shalt  }
0x41: {  	_ =	shalt  }
0x42: {  	_ =	shalt  }
0x43: {  	_ =	shalt  }
0x44: {  	_ =	shalt  }
0x45: {  	_ =	shalt  }
0x46: {  	_ =	shalt  }
0x47: {  	_ =	shalt  }
0x48: {  	_ =	shalt  }
0x49: {  	_ =	shalt  }
0x4a: {  	_ =	shalt  }
0x4b: {  	_ =	shalt  }
0x4c: {  	_ =	shalt  }
0x4d: {  	_ =	shalt  }
0x4e: {  	_ =	shalt  }
0x4f: {  	_ =	shalt  }
0x50: {  	_ =	shalt  }
0x51: {  	_ =	shalt  }
0x52: {  	_ =	shalt  }
0x53: {  	_ =	shalt  }
0x54: {  	_ =	shalt  }
0x55: {  	_ =	shalt  }
0x56: {  	_ =	shalt  }
0x57: {  	_ =	shalt  }
0x58: {  	_ =	shalt  }
0x59: {  	_ =	shalt  }
0x5a: {  	_ =	shalt  }
0x5b: {  	_ =	shalt  }
0x5c: {  	_ =	shalt  }
0x5d: {  	_ =	shalt  }
0x5e: {  	_ =	shalt  }
0x5f: {  	_ =	shalt  }
0x60: {  	_ =	shalt  }
0x61: {  	_ =	shalt  }
0x62: {  	_ =	shalt  }
0x63: {  	_ =	shalt  }
0x64: {  	_ =	shalt  }
0x65: {  	_ =	shalt  }
0x66: {  	_ =	shalt  }
0x67: {  	_ =	shalt  }
0x68: {  	_ =	shalt  }
0x69: {  	_ =	shalt  }
0x6a: {  	_ =	shalt  }
0x6b: {  	_ =	shalt  }
0x6c: {  	_ =	shalt  }
0x6d: {  	_ =	shalt  }
0x6e: {  	_ =	shalt  }
0x6f: {  	_ =	shalt  }
0x70: {  	_ =	shalt  }
0x71: {  	_ =	shalt  }
0x72: {  	_ =	shalt  }
0x73: {  	_ =	shalt  }
0x74: {  	_ =	shalt  }
0x75: {  	_ =	shalt  }
0x76: {  	_ =	shalt  }
0x77: {  	_ =	shalt  }
0x78: {  	_ =	shalt  }
0x79: {  	_ =	shalt  }
0x7a: {  	_ =	shalt  }
0x7b: {  	_ =	shalt  }
0x7c: {  	_ =	shalt  }
0x7d: {  	_ =	shalt  }
0x7e: {  	_ =	shalt  }
0x7f: {  	_ =	shalt  }
0x80: {  	_ =	shalt  }
0x81: {  	_ =	shalt  }
0x82: {  	_ =	shalt  }
0x83: {  	_ =	shalt  }
0x84: {  	_ =	shalt  }
0x85: {  	_ =	shalt  }
0x86: {  	_ =	shalt  }
0x87: {  	_ =	shalt  }
.Lfunc_end0:
.L_simem_size_0:
called_computation.6_lowered:
.L_overlay_start_0:
0x88: {  	s2 =	sld [smem:$0x3FD9]  }
0x89: {  	s3 =	sld [smem:$0x3FFE];
	_ =	sdelay $0x1  }
0x8a: {  	s1 =	srdreg.scid  }
0x8b: {  	s0 =	sand.u32 $0x1, s1  }
0x8c: {  	s17 =	sshll.u32 s0, $0xA;
	s2 =	sadd.s32 s3, s2  }
0x8d: {  	s2 =	sadd.s32 s2, s17  }
0x8e: {  	[smem:$0x3F78] =	sst s2  }
0x8f: {  	_ = 	snop  }
0x90: {  	s2 =	sld [smem:$0x3FC7]  }
0x91: {  	s18 =	sld [smem:$0x3FC6];
	(tm) =	ssettm $0x1  }
0x92: {  	s4 =	sld [smem:$0x3FFB];
	_ =	sdelay $0x3  }
0x93: {  	_ =	strace s4  }
0x94: {  	s4 =	sld [smem:$0x3FFC];
	_ =	sdelay $0x3  }
0x95: {  	_ =	strace s4  }
0x96: {  	s4 =	sld [smem:$0x3FFD];
	_ =	sdelay $0x3  }
0x97: {  	_ =	strace s4  }
0x98: {  	_ =	strace $0x8FFFFFFF  }
0x99: {  	s19 =	sld [smem:$0x3FDB];
	_ =	sdelay $0x1  }
0x9a: {  	s5 =	simm.s32 $_scs_section_size  }
0x9b: {  	s6 =	simm.s32 $_size__tile_overlayer_lowered;
	s7 =	simm.s32 $_tile_overlayer_lowered  }
0x9c: {  	s22 =	simm.s32 $0x1BFF;
	s21 =	sshll.u32 s7, $0x1;
	s4 =	sadd.s32 s5, s19  }
0x9d: {  	s8 =	simm.s32 $0x0;
	s20 =	sshll.u32 s6, $0x1;
	s6 =	sadd.s32 s21, s4  }
0x9e: {  	[timem:s8], [sflag:s22] =	dma.local [hbm:s6], s20  }
0x9f: {  	_ =	swait.ge [sflag:s22], s20  }
0xa0: {  	s5 =	ssub.s32 $0x0, s20;
	[sflag:s22] =	ssyncset.done $0x0  }
0xa1: {  	[sflag:s22] =	ssyncadd.s32 s5;
	_ =	sdelay $0x1  }
0xa2: {  	s23 =	simm.s32 $0x1B8B  }
0xa3: {  	_ =	swait.ge [sflag:s23], $0x1  }
0xa4: {  	[sflag:s23] =	ssyncset.done $0x0  }
0xa5: {  	s25 =	simm.s32 $0x1B8E;
	s24 =	sld [smem:$0x3FFE];
	[sflag:s23] =	ssyncadd.s32 $0xFFFFFFFF  }
0xa6: {  	s26 =	simm.s32 $execute0_lowered;
	[smem:$0x3FD2] =	sst s25  }
0xa7: {  	s6 =	sshll.u32 s26, $0x1;
	_ =	strace $0x80000058;
	[dreg:$0x1] =	wrdreg $0xFFFFFFFF  }
0xa8: {  	s28 =	simm.s32 $_size_execute0_lowered;
	s4 =	sadd.s32 s4, s6;
	[dreg:$0x0] =	wrdreg $0x0  }
0xa9: {  	s6 =	sshll.u32 s28, $0x1;
	[dreg:$0x2] =	wrdreg s4  }
0xaa: {  	[dreg:$0x3] =	wrdreg s6  }
0xab: {  	[dreg:$0x4] =	wrdreg $0xC0  }
0xac: {  	_ =	task [dreg:s8], $0x5FFFF  }
0xad: {  	[dreg:$0x1] =	wrdreg $0xFFFFFFFF  }
0xae: {  	[dreg:$0x0] =	wrdreg $0x60  }
0xaf: {  	[dreg:$0x2] =	wrdreg s24  }
0xb0: {  	[dreg:$0x3] =	wrdreg s2  }
0xb1: {  	[dreg:$0x4] =	wrdreg s18  }
0xb2: {  	[dreg:$0x5] =	wrdreg $0x9  }
0xb3: {  	_ =	task.clear_ibuf [dreg:s8], $0x6FFFF;
	_ =	strace $0x90000058  }
0xb4: {  	s29 =	simm.s32 $0x9;
	_ =	strace $0x8000005A  }
0xb5: {  	_ =	swait.ge [sflag:s29], $0x1  }
0xb6: {  	[sflag:s29] =	ssyncadd.s32 $0xFFFFFFFF  }
0xb7: {  	_ =	strace $0x9000005A  }
0xb8: {  	_ =	sfence  }
0xb9: {  	s30 =	sld [smem:$0x0];
	_ =	sdelay $0x2  }
0xba: {  	s31 =	sshll.u32 s1, $0xD;
	s1 =	sshrl.u32 s1, $0x2  }
0xbb: {  	s3 =	sand.u32 $0x4000, s31;
	s1 =	sadd.s32 s1, s30  }
0xbc: {  	s0 =	sor.u32 s3, s0;
	s1 =	sshll.u32 s1, $0x11  }
0xbd: {  	s0 =	sor.u32 s1, s0  }
0xbe: {  	s0 =	sadd.s32 $0x8F2B, s0  }
0xbf: {  	[sflag:s0] =	ssyncadd.remote.s32 $0x1  }
0xc0: {  	_ =	sfence.sel $0xFFFF  }
0xc1: {  	[dreg:$0x0] =	wrdreg $0xFFFFFFFF;
	(pc) =	sbr.abs _section_cstart, $3  }
0xc2: {  	[dreg:$0x1] =	wrdreg $0xFFFFFFFF  }
0xc3: {  	_ =	task.clear_ibuf [dreg:s8], $0x2FFFF;
	_ =	strace $0x9FFFFFFF  }
0xc4: {  	(tm) =	ssettm $0x7FFFFFFF  }
0xc5: {  	_ =	shalt  }
tec
execute0_lowered:
.L_overlay_start_1:
0x0: {  	(tag) =	ssettag $0x1  }
0x1: {  	s4 =	rddreg [dreg:$0x0]  }
0x2: {  	s7 =	rddreg [dreg:$0x1]  }
0x3: {  	s6 =	rddreg [dreg:$0x2]  }
0x4: {  	s0 =	rddreg [dreg:$0x3]  }
0x5: {  	s1 =	simm.s32 $0x0;
	s3 =	srdreg.scid;
	s2 =	stileid.u32  }
0x6: {  	s13 =	simm.s32 $0x4100;
	s14 =	simm.s32 $0x1;
	s15 =	simm.s32 $0x2  }
0x7: {  	s16 =	simm.s32 $0x0;
	[smem:$0x7FF] =	sst s1;
	s8 =	sand.u32 $0x1, s3  }
0x8: {  	s3 =	sadd.s32 $0x16800, s4;
	s5 =	sshll.u32 s2, $0xC;
	p0 =	seq.s32 s2, $0x0  }
0x9: {  	s11 =	sshll.u32 s2, $0x8;
	_ =	strace $0x80000059;
	s9 =	ssub.s32 $0x2, s8  }
0xa: {  	s10 =	sadd.s32 s5, s4;
	s4 =	simm.s32 $0x28;
	s12 =	sshll.u32 s8, $0x7  }
0xb: {  	s8 =	sshll.u32 s8, $0xB;
	s29 =	sshrl.u32 s9, $0x1;
	s4 =	simm.s32 @!p0 $0x27  }
0xc: {  	s30 =	sor.u32 s12, s11;
	s31 =	sadd.s32 s8, s10;
	s10 =	simm.s32 $0x3  }
0xd: {  	s11 =	simm.s32 $0x80;
	s12 =	simm.s32 $0x100;
	s5 =	ssub.s32 s9, s29  }
0xe: {  	s9 =	sshrl.u32 s30, $0x3;
	s8 =	sadd.s32 $0x3DA00, s31;
	s5 =	smax.u32 s5, $0x1  }
0xf: {  	s6 =	sadd.s32 s9, s6;
	s7 =	sadd.s32 s9, s7;
	s9 =	sadd.s32 $0x9D8000, s31  }
.LBB2_1:
0x10: {  	[tilespmem:s1], [sflag:$0x3] =	stream.linear.gather [hbm4b:s7+s1], $0x80, $0x38;
	[tilespmem:$0x8100] =	vst v63  }
0x11: {  	_ =	swait.ge [sflag:s10], $0x80  }
0x12: {  	[sflag:s10] =	ssyncset.done $0x0  }
0x13: {  	[sflag:s10] =	ssyncadd.s32 $0xFFFFFF80  }
0x14: {  	[tilespmem:s11], [sflag:$0x3] =	stream.linear.gather [hbm4b:s6+s1], $0x80, $0x38;
	[tilespmem:$0x8100] =	vst v63  }
0x15: {  	_ =	swait.ge [sflag:s10], $0x80  }
0x16: {  	[sflag:s10] =	ssyncset.done $0x0  }
0x17: {  	[sflag:s10] =	ssyncadd.s32 $0xFFFFFF80  }
0x18: {  	[tilespmem:s12], [sflag:$0x1] =	stream.indirect.gather [hbm4b:s3+s11], $0x80, s1, s11, $0xb8;
	[tilespmem:$0x8100] =	vst v63  }
0x19: {  	_ = 	snop  }
0x1a: {  	[tilespmem:s13], [sflag:$0x2] =	stream.indirect.gather [hbm4b:s3+s11], $0x80, s11, s11, $0xb8;
	[tilespmem:$0x8100] =	vst v63  }
0x1b: {  	_ =	swait.ge [sflag:s14], $0x4000  }
0x1c: {  	[sflag:s14] =	ssyncset.done $0x0  }
0x1d: {  	[sflag:s14] =	ssyncadd.s32 $0xFFFFC000  }
0x1e: {  	_ =	swait.ge [sflag:s15], $0x4000  }
0x1f: {  	[sflag:s15] =	ssyncset.done $0x0  }
0x20: {  	[sflag:s15] =	ssyncadd.s32 $0xFFFFC000  }
0x21: {  	[hbm4b:s8+s1] =	stream.linear.scatter [tilespmem:s12], [sflag:$0x3], $0x4000, $0x38;
	[tilespmem:$0x8100] =	vst v63  }
0x22: {  	p0 =	sne.s32 s4, $0x1;
	_ =	swait.ge [sflag:s10], $0x4000  }
.Ltmp0:
0x23: {  	[sflag:s10] =	ssyncset.done $0x0;
	(pc) =	sbr.rel @!p0 .LBB2_3-.Ltmp0, $4  }
0x24: {  	s17 =	sadd.s32 $0xFFFFFFFF, s4;
	[sflag:s10] =	ssyncadd.s32 $0xFFFFC000  }
0x25: {  	[hbm4b:s9+s1] =	stream.linear.scatter [tilespmem:s13], [sflag:$0x3], $0x4000, $0x38;
	[tilespmem:$0x8100] =	vst v63  }
0x26: {  	s18 =	sadd.s32 $0x10000, s8;
	s19 =	sadd.s32 $0x10000, s9;
	_ =	swait.ge [sflag:s10], $0x4000  }
0x27: {  	s20 =	smov.u32 s6;
	s21 =	smov.u32 s7;
	[sflag:s10] =	ssyncset.done $0x0  }
.LBB2_2:
0x28: {  	[sflag:s10] =	ssyncadd.s32 $0xFFFFC000;
	s20 =	sadd.s32 $0x200, s20;
	s21 =	sadd.s32 $0x200, s21  }
0x29: {  	[tilespmem:s1], [sflag:$0x3] =	stream.linear.gather [hbm4b:s21+s1], $0x80, $0x38;
	[tilespmem:$0x8100] =	vst v63  }
0x2a: {  	p0 =	sne.s32 s17, $0x1;
	s17 =	sadd.s32 $0xFFFFFFFF, s17;
	_ =	swait.ge [sflag:s10], $0x80  }
0x2b: {  	[sflag:s10] =	ssyncset.done $0x0  }
0x2c: {  	[sflag:s10] =	ssyncadd.s32 $0xFFFFFF80  }
0x2d: {  	[tilespmem:s11], [sflag:$0x3] =	stream.linear.gather [hbm4b:s20+s1], $0x80, $0x38;
	[tilespmem:$0x8100] =	vst v63  }
0x2e: {  	_ =	swait.ge [sflag:s10], $0x80  }
0x2f: {  	[sflag:s10] =	ssyncset.done $0x0  }
0x30: {  	[sflag:s10] =	ssyncadd.s32 $0xFFFFFF80  }
0x31: {  	[tilespmem:s12], [sflag:$0x1] =	stream.indirect.gather [hbm4b:s3+s11], $0x80, s1, s11, $0xb8;
	[tilespmem:$0x8100] =	vst v63  }
0x32: {  	_ = 	snop  }
0x33: {  	[tilespmem:s13], [sflag:$0x2] =	stream.indirect.gather [hbm4b:s3+s11], $0x80, s11, s11, $0xb8;
	[tilespmem:$0x8100] =	vst v63  }
0x34: {  	_ =	swait.ge [sflag:s14], $0x4000  }
0x35: {  	[sflag:s14] =	ssyncset.done $0x0  }
0x36: {  	[sflag:s14] =	ssyncadd.s32 $0xFFFFC000  }
0x37: {  	_ =	swait.ge [sflag:s15], $0x4000  }
0x38: {  	[sflag:s15] =	ssyncset.done $0x0  }
0x39: {  	[sflag:s15] =	ssyncadd.s32 $0xFFFFC000  }
0x3a: {  	[hbm4b:s18+s1] =	stream.linear.scatter [tilespmem:s12], [sflag:$0x3], $0x4000, $0x38;
	[tilespmem:$0x8100] =	vst v63  }
0x3b: {  	_ =	swait.ge [sflag:s10], $0x4000  }
.Ltmp1:
0x3c: {  	[sflag:s10] =	ssyncset.done $0x0;
	(pc) =	sbr.rel @p0 .LBB2_2-.Ltmp1, $4  }
0x3d: {  	[sflag:s10] =	ssyncadd.s32 $0xFFFFC000  }
0x3e: {  	[hbm4b:s19+s1] =	stream.linear.scatter [tilespmem:s13], [sflag:$0x3], $0x4000, $0x38;
	[tilespmem:$0x8100] =	vst v63  }
0x3f: {  	_ =	swait.ge [sflag:s10], $0x4000  }
0x40: {  	s18 =	sadd.s32 $0x10000, s18;
	s19 =	sadd.s32 $0x10000, s19;
	[sflag:s10] =	ssyncset.done $0x0  }
.LBB2_3:
0x41: {  	s16 =	sadd.s32 $0x1, s16  }
0x42: {  	p0 =	sne.s32 s16, s5  }
.Ltmp2:
0x43: {  	_ = 	snop;
	(pc) =	sbr.rel @p0 .LBB2_1-.Ltmp2, $2  }
0x44: {  	_ =	sdelay $0x2  }
0x45: {  	[sflag:s10] =	ssyncadd.s32 $0xFFFFC000  }
0x46: {  	_ =	sfence.sel $0x180000  }
0x47: {  	[bflag:$0x0] =	sbarrier.arrive $0xFFFF  }
0x48: {  	p0 =	sne.s32 s2, $0x0;
	_ =	strace $0x90000059  }
0x49: {  	s0 =	sadd.s32 @!p0 $0x100000, s0;
	[bflag:$0x2] =	sbarrier.arrive $0xFFFF  }
0x4a: {  	[sflag:s0] =	ssyncadd.tile.s32 @!p0 $0x1;
	_ =	shalt  }
.Lfunc_end2:
_tile_overlayer_lowered:
.L_overlay_start_2:
0x4b: {  	(tag) =	ssettag $0x2  }
0x4c: {  	s0 =	rddreg [dreg:$0x0];
	s2 =	stileid.u32  }
0x4d: {  	s1 =	rddreg [dreg:$0x1];
	p0 =	sne.s32 s2, $0x0  }
0x4e: {  	s3 =	rddreg [dreg:$0x2];
	[bflag:$0x3] =	sbarrier.arrive $0xFFFF;
	s2 =	simm.s32 @!p0 $0x1C03  }
0x4f: {  	[timem:s3], [sflag:s2] =	dma.local @!p0 [hbm:s0], s1  }
0x50: {  	s0 =	simm.s32 @!p0 $0x3  }
0x51: {  	_ =	swait.ge @!p0 [sflag:s0], s1  }
0x52: {  	s1 =	ssub.s32 @!p0 $0x0, s1;
	[sflag:s0] =	ssyncset.done @!p0 $0x0  }
0x53: {  	[sflag:s0] =	ssyncadd.s32 @!p0 s1  }
0x54: {  	[bflag:$0x3] =	sbarrier.arrive $0xFFFF  }
0x55: {  	_ =	shalt  }

// kernel: kernel.40.cloned.1.call-start
scs
__scs_entry_jumppad:
0x0: {  	(pc) =	sbr.rel $0x88, $3  }
0x1: {  	(tag) =	ssettag $0x0;
	lr =	simm.s32 $0x1  }
0x2: {  	[smem:$0x3F51] =	sst lr;
	_ =	strace $0xD0000000  }
0x3: {  	_ = 	snop  }
0x4: {  	_ = 	snop  }
0x5: {  	_ = 	snop  }
0x6: {  	_ = 	snop  }
0x7: {  	_ = 	snop  }
__scs_overlays_trampoline_lowered:
0x8: {  	[smem:$0x3F60] =	sst s0  }
0x9: {  	[smem:$0x3F61] =	sst s1  }
0xa: {  	[smem:$0x3F62] =	sst s2  }
0xb: {  	[smem:$0x3F63] =	sst s3  }
0xc: {  	[smem:$0x3F64] =	sst s4  }
0xd: {  	[smem:$0x3F65] =	sst s5  }
0xe: {  	[smem:$0x3F66] =	sst s6  }
0xf: {  	[smem:$0x3F67] =	sst s7  }
0x10: {  	[smem:$0x3F68] =	sst s8  }
0x11: {  	[smem:$0x3F69] =	sst s9;
	s0 =	simm.s32 @!p0 $0x0  }
0x12: {  	s1 =	sld [smem:$0x3F4F];
	s0 =	simm.s32 @p0 $0x1  }
0x13: {  	[smem:$0x3F6A] =	sst s0;
	s0 =	simm.s32 @!p1 $0x0  }
0x14: {  	s2 =	sld [smem:$0x3F4E];
	s0 =	simm.s32 @p1 $0x1  }
0x15: {  	[smem:$0x3F6B] =	sst s0;
	s0 =	simm.s32 @!p2 $0x0  }
0x16: {  	s3 =	sld [smem:$0x3FDB];
	s0 =	simm.s32 @p2 $0x1  }
0x17: {  	s4 =	simm.s32 $0x1BF5;
	[smem:$0x3F6D] =	sst s0  }
0x18: {  	s0 =	sld [smem:$0x3F50];
	_ =	swait.ge [sflag:s4], $0x0  }
0x19: {  	s7 =	sld [smem:$0x3F51]  }
0x1a: {  	s8 =	sadd.s32 $0xFFFFE003, lr  }
0x1b: {  	s9 =	sadd.s32 $0xFFFFFEF7, lr;
	s5 =	simm.s32 $0xFFFFFFFF;
	p2 =	slt.u32 s8, $0xFFFFF086  }
0x1c: {  	p1 =	slt.u32 s9, $0xF7A;
	s5 =	simm.s32 @!p2 $0x0  }
0x1d: {  	s5 =	simm.s32 @p1 $0x1;
	p0 =	seq.s32 s7, s2  }
0x1e: {  	s7 =	smul.u32 @!p0 $0xF7A, s2;
	p2 =	seq.s32 @!p0 s5, $0x0  }
0x1f: {  	s9 =	smul.u32 $0xF7A, s1;
	s8 =	simm.s32 @!p0 $0x1BF5;
	p2 =	por !p2, p0  }
0x20: {  	[sflag:s8] =	ssyncset.s32 @!p0 $0xFFFFF086;
	s6 =	sadd.s32 @!p0 s3, s7;
	s7 =	simm.s32 @!p0 $0x108  }
0x21: {  	s3 =	sadd.s32 s3, s9;
	s6 =	sadd.s32 @!p0 $0x88, s6;
	s7 =	simm.s32 @p2 $0x1082  }
0x22: {  	[simem:s7], [sflag:s8] =	dma.local @!p0 [hbm:s6], $0xF7A  }
0x23: {  	s9 =	sor.u32 $0xD0000000, s2;
	s6 =	simm.s32 $0x108;
	_ =	swait.ge @!p0 [sflag:s8], $0x0  }
0x24: {  	s3 =	sadd.s32 $0x88, s3;
	s6 =	simm.s32 @!p1 $0x1082;
	[sflag:s4] =	ssyncset.s32 $0xFFFFF086  }
0x25: {  	[simem:s6], [sflag:s4] =	dma.local [hbm:s3], $0xF7A  }
0x26: {  	[smem:$0x3F51] =	sst s1;
	(tag) =	ssettag s2;
	_ =	strace s9  }
0x27: {  	s1 =	sld [smem:$0x3F61]  }
0x28: {  	s2 =	sld [smem:$0x3F62]  }
0x29: {  	s4 =	sld [smem:$0x3F64]  }
0x2a: {  	p0 =	seq.s32 s5, $0x0;
	s5 =	sld [smem:$0x3F65]  }
0x2b: {  	s6 =	sld [smem:$0x3F66]  }
0x2c: {  	s7 =	sld [smem:$0x3F67]  }
0x2d: {  	s3 =	simm.s32 $0x108;
	s8 =	sld [smem:$0x3F68]  }
0x2e: {  	s3 =	simm.s32 @!p0 $0x1082;
	s9 =	sld [smem:$0x3F69]  }
0x2f: {  	lr =	sadd.s32 s0, s3;
	s0 =	sld [smem:$0x3F60]  }
0x30: {  	s3 =	sld [smem:$0x3F63]  }
0x31: {  	[smem:$0x3F6C] =	sst s10  }
0x32: {  	s10 =	sld [smem:$0x3F6A];
	_ =	sdelay $0x3  }
0x33: {  	p0 =	seq.s32 s10, $0x1;
	s10 =	sld [smem:$0x3F6C];
	_ =	sdelay $0x3  }
0x34: {  	[smem:$0x3F6C] =	sst s10  }
0x35: {  	s10 =	sld [smem:$0x3F6B];
	_ =	sdelay $0x3  }
0x36: {  	p1 =	seq.s32 s10, $0x1;
	s10 =	sld [smem:$0x3F6C];
	_ =	sdelay $0x3  }
0x37: {  	[smem:$0x3F6C] =	sst s10  }
0x38: {  	s10 =	sld [smem:$0x3F6D]  }
0x39: {  	_ = 	snop;
	(pc) =	sbr.ind lr, $3  }
0x3a: {  	_ = 	snop  }
0x3b: {  	_ = 	snop  }
0x3c: {  	p2 =	seq.s32 s10, $0x1;
	s10 =	sld [smem:$0x3F6C]  }
0x3d: {  	_ =	shalt  }
0x3e: {  	_ =	shalt  }
0x3f: {  	_ =	shalt  }
0x40: {  	_ =	shalt  }
0x41: {  	_ =	shalt  }
0x42: {  	_ =	shalt  }
0x43: {  	_ =	shalt  }
0x44: {  	_ =	shalt  }
0x45: {  	_ =	shalt  }
0x46: {  	_ =	shalt  }
0x47: {  	_ =	shalt  }
0x48: {  	_ =	shalt  }
0x49: {  	_ =	shalt  }
0x4a: {  	_ =	shalt  }
0x4b: {  	_ =	shalt  }
0x4c: {  	_ =	shalt  }
0x4d: {  	_ =	shalt  }
0x4e: {  	_ =	shalt  }
0x4f: {  	_ =	shalt  }
0x50: {  	_ =	shalt  }
0x51: {  	_ =	shalt  }
0x52: {  	_ =	shalt  }
0x53: {  	_ =	shalt  }
0x54: {  	_ =	shalt  }
0x55: {  	_ =	shalt  }
0x56: {  	_ =	shalt  }
0x57: {  	_ =	shalt  }
0x58: {  	_ =	shalt  }
0x59: {  	_ =	shalt  }
0x5a: {  	_ =	shalt  }
0x5b: {  	_ =	shalt  }
0x5c: {  	_ =	shalt  }
0x5d: {  	_ =	shalt  }
0x5e: {  	_ =	shalt  }
0x5f: {  	_ =	shalt  }
0x60: {  	_ =	shalt  }
0x61: {  	_ =	shalt  }
0x62: {  	_ =	shalt  }
0x63: {  	_ =	shalt  }
0x64: {  	_ =	shalt  }
0x65: {  	_ =	shalt  }
0x66: {  	_ =	shalt  }
0x67: {  	_ =	shalt  }
0x68: {  	_ =	shalt  }
0x69: {  	_ =	shalt  }
0x6a: {  	_ =	shalt  }
0x6b: {  	_ =	shalt  }
0x6c: {  	_ =	shalt  }
0x6d: {  	_ =	shalt  }
0x6e: {  	_ =	shalt  }
0x6f: {  	_ =	shalt  }
0x70: {  	_ =	shalt  }
0x71: {  	_ =	shalt  }
0x72: {  	_ =	shalt  }
0x73: {  	_ =	shalt  }
0x74: {  	_ =	shalt  }
0x75: {  	_ =	shalt  }
0x76: {  	_ =	shalt  }
0x77: {  	_ =	shalt  }
0x78: {  	_ =	shalt  }
0x79: {  	_ =	shalt  }
0x7a: {  	_ =	shalt  }
0x7b: {  	_ =	shalt  }
0x7c: {  	_ =	shalt  }
0x7d: {  	_ =	shalt  }
0x7e: {  	_ =	shalt  }
0x7f: {  	_ =	shalt  }
0x80: {  	_ =	shalt  }
0x81: {  	_ =	shalt  }
0x82: {  	_ =	shalt  }
0x83: {  	_ =	shalt  }
0x84: {  	_ =	shalt  }
0x85: {  	_ =	shalt  }
0x86: {  	_ =	shalt  }
0x87: {  	_ =	shalt  }
.Lfunc_end0:
.L_simem_size_0:
called_computation.7_lowered:
.L_overlay_start_0:
0x88: {  	s2 =	sld [smem:$0x3FD9]  }
0x89: {  	s3 =	sld [smem:$0x3FFE];
	_ =	sdelay $0x1  }
0x8a: {  	s1 =	srdreg.scid  }
0x8b: {  	s0 =	sand.u32 $0x1, s1  }
0x8c: {  	s17 =	sshll.u32 s0, $0xA;
	s2 =	sadd.s32 s3, s2  }
0x8d: {  	s2 =	sadd.s32 s2, s17  }
0x8e: {  	[smem:$0x3F78] =	sst s2  }
0x8f: {  	_ = 	snop  }
0x90: {  	s2 =	sld [smem:$0x3FC6];
	(tm) =	ssettm $0x1  }
0x91: {  	s18 =	sld [smem:$0x3FFB];
	_ =	sdelay $0x3  }
0x92: {  	_ =	strace s18  }
0x93: {  	s3 =	sld [smem:$0x3FFC];
	_ =	sdelay $0x3  }
0x94: {  	_ =	strace s3  }
0x95: {  	s3 =	sld [smem:$0x3FFD];
	_ =	sdelay $0x3  }
0x96: {  	_ =	strace s3  }
0x97: {  	_ =	strace $0x8FFFFFFF  }
0x98: {  	s19 =	sld [smem:$0x3FDB];
	_ =	sdelay $0x1  }
0x99: {  	s4 =	simm.s32 $_scs_section_size  }
0x9a: {  	s5 =	simm.s32 $_size__tile_overlayer_lowered;
	s6 =	simm.s32 $_tile_overlayer_lowered  }
0x9b: {  	s22 =	simm.s32 $0x1BFF;
	s21 =	sshll.u32 s6, $0x1;
	s3 =	sadd.s32 s4, s19  }
0x9c: {  	s7 =	simm.s32 $0x0;
	s20 =	sshll.u32 s5, $0x1;
	s5 =	sadd.s32 s21, s3  }
0x9d: {  	[timem:s7], [sflag:s22] =	dma.local [hbm:s5], s20  }
0x9e: {  	_ =	swait.ge [sflag:s22], s20  }
0x9f: {  	s4 =	ssub.s32 $0x0, s20;
	[sflag:s22] =	ssyncset.done $0x0  }
0xa0: {  	[sflag:s22] =	ssyncadd.s32 s4;
	_ =	sdelay $0x1  }
0xa1: {  	s23 =	simm.s32 $0x1B8B  }
0xa2: {  	_ =	swait.ge [sflag:s23], $0x1  }
0xa3: {  	[sflag:s23] =	ssyncset.done $0x0  }
0xa4: {  	s25 =	simm.s32 $0x1B8E;
	s24 =	sld [smem:$0x3FFE];
	[sflag:s23] =	ssyncadd.s32 $0xFFFFFFFF  }
0xa5: {  	s26 =	simm.s32 $execute0_lowered;
	[smem:$0x3FD2] =	sst s25  }
0xa6: {  	s5 =	sshll.u32 s26, $0x1;
	_ =	strace $0x8000005B;
	[dreg:$0x1] =	wrdreg $0xFFFFFFFF  }
0xa7: {  	s28 =	simm.s32 $_size_execute0_lowered;
	s3 =	sadd.s32 s3, s5;
	[dreg:$0x0] =	wrdreg $0x0  }
0xa8: {  	s5 =	sshll.u32 s28, $0x1;
	[dreg:$0x2] =	wrdreg s3  }
0xa9: {  	[dreg:$0x3] =	wrdreg s5  }
0xaa: {  	[dreg:$0x4] =	wrdreg $0xC0  }
0xab: {  	_ =	task [dreg:s7], $0x5FFFF  }
0xac: {  	[dreg:$0x1] =	wrdreg $0xFFFFFFFF  }
0xad: {  	[dreg:$0x0] =	wrdreg $0x60  }
0xae: {  	[dreg:$0x2] =	wrdreg s24  }
0xaf: {  	[dreg:$0x3] =	wrdreg s2  }
0xb0: {  	[dreg:$0x4] =	wrdreg $0x81000  }
0xb1: {  	[dreg:$0x5] =	wrdreg $0x1C1000  }
0xb2: {  	[dreg:$0x6] =	wrdreg $0x9  }
0xb3: {  	_ =	task.clear_ibuf [dreg:s7], $0x7FFFF;
	_ =	strace $0x9000005B  }
0xb4: {  	s29 =	simm.s32 $0x9;
	_ =	strace $0x8000005D  }
0xb5: {  	_ =	swait.ge [sflag:s29], $0x1  }
0xb6: {  	[sflag:s29] =	ssyncadd.s32 $0xFFFFFFFF  }
0xb7: {  	_ =	strace $0x9000005D  }
0xb8: {  	_ =	sfence  }
0xb9: {  	s30 =	sld [smem:$0x0];
	_ =	sdelay $0x2  }
0xba: {  	s31 =	sshll.u32 s1, $0xD;
	s1 =	sshrl.u32 s1, $0x2  }
0xbb: {  	s3 =	sand.u32 $0x4000, s31;
	s1 =	sadd.s32 s1, s30  }
0xbc: {  	s0 =	sor.u32 s3, s0;
	s1 =	sshll.u32 s1, $0x11  }
0xbd: {  	s0 =	sor.u32 s1, s0  }
0xbe: {  	s0 =	sadd.s32 $0x8F2B, s0  }
0xbf: {  	[sflag:s0] =	ssyncadd.remote.s32 $0x1  }
0xc0: {  	_ =	sfence.sel $0xFFFF  }
0xc1: {  	[dreg:$0x0] =	wrdreg $0xFFFFFFFF;
	(pc) =	sbr.abs _section_cstart, $3  }
0xc2: {  	[dreg:$0x1] =	wrdreg $0xFFFFFFFF  }
0xc3: {  	_ =	task.clear_ibuf [dreg:s7], $0x2FFFF;
	_ =	strace $0x9FFFFFFF  }
0xc4: {  	(tm) =	ssettm $0x7FFFFFFF  }
0xc5: {  	_ =	shalt  }
tec
execute0_lowered:
.L_overlay_start_1:
0x0: {  	(tag) =	ssettag $0x1  }
0x1: {  	s6 =	rddreg [dreg:$0x0]  }
0x2: {  	s11 =	rddreg [dreg:$0x1]  }
0x3: {  	s1 =	rddreg [dreg:$0x2];
	s0 =	srdreg.scid  }
0x4: {  	s3 =	rddreg [dreg:$0x3];
	s2 =	stileid.u32  }
0x5: {  	s4 =	simm.s32 $0x0;
	s19 =	simm.s32 $0x80;
	s7 =	smul.u32 $0x14000, s2  }
0x6: {  	s10 =	sand.u32 $0x1, s0;
	s0 =	rddreg [dreg:$0x4];
	s12 =	smul.u32 $0x2800, s2  }
0x7: {  	s20 =	simm.s32 $0x0;
	[smem:$0x7FF] =	sst s4;
	s24 =	smul.u32 $0x50000, s2  }
0x8: {  	s8 =	sshll.u32 s2, $0xC;
	s15 =	smul.u32 $0xA000, s2;
	s26 =	sshll.u32 s2, $0x6  }
0x9: {  	p0 =	seq.s32 s2, $0x0;
	s29 =	sshll.u32 s2, $0x8;
	s5 =	smul.u32 $0x140000, s10  }
0xa: {  	_ =	strace $0x8000005C;
	s21 =	smul.u32 $0x28000, s10;
	s13 =	sadd.s32 s8, s6  }
0xb: {  	s23 =	ssub.s32 $0x2, s10;
	s30 =	sshll.u32 s10, $0x7;
	s31 =	sshll.u32 s10, $0xB  }
0xc: {  	s14 =	sshrl.u32 s23, $0x1;
	s25 =	sshrl.u32 s24, $0x2;
	s28 =	sshrl.u32 s15, $0x2  }
0xd: {  	s13 =	sadd.s32 s31, s13;
	s15 =	simm.s32 $0x1;
	s5 =	sadd.s32 s7, s5  }
0xe: {  	s7 =	sadd.s32 s12, s21;
	s14 =	ssub.s32 s23, s14;
	s17 =	sadd.s32 s25, s1  }
0xf: {  	s18 =	sadd.s32 s28, s3;
	s12 =	sor.u32 s30, s29;
	s9 =	sshrl.u32 s5, $0x3  }
0x10: {  	s5 =	sadd.s32 $0x14000, s6;
	s7 =	sshrl.u32 s7, $0x3;
	s12 =	sshrl.u32 s12, $0x3  }
0x11: {  	s10 =	smax.u32 s14, $0x1;
	s14 =	sshrl.u32 s17, $0x3;
	s17 =	simm.s32 $0x100  }
0x12: {  	s22 =	sadd.s32 s9, s6;
	s16 =	sadd.s32 s7, s6;
	s6 =	sor.u32 $0x1C01, s26  }
0x13: {  	s7 =	simm.s32 $0x28;
	s11 =	sadd.s32 s12, s11;
	s12 =	sadd.s32 $0xC49000, s13  }
0x14: {  	s13 =	sadd.s32 $0xEBA000, s13;
	s7 =	simm.s32 @!p0 $0x27;
	s8 =	sadd.s32 $0x47A00, s22  }
0x15: {  	s9 =	sadd.s32 $0x3DA00, s16;
	s16 =	sshrl.u32 s18, $0x3;
	s18 =	simm.s32 $0x4100  }
.LBB2_1:
0x16: {  	[spmem:s14], [sflag:s6] =	dma.local [hbm:s5], $0x2800  }
0x17: {  	_ =	swait.ge [sflag:s15], $0x2800  }
0x18: {  	[sflag:s15] =	ssyncset.done $0x0  }
0x19: {  	[sflag:s15] =	ssyncadd.s32 $0xFFFFD800  }
0x1a: {  	[spmem:s16], [sflag:s6] =	dma.local [hbm:s5], $0x500  }
0x1b: {  	_ =	swait.ge [sflag:s15], $0x500  }
0x1c: {  	[sflag:s15] =	ssyncset.done $0x0  }
0x1d: {  	[sflag:s15] =	ssyncadd.s32 $0xFFFFFB00  }
0x1e: {  	[bflag:$0x0] =	sbarrier.arrive $0xFFFF  }
0x1f: {  	[tilespmem:s4], [sflag:$0x1] =	stream.linear.gather [hbm4b:s11+s4], $0x80, $0x38;
	[tilespmem:$0x1E900] =	vst v63  }
0x20: {  	_ =	swait.ge [sflag:s15], $0x80  }
0x21: {  	[sflag:s15] =	ssyncset.done $0x0  }
0x22: {  	[sflag:s15] =	ssyncadd.s32 $0xFFFFFF80  }
0x23: {  	[tilespmem:s17], [sflag:$0x1] =	stream.linear.gather [hbm4b:s12+s4], $0x4000, $0x38;
	[tilespmem:$0x1E900] =	vst v63  }
0x24: {  	_ =	swait.ge [sflag:s15], $0x4000  }
0x25: {  	[sflag:s15] =	ssyncset.done $0x0  }
0x26: {  	[sflag:s15] =	ssyncadd.s32 $0xFFFFC000  }
0x27: {  	[tilespmem:s18], [sflag:$0x1] =	stream.linear.gather [hbm4b:s13+s4], $0x4000, $0x38;
	[tilespmem:$0x1E900] =	vst v63  }
0x28: {  	_ =	swait.ge [sflag:s15], $0x4000  }
0x29: {  	[sflag:s15] =	ssyncset.done $0x0  }
0x2a: {  	[sflag:s15] =	ssyncadd.s32 $0xFFFFC000  }
0x2b: {  	v0 =	vld [tilespmem:$0x70]  }
0x2c: {  	v1 =	vld [tilespmem:$0x30]  }
0x2d: {  	v2 =	vld [tilespmem:$0x50]  }
0x2e: {  	v3 =	vld [tilespmem:$0x60]  }
0x2f: {  	v4 =	vld [tilespmem:$0x20]  }
0x30: {  	v5 =	vld [tilespmem:$0x10];
	v0 =	vshrl.u32 v0, $0x3  }
0x31: {  	v6 =	vld [tilespmem:$0x40];
	v1 =	vshrl.u32 v1, $0x3;
	[tilespmem:$0xF0] =	vst v0  }
0x32: {  	v58 =	vld [tilespmem:$0x0];
	v59 =	vshrl.u32 v2, $0x3;
	[tilespmem:$0xB0] =	vst v1  }
0x33: {  	p0 =	sne.s32 s7, $0x1;
	v60 =	vshrl.u32 v3, $0x3;
	[tilespmem:$0xD0] =	vst v59  }
.Ltmp0:
0x34: {  	v61 =	vshrl.u32 v4, $0x3;
	[tilespmem:$0xE0] =	vst v60;
	(pc) =	sbr.rel @!p0 .LBB2_3-.Ltmp0, $4  }
0x35: {  	v62 =	vshrl.u32 v5, $0x3;
	[tilespmem:$0xA0] =	vst v61  }
0x36: {  	v63 =	vshrl.u32 v6, $0x3;
	[tilespmem:$0x90] =	vst v62  }
0x37: {  	s21 =	sadd.s32 $0xFFFFFFFF, s7;
	v0 =	vshrl.u32 v58, $0x3;
	[tilespmem:$0xC0] =	vst v63  }
0x38: {  	s22 =	sadd.s32 $0x200, s11;
	s23 =	sadd.s32 $0x10000, s12;
	s24 =	sadd.s32 $0x10000, s13;
	[tilespmem:$0x80] =	vst v0  }
.LBB2_2:
0x39: {  	[spmem:s1] =	stream.indirect.scatter.add.f32 [tilespmem:s17], [sflag:$0x1], $0x80, s4, s19, $0xb8;
	[tilespmem:$0x1E900] =	vst v63  }
0x3a: {  	p0 =	sne.s32 s21, $0x1;
	s21 =	sadd.s32 $0xFFFFFFFF, s21;
	_ =	swait.ge [sflag:s15], $0x4000  }
0x3b: {  	[sflag:s15] =	ssyncset.done $0x0  }
0x3c: {  	[sflag:s15] =	ssyncadd.s32 $0xFFFFC000  }
0x3d: {  	[spmem:s3] =	stream.indirect.scatter.add.f32 [tilespmem:s18], [sflag:$0x1], $0x80, s19, s19, $0xb8;
	[tilespmem:$0x1E900] =	vst v63  }
0x3e: {  	_ =	swait.ge [sflag:s15], $0x4000  }
0x3f: {  	[sflag:s15] =	ssyncset.done $0x0  }
0x40: {  	[sflag:s15] =	ssyncadd.s32 $0xFFFFC000  }
0x41: {  	[tilespmem:s4], [sflag:$0x1] =	stream.linear.gather [hbm4b:s22+s4], $0x80, $0x38;
	[tilespmem:$0x1E900] =	vst v63  }
0x42: {  	_ =	swait.ge [sflag:s15], $0x80  }
0x43: {  	[sflag:s15] =	ssyncset.done $0x0  }
0x44: {  	[sflag:s15] =	ssyncadd.s32 $0xFFFFFF80  }
0x45: {  	[tilespmem:s17], [sflag:$0x1] =	stream.linear.gather [hbm4b:s23+s4], $0x4000, $0x38;
	[tilespmem:$0x1E900] =	vst v63  }
0x46: {  	_ =	swait.ge [sflag:s15], $0x4000  }
0x47: {  	[sflag:s15] =	ssyncset.done $0x0  }
0x48: {  	[sflag:s15] =	ssyncadd.s32 $0xFFFFC000  }
0x49: {  	[tilespmem:s18], [sflag:$0x1] =	stream.linear.gather [hbm4b:s24+s4], $0x4000, $0x38;
	[tilespmem:$0x1E900] =	vst v63  }
0x4a: {  	_ =	swait.ge [sflag:s15], $0x4000  }
0x4b: {  	[sflag:s15] =	ssyncset.done $0x0  }
0x4c: {  	[sflag:s15] =	ssyncadd.s32 $0xFFFFC000  }
0x4d: {  	v0 =	vld [tilespmem:$0x70]  }
0x4e: {  	v1 =	vld [tilespmem:$0x30]  }
0x4f: {  	v2 =	vld [tilespmem:$0x50]  }
0x50: {  	v3 =	vld [tilespmem:$0x60]  }
0x51: {  	v4 =	vld [tilespmem:$0x20]  }
0x52: {  	v5 =	vld [tilespmem:$0x10];
	v0 =	vshrl.u32 v0, $0x3  }
0x53: {  	v1 =	vshrl.u32 v1, $0x3;
	v6 =	vld [tilespmem:$0x40];
	[tilespmem:$0xF0] =	vst v0  }
0x54: {  	v0 =	vld [tilespmem:$0x0];
	[tilespmem:$0xB0] =	vst v1;
	v1 =	vshrl.u32 v2, $0x3  }
0x55: {  	[tilespmem:$0xD0] =	vst v1;
	v1 =	vshrl.u32 v3, $0x3  }
.Ltmp1:
0x56: {  	v2 =	vshrl.u32 v4, $0x3;
	[tilespmem:$0xE0] =	vst v1;
	(pc) =	sbr.rel @p0 .LBB2_2-.Ltmp1, $4  }
0x57: {  	v1 =	vshrl.u32 v5, $0x3;
	[tilespmem:$0xA0] =	vst v2  }
0x58: {  	[tilespmem:$0x90] =	vst v1;
	v1 =	vshrl.u32 v6, $0x3  }
0x59: {  	v0 =	vshrl.u32 v0, $0x3;
	[tilespmem:$0xC0] =	vst v1  }
0x5a: {  	s22 =	sadd.s32 $0x200, s22;
	s23 =	sadd.s32 $0x10000, s23;
	s24 =	sadd.s32 $0x10000, s24;
	[tilespmem:$0x80] =	vst v0  }
.LBB2_3:
0x5b: {  	[spmem:s1] =	stream.indirect.scatter.add.f32 [tilespmem:s17], [sflag:$0x1], $0x80, s4, s19, $0xb8;
	[tilespmem:$0x1E900] =	vst v63  }
0x5c: {  	_ =	swait.ge [sflag:s15], $0x4000  }
0x5d: {  	[sflag:s15] =	ssyncset.done $0x0  }
0x5e: {  	[sflag:s15] =	ssyncadd.s32 $0xFFFFC000  }
0x5f: {  	[spmem:s3] =	stream.indirect.scatter.add.f32 [tilespmem:s18], [sflag:$0x1], $0x80, s19, s19, $0xb8;
	[tilespmem:$0x1E900] =	vst v63  }
0x60: {  	_ =	swait.ge [sflag:s15], $0x4000  }
0x61: {  	[sflag:s15] =	ssyncset.done $0x0  }
0x62: {  	[sflag:s15] =	ssyncadd.s32 $0xFFFFC000  }
0x63: {  	[bflag:$0x0] =	sbarrier.arrive $0xFFFF  }
0x64: {  	[hbm:s8], [sflag:s6] =	dma.local [spmem:s14], $0x2800  }
0x65: {  	s20 =	sadd.s32 $0x1, s20;
	_ =	swait.ge [sflag:s15], $0x2800  }
0x66: {  	p0 =	sne.s32 s20, s10;
	[sflag:s15] =	ssyncset.done $0x0  }
.Ltmp2:
0x67: {  	[sflag:s15] =	ssyncadd.s32 $0xFFFFD800;
	(pc) =	sbr.rel @p0 .LBB2_1-.Ltmp2, $4  }
0x68: {  	[hbm:s9], [sflag:s6] =	dma.local [spmem:s16], $0x500  }
0x69: {  	_ =	swait.ge [sflag:s15], $0x500  }
0x6a: {  	[sflag:s15] =	ssyncset.done $0x0  }
0x6b: {  	[sflag:s15] =	ssyncadd.s32 $0xFFFFFB00  }
0x6c: {  	_ =	sfence.sel $0x180000  }
0x6d: {  	[bflag:$0x0] =	sbarrier.arrive $0xFFFF  }
0x6e: {  	p0 =	sne.s32 s2, $0x0;
	_ =	strace $0x9000005C  }
0x6f: {  	s0 =	sadd.s32 @!p0 $0x100000, s0;
	[bflag:$0x2] =	sbarrier.arrive $0xFFFF  }
0x70: {  	[sflag:s0] =	ssyncadd.tile.s32 @!p0 $0x1;
	_ =	shalt  }
.Lfunc_end2:
_tile_overlayer_lowered:
.L_overlay_start_2:
0x71: {  	(tag) =	ssettag $0x2  }
0x72: {  	s0 =	rddreg [dreg:$0x0];
	s2 =	stileid.u32  }
0x73: {  	s1 =	rddreg [dreg:$0x1];
	p0 =	sne.s32 s2, $0x0  }
0x74: {  	s3 =	rddreg [dreg:$0x2];
	[bflag:$0x3] =	sbarrier.arrive $0xFFFF;
	s2 =	simm.s32 @!p0 $0x1C01  }
0x75: {  	[timem:s3], [sflag:s2] =	dma.local @!p0 [hbm:s0], s1  }
0x76: {  	s0 =	simm.s32 @!p0 $0x1  }
0x77: {  	_ =	swait.ge @!p0 [sflag:s0], s1  }
0x78: {  	s1 =	ssub.s32 @!p0 $0x0, s1;
	[sflag:s0] =	ssyncset.done @!p0 $0x0  }
0x79: {  	[sflag:s0] =	ssyncadd.s32 @!p0 s1  }
0x7a: {  	[bflag:$0x3] =	sbarrier.arrive $0xFFFF  }
0x7b: {  	_ =	shalt  }

</sc_bundles>
